<compile_context>
chip_gen: v7x
topology: tpu7x:2x2x1
jax: 0.10.2.dev20260603
libtpu: 0.0.44.dev20260713+nightly
codegen_flags: <defaults>
</compile_context>

<pallas_src>
import jax
import jax.numpy as jnp
from jax import lax
from jax.experimental import pallas as pl
from jax.experimental.pallas import tpu as pltpu
from jax.experimental.pallas import tpu_sc as plsc

N = 50000
E = 1600000
D_IN = 39
D_OUT = 64
DH = D_OUT // 2

NC = 2
NS = 16
L = 16

NPAD = 50176
PT = NPAD // NS

G = 128
GPT = 784
EPT = GPT * G
EPAD = EPT * NS
GPW = GPT // NC
CH = 2
NCH = GPT // CH
NSLOT = 4

ROWBLK = 512
NBLK = NPAD // ROWBLK
RB4 = 2000
NBLK4 = N // RB4


def _k1_body(dst2, degp, accum, idxbuf, ones, zbuf, h0, h1, h2, h3):
    c = lax.axis_index("c")
    s = lax.axis_index("s")
    hsems = [h0, h1, h2, h3]

    def _zb(i, _):
        zbuf[pl.ds(i * L, L)] = jnp.zeros((L,), jnp.float32)
        return 0
    lax.fori_loop(0, PT // L, _zb, 0)

    def _ob(i, _):
        ones[pl.ds(i * L, L)] = jnp.ones((L,), jnp.float32)
        return 0
    lax.fori_loop(0, G // L, _ob, 0)

    pltpu.sync_copy(zbuf, accum.at[pl.ds(s * PT, PT)])
    plsc.subcore_barrier()

    pltpu.sync_copy(dst2.at[pl.ds(s * GPT + c * GPW, GPW)], idxbuf)

    def _grp(i, _):
        for u in range(4):
            j = i * 4 + u

            @pl.when(i > 0)
            def _():
                pltpu.make_async_copy(ones, accum.at[pl.ds(0, G)],
                                      hsems[u]).wait()

            pltpu.async_copy(ones, accum.at[idxbuf.at[j]], hsems[u], add=True)
        return 0
    lax.fori_loop(0, GPW // 4, _grp, 0)

    for u in range(4):
        pltpu.make_async_copy(ones, accum.at[pl.ds(0, G)], hsems[u]).wait()

    plsc.subcore_barrier()
    pltpu.sync_copy(accum.at[pl.ds(s * PT, PT)], degp.at[c, pl.ds(s * PT, PT)])


_k1 = pl.kernel(
    _k1_body,
    out_type=jax.ShapeDtypeStruct((NC, NPAD), jnp.float32),
    mesh=plsc.VectorSubcoreMesh(core_axis_name="c", subcore_axis_name="s"),
    compiler_params=pltpu.CompilerParams(use_tc_tiling_on_sc=False),
    scratch_types=[
        pltpu.VMEM_SHARED((NPAD,), jnp.float32),
        pltpu.VMEM((GPW, G), jnp.int32),
        pltpu.VMEM((G,), jnp.float32),
        pltpu.VMEM((PT,), jnp.float32),
    ] + [pltpu.SemaphoreType.DMA] * 4,
)


def _k2_body(x_ref, w_ref, deg_ref, hs_ref):
    deg = deg_ref[0] + deg_ref[1] + 1.0
    dis = lax.rsqrt(deg)
    h = jnp.dot(x_ref[...], w_ref[...], preferred_element_type=jnp.float32)
    hs = h * dis
    hs_ref[0] = hs[:, :DH]
    hs_ref[1] = hs[:, DH:]


def _k2(x, w, degp2):
    return pl.pallas_call(
        _k2_body,
        grid=(NBLK,),
        in_specs=[
            pl.BlockSpec((ROWBLK, D_IN), lambda i: (i, 0)),
            pl.BlockSpec((D_IN, D_OUT), lambda i: (0, 0)),
            pl.BlockSpec((NC, ROWBLK, 1), lambda i: (0, i, 0)),
        ],
        out_specs=pl.BlockSpec((NC, ROWBLK, DH), lambda i: (0, i, 0)),
        out_shape=jax.ShapeDtypeStruct((NC, NPAD, DH), jnp.float32),
    )(x, w, degp2)


def _k3_body(hs2, src2, dst2, agg, accum, srcbuf, dstbuf, rows,
             g0, g1, i0, i1, i2, i3, ssem):
    c = lax.axis_index("c")
    s = lax.axis_index("s")
    off = (c * NPAD).astype(jnp.int32)
    gsems = [g0, g1]
    isems = [i0, i1, i2, i3]

    pltpu.sync_copy(hs2.at[pl.ds(c * NPAD + s * PT, PT)],
                    accum.at[pl.ds(s * PT, PT)])
    plsc.subcore_barrier()

    def _load_idx(ch, q):
        pltpu.async_copy(src2.at[pl.ds(s * GPT + ch * CH, CH)], srcbuf.at[q],
                         isems[q])
        pltpu.async_copy(dst2.at[pl.ds(s * GPT + ch * CH, CH)], dstbuf.at[q],
                         isems[q])

    def _drain_idx(q):
        pltpu.make_async_copy(src2.at[pl.ds(0, CH)], srcbuf.at[q],
                              isems[q]).wait()
        pltpu.make_async_copy(src2.at[pl.ds(0, CH)], dstbuf.at[q],
                              isems[q]).wait()

    def _bias(q):
        for r in range(CH):
            for k in range(G // L):
                sl = (q, r, pl.ds(k * L, L))
                srcbuf[sl] = srcbuf[sl] + off

    def _start_gathers(b, q):
        for r in range(CH):
            pltpu.async_copy(hs2.at[srcbuf.at[q, r]], rows.at[b, r], gsems[b])

    def _drain_rows(sem, b):
        for r in range(CH):
            pltpu.make_async_copy(hs2.at[pl.ds(0, G)], rows.at[b, r],
                                  sem).wait()

    for q in range(NSLOT):
        _load_idx(q, q)
    for b in range(2):
        _drain_idx(b)
        _bias(b)
        _start_gathers(b, b)

    def _step(i, _):
        ch4 = i * NSLOT
        for u in range(NSLOT):
            ch = ch4 + u
            b = u % 2
            _drain_rows(gsems[b], b)
            for r in range(CH):
                pltpu.async_copy(rows.at[b, r],
                                 accum.at[dstbuf.at[u, r]], ssem, add=True)

            q2 = (u + 2) % NSLOT

            @pl.when(ch + 2 < NCH)
            def _():
                _drain_idx(q2)
                _bias(q2)

            _drain_rows(ssem, b)

            @pl.when(ch + NSLOT < NCH)
            def _():
                _load_idx(ch + NSLOT, u)

            @pl.when(ch + 2 < NCH)
            def _():
                _start_gathers(b, q2)
        return 0

    lax.fori_loop(0, NCH // NSLOT, _step, 0)

    plsc.subcore_barrier()
    pltpu.sync_copy(accum.at[pl.ds(s * PT, PT)], agg.at[c, pl.ds(s * PT, PT)])


_k3 = pl.kernel(
    _k3_body,
    out_type=jax.ShapeDtypeStruct((NC, NPAD, DH), jnp.float32),
    mesh=plsc.VectorSubcoreMesh(core_axis_name="c", subcore_axis_name="s"),
    compiler_params=pltpu.CompilerParams(use_tc_tiling_on_sc=False),
    scratch_types=[
        pltpu.VMEM_SHARED((NPAD, DH), jnp.float32),
        pltpu.VMEM((NSLOT, CH, G), jnp.int32),
        pltpu.VMEM((NSLOT, CH, G), jnp.int32),
        pltpu.VMEM((2, CH, G, DH), jnp.float32),
        pltpu.SemaphoreType.DMA,
        pltpu.SemaphoreType.DMA,
        pltpu.SemaphoreType.DMA,
        pltpu.SemaphoreType.DMA,
        pltpu.SemaphoreType.DMA,
        pltpu.SemaphoreType.DMA,
        pltpu.SemaphoreType.DMA,
    ],
)


def _k4_body(agg_ref, deg_ref, b_ref, out_ref):
    dis = lax.rsqrt(deg_ref[0] + deg_ref[1] + 1.0)
    out_ref[:, :DH] = agg_ref[0] * dis + b_ref[:, :DH]
    out_ref[:, DH:] = agg_ref[1] * dis + b_ref[:, DH:]


def _k4(agg, degp2, b2):
    return pl.pallas_call(
        _k4_body,
        grid=(NBLK4,),
        in_specs=[
            pl.BlockSpec((NC, RB4, DH), lambda i: (0, i, 0)),
            pl.BlockSpec((NC, RB4, 1), lambda i: (0, i, 0)),
            pl.BlockSpec((1, D_OUT), lambda i: (0, 0)),
        ],
        out_specs=pl.BlockSpec((RB4, D_OUT), lambda i: (i, 0)),
        out_shape=jax.ShapeDtypeStruct((N, D_OUT), jnp.float32),
    )(agg, degp2, b2)


@jax.jit
def kernel(x, edge_index, W, b):
    src = edge_index[0]
    dst = edge_index[1]
    npad_e = EPAD - E
    ar = jnp.arange(npad_e, dtype=jnp.int32)
    srcp = jnp.concatenate([src, ar % N])
    dstp = jnp.concatenate([dst, N + ar % (NPAD - N)])
    src2 = srcp.reshape(NS * GPT, G)
    dst2 = dstp.reshape(NS * GPT, G)

    b2 = b.reshape(1, D_OUT)

    degp = _k1(dst2)
    degp2 = degp.reshape(NC, NPAD, 1)
    hs = _k2(x, W, degp2)
    hs2 = hs.reshape(NC * NPAD, DH)
    agg = _k3(hs2, src2, dst2)
    out = _k4(agg, degp2, b2)
    return out

# --- scband reference (transcript-rebuilt; emitter-appended) ---
"""Pipeline reference for scband-gnn-87806311399663 (READ-ONLY COPY).

The authoritative reference and input builder live on the scoring server;
editing this copy changes nothing except your own understanding.
"""

import jax, jax.numpy as jnp
import numpy as np

N = 50000
E = 1600000
D_IN = 39
D_OUT = 64


def setup_inputs(seed: int = 0) -> dict:
    key = jax.random.key(seed)
    k1, k2, k3, k4 = jax.random.split(key, 4)
    x = jax.random.normal(k1, (N, D_IN), dtype=jnp.float32)
    edge_index = jax.random.randint(k2, (2, E), 0, N, dtype=jnp.int32)
    # GCNConv parameters: weight [D_IN, D_OUT] (glorot), bias [D_OUT] (zeros in PyG init)
    limit = np.sqrt(6.0 / (D_IN + D_OUT))
    W = jax.random.uniform(k3, (D_IN, D_OUT), dtype=jnp.float32, minval=-limit, maxval=limit)
    b = jnp.zeros((D_OUT,), dtype=jnp.float32)
    return {"x": x, "edge_index": edge_index, "W": W, "b": b}


def reference(x, edge_index, W, b):
    # Faithful GCNConv (PyG semantics): add self-loops, symmetric normalization,
    # linear transform, then scatter-add aggregation at target nodes.
    src = edge_index[0]
    dst = edge_index[1]
    loop = jnp.arange(N, dtype=src.dtype)
    src = jnp.concatenate([src, loop], axis=0)
    dst = jnp.concatenate([dst, loop], axis=0)
    # degree computed on target (col) including self-loops
    ones = jnp.ones((src.shape[0],), dtype=x.dtype)
    deg = jax.ops.segment_sum(ones, dst, num_segments=N)
    deg_inv_sqrt = jnp.where(deg > 0, jax.lax.rsqrt(deg), 0.0)
    norm = deg_inv_sqrt[src] * deg_inv_sqrt[dst]
    # linear transform first (D_IN -> D_OUT), then message passing
    h = x @ W
    msgs = h[src] * norm[:, None]
    out = jax.ops.segment_sum(msgs, dst, num_segments=N)
    out = out + b
    return out

if __name__ == "__main__":
    import jax
    _d = setup_inputs()
    print(jax.jit(kernel)(*tuple(_d.values())))

</pallas_src>

<mosaic_0001>
#map = affine_map<(d0, d1) -> (0, 0)>
module attributes {stable_mosaic.version = 14 : i64} {
  func.func @_k1_body(%arg0: i32, %arg1: i32, %arg2: memref<12544x128xi32, #tpu.memory_space<hbm>>, %arg3: memref<2x50176xf32, #tpu.memory_space<hbm>>, %arg4: memref<50176xf32, #tpu.memory_space<vmem_shared>>, %arg5: memref<392x128xi32, #tpu.memory_space<vmem>>, %arg6: memref<128xf32, #tpu.memory_space<vmem>>, %arg7: memref<3136xf32, #tpu.memory_space<vmem>>, %arg8: memref<!tpu.dma_semaphore, #tpu.memory_space<semaphore_mem>>, %arg9: memref<!tpu.dma_semaphore, #tpu.memory_space<semaphore_mem>>, %arg10: memref<!tpu.dma_semaphore, #tpu.memory_space<semaphore_mem>>, %arg11: memref<!tpu.dma_semaphore, #tpu.memory_space<semaphore_mem>>) attributes {dimension_semantics = [#tpu.dimension_semantics<core_parallel>, #tpu.dimension_semantics<subcore_parallel>], iteration_bounds = array<i64: 2, 16>, scalar_prefetch = 0 : i64, scratch_operands = 8 : i64, tpu.core_type = #tpu.core_type<sc_vector_subcore>, window_params = [{transform_indices = #map}, {transform_indices = #map}]} {
    %scan3A = arith.constant 0 : i32
    %scan3A_0 = arith.constant 0 : i32
    %scan3A_1 = arith.constant 196 : i32
    %scan3A_2 = arith.addi %scan3A_0, %scan3A_1 : i32
    %scan3A_3 = arith.constant 1 : i32
    %scan3A_4 = scf.for %scan3A_45 = %scan3A_0 to %scan3A_2 step %scan3A_3 iter_args(%scan3A_46 = %scan3A) -> (i32)  : i32 {
      %broadcast_in_dim3A = arith.constant 0.000000e+00 : f32
      %broadcast_in_dim3A_47 = vector.broadcast %broadcast_in_dim3A : f32 to vector<16xf32>
      %mul3A_48 = arith.constant 16 : i32
      %mul3A_49 = arith.muli %scan3A_45, %mul3A_48 : i32
      %swap3A = arith.index_cast %mul3A_49 : i32 to index
      %swap3A_50 = tpu.vector_load %arg7[%swap3A] {strides = array<i32>} : memref<3136xf32, #tpu.memory_space<vmem>>, vector<16xf32>,
      %swap3A_51 = vector.shape_cast %swap3A_50 : vector<16xf32> to vector<16xf32>
      %swap3A_52 = vector.shape_cast %broadcast_in_dim3A_47 : vector<16xf32> to vector<16xf32>
      tpu.vector_store %arg7[%swap3A], %swap3A_52 {strides = array<i32>} : memref<3136xf32, #tpu.memory_space<vmem>>, vector<16xf32>,
      %scan3A_53 = arith.constant 0 : i32
      scf.yield %scan3A_53 : i32
    }
    %scan3A_5 = arith.constant 196 : i32
    %scan3A_6 = arith.constant 0 : i32
    %scan3A_7 = arith.constant 0 : i32
    %scan3A_8 = arith.constant 8 : i32
    %scan3A_9 = arith.addi %scan3A_7, %scan3A_8 : i32
    %scan3A_10 = arith.constant 1 : i32
    %scan3A_11 = scf.for %scan3A_45 = %scan3A_7 to %scan3A_9 step %scan3A_10 iter_args(%scan3A_46 = %scan3A_6) -> (i32)  : i32 {
      %broadcast_in_dim3A = arith.constant 1.000000e+00 : f32
      %broadcast_in_dim3A_47 = vector.broadcast %broadcast_in_dim3A : f32 to vector<16xf32>
      %mul3A_48 = arith.constant 16 : i32
      %mul3A_49 = arith.muli %scan3A_45, %mul3A_48 : i32
      %swap3A = arith.index_cast %mul3A_49 : i32 to index
      %swap3A_50 = tpu.vector_load %arg6[%swap3A] {strides = array<i32>} : memref<128xf32, #tpu.memory_space<vmem>>, vector<16xf32>,
      %swap3A_51 = vector.shape_cast %swap3A_50 : vector<16xf32> to vector<16xf32>
      %swap3A_52 = vector.shape_cast %broadcast_in_dim3A_47 : vector<16xf32> to vector<16xf32>
      tpu.vector_store %arg6[%swap3A], %swap3A_52 {strides = array<i32>} : memref<128xf32, #tpu.memory_space<vmem>>, vector<16xf32>,
      %scan3A_53 = arith.constant 0 : i32
      scf.yield %scan3A_53 : i32
    }
    %scan3A_12 = arith.constant 8 : i32
    %mul3A = arith.constant 3136 : i32
    %mul3A_13 = arith.muli %arg1, %mul3A : i32
    "tpu.region"() ({
      %run_scoped3A = tpu.sem_alloc : memref<!tpu.dma_semaphore, #tpu.memory_space<semaphore_mem>>
      %dma_start3A = tpu.memref_slice %arg4[%mul3A_13] : memref<50176xf32, #tpu.memory_space<vmem_shared>> -> memref<3136xf32, #tpu.memory_space<vmem_shared>>
      %dma_start3A_45 = tpu.memref_slice %arg4[%mul3A_13] : memref<50176xf32, #tpu.memory_space<vmem_shared>> -> memref<3136xf32, #tpu.memory_space<vmem_shared>>
      tpu.enqueue_dma source(%arg7 : memref<3136xf32, #tpu.memory_space<vmem>>) target(%dma_start3A_45 : memref<3136xf32, #tpu.memory_space<vmem_shared>>) target_semaphore(%run_scoped3A : memref<!tpu.dma_semaphore, #tpu.memory_space<semaphore_mem>>)
      %dma_wait3A_46 = tpu.memref_slice %arg4[%mul3A_13] : memref<50176xf32, #tpu.memory_space<vmem_shared>> -> memref<3136xf32, #tpu.memory_space<vmem_shared>>
      %dma_wait3A_47 = tpu.memref_slice %arg4[%mul3A_13] : memref<50176xf32, #tpu.memory_space<vmem_shared>> -> memref<3136xf32, #tpu.memory_space<vmem_shared>>
      tpu.wait_dma2 semaphore(%run_scoped3A : memref<!tpu.dma_semaphore, #tpu.memory_space<semaphore_mem>>) src(%arg7 : memref<3136xf32, #tpu.memory_space<vmem>>) dst(%dma_wait3A_47 : memref<3136xf32, #tpu.memory_space<vmem_shared>>)
      tpu.yield
    }) : () -> ()
    %barrier3A = arith.constant 0 : index
    tpu.barrier barrier_id(%barrier3A)
    %mul3A_14 = arith.constant 784 : i32
    %mul3A_15 = arith.muli %arg1, %mul3A_14 : i32
    %mul3A_16 = arith.constant 392 : i32
    %mul3A_17 = arith.muli %arg0, %mul3A_16 : i32
    %add3A = arith.addi %mul3A_15, %mul3A_17 : i32
    "tpu.region"() ({
      %run_scoped3A = tpu.sem_alloc : memref<!tpu.dma_semaphore, #tpu.memory_space<semaphore_mem>>
      %dma_start3A = arith.constant 0 : i32
      %dma_start3A_45 = tpu.memref_slice %arg2[%add3A, %dma_start3A] : memref<12544x128xi32, #tpu.memory_space<hbm>> -> memref<392x128xi32, #tpu.memory_space<hbm>>
      %dma_start3A_46 = arith.constant 0 : i32
      %dma_start3A_47 = tpu.memref_slice %arg2[%add3A, %dma_start3A_46] : memref<12544x128xi32, #tpu.memory_space<hbm>> -> memref<392x128xi32, #tpu.memory_space<hbm>>
      tpu.enqueue_dma source(%dma_start3A_47 : memref<392x128xi32, #tpu.memory_space<hbm>>) target(%arg5 : memref<392x128xi32, #tpu.memory_space<vmem>>) target_semaphore(%run_scoped3A : memref<!tpu.dma_semaphore, #tpu.memory_space<semaphore_mem>>)
      %dma_wait3A_48 = arith.constant 0 : i32
      %dma_wait3A_49 = tpu.memref_slice %arg2[%add3A, %dma_wait3A_48] : memref<12544x128xi32, #tpu.memory_space<hbm>> -> memref<392x128xi32, #tpu.memory_space<hbm>>
      %dma_wait3A_50 = arith.constant 0 : i32
      %dma_wait3A_51 = tpu.memref_slice %arg2[%add3A, %dma_wait3A_50] : memref<12544x128xi32, #tpu.memory_space<hbm>> -> memref<392x128xi32, #tpu.memory_space<hbm>>
      tpu.wait_dma2 semaphore(%run_scoped3A : memref<!tpu.dma_semaphore, #tpu.memory_space<semaphore_mem>>) src(%dma_wait3A_51 : memref<392x128xi32, #tpu.memory_space<hbm>>) dst(%arg5 : memref<392x128xi32, #tpu.memory_space<vmem>>)
      tpu.yield
    }) : () -> ()
    %scan3A_18 = arith.constant 0 : i32
    %scan3A_19 = arith.constant 0 : i32
    %scan3A_20 = arith.constant 98 : i32
    %scan3A_21 = arith.addi %scan3A_19, %scan3A_20 : i32
    %scan3A_22 = arith.constant 1 : i32
    %scan3A_23 = scf.for %scan3A_45 = %scan3A_19 to %scan3A_21 step %scan3A_22 iter_args(%scan3A_46 = %scan3A_18) -> (i32)  : i32 {
      %mul3A_47 = arith.constant 4 : i32
      %mul3A_48 = arith.muli %scan3A_45, %mul3A_47 : i32
      %add3A_49 = arith.constant 0 : i32
      %add3A_50 = arith.addi %mul3A_48, %add3A_49 : i32
      %gt3A = arith.constant 0 : i32
      %gt3A_51 = arith.cmpi sgt, %scan3A_45, %gt3A : i32
      %convert_element_type3A = arith.extui %gt3A_51 : i1 to i32
      %cond3A = arith.constant 0 : i32
      %cond3A_52 = arith.cmpi ne, %convert_element_type3A, %cond3A : i32
      scf.if %cond3A_52 {
        %dma_wait3A_100 = arith.constant 0 : i32
        %dma_wait3A_101 = tpu.memref_slice %arg4[%dma_wait3A_100] : memref<50176xf32, #tpu.memory_space<vmem_shared>> -> memref<128xf32, #tpu.memory_space<vmem_shared>>
        %dma_wait3A_102 = arith.constant 0 : i32
        %dma_wait3A_103 = tpu.memref_slice %arg4[%dma_wait3A_102] : memref<50176xf32, #tpu.memory_space<vmem_shared>> -> memref<128xf32, #tpu.memory_space<vmem_shared>>
        tpu.wait_dma2 semaphore(%arg8 : memref<!tpu.dma_semaphore, #tpu.memory_space<semaphore_mem>>) src(%arg6 : memref<128xf32, #tpu.memory_space<vmem>>) dst(%dma_wait3A_103 : memref<128xf32, #tpu.memory_space<vmem_shared>>)
      } else {
      }
      %dma_start3A = arith.constant 0 : i32
      %dma_start3A_53 = tpu.memref_slice %arg5[%add3A_50, %dma_start3A] : memref<392x128xi32, #tpu.memory_space<vmem>> -> memref<1x128xi32, #tpu.memory_space<vmem>>
      %dma_start3A_54 = tpu.memref_squeeze %dma_start3A_53 : memref<1x128xi32, #tpu.memory_space<vmem>> -> memref<128xi32, #tpu.memory_space<vmem>>
      %dma_start3A_55 = arith.constant 0 : i32
      %dma_start3A_56 = tpu.memref_slice %arg4[%dma_start3A_55] : memref<50176xf32, #tpu.memory_space<vmem_shared>> -> memref<50176xf32, #tpu.memory_space<vmem_shared>>
      tpu.enqueue_indirect_dma source(%arg6 : memref<128xf32, #tpu.memory_space<vmem>>) target(%dma_start3A_56 : memref<50176xf32, #tpu.memory_space<vmem_shared>>) offsets(%dma_start3A_54 : memref<128xi32, #tpu.memory_space<vmem>>) semaphore(%arg8 : memref<!tpu.dma_semaphore, #tpu.memory_space<semaphore_mem>>) {add = true}
      %mul3A_57 = arith.constant 4 : i32
      %mul3A_58 = arith.muli %scan3A_45, %mul3A_57 : i32
      %add3A_59 = arith.constant 1 : i32
      %add3A_60 = arith.addi %mul3A_58, %add3A_59 : i32
      %gt3A_61 = arith.constant 0 : i32
      %gt3A_62 = arith.cmpi sgt, %scan3A_45, %gt3A_61 : i32
      %convert_element_type3A_63 = arith.extui %gt3A_62 : i1 to i32
      %cond3A_64 = arith.constant 0 : i32
      %cond3A_65 = arith.cmpi ne, %convert_element_type3A_63, %cond3A_64 : i32
      scf.if %cond3A_65 {
        %dma_wait3A_100 = arith.constant 0 : i32
        %dma_wait3A_101 = tpu.memref_slice %arg4[%dma_wait3A_100] : memref<50176xf32, #tpu.memory_space<vmem_shared>> -> memref<128xf32, #tpu.memory_space<vmem_shared>>
        %dma_wait3A_102 = arith.constant 0 : i32
        %dma_wait3A_103 = tpu.memref_slice %arg4[%dma_wait3A_102] : memref<50176xf32, #tpu.memory_space<vmem_shared>> -> memref<128xf32, #tpu.memory_space<vmem_shared>>
        tpu.wait_dma2 semaphore(%arg9 : memref<!tpu.dma_semaphore, #tpu.memory_space<semaphore_mem>>) src(%arg6 : memref<128xf32, #tpu.memory_space<vmem>>) dst(%dma_wait3A_103 : memref<128xf32, #tpu.memory_space<vmem_shared>>)
      } else {
      }
      %dma_start3A_66 = arith.constant 0 : i32
      %dma_start3A_67 = tpu.memref_slice %arg5[%add3A_60, %dma_start3A_66] : memref<392x128xi32, #tpu.memory_space<vmem>> -> memref<1x128xi32, #tpu.memory_space<vmem>>
      %dma_start3A_68 = tpu.memref_squeeze %dma_start3A_67 : memref<1x128xi32, #tpu.memory_space<vmem>> -> memref<128xi32, #tpu.memory_space<vmem>>
      %dma_start3A_69 = arith.constant 0 : i32
      %dma_start3A_70 = tpu.memref_slice %arg4[%dma_start3A_69] : memref<50176xf32, #tpu.memory_space<vmem_shared>> -> memref<50176xf32, #tpu.memory_space<vmem_shared>>
      tpu.enqueue_indirect_dma source(%arg6 : memref<128xf32, #tpu.memory_space<vmem>>) target(%dma_start3A_70 : memref<50176xf32, #tpu.memory_space<vmem_shared>>) offsets(%dma_start3A_68 : memref<128xi32, #tpu.memory_space<vmem>>) semaphore(%arg9 : memref<!tpu.dma_semaphore, #tpu.memory_space<semaphore_mem>>) {add = true}
      %mul3A_71 = arith.constant 4 : i32
      %mul3A_72 = arith.muli %scan3A_45, %mul3A_71 : i32
      %add3A_73 = arith.constant 2 : i32
      %add3A_74 = arith.addi %mul3A_72, %add3A_73 : i32
      %gt3A_75 = arith.constant 0 : i32
      %gt3A_76 = arith.cmpi sgt, %scan3A_45, %gt3A_75 : i32
      %convert_element_type3A_77 = arith.extui %gt3A_76 : i1 to i32
      %cond3A_78 = arith.constant 0 : i32
      %cond3A_79 = arith.cmpi ne, %convert_element_type3A_77, %cond3A_78 : i32
      scf.if %cond3A_79 {
        %dma_wait3A_100 = arith.constant 0 : i32
        %dma_wait3A_101 = tpu.memref_slice %arg4[%dma_wait3A_100] : memref<50176xf32, #tpu.memory_space<vmem_shared>> -> memref<128xf32, #tpu.memory_space<vmem_shared>>
        %dma_wait3A_102 = arith.constant 0 : i32
        %dma_wait3A_103 = tpu.memref_slice %arg4[%dma_wait3A_102] : memref<50176xf32, #tpu.memory_space<vmem_shared>> -> memref<128xf32, #tpu.memory_space<vmem_shared>>
        tpu.wait_dma2 semaphore(%arg10 : memref<!tpu.dma_semaphore, #tpu.memory_space<semaphore_mem>>) src(%arg6 : memref<128xf32, #tpu.memory_space<vmem>>) dst(%dma_wait3A_103 : memref<128xf32, #tpu.memory_space<vmem_shared>>)
      } else {
      }
      %dma_start3A_80 = arith.constant 0 : i32
      %dma_start3A_81 = tpu.memref_slice %arg5[%add3A_74, %dma_start3A_80] : memref<392x128xi32, #tpu.memory_space<vmem>> -> memref<1x128xi32, #tpu.memory_space<vmem>>
      %dma_start3A_82 = tpu.memref_squeeze %dma_start3A_81 : memref<1x128xi32, #tpu.memory_space<vmem>> -> memref<128xi32, #tpu.memory_space<vmem>>
      %dma_start3A_83 = arith.constant 0 : i32
      %dma_start3A_84 = tpu.memref_slice %arg4[%dma_start3A_83] : memref<50176xf32, #tpu.memory_space<vmem_shared>> -> memref<50176xf32, #tpu.memory_space<vmem_shared>>
      tpu.enqueue_indirect_dma source(%arg6 : memref<128xf32, #tpu.memory_space<vmem>>) target(%dma_start3A_84 : memref<50176xf32, #tpu.memory_space<vmem_shared>>) offsets(%dma_start3A_82 : memref<128xi32, #tpu.memory_space<vmem>>) semaphore(%arg10 : memref<!tpu.dma_semaphore, #tpu.memory_space<semaphore_mem>>) {add = true}
      %mul3A_85 = arith.constant 4 : i32
      %mul3A_86 = arith.muli %scan3A_45, %mul3A_85 : i32
      %add3A_87 = arith.constant 3 : i32
      %add3A_88 = arith.addi %mul3A_86, %add3A_87 : i32
      %gt3A_89 = arith.constant 0 : i32
      %gt3A_90 = arith.cmpi sgt, %scan3A_45, %gt3A_89 : i32
      %convert_element_type3A_91 = arith.extui %gt3A_90 : i1 to i32
      %cond3A_92 = arith.constant 0 : i32
      %cond3A_93 = arith.cmpi ne, %convert_element_type3A_91, %cond3A_92 : i32
      scf.if %cond3A_93 {
        %dma_wait3A_100 = arith.constant 0 : i32
        %dma_wait3A_101 = tpu.memref_slice %arg4[%dma_wait3A_100] : memref<50176xf32, #tpu.memory_space<vmem_shared>> -> memref<128xf32, #tpu.memory_space<vmem_shared>>
        %dma_wait3A_102 = arith.constant 0 : i32
        %dma_wait3A_103 = tpu.memref_slice %arg4[%dma_wait3A_102] : memref<50176xf32, #tpu.memory_space<vmem_shared>> -> memref<128xf32, #tpu.memory_space<vmem_shared>>
        tpu.wait_dma2 semaphore(%arg11 : memref<!tpu.dma_semaphore, #tpu.memory_space<semaphore_mem>>) src(%arg6 : memref<128xf32, #tpu.memory_space<vmem>>) dst(%dma_wait3A_103 : memref<128xf32, #tpu.memory_space<vmem_shared>>)
      } else {
      }
      %dma_start3A_94 = arith.constant 0 : i32
      %dma_start3A_95 = tpu.memref_slice %arg5[%add3A_88, %dma_start3A_94] : memref<392x128xi32, #tpu.memory_space<vmem>> -> memref<1x128xi32, #tpu.memory_space<vmem>>
      %dma_start3A_96 = tpu.memref_squeeze %dma_start3A_95 : memref<1x128xi32, #tpu.memory_space<vmem>> -> memref<128xi32, #tpu.memory_space<vmem>>
      %dma_start3A_97 = arith.constant 0 : i32
      %dma_start3A_98 = tpu.memref_slice %arg4[%dma_start3A_97] : memref<50176xf32, #tpu.memory_space<vmem_shared>> -> memref<50176xf32, #tpu.memory_space<vmem_shared>>
      tpu.enqueue_indirect_dma source(%arg6 : memref<128xf32, #tpu.memory_space<vmem>>) target(%dma_start3A_98 : memref<50176xf32, #tpu.memory_space<vmem_shared>>) offsets(%dma_start3A_96 : memref<128xi32, #tpu.memory_space<vmem>>) semaphore(%arg11 : memref<!tpu.dma_semaphore, #tpu.memory_space<semaphore_mem>>) {add = true}
      %scan3A_99 = arith.constant 0 : i32
      scf.yield %scan3A_99 : i32
    }
    %scan3A_24 = arith.constant 98 : i32
    %dma_wait3A = arith.constant 0 : i32
    %dma_wait3A_25 = tpu.memref_slice %arg4[%dma_wait3A] : memref<50176xf32, #tpu.memory_space<vmem_shared>> -> memref<128xf32, #tpu.memory_space<vmem_shared>>
    %dma_wait3A_26 = arith.constant 0 : i32
    %dma_wait3A_27 = tpu.memref_slice %arg4[%dma_wait3A_26] : memref<50176xf32, #tpu.memory_space<vmem_shared>> -> memref<128xf32, #tpu.memory_space<vmem_shared>>
    tpu.wait_dma2 semaphore(%arg8 : memref<!tpu.dma_semaphore, #tpu.memory_space<semaphore_mem>>) src(%arg6 : memref<128xf32, #tpu.memory_space<vmem>>) dst(%dma_wait3A_27 : memref<128xf32, #tpu.memory_space<vmem_shared>>)
    %dma_wait3A_28 = arith.constant 0 : i32
    %dma_wait3A_29 = tpu.memref_slice %arg4[%dma_wait3A_28] : memref<50176xf32, #tpu.memory_space<vmem_shared>> -> memref<128xf32, #tpu.memory_space<vmem_shared>>
    %dma_wait3A_30 = arith.constant 0 : i32
    %dma_wait3A_31 = tpu.memref_slice %arg4[%dma_wait3A_30] : memref<50176xf32, #tpu.memory_space<vmem_shared>> -> memref<128xf32, #tpu.memory_space<vmem_shared>>
    tpu.wait_dma2 semaphore(%arg9 : memref<!tpu.dma_semaphore, #tpu.memory_space<semaphore_mem>>) src(%arg6 : memref<128xf32, #tpu.memory_space<vmem>>) dst(%dma_wait3A_31 : memref<128xf32, #tpu.memory_space<vmem_shared>>)
    %dma_wait3A_32 = arith.constant 0 : i32
    %dma_wait3A_33 = tpu.memref_slice %arg4[%dma_wait3A_32] : memref<50176xf32, #tpu.memory_space<vmem_shared>> -> memref<128xf32, #tpu.memory_space<vmem_shared>>
    %dma_wait3A_34 = arith.constant 0 : i32
    %dma_wait3A_35 = tpu.memref_slice %arg4[%dma_wait3A_34] : memref<50176xf32, #tpu.memory_space<vmem_shared>> -> memref<128xf32, #tpu.memory_space<vmem_shared>>
    tpu.wait_dma2 semaphore(%arg10 : memref<!tpu.dma_semaphore, #tpu.memory_space<semaphore_mem>>) src(%arg6 : memref<128xf32, #tpu.memory_space<vmem>>) dst(%dma_wait3A_35 : memref<128xf32, #tpu.memory_space<vmem_shared>>)
    %dma_wait3A_36 = arith.constant 0 : i32
    %dma_wait3A_37 = tpu.memref_slice %arg4[%dma_wait3A_36] : memref<50176xf32, #tpu.memory_space<vmem_shared>> -> memref<128xf32, #tpu.memory_space<vmem_shared>>
    %dma_wait3A_38 = arith.constant 0 : i32
    %dma_wait3A_39 = tpu.memref_slice %arg4[%dma_wait3A_38] : memref<50176xf32, #tpu.memory_space<vmem_shared>> -> memref<128xf32, #tpu.memory_space<vmem_shared>>
    tpu.wait_dma2 semaphore(%arg11 : memref<!tpu.dma_semaphore, #tpu.memory_space<semaphore_mem>>) src(%arg6 : memref<128xf32, #tpu.memory_space<vmem>>) dst(%dma_wait3A_39 : memref<128xf32, #tpu.memory_space<vmem_shared>>)
    %barrier3A_40 = arith.constant 0 : index
    tpu.barrier barrier_id(%barrier3A_40)
    %mul3A_41 = arith.constant 3136 : i32
    %mul3A_42 = arith.muli %arg1, %mul3A_41 : i32
    %mul3A_43 = arith.constant 3136 : i32
    %mul3A_44 = arith.muli %arg1, %mul3A_43 : i32
    "tpu.region"() ({
      %run_scoped3A = tpu.sem_alloc : memref<!tpu.dma_semaphore, #tpu.memory_space<semaphore_mem>>
      %dma_start3A = tpu.memref_slice %arg3[%arg0, %mul3A_44] : memref<2x50176xf32, #tpu.memory_space<hbm>> -> memref<1x3136xf32, #tpu.memory_space<hbm>>
      %dma_start3A_45 = tpu.memref_squeeze %dma_start3A : memref<1x3136xf32, #tpu.memory_space<hbm>> -> memref<3136xf32, #tpu.memory_space<hbm>>
      %dma_start3A_46 = tpu.memref_slice %arg4[%mul3A_42] : memref<50176xf32, #tpu.memory_space<vmem_shared>> -> memref<3136xf32, #tpu.memory_space<vmem_shared>>
      tpu.enqueue_dma source(%dma_start3A_46 : memref<3136xf32, #tpu.memory_space<vmem_shared>>) target(%dma_start3A_45 : memref<3136xf32, #tpu.memory_space<hbm>>) target_semaphore(%run_scoped3A : memref<!tpu.dma_semaphore, #tpu.memory_space<semaphore_mem>>)
      %dma_wait3A_47 = tpu.memref_slice %arg3[%arg0, %mul3A_44] : memref<2x50176xf32, #tpu.memory_space<hbm>> -> memref<1x3136xf32, #tpu.memory_space<hbm>>
      %dma_wait3A_48 = tpu.memref_squeeze %dma_wait3A_47 : memref<1x3136xf32, #tpu.memory_space<hbm>> -> memref<3136xf32, #tpu.memory_space<hbm>>
      %dma_wait3A_49 = tpu.memref_slice %arg4[%mul3A_42] : memref<50176xf32, #tpu.memory_space<vmem_shared>> -> memref<3136xf32, #tpu.memory_space<vmem_shared>>
      tpu.wait_dma2 semaphore(%run_scoped3A : memref<!tpu.dma_semaphore, #tpu.memory_space<semaphore_mem>>) src(%dma_wait3A_49 : memref<3136xf32, #tpu.memory_space<vmem_shared>>) dst(%dma_wait3A_48 : memref<3136xf32, #tpu.memory_space<hbm>>)
      tpu.yield
    }) : () -> ()
    return
  }
}

#map = affine_map<(d0, d1) -> (0, 0)>
#map1 = affine_map<(d0, d1) -> (0, 0, 0)>
module attributes {stable_mosaic.version = 14 : i64} {
  func.func @_k3_body(%arg0: i32, %arg1: i32, %arg2: memref<100352x32xf32, #tpu.memory_space<hbm>>, %arg3: memref<12544x128xi32, #tpu.memory_space<hbm>>, %arg4: memref<12544x128xi32, #tpu.memory_space<hbm>>, %arg5: memref<2x50176x32xf32, #tpu.memory_space<hbm>>, %arg6: memref<50176x32xf32, #tpu.memory_space<vmem_shared>>, %arg7: memref<4x2x128xi32, #tpu.memory_space<vmem>>, %arg8: memref<4x2x128xi32, #tpu.memory_space<vmem>>, %arg9: memref<2x2x128x32xf32, #tpu.memory_space<vmem>>, %arg10: memref<!tpu.dma_semaphore, #tpu.memory_space<semaphore_mem>>, %arg11: memref<!tpu.dma_semaphore, #tpu.memory_space<semaphore_mem>>, %arg12: memref<!tpu.dma_semaphore, #tpu.memory_space<semaphore_mem>>, %arg13: memref<!tpu.dma_semaphore, #tpu.memory_space<semaphore_mem>>, %arg14: memref<!tpu.dma_semaphore, #tpu.memory_space<semaphore_mem>>, %arg15: memref<!tpu.dma_semaphore, #tpu.memory_space<semaphore_mem>>, %arg16: memref<!tpu.dma_semaphore, #tpu.memory_space<semaphore_mem>>) attributes {dimension_semantics = [#tpu.dimension_semantics<core_parallel>, #tpu.dimension_semantics<subcore_parallel>], iteration_bounds = array<i64: 2, 16>, scalar_prefetch = 0 : i64, scratch_operands = 11 : i64, tpu.core_type = #tpu.core_type<sc_vector_subcore>, window_params = [{transform_indices = #map}, {transform_indices = #map}, {transform_indices = #map}, {transform_indices = #map1}]} {
    %mul3A = arith.constant 50176 : i32
    %mul3A_0 = arith.muli %arg0, %mul3A : i32
    %mul3A_1 = arith.constant 50176 : i32
    %mul3A_2 = arith.muli %arg0, %mul3A_1 : i32
    %mul3A_3 = arith.constant 3136 : i32
    %mul3A_4 = arith.muli %arg1, %mul3A_3 : i32
    %add3A = arith.addi %mul3A_2, %mul3A_4 : i32
    %mul3A_5 = arith.constant 3136 : i32
    %mul3A_6 = arith.muli %arg1, %mul3A_5 : i32
    "tpu.region"() ({
      %run_scoped3A = tpu.sem_alloc : memref<!tpu.dma_semaphore, #tpu.memory_space<semaphore_mem>>
      %dma_start3A_810 = arith.constant 0 : i32
      %dma_start3A_811 = tpu.memref_slice %arg6[%mul3A_6, %dma_start3A_810] : memref<50176x32xf32, #tpu.memory_space<vmem_shared>> -> memref<3136x32xf32, #tpu.memory_space<vmem_shared>>
      %dma_start3A_812 = arith.constant 0 : i32
      %dma_start3A_813 = tpu.memref_slice %arg2[%add3A, %dma_start3A_812] : memref<100352x32xf32, #tpu.memory_space<hbm>> -> memref<3136x32xf32, #tpu.memory_space<hbm>>
      tpu.enqueue_dma source(%dma_start3A_813 : memref<3136x32xf32, #tpu.memory_space<hbm>>) target(%dma_start3A_811 : memref<3136x32xf32, #tpu.memory_space<vmem_shared>>) target_semaphore(%run_scoped3A : memref<!tpu.dma_semaphore, #tpu.memory_space<semaphore_mem>>)
      %dma_wait3A_814 = arith.constant 0 : i32
      %dma_wait3A_815 = tpu.memref_slice %arg6[%mul3A_6, %dma_wait3A_814] : memref<50176x32xf32, #tpu.memory_space<vmem_shared>> -> memref<3136x32xf32, #tpu.memory_space<vmem_shared>>
      %dma_wait3A_816 = arith.constant 0 : i32
      %dma_wait3A_817 = tpu.memref_slice %arg2[%add3A, %dma_wait3A_816] : memref<100352x32xf32, #tpu.memory_space<hbm>> -> memref<3136x32xf32, #tpu.memory_space<hbm>>
      tpu.wait_dma2 semaphore(%run_scoped3A : memref<!tpu.dma_semaphore, #tpu.memory_space<semaphore_mem>>) src(%dma_wait3A_817 : memref<3136x32xf32, #tpu.memory_space<hbm>>) dst(%dma_wait3A_815 : memref<3136x32xf32, #tpu.memory_space<vmem_shared>>)
      tpu.yield
    }) : () -> ()
    %barrier3A = arith.constant 0 : index
    tpu.barrier barrier_id(%barrier3A)
    %mul3A_7 = arith.constant 784 : i32
    %mul3A_8 = arith.muli %arg1, %mul3A_7 : i32
    %add3A_9 = arith.constant 0 : i32
    %add3A_10 = arith.addi %mul3A_8, %add3A_9 : i32
    %dma_start3A = arith.constant 0 : i32
    %dma_start3A_11 = arith.constant 0 : i32
    %dma_start3A_12 = arith.constant 0 : i32
    %dma_start3A_13 = tpu.memref_slice %arg7[%dma_start3A, %dma_start3A_11, %dma_start3A_12] : memref<4x2x128xi32, #tpu.memory_space<vmem>> -> memref<1x2x128xi32, #tpu.memory_space<vmem>>
    %dma_start3A_14 = tpu.memref_squeeze %dma_start3A_13 : memref<1x2x128xi32, #tpu.memory_space<vmem>> -> memref<2x128xi32, #tpu.memory_space<vmem>>
    %dma_start3A_15 = arith.constant 0 : i32
    %dma_start3A_16 = tpu.memref_slice %arg3[%add3A_10, %dma_start3A_15] : memref<12544x128xi32, #tpu.memory_space<hbm>> -> memref<2x128xi32, #tpu.memory_space<hbm>>
    %dma_start3A_17 = arith.constant 0 : i32
    %dma_start3A_18 = arith.constant 0 : i32
    %dma_start3A_19 = tpu.memref_slice %arg7[%dma_start3A, %dma_start3A_17, %dma_start3A_18] : memref<4x2x128xi32, #tpu.memory_space<vmem>> -> memref<1x2x128xi32, #tpu.memory_space<vmem>>
    %dma_start3A_20 = tpu.memref_squeeze %dma_start3A_19 : memref<1x2x128xi32, #tpu.memory_space<vmem>> -> memref<2x128xi32, #tpu.memory_space<vmem>>
    %dma_start3A_21 = arith.constant 0 : i32
    %dma_start3A_22 = tpu.memref_slice %arg3[%add3A_10, %dma_start3A_21] : memref<12544x128xi32, #tpu.memory_space<hbm>> -> memref<2x128xi32, #tpu.memory_space<hbm>>
    tpu.enqueue_dma source(%dma_start3A_22 : memref<2x128xi32, #tpu.memory_space<hbm>>) target(%dma_start3A_20 : memref<2x128xi32, #tpu.memory_space<vmem>>) target_semaphore(%arg12 : memref<!tpu.dma_semaphore, #tpu.memory_space<semaphore_mem>>)
    %mul3A_23 = arith.constant 784 : i32
    %mul3A_24 = arith.muli %arg1, %mul3A_23 : i32
    %add3A_25 = arith.constant 0 : i32
    %add3A_26 = arith.addi %mul3A_24, %add3A_25 : i32
    %dma_start3A_27 = arith.constant 0 : i32
    %dma_start3A_28 = arith.constant 0 : i32
    %dma_start3A_29 = arith.constant 0 : i32
    %dma_start3A_30 = tpu.memref_slice %arg8[%dma_start3A_27, %dma_start3A_28, %dma_start3A_29] : memref<4x2x128xi32, #tpu.memory_space<vmem>> -> memref<1x2x128xi32, #tpu.memory_space<vmem>>
    %dma_start3A_31 = tpu.memref_squeeze %dma_start3A_30 : memref<1x2x128xi32, #tpu.memory_space<vmem>> -> memref<2x128xi32, #tpu.memory_space<vmem>>
    %dma_start3A_32 = arith.constant 0 : i32
    %dma_start3A_33 = tpu.memref_slice %arg4[%add3A_26, %dma_start3A_32] : memref<12544x128xi32, #tpu.memory_space<hbm>> -> memref<2x128xi32, #tpu.memory_space<hbm>>
    %dma_start3A_34 = arith.constant 0 : i32
    %dma_start3A_35 = arith.constant 0 : i32
    %dma_start3A_36 = tpu.memref_slice %arg8[%dma_start3A_27, %dma_start3A_34, %dma_start3A_35] : memref<4x2x128xi32, #tpu.memory_space<vmem>> -> memref<1x2x128xi32, #tpu.memory_space<vmem>>
    %dma_start3A_37 = tpu.memref_squeeze %dma_start3A_36 : memref<1x2x128xi32, #tpu.memory_space<vmem>> -> memref<2x128xi32, #tpu.memory_space<vmem>>
    %dma_start3A_38 = arith.constant 0 : i32
    %dma_start3A_39 = tpu.memref_slice %arg4[%add3A_26, %dma_start3A_38] : memref<12544x128xi32, #tpu.memory_space<hbm>> -> memref<2x128xi32, #tpu.memory_space<hbm>>
    tpu.enqueue_dma source(%dma_start3A_39 : memref<2x128xi32, #tpu.memory_space<hbm>>) target(%dma_start3A_37 : memref<2x128xi32, #tpu.memory_space<vmem>>) target_semaphore(%arg12 : memref<!tpu.dma_semaphore, #tpu.memory_space<semaphore_mem>>)
    %mul3A_40 = arith.constant 784 : i32
    %mul3A_41 = arith.muli %arg1, %mul3A_40 : i32
    %add3A_42 = arith.constant 2 : i32
    %add3A_43 = arith.addi %mul3A_41, %add3A_42 : i32
    %dma_start3A_44 = arith.constant 1 : i32
    %dma_start3A_45 = arith.constant 0 : i32
    %dma_start3A_46 = arith.constant 0 : i32
    %dma_start3A_47 = tpu.memref_slice %arg7[%dma_start3A_44, %dma_start3A_45, %dma_start3A_46] : memref<4x2x128xi32, #tpu.memory_space<vmem>> -> memref<1x2x128xi32, #tpu.memory_space<vmem>>
    %dma_start3A_48 = tpu.memref_squeeze %dma_start3A_47 : memref<1x2x128xi32, #tpu.memory_space<vmem>> -> memref<2x128xi32, #tpu.memory_space<vmem>>
    %dma_start3A_49 = arith.constant 0 : i32
    %dma_start3A_50 = tpu.memref_slice %arg3[%add3A_43, %dma_start3A_49] : memref<12544x128xi32, #tpu.memory_space<hbm>> -> memref<2x128xi32, #tpu.memory_space<hbm>>
    %dma_start3A_51 = arith.constant 0 : i32
    %dma_start3A_52 = arith.constant 0 : i32
    %dma_start3A_53 = tpu.memref_slice %arg7[%dma_start3A_44, %dma_start3A_51, %dma_start3A_52] : memref<4x2x128xi32, #tpu.memory_space<vmem>> -> memref<1x2x128xi32, #tpu.memory_space<vmem>>
    %dma_start3A_54 = tpu.memref_squeeze %dma_start3A_53 : memref<1x2x128xi32, #tpu.memory_space<vmem>> -> memref<2x128xi32, #tpu.memory_space<vmem>>
    %dma_start3A_55 = arith.constant 0 : i32
    %dma_start3A_56 = tpu.memref_slice %arg3[%add3A_43, %dma_start3A_55] : memref<12544x128xi32, #tpu.memory_space<hbm>> -> memref<2x128xi32, #tpu.memory_space<hbm>>
    tpu.enqueue_dma source(%dma_start3A_56 : memref<2x128xi32, #tpu.memory_space<hbm>>) target(%dma_start3A_54 : memref<2x128xi32, #tpu.memory_space<vmem>>) target_semaphore(%arg13 : memref<!tpu.dma_semaphore, #tpu.memory_space<semaphore_mem>>)
    %mul3A_57 = arith.constant 784 : i32
    %mul3A_58 = arith.muli %arg1, %mul3A_57 : i32
    %add3A_59 = arith.constant 2 : i32
    %add3A_60 = arith.addi %mul3A_58, %add3A_59 : i32
    %dma_start3A_61 = arith.constant 1 : i32
    %dma_start3A_62 = arith.constant 0 : i32
    %dma_start3A_63 = arith.constant 0 : i32
    %dma_start3A_64 = tpu.memref_slice %arg8[%dma_start3A_61, %dma_start3A_62, %dma_start3A_63] : memref<4x2x128xi32, #tpu.memory_space<vmem>> -> memref<1x2x128xi32, #tpu.memory_space<vmem>>
    %dma_start3A_65 = tpu.memref_squeeze %dma_start3A_64 : memref<1x2x128xi32, #tpu.memory_space<vmem>> -> memref<2x128xi32, #tpu.memory_space<vmem>>
    %dma_start3A_66 = arith.constant 0 : i32
    %dma_start3A_67 = tpu.memref_slice %arg4[%add3A_60, %dma_start3A_66] : memref<12544x128xi32, #tpu.memory_space<hbm>> -> memref<2x128xi32, #tpu.memory_space<hbm>>
    %dma_start3A_68 = arith.constant 0 : i32
    %dma_start3A_69 = arith.constant 0 : i32
    %dma_start3A_70 = tpu.memref_slice %arg8[%dma_start3A_61, %dma_start3A_68, %dma_start3A_69] : memref<4x2x128xi32, #tpu.memory_space<vmem>> -> memref<1x2x128xi32, #tpu.memory_space<vmem>>
    %dma_start3A_71 = tpu.memref_squeeze %dma_start3A_70 : memref<1x2x128xi32, #tpu.memory_space<vmem>> -> memref<2x128xi32, #tpu.memory_space<vmem>>
    %dma_start3A_72 = arith.constant 0 : i32
    %dma_start3A_73 = tpu.memref_slice %arg4[%add3A_60, %dma_start3A_72] : memref<12544x128xi32, #tpu.memory_space<hbm>> -> memref<2x128xi32, #tpu.memory_space<hbm>>
    tpu.enqueue_dma source(%dma_start3A_73 : memref<2x128xi32, #tpu.memory_space<hbm>>) target(%dma_start3A_71 : memref<2x128xi32, #tpu.memory_space<vmem>>) target_semaphore(%arg13 : memref<!tpu.dma_semaphore, #tpu.memory_space<semaphore_mem>>)
    %mul3A_74 = arith.constant 784 : i32
    %mul3A_75 = arith.muli %arg1, %mul3A_74 : i32
    %add3A_76 = arith.constant 4 : i32
    %add3A_77 = arith.addi %mul3A_75, %add3A_76 : i32
    %dma_start3A_78 = arith.constant 2 : i32
    %dma_start3A_79 = arith.constant 0 : i32
    %dma_start3A_80 = arith.constant 0 : i32
    %dma_start3A_81 = tpu.memref_slice %arg7[%dma_start3A_78, %dma_start3A_79, %dma_start3A_80] : memref<4x2x128xi32, #tpu.memory_space<vmem>> -> memref<1x2x128xi32, #tpu.memory_space<vmem>>
    %dma_start3A_82 = tpu.memref_squeeze %dma_start3A_81 : memref<1x2x128xi32, #tpu.memory_space<vmem>> -> memref<2x128xi32, #tpu.memory_space<vmem>>
    %dma_start3A_83 = arith.constant 0 : i32
    %dma_start3A_84 = tpu.memref_slice %arg3[%add3A_77, %dma_start3A_83] : memref<12544x128xi32, #tpu.memory_space<hbm>> -> memref<2x128xi32, #tpu.memory_space<hbm>>
    %dma_start3A_85 = arith.constant 0 : i32
    %dma_start3A_86 = arith.constant 0 : i32
    %dma_start3A_87 = tpu.memref_slice %arg7[%dma_start3A_78, %dma_start3A_85, %dma_start3A_86] : memref<4x2x128xi32, #tpu.memory_space<vmem>> -> memref<1x2x128xi32, #tpu.memory_space<vmem>>
    %dma_start3A_88 = tpu.memref_squeeze %dma_start3A_87 : memref<1x2x128xi32, #tpu.memory_space<vmem>> -> memref<2x128xi32, #tpu.memory_space<vmem>>
    %dma_start3A_89 = arith.constant 0 : i32
    %dma_start3A_90 = tpu.memref_slice %arg3[%add3A_77, %dma_start3A_89] : memref<12544x128xi32, #tpu.memory_space<hbm>> -> memref<2x128xi32, #tpu.memory_space<hbm>>
    tpu.enqueue_dma source(%dma_start3A_90 : memref<2x128xi32, #tpu.memory_space<hbm>>) target(%dma_start3A_88 : memref<2x128xi32, #tpu.memory_space<vmem>>) target_semaphore(%arg14 : memref<!tpu.dma_semaphore, #tpu.memory_space<semaphore_mem>>)
    %mul3A_91 = arith.constant 784 : i32
    %mul3A_92 = arith.muli %arg1, %mul3A_91 : i32
    %add3A_93 = arith.constant 4 : i32
    %add3A_94 = arith.addi %mul3A_92, %add3A_93 : i32
    %dma_start3A_95 = arith.constant 2 : i32
    %dma_start3A_96 = arith.constant 0 : i32
    %dma_start3A_97 = arith.constant 0 : i32
    %dma_start3A_98 = tpu.memref_slice %arg8[%dma_start3A_95, %dma_start3A_96, %dma_start3A_97] : memref<4x2x128xi32, #tpu.memory_space<vmem>> -> memref<1x2x128xi32, #tpu.memory_space<vmem>>
    %dma_start3A_99 = tpu.memref_squeeze %dma_start3A_98 : memref<1x2x128xi32, #tpu.memory_space<vmem>> -> memref<2x128xi32, #tpu.memory_space<vmem>>
    %dma_start3A_100 = arith.constant 0 : i32
    %dma_start3A_101 = tpu.memref_slice %arg4[%add3A_94, %dma_start3A_100] : memref<12544x128xi32, #tpu.memory_space<hbm>> -> memref<2x128xi32, #tpu.memory_space<hbm>>
    %dma_start3A_102 = arith.constant 0 : i32
    %dma_start3A_103 = arith.constant 0 : i32
    %dma_start3A_104 = tpu.memref_slice %arg8[%dma_start3A_95, %dma_start3A_102, %dma_start3A_103] : memref<4x2x128xi32, #tpu.memory_space<vmem>> -> memref<1x2x128xi32, #tpu.memory_space<vmem>>
    %dma_start3A_105 = tpu.memref_squeeze %dma_start3A_104 : memref<1x2x128xi32, #tpu.memory_space<vmem>> -> memref<2x128xi32, #tpu.memory_space<vmem>>
    %dma_start3A_106 = arith.constant 0 : i32
    %dma_start3A_107 = tpu.memref_slice %arg4[%add3A_94, %dma_start3A_106] : memref<12544x128xi32, #tpu.memory_space<hbm>> -> memref<2x128xi32, #tpu.memory_space<hbm>>
    tpu.enqueue_dma source(%dma_start3A_107 : memref<2x128xi32, #tpu.memory_space<hbm>>) target(%dma_start3A_105 : memref<2x128xi32, #tpu.memory_space<vmem>>) target_semaphore(%arg14 : memref<!tpu.dma_semaphore, #tpu.memory_space<semaphore_mem>>)
    %mul3A_108 = arith.constant 784 : i32
    %mul3A_109 = arith.muli %arg1, %mul3A_108 : i32
    %add3A_110 = arith.constant 6 : i32
    %add3A_111 = arith.addi %mul3A_109, %add3A_110 : i32
    %dma_start3A_112 = arith.constant 3 : i32
    %dma_start3A_113 = arith.constant 0 : i32
    %dma_start3A_114 = arith.constant 0 : i32
    %dma_start3A_115 = tpu.memref_slice %arg7[%dma_start3A_112, %dma_start3A_113, %dma_start3A_114] : memref<4x2x128xi32, #tpu.memory_space<vmem>> -> memref<1x2x128xi32, #tpu.memory_space<vmem>>
    %dma_start3A_116 = tpu.memref_squeeze %dma_start3A_115 : memref<1x2x128xi32, #tpu.memory_space<vmem>> -> memref<2x128xi32, #tpu.memory_space<vmem>>
    %dma_start3A_117 = arith.constant 0 : i32
    %dma_start3A_118 = tpu.memref_slice %arg3[%add3A_111, %dma_start3A_117] : memref<12544x128xi32, #tpu.memory_space<hbm>> -> memref<2x128xi32, #tpu.memory_space<hbm>>
    %dma_start3A_119 = arith.constant 0 : i32
    %dma_start3A_120 = arith.constant 0 : i32
    %dma_start3A_121 = tpu.memref_slice %arg7[%dma_start3A_112, %dma_start3A_119, %dma_start3A_120] : memref<4x2x128xi32, #tpu.memory_space<vmem>> -> memref<1x2x128xi32, #tpu.memory_space<vmem>>
    %dma_start3A_122 = tpu.memref_squeeze %dma_start3A_121 : memref<1x2x128xi32, #tpu.memory_space<vmem>> -> memref<2x128xi32, #tpu.memory_space<vmem>>
    %dma_start3A_123 = arith.constant 0 : i32
    %dma_start3A_124 = tpu.memref_slice %arg3[%add3A_111, %dma_start3A_123] : memref<12544x128xi32, #tpu.memory_space<hbm>> -> memref<2x128xi32, #tpu.memory_space<hbm>>
    tpu.enqueue_dma source(%dma_start3A_124 : memref<2x128xi32, #tpu.memory_space<hbm>>) target(%dma_start3A_122 : memref<2x128xi32, #tpu.memory_space<vmem>>) target_semaphore(%arg15 : memref<!tpu.dma_semaphore, #tpu.memory_space<semaphore_mem>>)
    %mul3A_125 = arith.constant 784 : i32
    %mul3A_126 = arith.muli %arg1, %mul3A_125 : i32
    %add3A_127 = arith.constant 6 : i32
    %add3A_128 = arith.addi %mul3A_126, %add3A_127 : i32
    %dma_start3A_129 = arith.constant 3 : i32
    %dma_start3A_130 = arith.constant 0 : i32
    %dma_start3A_131 = arith.constant 0 : i32
    %dma_start3A_132 = tpu.memref_slice %arg8[%dma_start3A_129, %dma_start3A_130, %dma_start3A_131] : memref<4x2x128xi32, #tpu.memory_space<vmem>> -> memref<1x2x128xi32, #tpu.memory_space<vmem>>
    %dma_start3A_133 = tpu.memref_squeeze %dma_start3A_132 : memref<1x2x128xi32, #tpu.memory_space<vmem>> -> memref<2x128xi32, #tpu.memory_space<vmem>>
    %dma_start3A_134 = arith.constant 0 : i32
    %dma_start3A_135 = tpu.memref_slice %arg4[%add3A_128, %dma_start3A_134] : memref<12544x128xi32, #tpu.memory_space<hbm>> -> memref<2x128xi32, #tpu.memory_space<hbm>>
    %dma_start3A_136 = arith.constant 0 : i32
    %dma_start3A_137 = arith.constant 0 : i32
    %dma_start3A_138 = tpu.memref_slice %arg8[%dma_start3A_129, %dma_start3A_136, %dma_start3A_137] : memref<4x2x128xi32, #tpu.memory_space<vmem>> -> memref<1x2x128xi32, #tpu.memory_space<vmem>>
    %dma_start3A_139 = tpu.memref_squeeze %dma_start3A_138 : memref<1x2x128xi32, #tpu.memory_space<vmem>> -> memref<2x128xi32, #tpu.memory_space<vmem>>
    %dma_start3A_140 = arith.constant 0 : i32
    %dma_start3A_141 = tpu.memref_slice %arg4[%add3A_128, %dma_start3A_140] : memref<12544x128xi32, #tpu.memory_space<hbm>> -> memref<2x128xi32, #tpu.memory_space<hbm>>
    tpu.enqueue_dma source(%dma_start3A_141 : memref<2x128xi32, #tpu.memory_space<hbm>>) target(%dma_start3A_139 : memref<2x128xi32, #tpu.memory_space<vmem>>) target_semaphore(%arg15 : memref<!tpu.dma_semaphore, #tpu.memory_space<semaphore_mem>>)
    %dma_wait3A = arith.constant 0 : i32
    %dma_wait3A_142 = arith.constant 0 : i32
    %dma_wait3A_143 = arith.constant 0 : i32
    %dma_wait3A_144 = tpu.memref_slice %arg7[%dma_wait3A, %dma_wait3A_142, %dma_wait3A_143] : memref<4x2x128xi32, #tpu.memory_space<vmem>> -> memref<1x2x128xi32, #tpu.memory_space<vmem>>
    %dma_wait3A_145 = tpu.memref_squeeze %dma_wait3A_144 : memref<1x2x128xi32, #tpu.memory_space<vmem>> -> memref<2x128xi32, #tpu.memory_space<vmem>>
    %dma_wait3A_146 = arith.constant 0 : i32
    %dma_wait3A_147 = arith.constant 0 : i32
    %dma_wait3A_148 = tpu.memref_slice %arg3[%dma_wait3A_146, %dma_wait3A_147] : memref<12544x128xi32, #tpu.memory_space<hbm>> -> memref<2x128xi32, #tpu.memory_space<hbm>>
    %dma_wait3A_149 = arith.constant 0 : i32
    %dma_wait3A_150 = arith.constant 0 : i32
    %dma_wait3A_151 = tpu.memref_slice %arg7[%dma_wait3A, %dma_wait3A_149, %dma_wait3A_150] : memref<4x2x128xi32, #tpu.memory_space<vmem>> -> memref<1x2x128xi32, #tpu.memory_space<vmem>>
    %dma_wait3A_152 = tpu.memref_squeeze %dma_wait3A_151 : memref<1x2x128xi32, #tpu.memory_space<vmem>> -> memref<2x128xi32, #tpu.memory_space<vmem>>
    %dma_wait3A_153 = arith.constant 0 : i32
    %dma_wait3A_154 = arith.constant 0 : i32
    %dma_wait3A_155 = tpu.memref_slice %arg3[%dma_wait3A_153, %dma_wait3A_154] : memref<12544x128xi32, #tpu.memory_space<hbm>> -> memref<2x128xi32, #tpu.memory_space<hbm>>
    tpu.wait_dma2 semaphore(%arg12 : memref<!tpu.dma_semaphore, #tpu.memory_space<semaphore_mem>>) src(%dma_wait3A_155 : memref<2x128xi32, #tpu.memory_space<hbm>>) dst(%dma_wait3A_152 : memref<2x128xi32, #tpu.memory_space<vmem>>)
    %dma_wait3A_156 = arith.constant 0 : i32
    %dma_wait3A_157 = arith.constant 0 : i32
    %dma_wait3A_158 = arith.constant 0 : i32
    %dma_wait3A_159 = tpu.memref_slice %arg8[%dma_wait3A_156, %dma_wait3A_157, %dma_wait3A_158] : memref<4x2x128xi32, #tpu.memory_space<vmem>> -> memref<1x2x128xi32, #tpu.memory_space<vmem>>
    %dma_wait3A_160 = tpu.memref_squeeze %dma_wait3A_159 : memref<1x2x128xi32, #tpu.memory_space<vmem>> -> memref<2x128xi32, #tpu.memory_space<vmem>>
    %dma_wait3A_161 = arith.constant 0 : i32
    %dma_wait3A_162 = arith.constant 0 : i32
    %dma_wait3A_163 = tpu.memref_slice %arg3[%dma_wait3A_161, %dma_wait3A_162] : memref<12544x128xi32, #tpu.memory_space<hbm>> -> memref<2x128xi32, #tpu.memory_space<hbm>>
    %dma_wait3A_164 = arith.constant 0 : i32
    %dma_wait3A_165 = arith.constant 0 : i32
    %dma_wait3A_166 = tpu.memref_slice %arg8[%dma_wait3A_156, %dma_wait3A_164, %dma_wait3A_165] : memref<4x2x128xi32, #tpu.memory_space<vmem>> -> memref<1x2x128xi32, #tpu.memory_space<vmem>>
    %dma_wait3A_167 = tpu.memref_squeeze %dma_wait3A_166 : memref<1x2x128xi32, #tpu.memory_space<vmem>> -> memref<2x128xi32, #tpu.memory_space<vmem>>
    %dma_wait3A_168 = arith.constant 0 : i32
    %dma_wait3A_169 = arith.constant 0 : i32
    %dma_wait3A_170 = tpu.memref_slice %arg3[%dma_wait3A_168, %dma_wait3A_169] : memref<12544x128xi32, #tpu.memory_space<hbm>> -> memref<2x128xi32, #tpu.memory_space<hbm>>
    tpu.wait_dma2 semaphore(%arg12 : memref<!tpu.dma_semaphore, #tpu.memory_space<semaphore_mem>>) src(%dma_wait3A_170 : memref<2x128xi32, #tpu.memory_space<hbm>>) dst(%dma_wait3A_167 : memref<2x128xi32, #tpu.memory_space<vmem>>)
    %get3A = arith.constant 0 : i32
    %get3A_171 = arith.constant 0 : i32
    %get3A_172 = arith.index_cast %get3A : i32 to index
    %get3A_173 = arith.index_cast %get3A_171 : i32 to index
    %get3A_174 = arith.constant 0 : index
    %get3A_175 = tpu.vector_load %arg7[%get3A_172, %get3A_173, %get3A_174] {strides = array<i32>} : memref<4x2x128xi32, #tpu.memory_space<vmem>>, vector<1x1x16xi32>,
    %get3A_176 = vector.shape_cast %get3A_175 : vector<1x1x16xi32> to vector<16xi32>
    %add3A_177 = vector.broadcast %mul3A_0 : i32 to vector<16xi32>
    %add3A_178 = arith.addi %get3A_176, %add3A_177 : vector<16xi32>
    %swap3A = arith.constant 0 : i32
    %swap3A_179 = arith.constant 0 : i32
    %swap3A_180 = arith.index_cast %swap3A : i32 to index
    %swap3A_181 = arith.index_cast %swap3A_179 : i32 to index
    %swap3A_182 = arith.constant 0 : index
    %swap3A_183 = tpu.vector_load %arg7[%swap3A_180, %swap3A_181, %swap3A_182] {strides = array<i32>} : memref<4x2x128xi32, #tpu.memory_space<vmem>>, vector<1x1x16xi32>,
    %swap3A_184 = vector.shape_cast %swap3A_183 : vector<1x1x16xi32> to vector<16xi32>
    %swap3A_185 = vector.shape_cast %add3A_178 : vector<16xi32> to vector<1x1x16xi32>
    tpu.vector_store %arg7[%swap3A_180, %swap3A_181, %swap3A_182], %swap3A_185 {strides = array<i32>} : memref<4x2x128xi32, #tpu.memory_space<vmem>>, vector<1x1x16xi32>,
    %get3A_186 = arith.constant 0 : i32
    %get3A_187 = arith.constant 0 : i32
    %get3A_188 = arith.index_cast %get3A_186 : i32 to index
    %get3A_189 = arith.index_cast %get3A_187 : i32 to index
    %get3A_190 = arith.constant 16 : index
    %get3A_191 = tpu.vector_load %arg7[%get3A_188, %get3A_189, %get3A_190] {strides = array<i32>} : memref<4x2x128xi32, #tpu.memory_space<vmem>>, vector<1x1x16xi32>,
    %get3A_192 = vector.shape_cast %get3A_191 : vector<1x1x16xi32> to vector<16xi32>
    %add3A_193 = vector.broadcast %mul3A_0 : i32 to vector<16xi32>
    %add3A_194 = arith.addi %get3A_192, %add3A_193 : vector<16xi32>
    %swap3A_195 = arith.constant 0 : i32
    %swap3A_196 = arith.constant 0 : i32
    %swap3A_197 = arith.index_cast %swap3A_195 : i32 to index
    %swap3A_198 = arith.index_cast %swap3A_196 : i32 to index
    %swap3A_199 = arith.constant 16 : index
    %swap3A_200 = tpu.vector_load %arg7[%swap3A_197, %swap3A_198, %swap3A_199] {strides = array<i32>} : memref<4x2x128xi32, #tpu.memory_space<vmem>>, vector<1x1x16xi32>,
    %swap3A_201 = vector.shape_cast %swap3A_200 : vector<1x1x16xi32> to vector<16xi32>
    %swap3A_202 = vector.shape_cast %add3A_194 : vector<16xi32> to vector<1x1x16xi32>
    tpu.vector_store %arg7[%swap3A_197, %swap3A_198, %swap3A_199], %swap3A_202 {strides = array<i32>} : memref<4x2x128xi32, #tpu.memory_space<vmem>>, vector<1x1x16xi32>,
    %get3A_203 = arith.constant 0 : i32
    %get3A_204 = arith.constant 0 : i32
    %get3A_205 = arith.index_cast %get3A_203 : i32 to index
    %get3A_206 = arith.index_cast %get3A_204 : i32 to index
    %get3A_207 = arith.constant 32 : index
    %get3A_208 = tpu.vector_load %arg7[%get3A_205, %get3A_206, %get3A_207] {strides = array<i32>} : memref<4x2x128xi32, #tpu.memory_space<vmem>>, vector<1x1x16xi32>,
    %get3A_209 = vector.shape_cast %get3A_208 : vector<1x1x16xi32> to vector<16xi32>
    %add3A_210 = vector.broadcast %mul3A_0 : i32 to vector<16xi32>
    %add3A_211 = arith.addi %get3A_209, %add3A_210 : vector<16xi32>
    %swap3A_212 = arith.constant 0 : i32
    %swap3A_213 = arith.constant 0 : i32
    %swap3A_214 = arith.index_cast %swap3A_212 : i32 to index
    %swap3A_215 = arith.index_cast %swap3A_213 : i32 to index
    %swap3A_216 = arith.constant 32 : index
    %swap3A_217 = tpu.vector_load %arg7[%swap3A_214, %swap3A_215, %swap3A_216] {strides = array<i32>} : memref<4x2x128xi32, #tpu.memory_space<vmem>>, vector<1x1x16xi32>,
    %swap3A_218 = vector.shape_cast %swap3A_217 : vector<1x1x16xi32> to vector<16xi32>
    %swap3A_219 = vector.shape_cast %add3A_211 : vector<16xi32> to vector<1x1x16xi32>
    tpu.vector_store %arg7[%swap3A_214, %swap3A_215, %swap3A_216], %swap3A_219 {strides = array<i32>} : memref<4x2x128xi32, #tpu.memory_space<vmem>>, vector<1x1x16xi32>,
    %get3A_220 = arith.constant 0 : i32
    %get3A_221 = arith.constant 0 : i32
    %get3A_222 = arith.index_cast %get3A_220 : i32 to index
    %get3A_223 = arith.index_cast %get3A_221 : i32 to index
    %get3A_224 = arith.constant 48 : index
    %get3A_225 = tpu.vector_load %arg7[%get3A_222, %get3A_223, %get3A_224] {strides = array<i32>} : memref<4x2x128xi32, #tpu.memory_space<vmem>>, vector<1x1x16xi32>,
    %get3A_226 = vector.shape_cast %get3A_225 : vector<1x1x16xi32> to vector<16xi32>
    %add3A_227 = vector.broadcast %mul3A_0 : i32 to vector<16xi32>
    %add3A_228 = arith.addi %get3A_226, %add3A_227 : vector<16xi32>
    %swap3A_229 = arith.constant 0 : i32
    %swap3A_230 = arith.constant 0 : i32
    %swap3A_231 = arith.index_cast %swap3A_229 : i32 to index
    %swap3A_232 = arith.index_cast %swap3A_230 : i32 to index
    %swap3A_233 = arith.constant 48 : index
    %swap3A_234 = tpu.vector_load %arg7[%swap3A_231, %swap3A_232, %swap3A_233] {strides = array<i32>} : memref<4x2x128xi32, #tpu.memory_space<vmem>>, vector<1x1x16xi32>,
    %swap3A_235 = vector.shape_cast %swap3A_234 : vector<1x1x16xi32> to vector<16xi32>
    %swap3A_236 = vector.shape_cast %add3A_228 : vector<16xi32> to vector<1x1x16xi32>
    tpu.vector_store %arg7[%swap3A_231, %swap3A_232, %swap3A_233], %swap3A_236 {strides = array<i32>} : memref<4x2x128xi32, #tpu.memory_space<vmem>>, vector<1x1x16xi32>,
    %get3A_237 = arith.constant 0 : i32
    %get3A_238 = arith.constant 0 : i32
    %get3A_239 = arith.index_cast %get3A_237 : i32 to index
    %get3A_240 = arith.index_cast %get3A_238 : i32 to index
    %get3A_241 = arith.constant 64 : index
    %get3A_242 = tpu.vector_load %arg7[%get3A_239, %get3A_240, %get3A_241] {strides = array<i32>} : memref<4x2x128xi32, #tpu.memory_space<vmem>>, vector<1x1x16xi32>,
    %get3A_243 = vector.shape_cast %get3A_242 : vector<1x1x16xi32> to vector<16xi32>
    %add3A_244 = vector.broadcast %mul3A_0 : i32 to vector<16xi32>
    %add3A_245 = arith.addi %get3A_243, %add3A_244 : vector<16xi32>
    %swap3A_246 = arith.constant 0 : i32
    %swap3A_247 = arith.constant 0 : i32
    %swap3A_248 = arith.index_cast %swap3A_246 : i32 to index
    %swap3A_249 = arith.index_cast %swap3A_247 : i32 to index
    %swap3A_250 = arith.constant 64 : index
    %swap3A_251 = tpu.vector_load %arg7[%swap3A_248, %swap3A_249, %swap3A_250] {strides = array<i32>} : memref<4x2x128xi32, #tpu.memory_space<vmem>>, vector<1x1x16xi32>,
    %swap3A_252 = vector.shape_cast %swap3A_251 : vector<1x1x16xi32> to vector<16xi32>
    %swap3A_253 = vector.shape_cast %add3A_245 : vector<16xi32> to vector<1x1x16xi32>
    tpu.vector_store %arg7[%swap3A_248, %swap3A_249, %swap3A_250], %swap3A_253 {strides = array<i32>} : memref<4x2x128xi32, #tpu.memory_space<vmem>>, vector<1x1x16xi32>,
    %get3A_254 = arith.constant 0 : i32
    %get3A_255 = arith.constant 0 : i32
    %get3A_256 = arith.index_cast %get3A_254 : i32 to index
    %get3A_257 = arith.index_cast %get3A_255 : i32 to index
    %get3A_258 = arith.constant 80 : index
    %get3A_259 = tpu.vector_load %arg7[%get3A_256, %get3A_257, %get3A_258] {strides = array<i32>} : memref<4x2x128xi32, #tpu.memory_space<vmem>>, vector<1x1x16xi32>,
    %get3A_260 = vector.shape_cast %get3A_259 : vector<1x1x16xi32> to vector<16xi32>
    %add3A_261 = vector.broadcast %mul3A_0 : i32 to vector<16xi32>
    %add3A_262 = arith.addi %get3A_260, %add3A_261 : vector<16xi32>
    %swap3A_263 = arith.constant 0 : i32
    %swap3A_264 = arith.constant 0 : i32
    %swap3A_265 = arith.index_cast %swap3A_263 : i32 to index
    %swap3A_266 = arith.index_cast %swap3A_264 : i32 to index
    %swap3A_267 = arith.constant 80 : index
    %swap3A_268 = tpu.vector_load %arg7[%swap3A_265, %swap3A_266, %swap3A_267] {strides = array<i32>} : memref<4x2x128xi32, #tpu.memory_space<vmem>>, vector<1x1x16xi32>,
    %swap3A_269 = vector.shape_cast %swap3A_268 : vector<1x1x16xi32> to vector<16xi32>
    %swap3A_270 = vector.shape_cast %add3A_262 : vector<16xi32> to vector<1x1x16xi32>
    tpu.vector_store %arg7[%swap3A_265, %swap3A_266, %swap3A_267], %swap3A_270 {strides = array<i32>} : memref<4x2x128xi32, #tpu.memory_space<vmem>>, vector<1x1x16xi32>,
    %get3A_271 = arith.constant 0 : i32
    %get3A_272 = arith.constant 0 : i32
    %get3A_273 = arith.index_cast %get3A_271 : i32 to index
    %get3A_274 = arith.index_cast %get3A_272 : i32 to index
    %get3A_275 = arith.constant 96 : index
    %get3A_276 = tpu.vector_load %arg7[%get3A_273, %get3A_274, %get3A_275] {strides = array<i32>} : memref<4x2x128xi32, #tpu.memory_space<vmem>>, vector<1x1x16xi32>,
    %get3A_277 = vector.shape_cast %get3A_276 : vector<1x1x16xi32> to vector<16xi32>
    %add3A_278 = vector.broadcast %mul3A_0 : i32 to vector<16xi32>
    %add3A_279 = arith.addi %get3A_277, %add3A_278 : vector<16xi32>
    %swap3A_280 = arith.constant 0 : i32
    %swap3A_281 = arith.constant 0 : i32
    %swap3A_282 = arith.index_cast %swap3A_280 : i32 to index
    %swap3A_283 = arith.index_cast %swap3A_281 : i32 to index
    %swap3A_284 = arith.constant 96 : index
    %swap3A_285 = tpu.vector_load %arg7[%swap3A_282, %swap3A_283, %swap3A_284] {strides = array<i32>} : memref<4x2x128xi32, #tpu.memory_space<vmem>>, vector<1x1x16xi32>,
    %swap3A_286 = vector.shape_cast %swap3A_285 : vector<1x1x16xi32> to vector<16xi32>
    %swap3A_287 = vector.shape_cast %add3A_279 : vector<16xi32> to vector<1x1x16xi32>
    tpu.vector_store %arg7[%swap3A_282, %swap3A_283, %swap3A_284], %swap3A_287 {strides = array<i32>} : memref<4x2x128xi32, #tpu.memory_space<vmem>>, vector<1x1x16xi32>,
    %get3A_288 = arith.constant 0 : i32
    %get3A_289 = arith.constant 0 : i32
    %get3A_290 = arith.index_cast %get3A_288 : i32 to index
    %get3A_291 = arith.index_cast %get3A_289 : i32 to index
    %get3A_292 = arith.constant 112 : index
    %get3A_293 = tpu.vector_load %arg7[%get3A_290, %get3A_291, %get3A_292] {strides = array<i32>} : memref<4x2x128xi32, #tpu.memory_space<vmem>>, vector<1x1x16xi32>,
    %get3A_294 = vector.shape_cast %get3A_293 : vector<1x1x16xi32> to vector<16xi32>
    %add3A_295 = vector.broadcast %mul3A_0 : i32 to vector<16xi32>
    %add3A_296 = arith.addi %get3A_294, %add3A_295 : vector<16xi32>
    %swap3A_297 = arith.constant 0 : i32
    %swap3A_298 = arith.constant 0 : i32
    %swap3A_299 = arith.index_cast %swap3A_297 : i32 to index
    %swap3A_300 = arith.index_cast %swap3A_298 : i32 to index
    %swap3A_301 = arith.constant 112 : index
    %swap3A_302 = tpu.vector_load %arg7[%swap3A_299, %swap3A_300, %swap3A_301] {strides = array<i32>} : memref<4x2x128xi32, #tpu.memory_space<vmem>>, vector<1x1x16xi32>,
    %swap3A_303 = vector.shape_cast %swap3A_302 : vector<1x1x16xi32> to vector<16xi32>
    %swap3A_304 = vector.shape_cast %add3A_296 : vector<16xi32> to vector<1x1x16xi32>
    tpu.vector_store %arg7[%swap3A_299, %swap3A_300, %swap3A_301], %swap3A_304 {strides = array<i32>} : memref<4x2x128xi32, #tpu.memory_space<vmem>>, vector<1x1x16xi32>,
    %get3A_305 = arith.constant 0 : i32
    %get3A_306 = arith.constant 1 : i32
    %get3A_307 = arith.index_cast %get3A_305 : i32 to index
    %get3A_308 = arith.index_cast %get3A_306 : i32 to index
    %get3A_309 = arith.constant 0 : index
    %get3A_310 = tpu.vector_load %arg7[%get3A_307, %get3A_308, %get3A_309] {strides = array<i32>} : memref<4x2x128xi32, #tpu.memory_space<vmem>>, vector<1x1x16xi32>,
    %get3A_311 = vector.shape_cast %get3A_310 : vector<1x1x16xi32> to vector<16xi32>
    %add3A_312 = vector.broadcast %mul3A_0 : i32 to vector<16xi32>
    %add3A_313 = arith.addi %get3A_311, %add3A_312 : vector<16xi32>
    %swap3A_314 = arith.constant 0 : i32
    %swap3A_315 = arith.constant 1 : i32
    %swap3A_316 = arith.index_cast %swap3A_314 : i32 to index
    %swap3A_317 = arith.index_cast %swap3A_315 : i32 to index
    %swap3A_318 = arith.constant 0 : index
    %swap3A_319 = tpu.vector_load %arg7[%swap3A_316, %swap3A_317, %swap3A_318] {strides = array<i32>} : memref<4x2x128xi32, #tpu.memory_space<vmem>>, vector<1x1x16xi32>,
    %swap3A_320 = vector.shape_cast %swap3A_319 : vector<1x1x16xi32> to vector<16xi32>
    %swap3A_321 = vector.shape_cast %add3A_313 : vector<16xi32> to vector<1x1x16xi32>
    tpu.vector_store %arg7[%swap3A_316, %swap3A_317, %swap3A_318], %swap3A_321 {strides = array<i32>} : memref<4x2x128xi32, #tpu.memory_space<vmem>>, vector<1x1x16xi32>,
    %get3A_322 = arith.constant 0 : i32
    %get3A_323 = arith.constant 1 : i32
    %get3A_324 = arith.index_cast %get3A_322 : i32 to index
    %get3A_325 = arith.index_cast %get3A_323 : i32 to index
    %get3A_326 = arith.constant 16 : index
    %get3A_327 = tpu.vector_load %arg7[%get3A_324, %get3A_325, %get3A_326] {strides = array<i32>} : memref<4x2x128xi32, #tpu.memory_space<vmem>>, vector<1x1x16xi32>,
    %get3A_328 = vector.shape_cast %get3A_327 : vector<1x1x16xi32> to vector<16xi32>
    %add3A_329 = vector.broadcast %mul3A_0 : i32 to vector<16xi32>
    %add3A_330 = arith.addi %get3A_328, %add3A_329 : vector<16xi32>
    %swap3A_331 = arith.constant 0 : i32
    %swap3A_332 = arith.constant 1 : i32
    %swap3A_333 = arith.index_cast %swap3A_331 : i32 to index
    %swap3A_334 = arith.index_cast %swap3A_332 : i32 to index
    %swap3A_335 = arith.constant 16 : index
    %swap3A_336 = tpu.vector_load %arg7[%swap3A_333, %swap3A_334, %swap3A_335] {strides = array<i32>} : memref<4x2x128xi32, #tpu.memory_space<vmem>>, vector<1x1x16xi32>,
    %swap3A_337 = vector.shape_cast %swap3A_336 : vector<1x1x16xi32> to vector<16xi32>
    %swap3A_338 = vector.shape_cast %add3A_330 : vector<16xi32> to vector<1x1x16xi32>
    tpu.vector_store %arg7[%swap3A_333, %swap3A_334, %swap3A_335], %swap3A_338 {strides = array<i32>} : memref<4x2x128xi32, #tpu.memory_space<vmem>>, vector<1x1x16xi32>,
    %get3A_339 = arith.constant 0 : i32
    %get3A_340 = arith.constant 1 : i32
    %get3A_341 = arith.index_cast %get3A_339 : i32 to index
    %get3A_342 = arith.index_cast %get3A_340 : i32 to index
    %get3A_343 = arith.constant 32 : index
    %get3A_344 = tpu.vector_load %arg7[%get3A_341, %get3A_342, %get3A_343] {strides = array<i32>} : memref<4x2x128xi32, #tpu.memory_space<vmem>>, vector<1x1x16xi32>,
    %get3A_345 = vector.shape_cast %get3A_344 : vector<1x1x16xi32> to vector<16xi32>
    %add3A_346 = vector.broadcast %mul3A_0 : i32 to vector<16xi32>
    %add3A_347 = arith.addi %get3A_345, %add3A_346 : vector<16xi32>
    %swap3A_348 = arith.constant 0 : i32
    %swap3A_349 = arith.constant 1 : i32
    %swap3A_350 = arith.index_cast %swap3A_348 : i32 to index
    %swap3A_351 = arith.index_cast %swap3A_349 : i32 to index
    %swap3A_352 = arith.constant 32 : index
    %swap3A_353 = tpu.vector_load %arg7[%swap3A_350, %swap3A_351, %swap3A_352] {strides = array<i32>} : memref<4x2x128xi32, #tpu.memory_space<vmem>>, vector<1x1x16xi32>,
    %swap3A_354 = vector.shape_cast %swap3A_353 : vector<1x1x16xi32> to vector<16xi32>
    %swap3A_355 = vector.shape_cast %add3A_347 : vector<16xi32> to vector<1x1x16xi32>
    tpu.vector_store %arg7[%swap3A_350, %swap3A_351, %swap3A_352], %swap3A_355 {strides = array<i32>} : memref<4x2x128xi32, #tpu.memory_space<vmem>>, vector<1x1x16xi32>,
    %get3A_356 = arith.constant 0 : i32
    %get3A_357 = arith.constant 1 : i32
    %get3A_358 = arith.index_cast %get3A_356 : i32 to index
    %get3A_359 = arith.index_cast %get3A_357 : i32 to index
    %get3A_360 = arith.constant 48 : index
    %get3A_361 = tpu.vector_load %arg7[%get3A_358, %get3A_359, %get3A_360] {strides = array<i32>} : memref<4x2x128xi32, #tpu.memory_space<vmem>>, vector<1x1x16xi32>,
    %get3A_362 = vector.shape_cast %get3A_361 : vector<1x1x16xi32> to vector<16xi32>
    %add3A_363 = vector.broadcast %mul3A_0 : i32 to vector<16xi32>
    %add3A_364 = arith.addi %get3A_362, %add3A_363 : vector<16xi32>
    %swap3A_365 = arith.constant 0 : i32
    %swap3A_366 = arith.constant 1 : i32
    %swap3A_367 = arith.index_cast %swap3A_365 : i32 to index
    %swap3A_368 = arith.index_cast %swap3A_366 : i32 to index
    %swap3A_369 = arith.constant 48 : index
    %swap3A_370 = tpu.vector_load %arg7[%swap3A_367, %swap3A_368, %swap3A_369] {strides = array<i32>} : memref<4x2x128xi32, #tpu.memory_space<vmem>>, vector<1x1x16xi32>,
    %swap3A_371 = vector.shape_cast %swap3A_370 : vector<1x1x16xi32> to vector<16xi32>
    %swap3A_372 = vector.shape_cast %add3A_364 : vector<16xi32> to vector<1x1x16xi32>
    tpu.vector_store %arg7[%swap3A_367, %swap3A_368, %swap3A_369], %swap3A_372 {strides = array<i32>} : memref<4x2x128xi32, #tpu.memory_space<vmem>>, vector<1x1x16xi32>,
    %get3A_373 = arith.constant 0 : i32
    %get3A_374 = arith.constant 1 : i32
    %get3A_375 = arith.index_cast %get3A_373 : i32 to index
    %get3A_376 = arith.index_cast %get3A_374 : i32 to index
    %get3A_377 = arith.constant 64 : index
    %get3A_378 = tpu.vector_load %arg7[%get3A_375, %get3A_376, %get3A_377] {strides = array<i32>} : memref<4x2x128xi32, #tpu.memory_space<vmem>>, vector<1x1x16xi32>,
    %get3A_379 = vector.shape_cast %get3A_378 : vector<1x1x16xi32> to vector<16xi32>
    %add3A_380 = vector.broadcast %mul3A_0 : i32 to vector<16xi32>
    %add3A_381 = arith.addi %get3A_379, %add3A_380 : vector<16xi32>
    %swap3A_382 = arith.constant 0 : i32
    %swap3A_383 = arith.constant 1 : i32
    %swap3A_384 = arith.index_cast %swap3A_382 : i32 to index
    %swap3A_385 = arith.index_cast %swap3A_383 : i32 to index
    %swap3A_386 = arith.constant 64 : index
    %swap3A_387 = tpu.vector_load %arg7[%swap3A_384, %swap3A_385, %swap3A_386] {strides = array<i32>} : memref<4x2x128xi32, #tpu.memory_space<vmem>>, vector<1x1x16xi32>,
    %swap3A_388 = vector.shape_cast %swap3A_387 : vector<1x1x16xi32> to vector<16xi32>
    %swap3A_389 = vector.shape_cast %add3A_381 : vector<16xi32> to vector<1x1x16xi32>
    tpu.vector_store %arg7[%swap3A_384, %swap3A_385, %swap3A_386], %swap3A_389 {strides = array<i32>} : memref<4x2x128xi32, #tpu.memory_space<vmem>>, vector<1x1x16xi32>,
    %get3A_390 = arith.constant 0 : i32
    %get3A_391 = arith.constant 1 : i32
    %get3A_392 = arith.index_cast %get3A_390 : i32 to index
    %get3A_393 = arith.index_cast %get3A_391 : i32 to index
    %get3A_394 = arith.constant 80 : index
    %get3A_395 = tpu.vector_load %arg7[%get3A_392, %get3A_393, %get3A_394] {strides = array<i32>} : memref<4x2x128xi32, #tpu.memory_space<vmem>>, vector<1x1x16xi32>,
    %get3A_396 = vector.shape_cast %get3A_395 : vector<1x1x16xi32> to vector<16xi32>
    %add3A_397 = vector.broadcast %mul3A_0 : i32 to vector<16xi32>
    %add3A_398 = arith.addi %get3A_396, %add3A_397 : vector<16xi32>
    %swap3A_399 = arith.constant 0 : i32
    %swap3A_400 = arith.constant 1 : i32
    %swap3A_401 = arith.index_cast %swap3A_399 : i32 to index
    %swap3A_402 = arith.index_cast %swap3A_400 : i32 to index
    %swap3A_403 = arith.constant 80 : index
    %swap3A_404 = tpu.vector_load %arg7[%swap3A_401, %swap3A_402, %swap3A_403] {strides = array<i32>} : memref<4x2x128xi32, #tpu.memory_space<vmem>>, vector<1x1x16xi32>,
    %swap3A_405 = vector.shape_cast %swap3A_404 : vector<1x1x16xi32> to vector<16xi32>
    %swap3A_406 = vector.shape_cast %add3A_398 : vector<16xi32> to vector<1x1x16xi32>
    tpu.vector_store %arg7[%swap3A_401, %swap3A_402, %swap3A_403], %swap3A_406 {strides = array<i32>} : memref<4x2x128xi32, #tpu.memory_space<vmem>>, vector<1x1x16xi32>,
    %get3A_407 = arith.constant 0 : i32
    %get3A_408 = arith.constant 1 : i32
    %get3A_409 = arith.index_cast %get3A_407 : i32 to index
    %get3A_410 = arith.index_cast %get3A_408 : i32 to index
    %get3A_411 = arith.constant 96 : index
    %get3A_412 = tpu.vector_load %arg7[%get3A_409, %get3A_410, %get3A_411] {strides = array<i32>} : memref<4x2x128xi32, #tpu.memory_space<vmem>>, vector<1x1x16xi32>,
    %get3A_413 = vector.shape_cast %get3A_412 : vector<1x1x16xi32> to vector<16xi32>
    %add3A_414 = vector.broadcast %mul3A_0 : i32 to vector<16xi32>
    %add3A_415 = arith.addi %get3A_413, %add3A_414 : vector<16xi32>
    %swap3A_416 = arith.constant 0 : i32
    %swap3A_417 = arith.constant 1 : i32
    %swap3A_418 = arith.index_cast %swap3A_416 : i32 to index
    %swap3A_419 = arith.index_cast %swap3A_417 : i32 to index
    %swap3A_420 = arith.constant 96 : index
    %swap3A_421 = tpu.vector_load %arg7[%swap3A_418, %swap3A_419, %swap3A_420] {strides = array<i32>} : memref<4x2x128xi32, #tpu.memory_space<vmem>>, vector<1x1x16xi32>,
    %swap3A_422 = vector.shape_cast %swap3A_421 : vector<1x1x16xi32> to vector<16xi32>
    %swap3A_423 = vector.shape_cast %add3A_415 : vector<16xi32> to vector<1x1x16xi32>
    tpu.vector_store %arg7[%swap3A_418, %swap3A_419, %swap3A_420], %swap3A_423 {strides = array<i32>} : memref<4x2x128xi32, #tpu.memory_space<vmem>>, vector<1x1x16xi32>,
    %get3A_424 = arith.constant 0 : i32
    %get3A_425 = arith.constant 1 : i32
    %get3A_426 = arith.index_cast %get3A_424 : i32 to index
    %get3A_427 = arith.index_cast %get3A_425 : i32 to index
    %get3A_428 = arith.constant 112 : index
    %get3A_429 = tpu.vector_load %arg7[%get3A_426, %get3A_427, %get3A_428] {strides = array<i32>} : memref<4x2x128xi32, #tpu.memory_space<vmem>>, vector<1x1x16xi32>,
    %get3A_430 = vector.shape_cast %get3A_429 : vector<1x1x16xi32> to vector<16xi32>
    %add3A_431 = vector.broadcast %mul3A_0 : i32 to vector<16xi32>
    %add3A_432 = arith.addi %get3A_430, %add3A_431 : vector<16xi32>
    %swap3A_433 = arith.constant 0 : i32
    %swap3A_434 = arith.constant 1 : i32
    %swap3A_435 = arith.index_cast %swap3A_433 : i32 to index
    %swap3A_436 = arith.index_cast %swap3A_434 : i32 to index
    %swap3A_437 = arith.constant 112 : index
    %swap3A_438 = tpu.vector_load %arg7[%swap3A_435, %swap3A_436, %swap3A_437] {strides = array<i32>} : memref<4x2x128xi32, #tpu.memory_space<vmem>>, vector<1x1x16xi32>,
    %swap3A_439 = vector.shape_cast %swap3A_438 : vector<1x1x16xi32> to vector<16xi32>
    %swap3A_440 = vector.shape_cast %add3A_432 : vector<16xi32> to vector<1x1x16xi32>
    tpu.vector_store %arg7[%swap3A_435, %swap3A_436, %swap3A_437], %swap3A_440 {strides = array<i32>} : memref<4x2x128xi32, #tpu.memory_space<vmem>>, vector<1x1x16xi32>,
    %dma_start3A_441 = arith.constant 0 : i32
    %dma_start3A_442 = arith.constant 0 : i32
    %dma_start3A_443 = arith.constant 0 : i32
    %dma_start3A_444 = arith.constant 0 : i32
    %dma_start3A_445 = arith.constant 0 : i32
    %dma_start3A_446 = arith.constant 0 : i32
    %dma_start3A_447 = tpu.memref_slice %arg9[%dma_start3A_443, %dma_start3A_444, %dma_start3A_445, %dma_start3A_446] : memref<2x2x128x32xf32, #tpu.memory_space<vmem>> -> memref<1x1x128x32xf32, #tpu.memory_space<vmem>>
    %dma_start3A_448 = tpu.memref_squeeze %dma_start3A_447 : memref<1x1x128x32xf32, #tpu.memory_space<vmem>> -> memref<128x32xf32, #tpu.memory_space<vmem>>
    %dma_start3A_449 = arith.constant 0 : i32
    %dma_start3A_450 = tpu.memref_slice %arg7[%dma_start3A_441, %dma_start3A_442, %dma_start3A_449] : memref<4x2x128xi32, #tpu.memory_space<vmem>> -> memref<1x1x128xi32, #tpu.memory_space<vmem>>
    %dma_start3A_451 = tpu.memref_squeeze %dma_start3A_450 : memref<1x1x128xi32, #tpu.memory_space<vmem>> -> memref<128xi32, #tpu.memory_space<vmem>>
    %dma_start3A_452 = arith.constant 0 : i32
    %dma_start3A_453 = arith.constant 0 : i32
    %dma_start3A_454 = tpu.memref_slice %arg2[%dma_start3A_452, %dma_start3A_453] : memref<100352x32xf32, #tpu.memory_space<hbm>> -> memref<100352x32xf32, #tpu.memory_space<hbm>>
    tpu.enqueue_indirect_dma source(%dma_start3A_454 : memref<100352x32xf32, #tpu.memory_space<hbm>>) target(%dma_start3A_448 : memref<128x32xf32, #tpu.memory_space<vmem>>) offsets(%dma_start3A_451 : memref<128xi32, #tpu.memory_space<vmem>>) semaphore(%arg10 : memref<!tpu.dma_semaphore, #tpu.memory_space<semaphore_mem>>)
    %dma_start3A_455 = arith.constant 0 : i32
    %dma_start3A_456 = arith.constant 1 : i32
    %dma_start3A_457 = arith.constant 0 : i32
    %dma_start3A_458 = arith.constant 1 : i32
    %dma_start3A_459 = arith.constant 0 : i32
    %dma_start3A_460 = arith.constant 0 : i32
    %dma_start3A_461 = tpu.memref_slice %arg9[%dma_start3A_457, %dma_start3A_458, %dma_start3A_459, %dma_start3A_460] : memref<2x2x128x32xf32, #tpu.memory_space<vmem>> -> memref<1x1x128x32xf32, #tpu.memory_space<vmem>>
    %dma_start3A_462 = tpu.memref_squeeze %dma_start3A_461 : memref<1x1x128x32xf32, #tpu.memory_space<vmem>> -> memref<128x32xf32, #tpu.memory_space<vmem>>
    %dma_start3A_463 = arith.constant 0 : i32
    %dma_start3A_464 = tpu.memref_slice %arg7[%dma_start3A_455, %dma_start3A_456, %dma_start3A_463] : memref<4x2x128xi32, #tpu.memory_space<vmem>> -> memref<1x1x128xi32, #tpu.memory_space<vmem>>
    %dma_start3A_465 = tpu.memref_squeeze %dma_start3A_464 : memref<1x1x128xi32, #tpu.memory_space<vmem>> -> memref<128xi32, #tpu.memory_space<vmem>>
    %dma_start3A_466 = arith.constant 0 : i32
    %dma_start3A_467 = arith.constant 0 : i32
    %dma_start3A_468 = tpu.memref_slice %arg2[%dma_start3A_466, %dma_start3A_467] : memref<100352x32xf32, #tpu.memory_space<hbm>> -> memref<100352x32xf32, #tpu.memory_space<hbm>>
    tpu.enqueue_indirect_dma source(%dma_start3A_468 : memref<100352x32xf32, #tpu.memory_space<hbm>>) target(%dma_start3A_462 : memref<128x32xf32, #tpu.memory_space<vmem>>) offsets(%dma_start3A_465 : memref<128xi32, #tpu.memory_space<vmem>>) semaphore(%arg10 : memref<!tpu.dma_semaphore, #tpu.memory_space<semaphore_mem>>)
    %dma_wait3A_469 = arith.constant 1 : i32
    %dma_wait3A_470 = arith.constant 0 : i32
    %dma_wait3A_471 = arith.constant 0 : i32
    %dma_wait3A_472 = tpu.memref_slice %arg7[%dma_wait3A_469, %dma_wait3A_470, %dma_wait3A_471] : memref<4x2x128xi32, #tpu.memory_space<vmem>> -> memref<1x2x128xi32, #tpu.memory_space<vmem>>
    %dma_wait3A_473 = tpu.memref_squeeze %dma_wait3A_472 : memref<1x2x128xi32, #tpu.memory_space<vmem>> -> memref<2x128xi32, #tpu.memory_space<vmem>>
    %dma_wait3A_474 = arith.constant 0 : i32
    %dma_wait3A_475 = arith.constant 0 : i32
    %dma_wait3A_476 = tpu.memref_slice %arg3[%dma_wait3A_474, %dma_wait3A_475] : memref<12544x128xi32, #tpu.memory_space<hbm>> -> memref<2x128xi32, #tpu.memory_space<hbm>>
    %dma_wait3A_477 = arith.constant 0 : i32
    %dma_wait3A_478 = arith.constant 0 : i32
    %dma_wait3A_479 = tpu.memref_slice %arg7[%dma_wait3A_469, %dma_wait3A_477, %dma_wait3A_478] : memref<4x2x128xi32, #tpu.memory_space<vmem>> -> memref<1x2x128xi32, #tpu.memory_space<vmem>>
    %dma_wait3A_480 = tpu.memref_squeeze %dma_wait3A_479 : memref<1x2x128xi32, #tpu.memory_space<vmem>> -> memref<2x128xi32, #tpu.memory_space<vmem>>
    %dma_wait3A_481 = arith.constant 0 : i32
    %dma_wait3A_482 = arith.constant 0 : i32
    %dma_wait3A_483 = tpu.memref_slice %arg3[%dma_wait3A_481, %dma_wait3A_482] : memref<12544x128xi32, #tpu.memory_space<hbm>> -> memref<2x128xi32, #tpu.memory_space<hbm>>
    tpu.wait_dma2 semaphore(%arg13 : memref<!tpu.dma_semaphore, #tpu.memory_space<semaphore_mem>>) src(%dma_wait3A_483 : memref<2x128xi32, #tpu.memory_space<hbm>>) dst(%dma_wait3A_480 : memref<2x128xi32, #tpu.memory_space<vmem>>)
    %dma_wait3A_484 = arith.constant 1 : i32
    %dma_wait3A_485 = arith.constant 0 : i32
    %dma_wait3A_486 = arith.constant 0 : i32
    %dma_wait3A_487 = tpu.memref_slice %arg8[%dma_wait3A_484, %dma_wait3A_485, %dma_wait3A_486] : memref<4x2x128xi32, #tpu.memory_space<vmem>> -> memref<1x2x128xi32, #tpu.memory_space<vmem>>
    %dma_wait3A_488 = tpu.memref_squeeze %dma_wait3A_487 : memref<1x2x128xi32, #tpu.memory_space<vmem>> -> memref<2x128xi32, #tpu.memory_space<vmem>>
    %dma_wait3A_489 = arith.constant 0 : i32
    %dma_wait3A_490 = arith.constant 0 : i32
    %dma_wait3A_491 = tpu.memref_slice %arg3[%dma_wait3A_489, %dma_wait3A_490] : memref<12544x128xi32, #tpu.memory_space<hbm>> -> memref<2x128xi32, #tpu.memory_space<hbm>>
    %dma_wait3A_492 = arith.constant 0 : i32
    %dma_wait3A_493 = arith.constant 0 : i32
    %dma_wait3A_494 = tpu.memref_slice %arg8[%dma_wait3A_484, %dma_wait3A_492, %dma_wait3A_493] : memref<4x2x128xi32, #tpu.memory_space<vmem>> -> memref<1x2x128xi32, #tpu.memory_space<vmem>>
    %dma_wait3A_495 = tpu.memref_squeeze %dma_wait3A_494 : memref<1x2x128xi32, #tpu.memory_space<vmem>> -> memref<2x128xi32, #tpu.memory_space<vmem>>
    %dma_wait3A_496 = arith.constant 0 : i32
    %dma_wait3A_497 = arith.constant 0 : i32
    %dma_wait3A_498 = tpu.memref_slice %arg3[%dma_wait3A_496, %dma_wait3A_497] : memref<12544x128xi32, #tpu.memory_space<hbm>> -> memref<2x128xi32, #tpu.memory_space<hbm>>
    tpu.wait_dma2 semaphore(%arg13 : memref<!tpu.dma_semaphore, #tpu.memory_space<semaphore_mem>>) src(%dma_wait3A_498 : memref<2x128xi32, #tpu.memory_space<hbm>>) dst(%dma_wait3A_495 : memref<2x128xi32, #tpu.memory_space<vmem>>)
    %get3A_499 = arith.constant 1 : i32
    %get3A_500 = arith.constant 0 : i32
    %get3A_501 = arith.index_cast %get3A_499 : i32 to index
    %get3A_502 = arith.index_cast %get3A_500 : i32 to index
    %get3A_503 = arith.constant 0 : index
    %get3A_504 = tpu.vector_load %arg7[%get3A_501, %get3A_502, %get3A_503] {strides = array<i32>} : memref<4x2x128xi32, #tpu.memory_space<vmem>>, vector<1x1x16xi32>,
    %get3A_505 = vector.shape_cast %get3A_504 : vector<1x1x16xi32> to vector<16xi32>
    %add3A_506 = vector.broadcast %mul3A_0 : i32 to vector<16xi32>
    %add3A_507 = arith.addi %get3A_505, %add3A_506 : vector<16xi32>
    %swap3A_508 = arith.constant 1 : i32
    %swap3A_509 = arith.constant 0 : i32
    %swap3A_510 = arith.index_cast %swap3A_508 : i32 to index
    %swap3A_511 = arith.index_cast %swap3A_509 : i32 to index
    %swap3A_512 = arith.constant 0 : index
    %swap3A_513 = tpu.vector_load %arg7[%swap3A_510, %swap3A_511, %swap3A_512] {strides = array<i32>} : memref<4x2x128xi32, #tpu.memory_space<vmem>>, vector<1x1x16xi32>,
    %swap3A_514 = vector.shape_cast %swap3A_513 : vector<1x1x16xi32> to vector<16xi32>
    %swap3A_515 = vector.shape_cast %add3A_507 : vector<16xi32> to vector<1x1x16xi32>
    tpu.vector_store %arg7[%swap3A_510, %swap3A_511, %swap3A_512], %swap3A_515 {strides = array<i32>} : memref<4x2x128xi32, #tpu.memory_space<vmem>>, vector<1x1x16xi32>,
    %get3A_516 = arith.constant 1 : i32
    %get3A_517 = arith.constant 0 : i32
    %get3A_518 = arith.index_cast %get3A_516 : i32 to index
    %get3A_519 = arith.index_cast %get3A_517 : i32 to index
    %get3A_520 = arith.constant 16 : index
    %get3A_521 = tpu.vector_load %arg7[%get3A_518, %get3A_519, %get3A_520] {strides = array<i32>} : memref<4x2x128xi32, #tpu.memory_space<vmem>>, vector<1x1x16xi32>,
    %get3A_522 = vector.shape_cast %get3A_521 : vector<1x1x16xi32> to vector<16xi32>
    %add3A_523 = vector.broadcast %mul3A_0 : i32 to vector<16xi32>
    %add3A_524 = arith.addi %get3A_522, %add3A_523 : vector<16xi32>
    %swap3A_525 = arith.constant 1 : i32
    %swap3A_526 = arith.constant 0 : i32
    %swap3A_527 = arith.index_cast %swap3A_525 : i32 to index
    %swap3A_528 = arith.index_cast %swap3A_526 : i32 to index
    %swap3A_529 = arith.constant 16 : index
    %swap3A_530 = tpu.vector_load %arg7[%swap3A_527, %swap3A_528, %swap3A_529] {strides = array<i32>} : memref<4x2x128xi32, #tpu.memory_space<vmem>>, vector<1x1x16xi32>,
    %swap3A_531 = vector.shape_cast %swap3A_530 : vector<1x1x16xi32> to vector<16xi32>
    %swap3A_532 = vector.shape_cast %add3A_524 : vector<16xi32> to vector<1x1x16xi32>
    tpu.vector_store %arg7[%swap3A_527, %swap3A_528, %swap3A_529], %swap3A_532 {strides = array<i32>} : memref<4x2x128xi32, #tpu.memory_space<vmem>>, vector<1x1x16xi32>,
    %get3A_533 = arith.constant 1 : i32
    %get3A_534 = arith.constant 0 : i32
    %get3A_535 = arith.index_cast %get3A_533 : i32 to index
    %get3A_536 = arith.index_cast %get3A_534 : i32 to index
    %get3A_537 = arith.constant 32 : index
    %get3A_538 = tpu.vector_load %arg7[%get3A_535, %get3A_536, %get3A_537] {strides = array<i32>} : memref<4x2x128xi32, #tpu.memory_space<vmem>>, vector<1x1x16xi32>,
    %get3A_539 = vector.shape_cast %get3A_538 : vector<1x1x16xi32> to vector<16xi32>
    %add3A_540 = vector.broadcast %mul3A_0 : i32 to vector<16xi32>
    %add3A_541 = arith.addi %get3A_539, %add3A_540 : vector<16xi32>
    %swap3A_542 = arith.constant 1 : i32
    %swap3A_543 = arith.constant 0 : i32
    %swap3A_544 = arith.index_cast %swap3A_542 : i32 to index
    %swap3A_545 = arith.index_cast %swap3A_543 : i32 to index
    %swap3A_546 = arith.constant 32 : index
    %swap3A_547 = tpu.vector_load %arg7[%swap3A_544, %swap3A_545, %swap3A_546] {strides = array<i32>} : memref<4x2x128xi32, #tpu.memory_space<vmem>>, vector<1x1x16xi32>,
    %swap3A_548 = vector.shape_cast %swap3A_547 : vector<1x1x16xi32> to vector<16xi32>
    %swap3A_549 = vector.shape_cast %add3A_541 : vector<16xi32> to vector<1x1x16xi32>
    tpu.vector_store %arg7[%swap3A_544, %swap3A_545, %swap3A_546], %swap3A_549 {strides = array<i32>} : memref<4x2x128xi32, #tpu.memory_space<vmem>>, vector<1x1x16xi32>,
    %get3A_550 = arith.constant 1 : i32
    %get3A_551 = arith.constant 0 : i32
    %get3A_552 = arith.index_cast %get3A_550 : i32 to index
    %get3A_553 = arith.index_cast %get3A_551 : i32 to index
    %get3A_554 = arith.constant 48 : index
    %get3A_555 = tpu.vector_load %arg7[%get3A_552, %get3A_553, %get3A_554] {strides = array<i32>} : memref<4x2x128xi32, #tpu.memory_space<vmem>>, vector<1x1x16xi32>,
    %get3A_556 = vector.shape_cast %get3A_555 : vector<1x1x16xi32> to vector<16xi32>
    %add3A_557 = vector.broadcast %mul3A_0 : i32 to vector<16xi32>
    %add3A_558 = arith.addi %get3A_556, %add3A_557 : vector<16xi32>
    %swap3A_559 = arith.constant 1 : i32
    %swap3A_560 = arith.constant 0 : i32
    %swap3A_561 = arith.index_cast %swap3A_559 : i32 to index
    %swap3A_562 = arith.index_cast %swap3A_560 : i32 to index
    %swap3A_563 = arith.constant 48 : index
    %swap3A_564 = tpu.vector_load %arg7[%swap3A_561, %swap3A_562, %swap3A_563] {strides = array<i32>} : memref<4x2x128xi32, #tpu.memory_space<vmem>>, vector<1x1x16xi32>,
    %swap3A_565 = vector.shape_cast %swap3A_564 : vector<1x1x16xi32> to vector<16xi32>
    %swap3A_566 = vector.shape_cast %add3A_558 : vector<16xi32> to vector<1x1x16xi32>
    tpu.vector_store %arg7[%swap3A_561, %swap3A_562, %swap3A_563], %swap3A_566 {strides = array<i32>} : memref<4x2x128xi32, #tpu.memory_space<vmem>>, vector<1x1x16xi32>,
    %get3A_567 = arith.constant 1 : i32
    %get3A_568 = arith.constant 0 : i32
    %get3A_569 = arith.index_cast %get3A_567 : i32 to index
    %get3A_570 = arith.index_cast %get3A_568 : i32 to index
    %get3A_571 = arith.constant 64 : index
    %get3A_572 = tpu.vector_load %arg7[%get3A_569, %get3A_570, %get3A_571] {strides = array<i32>} : memref<4x2x128xi32, #tpu.memory_space<vmem>>, vector<1x1x16xi32>,
    %get3A_573 = vector.shape_cast %get3A_572 : vector<1x1x16xi32> to vector<16xi32>
    %add3A_574 = vector.broadcast %mul3A_0 : i32 to vector<16xi32>
    %add3A_575 = arith.addi %get3A_573, %add3A_574 : vector<16xi32>
    %swap3A_576 = arith.constant 1 : i32
    %swap3A_577 = arith.constant 0 : i32
    %swap3A_578 = arith.index_cast %swap3A_576 : i32 to index
    %swap3A_579 = arith.index_cast %swap3A_577 : i32 to index
    %swap3A_580 = arith.constant 64 : index
    %swap3A_581 = tpu.vector_load %arg7[%swap3A_578, %swap3A_579, %swap3A_580] {strides = array<i32>} : memref<4x2x128xi32, #tpu.memory_space<vmem>>, vector<1x1x16xi32>,
    %swap3A_582 = vector.shape_cast %swap3A_581 : vector<1x1x16xi32> to vector<16xi32>
    %swap3A_583 = vector.shape_cast %add3A_575 : vector<16xi32> to vector<1x1x16xi32>
    tpu.vector_store %arg7[%swap3A_578, %swap3A_579, %swap3A_580], %swap3A_583 {strides = array<i32>} : memref<4x2x128xi32, #tpu.memory_space<vmem>>, vector<1x1x16xi32>,
    %get3A_584 = arith.constant 1 : i32
    %get3A_585 = arith.constant 0 : i32
    %get3A_586 = arith.index_cast %get3A_584 : i32 to index
    %get3A_587 = arith.index_cast %get3A_585 : i32 to index
    %get3A_588 = arith.constant 80 : index
    %get3A_589 = tpu.vector_load %arg7[%get3A_586, %get3A_587, %get3A_588] {strides = array<i32>} : memref<4x2x128xi32, #tpu.memory_space<vmem>>, vector<1x1x16xi32>,
    %get3A_590 = vector.shape_cast %get3A_589 : vector<1x1x16xi32> to vector<16xi32>
    %add3A_591 = vector.broadcast %mul3A_0 : i32 to vector<16xi32>
    %add3A_592 = arith.addi %get3A_590, %add3A_591 : vector<16xi32>
    %swap3A_593 = arith.constant 1 : i32
    %swap3A_594 = arith.constant 0 : i32
    %swap3A_595 = arith.index_cast %swap3A_593 : i32 to index
    %swap3A_596 = arith.index_cast %swap3A_594 : i32 to index
    %swap3A_597 = arith.constant 80 : index
    %swap3A_598 = tpu.vector_load %arg7[%swap3A_595, %swap3A_596, %swap3A_597] {strides = array<i32>} : memref<4x2x128xi32, #tpu.memory_space<vmem>>, vector<1x1x16xi32>,
    %swap3A_599 = vector.shape_cast %swap3A_598 : vector<1x1x16xi32> to vector<16xi32>
    %swap3A_600 = vector.shape_cast %add3A_592 : vector<16xi32> to vector<1x1x16xi32>
    tpu.vector_store %arg7[%swap3A_595, %swap3A_596, %swap3A_597], %swap3A_600 {strides = array<i32>} : memref<4x2x128xi32, #tpu.memory_space<vmem>>, vector<1x1x16xi32>,
    %get3A_601 = arith.constant 1 : i32
    %get3A_602 = arith.constant 0 : i32
    %get3A_603 = arith.index_cast %get3A_601 : i32 to index
    %get3A_604 = arith.index_cast %get3A_602 : i32 to index
    %get3A_605 = arith.constant 96 : index
    %get3A_606 = tpu.vector_load %arg7[%get3A_603, %get3A_604, %get3A_605] {strides = array<i32>} : memref<4x2x128xi32, #tpu.memory_space<vmem>>, vector<1x1x16xi32>,
    %get3A_607 = vector.shape_cast %get3A_606 : vector<1x1x16xi32> to vector<16xi32>
    %add3A_608 = vector.broadcast %mul3A_0 : i32 to vector<16xi32>
    %add3A_609 = arith.addi %get3A_607, %add3A_608 : vector<16xi32>
    %swap3A_610 = arith.constant 1 : i32
    %swap3A_611 = arith.constant 0 : i32
    %swap3A_612 = arith.index_cast %swap3A_610 : i32 to index
    %swap3A_613 = arith.index_cast %swap3A_611 : i32 to index
    %swap3A_614 = arith.constant 96 : index
    %swap3A_615 = tpu.vector_load %arg7[%swap3A_612, %swap3A_613, %swap3A_614] {strides = array<i32>} : memref<4x2x128xi32, #tpu.memory_space<vmem>>, vector<1x1x16xi32>,
    %swap3A_616 = vector.shape_cast %swap3A_615 : vector<1x1x16xi32> to vector<16xi32>
    %swap3A_617 = vector.shape_cast %add3A_609 : vector<16xi32> to vector<1x1x16xi32>
    tpu.vector_store %arg7[%swap3A_612, %swap3A_613, %swap3A_614], %swap3A_617 {strides = array<i32>} : memref<4x2x128xi32, #tpu.memory_space<vmem>>, vector<1x1x16xi32>,
    %get3A_618 = arith.constant 1 : i32
    %get3A_619 = arith.constant 0 : i32
    %get3A_620 = arith.index_cast %get3A_618 : i32 to index
    %get3A_621 = arith.index_cast %get3A_619 : i32 to index
    %get3A_622 = arith.constant 112 : index
    %get3A_623 = tpu.vector_load %arg7[%get3A_620, %get3A_621, %get3A_622] {strides = array<i32>} : memref<4x2x128xi32, #tpu.memory_space<vmem>>, vector<1x1x16xi32>,
    %get3A_624 = vector.shape_cast %get3A_623 : vector<1x1x16xi32> to vector<16xi32>
    %add3A_625 = vector.broadcast %mul3A_0 : i32 to vector<16xi32>
    %add3A_626 = arith.addi %get3A_624, %add3A_625 : vector<16xi32>
    %swap3A_627 = arith.constant 1 : i32
    %swap3A_628 = arith.constant 0 : i32
    %swap3A_629 = arith.index_cast %swap3A_627 : i32 to index
    %swap3A_630 = arith.index_cast %swap3A_628 : i32 to index
    %swap3A_631 = arith.constant 112 : index
    %swap3A_632 = tpu.vector_load %arg7[%swap3A_629, %swap3A_630, %swap3A_631] {strides = array<i32>} : memref<4x2x128xi32, #tpu.memory_space<vmem>>, vector<1x1x16xi32>,
    %swap3A_633 = vector.shape_cast %swap3A_632 : vector<1x1x16xi32> to vector<16xi32>
    %swap3A_634 = vector.shape_cast %add3A_626 : vector<16xi32> to vector<1x1x16xi32>
    tpu.vector_store %arg7[%swap3A_629, %swap3A_630, %swap3A_631], %swap3A_634 {strides = array<i32>} : memref<4x2x128xi32, #tpu.memory_space<vmem>>, vector<1x1x16xi32>,
    %get3A_635 = arith.constant 1 : i32
    %get3A_636 = arith.constant 1 : i32
    %get3A_637 = arith.index_cast %get3A_635 : i32 to index
    %get3A_638 = arith.index_cast %get3A_636 : i32 to index
    %get3A_639 = arith.constant 0 : index
    %get3A_640 = tpu.vector_load %arg7[%get3A_637, %get3A_638, %get3A_639] {strides = array<i32>} : memref<4x2x128xi32, #tpu.memory_space<vmem>>, vector<1x1x16xi32>,
    %get3A_641 = vector.shape_cast %get3A_640 : vector<1x1x16xi32> to vector<16xi32>
    %add3A_642 = vector.broadcast %mul3A_0 : i32 to vector<16xi32>
    %add3A_643 = arith.addi %get3A_641, %add3A_642 : vector<16xi32>
    %swap3A_644 = arith.constant 1 : i32
    %swap3A_645 = arith.constant 1 : i32
    %swap3A_646 = arith.index_cast %swap3A_644 : i32 to index
    %swap3A_647 = arith.index_cast %swap3A_645 : i32 to index
    %swap3A_648 = arith.constant 0 : index
    %swap3A_649 = tpu.vector_load %arg7[%swap3A_646, %swap3A_647, %swap3A_648] {strides = array<i32>} : memref<4x2x128xi32, #tpu.memory_space<vmem>>, vector<1x1x16xi32>,
    %swap3A_650 = vector.shape_cast %swap3A_649 : vector<1x1x16xi32> to vector<16xi32>
    %swap3A_651 = vector.shape_cast %add3A_643 : vector<16xi32> to vector<1x1x16xi32>
    tpu.vector_store %arg7[%swap3A_646, %swap3A_647, %swap3A_648], %swap3A_651 {strides = array<i32>} : memref<4x2x128xi32, #tpu.memory_space<vmem>>, vector<1x1x16xi32>,
    %get3A_652 = arith.constant 1 : i32
    %get3A_653 = arith.constant 1 : i32
    %get3A_654 = arith.index_cast %get3A_652 : i32 to index
    %get3A_655 = arith.index_cast %get3A_653 : i32 to index
    %get3A_656 = arith.constant 16 : index
    %get3A_657 = tpu.vector_load %arg7[%get3A_654, %get3A_655, %get3A_656] {strides = array<i32>} : memref<4x2x128xi32, #tpu.memory_space<vmem>>, vector<1x1x16xi32>,
    %get3A_658 = vector.shape_cast %get3A_657 : vector<1x1x16xi32> to vector<16xi32>
    %add3A_659 = vector.broadcast %mul3A_0 : i32 to vector<16xi32>
    %add3A_660 = arith.addi %get3A_658, %add3A_659 : vector<16xi32>
    %swap3A_661 = arith.constant 1 : i32
    %swap3A_662 = arith.constant 1 : i32
    %swap3A_663 = arith.index_cast %swap3A_661 : i32 to index
    %swap3A_664 = arith.index_cast %swap3A_662 : i32 to index
    %swap3A_665 = arith.constant 16 : index
    %swap3A_666 = tpu.vector_load %arg7[%swap3A_663, %swap3A_664, %swap3A_665] {strides = array<i32>} : memref<4x2x128xi32, #tpu.memory_space<vmem>>, vector<1x1x16xi32>,
    %swap3A_667 = vector.shape_cast %swap3A_666 : vector<1x1x16xi32> to vector<16xi32>
    %swap3A_668 = vector.shape_cast %add3A_660 : vector<16xi32> to vector<1x1x16xi32>
    tpu.vector_store %arg7[%swap3A_663, %swap3A_664, %swap3A_665], %swap3A_668 {strides = array<i32>} : memref<4x2x128xi32, #tpu.memory_space<vmem>>, vector<1x1x16xi32>,
    %get3A_669 = arith.constant 1 : i32
    %get3A_670 = arith.constant 1 : i32
    %get3A_671 = arith.index_cast %get3A_669 : i32 to index
    %get3A_672 = arith.index_cast %get3A_670 : i32 to index
    %get3A_673 = arith.constant 32 : index
    %get3A_674 = tpu.vector_load %arg7[%get3A_671, %get3A_672, %get3A_673] {strides = array<i32>} : memref<4x2x128xi32, #tpu.memory_space<vmem>>, vector<1x1x16xi32>,
    %get3A_675 = vector.shape_cast %get3A_674 : vector<1x1x16xi32> to vector<16xi32>
    %add3A_676 = vector.broadcast %mul3A_0 : i32 to vector<16xi32>
    %add3A_677 = arith.addi %get3A_675, %add3A_676 : vector<16xi32>
    %swap3A_678 = arith.constant 1 : i32
    %swap3A_679 = arith.constant 1 : i32
    %swap3A_680 = arith.index_cast %swap3A_678 : i32 to index
    %swap3A_681 = arith.index_cast %swap3A_679 : i32 to index
    %swap3A_682 = arith.constant 32 : index
    %swap3A_683 = tpu.vector_load %arg7[%swap3A_680, %swap3A_681, %swap3A_682] {strides = array<i32>} : memref<4x2x128xi32, #tpu.memory_space<vmem>>, vector<1x1x16xi32>,
    %swap3A_684 = vector.shape_cast %swap3A_683 : vector<1x1x16xi32> to vector<16xi32>
    %swap3A_685 = vector.shape_cast %add3A_677 : vector<16xi32> to vector<1x1x16xi32>
    tpu.vector_store %arg7[%swap3A_680, %swap3A_681, %swap3A_682], %swap3A_685 {strides = array<i32>} : memref<4x2x128xi32, #tpu.memory_space<vmem>>, vector<1x1x16xi32>,
    %get3A_686 = arith.constant 1 : i32
    %get3A_687 = arith.constant 1 : i32
    %get3A_688 = arith.index_cast %get3A_686 : i32 to index
    %get3A_689 = arith.index_cast %get3A_687 : i32 to index
    %get3A_690 = arith.constant 48 : index
    %get3A_691 = tpu.vector_load %arg7[%get3A_688, %get3A_689, %get3A_690] {strides = array<i32>} : memref<4x2x128xi32, #tpu.memory_space<vmem>>, vector<1x1x16xi32>,
    %get3A_692 = vector.shape_cast %get3A_691 : vector<1x1x16xi32> to vector<16xi32>
    %add3A_693 = vector.broadcast %mul3A_0 : i32 to vector<16xi32>
    %add3A_694 = arith.addi %get3A_692, %add3A_693 : vector<16xi32>
    %swap3A_695 = arith.constant 1 : i32
    %swap3A_696 = arith.constant 1 : i32
    %swap3A_697 = arith.index_cast %swap3A_695 : i32 to index
    %swap3A_698 = arith.index_cast %swap3A_696 : i32 to index
    %swap3A_699 = arith.constant 48 : index
    %swap3A_700 = tpu.vector_load %arg7[%swap3A_697, %swap3A_698, %swap3A_699] {strides = array<i32>} : memref<4x2x128xi32, #tpu.memory_space<vmem>>, vector<1x1x16xi32>,
    %swap3A_701 = vector.shape_cast %swap3A_700 : vector<1x1x16xi32> to vector<16xi32>
    %swap3A_702 = vector.shape_cast %add3A_694 : vector<16xi32> to vector<1x1x16xi32>
    tpu.vector_store %arg7[%swap3A_697, %swap3A_698, %swap3A_699], %swap3A_702 {strides = array<i32>} : memref<4x2x128xi32, #tpu.memory_space<vmem>>, vector<1x1x16xi32>,
    %get3A_703 = arith.constant 1 : i32
    %get3A_704 = arith.constant 1 : i32
    %get3A_705 = arith.index_cast %get3A_703 : i32 to index
    %get3A_706 = arith.index_cast %get3A_704 : i32 to index
    %get3A_707 = arith.constant 64 : index
    %get3A_708 = tpu.vector_load %arg7[%get3A_705, %get3A_706, %get3A_707] {strides = array<i32>} : memref<4x2x128xi32, #tpu.memory_space<vmem>>, vector<1x1x16xi32>,
    %get3A_709 = vector.shape_cast %get3A_708 : vector<1x1x16xi32> to vector<16xi32>
    %add3A_710 = vector.broadcast %mul3A_0 : i32 to vector<16xi32>
    %add3A_711 = arith.addi %get3A_709, %add3A_710 : vector<16xi32>
    %swap3A_712 = arith.constant 1 : i32
    %swap3A_713 = arith.constant 1 : i32
    %swap3A_714 = arith.index_cast %swap3A_712 : i32 to index
    %swap3A_715 = arith.index_cast %swap3A_713 : i32 to index
    %swap3A_716 = arith.constant 64 : index
    %swap3A_717 = tpu.vector_load %arg7[%swap3A_714, %swap3A_715, %swap3A_716] {strides = array<i32>} : memref<4x2x128xi32, #tpu.memory_space<vmem>>, vector<1x1x16xi32>,
    %swap3A_718 = vector.shape_cast %swap3A_717 : vector<1x1x16xi32> to vector<16xi32>
    %swap3A_719 = vector.shape_cast %add3A_711 : vector<16xi32> to vector<1x1x16xi32>
    tpu.vector_store %arg7[%swap3A_714, %swap3A_715, %swap3A_716], %swap3A_719 {strides = array<i32>} : memref<4x2x128xi32, #tpu.memory_space<vmem>>, vector<1x1x16xi32>,
    %get3A_720 = arith.constant 1 : i32
    %get3A_721 = arith.constant 1 : i32
    %get3A_722 = arith.index_cast %get3A_720 : i32 to index
    %get3A_723 = arith.index_cast %get3A_721 : i32 to index
    %get3A_724 = arith.constant 80 : index
    %get3A_725 = tpu.vector_load %arg7[%get3A_722, %get3A_723, %get3A_724] {strides = array<i32>} : memref<4x2x128xi32, #tpu.memory_space<vmem>>, vector<1x1x16xi32>,
    %get3A_726 = vector.shape_cast %get3A_725 : vector<1x1x16xi32> to vector<16xi32>
    %add3A_727 = vector.broadcast %mul3A_0 : i32 to vector<16xi32>
    %add3A_728 = arith.addi %get3A_726, %add3A_727 : vector<16xi32>
    %swap3A_729 = arith.constant 1 : i32
    %swap3A_730 = arith.constant 1 : i32
    %swap3A_731 = arith.index_cast %swap3A_729 : i32 to index
    %swap3A_732 = arith.index_cast %swap3A_730 : i32 to index
    %swap3A_733 = arith.constant 80 : index
    %swap3A_734 = tpu.vector_load %arg7[%swap3A_731, %swap3A_732, %swap3A_733] {strides = array<i32>} : memref<4x2x128xi32, #tpu.memory_space<vmem>>, vector<1x1x16xi32>,
    %swap3A_735 = vector.shape_cast %swap3A_734 : vector<1x1x16xi32> to vector<16xi32>
    %swap3A_736 = vector.shape_cast %add3A_728 : vector<16xi32> to vector<1x1x16xi32>
    tpu.vector_store %arg7[%swap3A_731, %swap3A_732, %swap3A_733], %swap3A_736 {strides = array<i32>} : memref<4x2x128xi32, #tpu.memory_space<vmem>>, vector<1x1x16xi32>,
    %get3A_737 = arith.constant 1 : i32
    %get3A_738 = arith.constant 1 : i32
    %get3A_739 = arith.index_cast %get3A_737 : i32 to index
    %get3A_740 = arith.index_cast %get3A_738 : i32 to index
    %get3A_741 = arith.constant 96 : index
    %get3A_742 = tpu.vector_load %arg7[%get3A_739, %get3A_740, %get3A_741] {strides = array<i32>} : memref<4x2x128xi32, #tpu.memory_space<vmem>>, vector<1x1x16xi32>,
    %get3A_743 = vector.shape_cast %get3A_742 : vector<1x1x16xi32> to vector<16xi32>
    %add3A_744 = vector.broadcast %mul3A_0 : i32 to vector<16xi32>
    %add3A_745 = arith.addi %get3A_743, %add3A_744 : vector<16xi32>
    %swap3A_746 = arith.constant 1 : i32
    %swap3A_747 = arith.constant 1 : i32
    %swap3A_748 = arith.index_cast %swap3A_746 : i32 to index
    %swap3A_749 = arith.index_cast %swap3A_747 : i32 to index
    %swap3A_750 = arith.constant 96 : index
    %swap3A_751 = tpu.vector_load %arg7[%swap3A_748, %swap3A_749, %swap3A_750] {strides = array<i32>} : memref<4x2x128xi32, #tpu.memory_space<vmem>>, vector<1x1x16xi32>,
    %swap3A_752 = vector.shape_cast %swap3A_751 : vector<1x1x16xi32> to vector<16xi32>
    %swap3A_753 = vector.shape_cast %add3A_745 : vector<16xi32> to vector<1x1x16xi32>
    tpu.vector_store %arg7[%swap3A_748, %swap3A_749, %swap3A_750], %swap3A_753 {strides = array<i32>} : memref<4x2x128xi32, #tpu.memory_space<vmem>>, vector<1x1x16xi32>,
    %get3A_754 = arith.constant 1 : i32
    %get3A_755 = arith.constant 1 : i32
    %get3A_756 = arith.index_cast %get3A_754 : i32 to index
    %get3A_757 = arith.index_cast %get3A_755 : i32 to index
    %get3A_758 = arith.constant 112 : index
    %get3A_759 = tpu.vector_load %arg7[%get3A_756, %get3A_757, %get3A_758] {strides = array<i32>} : memref<4x2x128xi32, #tpu.memory_space<vmem>>, vector<1x1x16xi32>,
    %get3A_760 = vector.shape_cast %get3A_759 : vector<1x1x16xi32> to vector<16xi32>
    %add3A_761 = vector.broadcast %mul3A_0 : i32 to vector<16xi32>
    %add3A_762 = arith.addi %get3A_760, %add3A_761 : vector<16xi32>
    %swap3A_763 = arith.constant 1 : i32
    %swap3A_764 = arith.constant 1 : i32
    %swap3A_765 = arith.index_cast %swap3A_763 : i32 to index
    %swap3A_766 = arith.index_cast %swap3A_764 : i32 to index
    %swap3A_767 = arith.constant 112 : index
    %swap3A_768 = tpu.vector_load %arg7[%swap3A_765, %swap3A_766, %swap3A_767] {strides = array<i32>} : memref<4x2x128xi32, #tpu.memory_space<vmem>>, vector<1x1x16xi32>,
    %swap3A_769 = vector.shape_cast %swap3A_768 : vector<1x1x16xi32> to vector<16xi32>
    %swap3A_770 = vector.shape_cast %add3A_762 : vector<16xi32> to vector<1x1x16xi32>
    tpu.vector_store %arg7[%swap3A_765, %swap3A_766, %swap3A_767], %swap3A_770 {strides = array<i32>} : memref<4x2x128xi32, #tpu.memory_space<vmem>>, vector<1x1x16xi32>,
    %dma_start3A_771 = arith.constant 1 : i32
    %dma_start3A_772 = arith.constant 0 : i32
    %dma_start3A_773 = arith.constant 1 : i32
    %dma_start3A_774 = arith.constant 0 : i32
    %dma_start3A_775 = arith.constant 0 : i32
    %dma_start3A_776 = arith.constant 0 : i32
    %dma_start3A_777 = tpu.memref_slice %arg9[%dma_start3A_773, %dma_start3A_774, %dma_start3A_775, %dma_start3A_776] : memref<2x2x128x32xf32, #tpu.memory_space<vmem>> -> memref<1x1x128x32xf32, #tpu.memory_space<vmem>>
    %dma_start3A_778 = tpu.memref_squeeze %dma_start3A_777 : memref<1x1x128x32xf32, #tpu.memory_space<vmem>> -> memref<128x32xf32, #tpu.memory_space<vmem>>
    %dma_start3A_779 = arith.constant 0 : i32
    %dma_start3A_780 = tpu.memref_slice %arg7[%dma_start3A_771, %dma_start3A_772, %dma_start3A_779] : memref<4x2x128xi32, #tpu.memory_space<vmem>> -> memref<1x1x128xi32, #tpu.memory_space<vmem>>
    %dma_start3A_781 = tpu.memref_squeeze %dma_start3A_780 : memref<1x1x128xi32, #tpu.memory_space<vmem>> -> memref<128xi32, #tpu.memory_space<vmem>>
    %dma_start3A_782 = arith.constant 0 : i32
    %dma_start3A_783 = arith.constant 0 : i32
    %dma_start3A_784 = tpu.memref_slice %arg2[%dma_start3A_782, %dma_start3A_783] : memref<100352x32xf32, #tpu.memory_space<hbm>> -> memref<100352x32xf32, #tpu.memory_space<hbm>>
    tpu.enqueue_indirect_dma source(%dma_start3A_784 : memref<100352x32xf32, #tpu.memory_space<hbm>>) target(%dma_start3A_778 : memref<128x32xf32, #tpu.memory_space<vmem>>) offsets(%dma_start3A_781 : memref<128xi32, #tpu.memory_space<vmem>>) semaphore(%arg11 : memref<!tpu.dma_semaphore, #tpu.memory_space<semaphore_mem>>)
    %dma_start3A_785 = arith.constant 1 : i32
    %dma_start3A_786 = arith.constant 1 : i32
    %dma_start3A_787 = arith.constant 1 : i32
    %dma_start3A_788 = arith.constant 1 : i32
    %dma_start3A_789 = arith.constant 0 : i32
    %dma_start3A_790 = arith.constant 0 : i32
    %dma_start3A_791 = tpu.memref_slice %arg9[%dma_start3A_787, %dma_start3A_788, %dma_start3A_789, %dma_start3A_790] : memref<2x2x128x32xf32, #tpu.memory_space<vmem>> -> memref<1x1x128x32xf32, #tpu.memory_space<vmem>>
    %dma_start3A_792 = tpu.memref_squeeze %dma_start3A_791 : memref<1x1x128x32xf32, #tpu.memory_space<vmem>> -> memref<128x32xf32, #tpu.memory_space<vmem>>
    %dma_start3A_793 = arith.constant 0 : i32
    %dma_start3A_794 = tpu.memref_slice %arg7[%dma_start3A_785, %dma_start3A_786, %dma_start3A_793] : memref<4x2x128xi32, #tpu.memory_space<vmem>> -> memref<1x1x128xi32, #tpu.memory_space<vmem>>
    %dma_start3A_795 = tpu.memref_squeeze %dma_start3A_794 : memref<1x1x128xi32, #tpu.memory_space<vmem>> -> memref<128xi32, #tpu.memory_space<vmem>>
    %dma_start3A_796 = arith.constant 0 : i32
    %dma_start3A_797 = arith.constant 0 : i32
    %dma_start3A_798 = tpu.memref_slice %arg2[%dma_start3A_796, %dma_start3A_797] : memref<100352x32xf32, #tpu.memory_space<hbm>> -> memref<100352x32xf32, #tpu.memory_space<hbm>>
    tpu.enqueue_indirect_dma source(%dma_start3A_798 : memref<100352x32xf32, #tpu.memory_space<hbm>>) target(%dma_start3A_792 : memref<128x32xf32, #tpu.memory_space<vmem>>) offsets(%dma_start3A_795 : memref<128xi32, #tpu.memory_space<vmem>>) semaphore(%arg11 : memref<!tpu.dma_semaphore, #tpu.memory_space<semaphore_mem>>)
    %scan3A = arith.constant 0 : i32
    %scan3A_799 = arith.constant 0 : i32
    %scan3A_800 = arith.constant 98 : i32
    %scan3A_801 = arith.addi %scan3A_799, %scan3A_800 : i32
    %scan3A_802 = arith.constant 1 : i32
    %scan3A_803 = scf.for %scan3A_810 = %scan3A_799 to %scan3A_801 step %scan3A_802 iter_args(%scan3A_811 = %scan3A) -> (i32)  : i32 {
      %mul3A_812 = arith.constant 4 : i32
      %mul3A_813 = arith.muli %scan3A_810, %mul3A_812 : i32
      %add3A_814 = arith.constant 0 : i32
      %add3A_815 = arith.addi %mul3A_813, %add3A_814 : i32
      %dma_wait3A_816 = arith.constant 0 : i32
      %dma_wait3A_817 = arith.constant 0 : i32
      %dma_wait3A_818 = arith.constant 0 : i32
      %dma_wait3A_819 = arith.constant 0 : i32
      %dma_wait3A_820 = tpu.memref_slice %arg9[%dma_wait3A_816, %dma_wait3A_817, %dma_wait3A_818, %dma_wait3A_819] : memref<2x2x128x32xf32, #tpu.memory_space<vmem>> -> memref<1x1x128x32xf32, #tpu.memory_space<vmem>>
      %dma_wait3A_821 = tpu.memref_squeeze %dma_wait3A_820 : memref<1x1x128x32xf32, #tpu.memory_space<vmem>> -> memref<128x32xf32, #tpu.memory_space<vmem>>
      %dma_wait3A_822 = arith.constant 0 : i32
      %dma_wait3A_823 = arith.constant 0 : i32
      %dma_wait3A_824 = tpu.memref_slice %arg2[%dma_wait3A_822, %dma_wait3A_823] : memref<100352x32xf32, #tpu.memory_space<hbm>> -> memref<128x32xf32, #tpu.memory_space<hbm>>
      %dma_wait3A_825 = arith.constant 0 : i32
      %dma_wait3A_826 = arith.constant 0 : i32
      %dma_wait3A_827 = tpu.memref_slice %arg9[%dma_wait3A_816, %dma_wait3A_817, %dma_wait3A_825, %dma_wait3A_826] : memref<2x2x128x32xf32, #tpu.memory_space<vmem>> -> memref<1x1x128x32xf32, #tpu.memory_space<vmem>>
      %dma_wait3A_828 = tpu.memref_squeeze %dma_wait3A_827 : memref<1x1x128x32xf32, #tpu.memory_space<vmem>> -> memref<128x32xf32, #tpu.memory_space<vmem>>
      %dma_wait3A_829 = arith.constant 0 : i32
      %dma_wait3A_830 = arith.constant 0 : i32
      %dma_wait3A_831 = tpu.memref_slice %arg2[%dma_wait3A_829, %dma_wait3A_830] : memref<100352x32xf32, #tpu.memory_space<hbm>> -> memref<128x32xf32, #tpu.memory_space<hbm>>
      tpu.wait_dma2 semaphore(%arg10 : memref<!tpu.dma_semaphore, #tpu.memory_space<semaphore_mem>>) src(%dma_wait3A_831 : memref<128x32xf32, #tpu.memory_space<hbm>>) dst(%dma_wait3A_828 : memref<128x32xf32, #tpu.memory_space<vmem>>)
      %dma_wait3A_832 = arith.constant 0 : i32
      %dma_wait3A_833 = arith.constant 1 : i32
      %dma_wait3A_834 = arith.constant 0 : i32
      %dma_wait3A_835 = arith.constant 0 : i32
      %dma_wait3A_836 = tpu.memref_slice %arg9[%dma_wait3A_832, %dma_wait3A_833, %dma_wait3A_834, %dma_wait3A_835] : memref<2x2x128x32xf32, #tpu.memory_space<vmem>> -> memref<1x1x128x32xf32, #tpu.memory_space<vmem>>
      %dma_wait3A_837 = tpu.memref_squeeze %dma_wait3A_836 : memref<1x1x128x32xf32, #tpu.memory_space<vmem>> -> memref<128x32xf32, #tpu.memory_space<vmem>>
      %dma_wait3A_838 = arith.constant 0 : i32
      %dma_wait3A_839 = arith.constant 0 : i32
      %dma_wait3A_840 = tpu.memref_slice %arg2[%dma_wait3A_838, %dma_wait3A_839] : memref<100352x32xf32, #tpu.memory_space<hbm>> -> memref<128x32xf32, #tpu.memory_space<hbm>>
      %dma_wait3A_841 = arith.constant 0 : i32
      %dma_wait3A_842 = arith.constant 0 : i32
      %dma_wait3A_843 = tpu.memref_slice %arg9[%dma_wait3A_832, %dma_wait3A_833, %dma_wait3A_841, %dma_wait3A_842] : memref<2x2x128x32xf32, #tpu.memory_space<vmem>> -> memref<1x1x128x32xf32, #tpu.memory_space<vmem>>
      %dma_wait3A_844 = tpu.memref_squeeze %dma_wait3A_843 : memref<1x1x128x32xf32, #tpu.memory_space<vmem>> -> memref<128x32xf32, #tpu.memory_space<vmem>>
      %dma_wait3A_845 = arith.constant 0 : i32
      %dma_wait3A_846 = arith.constant 0 : i32
      %dma_wait3A_847 = tpu.memref_slice %arg2[%dma_wait3A_845, %dma_wait3A_846] : memref<100352x32xf32, #tpu.memory_space<hbm>> -> memref<128x32xf32, #tpu.memory_space<hbm>>
      tpu.wait_dma2 semaphore(%arg10 : memref<!tpu.dma_semaphore, #tpu.memory_space<semaphore_mem>>) src(%dma_wait3A_847 : memref<128x32xf32, #tpu.memory_space<hbm>>) dst(%dma_wait3A_844 : memref<128x32xf32, #tpu.memory_space<vmem>>)
      %dma_start3A_848 = arith.constant 0 : i32
      %dma_start3A_849 = arith.constant 0 : i32
      %dma_start3A_850 = arith.constant 0 : i32
      %dma_start3A_851 = arith.constant 0 : i32
      %dma_start3A_852 = arith.constant 0 : i32
      %dma_start3A_853 = arith.constant 0 : i32
      %dma_start3A_854 = tpu.memref_slice %arg9[%dma_start3A_848, %dma_start3A_849, %dma_start3A_852, %dma_start3A_853] : memref<2x2x128x32xf32, #tpu.memory_space<vmem>> -> memref<1x1x128x32xf32, #tpu.memory_space<vmem>>
      %dma_start3A_855 = tpu.memref_squeeze %dma_start3A_854 : memref<1x1x128x32xf32, #tpu.memory_space<vmem>> -> memref<128x32xf32, #tpu.memory_space<vmem>>
      %dma_start3A_856 = arith.constant 0 : i32
      %dma_start3A_857 = tpu.memref_slice %arg8[%dma_start3A_850, %dma_start3A_851, %dma_start3A_856] : memref<4x2x128xi32, #tpu.memory_space<vmem>> -> memref<1x1x128xi32, #tpu.memory_space<vmem>>
      %dma_start3A_858 = tpu.memref_squeeze %dma_start3A_857 : memref<1x1x128xi32, #tpu.memory_space<vmem>> -> memref<128xi32, #tpu.memory_space<vmem>>
      %dma_start3A_859 = arith.constant 0 : i32
      %dma_start3A_860 = arith.constant 0 : i32
      %dma_start3A_861 = tpu.memref_slice %arg6[%dma_start3A_859, %dma_start3A_860] : memref<50176x32xf32, #tpu.memory_space<vmem_shared>> -> memref<50176x32xf32, #tpu.memory_space<vmem_shared>>
      tpu.enqueue_indirect_dma source(%dma_start3A_855 : memref<128x32xf32, #tpu.memory_space<vmem>>) target(%dma_start3A_861 : memref<50176x32xf32, #tpu.memory_space<vmem_shared>>) offsets(%dma_start3A_858 : memref<128xi32, #tpu.memory_space<vmem>>) semaphore(%arg16 : memref<!tpu.dma_semaphore, #tpu.memory_space<semaphore_mem>>) {add = true}
      %dma_start3A_862 = arith.constant 0 : i32
      %dma_start3A_863 = arith.constant 1 : i32
      %dma_start3A_864 = arith.constant 0 : i32
      %dma_start3A_865 = arith.constant 1 : i32
      %dma_start3A_866 = arith.constant 0 : i32
      %dma_start3A_867 = arith.constant 0 : i32
      %dma_start3A_868 = tpu.memref_slice %arg9[%dma_start3A_862, %dma_start3A_863, %dma_start3A_866, %dma_start3A_867] : memref<2x2x128x32xf32, #tpu.memory_space<vmem>> -> memref<1x1x128x32xf32, #tpu.memory_space<vmem>>
      %dma_start3A_869 = tpu.memref_squeeze %dma_start3A_868 : memref<1x1x128x32xf32, #tpu.memory_space<vmem>> -> memref<128x32xf32, #tpu.memory_space<vmem>>
      %dma_start3A_870 = arith.constant 0 : i32
      %dma_start3A_871 = tpu.memref_slice %arg8[%dma_start3A_864, %dma_start3A_865, %dma_start3A_870] : memref<4x2x128xi32, #tpu.memory_space<vmem>> -> memref<1x1x128xi32, #tpu.memory_space<vmem>>
      %dma_start3A_872 = tpu.memref_squeeze %dma_start3A_871 : memref<1x1x128xi32, #tpu.memory_space<vmem>> -> memref<128xi32, #tpu.memory_space<vmem>>
      %dma_start3A_873 = arith.constant 0 : i32
      %dma_start3A_874 = arith.constant 0 : i32
      %dma_start3A_875 = tpu.memref_slice %arg6[%dma_start3A_873, %dma_start3A_874] : memref<50176x32xf32, #tpu.memory_space<vmem_shared>> -> memref<50176x32xf32, #tpu.memory_space<vmem_shared>>
      tpu.enqueue_indirect_dma source(%dma_start3A_869 : memref<128x32xf32, #tpu.memory_space<vmem>>) target(%dma_start3A_875 : memref<50176x32xf32, #tpu.memory_space<vmem_shared>>) offsets(%dma_start3A_872 : memref<128xi32, #tpu.memory_space<vmem>>) semaphore(%arg16 : memref<!tpu.dma_semaphore, #tpu.memory_space<semaphore_mem>>) {add = true}
      %add3A_876 = arith.constant 2 : i32
      %add3A_877 = arith.addi %add3A_815, %add3A_876 : i32
      %lt3A = arith.constant 392 : i32
      %lt3A_878 = arith.cmpi slt, %add3A_877, %lt3A : i32
      %convert_element_type3A = arith.extui %lt3A_878 : i1 to i32
      %cond3A = arith.constant 0 : i32
      %cond3A_879 = arith.cmpi ne, %convert_element_type3A, %cond3A : i32
      scf.if %cond3A_879 {
        %dma_wait3A_1272 = arith.constant 2 : i32
        %dma_wait3A_1273 = arith.constant 0 : i32
        %dma_wait3A_1274 = arith.constant 0 : i32
        %dma_wait3A_1275 = tpu.memref_slice %arg7[%dma_wait3A_1272, %dma_wait3A_1273, %dma_wait3A_1274] : memref<4x2x128xi32, #tpu.memory_space<vmem>> -> memref<1x2x128xi32, #tpu.memory_space<vmem>>
        %dma_wait3A_1276 = tpu.memref_squeeze %dma_wait3A_1275 : memref<1x2x128xi32, #tpu.memory_space<vmem>> -> memref<2x128xi32, #tpu.memory_space<vmem>>
        %dma_wait3A_1277 = arith.constant 0 : i32
        %dma_wait3A_1278 = arith.constant 0 : i32
        %dma_wait3A_1279 = tpu.memref_slice %arg3[%dma_wait3A_1277, %dma_wait3A_1278] : memref<12544x128xi32, #tpu.memory_space<hbm>> -> memref<2x128xi32, #tpu.memory_space<hbm>>
        %dma_wait3A_1280 = arith.constant 0 : i32
        %dma_wait3A_1281 = arith.constant 0 : i32
        %dma_wait3A_1282 = tpu.memref_slice %arg7[%dma_wait3A_1272, %dma_wait3A_1280, %dma_wait3A_1281] : memref<4x2x128xi32, #tpu.memory_space<vmem>> -> memref<1x2x128xi32, #tpu.memory_space<vmem>>
        %dma_wait3A_1283 = tpu.memref_squeeze %dma_wait3A_1282 : memref<1x2x128xi32, #tpu.memory_space<vmem>> -> memref<2x128xi32, #tpu.memory_space<vmem>>
        %dma_wait3A_1284 = arith.constant 0 : i32
        %dma_wait3A_1285 = arith.constant 0 : i32
        %dma_wait3A_1286 = tpu.memref_slice %arg3[%dma_wait3A_1284, %dma_wait3A_1285] : memref<12544x128xi32, #tpu.memory_space<hbm>> -> memref<2x128xi32, #tpu.memory_space<hbm>>
        tpu.wait_dma2 semaphore(%arg14 : memref<!tpu.dma_semaphore, #tpu.memory_space<semaphore_mem>>) src(%dma_wait3A_1286 : memref<2x128xi32, #tpu.memory_space<hbm>>) dst(%dma_wait3A_1283 : memref<2x128xi32, #tpu.memory_space<vmem>>)
        %dma_wait3A_1287 = arith.constant 2 : i32
        %dma_wait3A_1288 = arith.constant 0 : i32
        %dma_wait3A_1289 = arith.constant 0 : i32
        %dma_wait3A_1290 = tpu.memref_slice %arg8[%dma_wait3A_1287, %dma_wait3A_1288, %dma_wait3A_1289] : memref<4x2x128xi32, #tpu.memory_space<vmem>> -> memref<1x2x128xi32, #tpu.memory_space<vmem>>
        %dma_wait3A_1291 = tpu.memref_squeeze %dma_wait3A_1290 : memref<1x2x128xi32, #tpu.memory_space<vmem>> -> memref<2x128xi32, #tpu.memory_space<vmem>>
        %dma_wait3A_1292 = arith.constant 0 : i32
        %dma_wait3A_1293 = arith.constant 0 : i32
        %dma_wait3A_1294 = tpu.memref_slice %arg3[%dma_wait3A_1292, %dma_wait3A_1293] : memref<12544x128xi32, #tpu.memory_space<hbm>> -> memref<2x128xi32, #tpu.memory_space<hbm>>
        %dma_wait3A_1295 = arith.constant 0 : i32
        %dma_wait3A_1296 = arith.constant 0 : i32
        %dma_wait3A_1297 = tpu.memref_slice %arg8[%dma_wait3A_1287, %dma_wait3A_1295, %dma_wait3A_1296] : memref<4x2x128xi32, #tpu.memory_space<vmem>> -> memref<1x2x128xi32, #tpu.memory_space<vmem>>
        %dma_wait3A_1298 = tpu.memref_squeeze %dma_wait3A_1297 : memref<1x2x128xi32, #tpu.memory_space<vmem>> -> memref<2x128xi32, #tpu.memory_space<vmem>>
        %dma_wait3A_1299 = arith.constant 0 : i32
        %dma_wait3A_1300 = arith.constant 0 : i32
        %dma_wait3A_1301 = tpu.memref_slice %arg3[%dma_wait3A_1299, %dma_wait3A_1300] : memref<12544x128xi32, #tpu.memory_space<hbm>> -> memref<2x128xi32, #tpu.memory_space<hbm>>
        tpu.wait_dma2 semaphore(%arg14 : memref<!tpu.dma_semaphore, #tpu.memory_space<semaphore_mem>>) src(%dma_wait3A_1301 : memref<2x128xi32, #tpu.memory_space<hbm>>) dst(%dma_wait3A_1298 : memref<2x128xi32, #tpu.memory_space<vmem>>)
        %get3A_1302 = arith.constant 2 : i32
        %get3A_1303 = arith.constant 0 : i32
        %get3A_1304 = arith.index_cast %get3A_1302 : i32 to index
        %get3A_1305 = arith.index_cast %get3A_1303 : i32 to index
        %get3A_1306 = arith.constant 0 : index
        %get3A_1307 = tpu.vector_load %arg7[%get3A_1304, %get3A_1305, %get3A_1306] {strides = array<i32>} : memref<4x2x128xi32, #tpu.memory_space<vmem>>, vector<1x1x16xi32>,
        %get3A_1308 = vector.shape_cast %get3A_1307 : vector<1x1x16xi32> to vector<16xi32>
        %add3A_1309 = vector.broadcast %mul3A_0 : i32 to vector<16xi32>
        %add3A_1310 = arith.addi %get3A_1308, %add3A_1309 : vector<16xi32>
        %swap3A_1311 = arith.constant 2 : i32
        %swap3A_1312 = arith.constant 0 : i32
        %swap3A_1313 = arith.index_cast %swap3A_1311 : i32 to index
        %swap3A_1314 = arith.index_cast %swap3A_1312 : i32 to index
        %swap3A_1315 = arith.constant 0 : index
        %swap3A_1316 = tpu.vector_load %arg7[%swap3A_1313, %swap3A_1314, %swap3A_1315] {strides = array<i32>} : memref<4x2x128xi32, #tpu.memory_space<vmem>>, vector<1x1x16xi32>,
        %swap3A_1317 = vector.shape_cast %swap3A_1316 : vector<1x1x16xi32> to vector<16xi32>
        %swap3A_1318 = vector.shape_cast %add3A_1310 : vector<16xi32> to vector<1x1x16xi32>
        tpu.vector_store %arg7[%swap3A_1313, %swap3A_1314, %swap3A_1315], %swap3A_1318 {strides = array<i32>} : memref<4x2x128xi32, #tpu.memory_space<vmem>>, vector<1x1x16xi32>,
        %get3A_1319 = arith.constant 2 : i32
        %get3A_1320 = arith.constant 0 : i32
        %get3A_1321 = arith.index_cast %get3A_1319 : i32 to index
        %get3A_1322 = arith.index_cast %get3A_1320 : i32 to index
        %get3A_1323 = arith.constant 16 : index
        %get3A_1324 = tpu.vector_load %arg7[%get3A_1321, %get3A_1322, %get3A_1323] {strides = array<i32>} : memref<4x2x128xi32, #tpu.memory_space<vmem>>, vector<1x1x16xi32>,
        %get3A_1325 = vector.shape_cast %get3A_1324 : vector<1x1x16xi32> to vector<16xi32>
        %add3A_1326 = vector.broadcast %mul3A_0 : i32 to vector<16xi32>
        %add3A_1327 = arith.addi %get3A_1325, %add3A_1326 : vector<16xi32>
        %swap3A_1328 = arith.constant 2 : i32
        %swap3A_1329 = arith.constant 0 : i32
        %swap3A_1330 = arith.index_cast %swap3A_1328 : i32 to index
        %swap3A_1331 = arith.index_cast %swap3A_1329 : i32 to index
        %swap3A_1332 = arith.constant 16 : index
        %swap3A_1333 = tpu.vector_load %arg7[%swap3A_1330, %swap3A_1331, %swap3A_1332] {strides = array<i32>} : memref<4x2x128xi32, #tpu.memory_space<vmem>>, vector<1x1x16xi32>,
        %swap3A_1334 = vector.shape_cast %swap3A_1333 : vector<1x1x16xi32> to vector<16xi32>
        %swap3A_1335 = vector.shape_cast %add3A_1327 : vector<16xi32> to vector<1x1x16xi32>
        tpu.vector_store %arg7[%swap3A_1330, %swap3A_1331, %swap3A_1332], %swap3A_1335 {strides = array<i32>} : memref<4x2x128xi32, #tpu.memory_space<vmem>>, vector<1x1x16xi32>,
        %get3A_1336 = arith.constant 2 : i32
        %get3A_1337 = arith.constant 0 : i32
        %get3A_1338 = arith.index_cast %get3A_1336 : i32 to index
        %get3A_1339 = arith.index_cast %get3A_1337 : i32 to index
        %get3A_1340 = arith.constant 32 : index
        %get3A_1341 = tpu.vector_load %arg7[%get3A_1338, %get3A_1339, %get3A_1340] {strides = array<i32>} : memref<4x2x128xi32, #tpu.memory_space<vmem>>, vector<1x1x16xi32>,
        %get3A_1342 = vector.shape_cast %get3A_1341 : vector<1x1x16xi32> to vector<16xi32>
        %add3A_1343 = vector.broadcast %mul3A_0 : i32 to vector<16xi32>
        %add3A_1344 = arith.addi %get3A_1342, %add3A_1343 : vector<16xi32>
        %swap3A_1345 = arith.constant 2 : i32
        %swap3A_1346 = arith.constant 0 : i32
        %swap3A_1347 = arith.index_cast %swap3A_1345 : i32 to index
        %swap3A_1348 = arith.index_cast %swap3A_1346 : i32 to index
        %swap3A_1349 = arith.constant 32 : index
        %swap3A_1350 = tpu.vector_load %arg7[%swap3A_1347, %swap3A_1348, %swap3A_1349] {strides = array<i32>} : memref<4x2x128xi32, #tpu.memory_space<vmem>>, vector<1x1x16xi32>,
        %swap3A_1351 = vector.shape_cast %swap3A_1350 : vector<1x1x16xi32> to vector<16xi32>
        %swap3A_1352 = vector.shape_cast %add3A_1344 : vector<16xi32> to vector<1x1x16xi32>
        tpu.vector_store %arg7[%swap3A_1347, %swap3A_1348, %swap3A_1349], %swap3A_1352 {strides = array<i32>} : memref<4x2x128xi32, #tpu.memory_space<vmem>>, vector<1x1x16xi32>,
        %get3A_1353 = arith.constant 2 : i32
        %get3A_1354 = arith.constant 0 : i32
        %get3A_1355 = arith.index_cast %get3A_1353 : i32 to index
        %get3A_1356 = arith.index_cast %get3A_1354 : i32 to index
        %get3A_1357 = arith.constant 48 : index
        %get3A_1358 = tpu.vector_load %arg7[%get3A_1355, %get3A_1356, %get3A_1357] {strides = array<i32>} : memref<4x2x128xi32, #tpu.memory_space<vmem>>, vector<1x1x16xi32>,
        %get3A_1359 = vector.shape_cast %get3A_1358 : vector<1x1x16xi32> to vector<16xi32>
        %add3A_1360 = vector.broadcast %mul3A_0 : i32 to vector<16xi32>
        %add3A_1361 = arith.addi %get3A_1359, %add3A_1360 : vector<16xi32>
        %swap3A_1362 = arith.constant 2 : i32
        %swap3A_1363 = arith.constant 0 : i32
        %swap3A_1364 = arith.index_cast %swap3A_1362 : i32 to index
        %swap3A_1365 = arith.index_cast %swap3A_1363 : i32 to index
        %swap3A_1366 = arith.constant 48 : index
        %swap3A_1367 = tpu.vector_load %arg7[%swap3A_1364, %swap3A_1365, %swap3A_1366] {strides = array<i32>} : memref<4x2x128xi32, #tpu.memory_space<vmem>>, vector<1x1x16xi32>,
        %swap3A_1368 = vector.shape_cast %swap3A_1367 : vector<1x1x16xi32> to vector<16xi32>
        %swap3A_1369 = vector.shape_cast %add3A_1361 : vector<16xi32> to vector<1x1x16xi32>
        tpu.vector_store %arg7[%swap3A_1364, %swap3A_1365, %swap3A_1366], %swap3A_1369 {strides = array<i32>} : memref<4x2x128xi32, #tpu.memory_space<vmem>>, vector<1x1x16xi32>,
        %get3A_1370 = arith.constant 2 : i32
        %get3A_1371 = arith.constant 0 : i32
        %get3A_1372 = arith.index_cast %get3A_1370 : i32 to index
        %get3A_1373 = arith.index_cast %get3A_1371 : i32 to index
        %get3A_1374 = arith.constant 64 : index
        %get3A_1375 = tpu.vector_load %arg7[%get3A_1372, %get3A_1373, %get3A_1374] {strides = array<i32>} : memref<4x2x128xi32, #tpu.memory_space<vmem>>, vector<1x1x16xi32>,
        %get3A_1376 = vector.shape_cast %get3A_1375 : vector<1x1x16xi32> to vector<16xi32>
        %add3A_1377 = vector.broadcast %mul3A_0 : i32 to vector<16xi32>
        %add3A_1378 = arith.addi %get3A_1376, %add3A_1377 : vector<16xi32>
        %swap3A_1379 = arith.constant 2 : i32
        %swap3A_1380 = arith.constant 0 : i32
        %swap3A_1381 = arith.index_cast %swap3A_1379 : i32 to index
        %swap3A_1382 = arith.index_cast %swap3A_1380 : i32 to index
        %swap3A_1383 = arith.constant 64 : index
        %swap3A_1384 = tpu.vector_load %arg7[%swap3A_1381, %swap3A_1382, %swap3A_1383] {strides = array<i32>} : memref<4x2x128xi32, #tpu.memory_space<vmem>>, vector<1x1x16xi32>,
        %swap3A_1385 = vector.shape_cast %swap3A_1384 : vector<1x1x16xi32> to vector<16xi32>
        %swap3A_1386 = vector.shape_cast %add3A_1378 : vector<16xi32> to vector<1x1x16xi32>
        tpu.vector_store %arg7[%swap3A_1381, %swap3A_1382, %swap3A_1383], %swap3A_1386 {strides = array<i32>} : memref<4x2x128xi32, #tpu.memory_space<vmem>>, vector<1x1x16xi32>,
        %get3A_1387 = arith.constant 2 : i32
        %get3A_1388 = arith.constant 0 : i32
        %get3A_1389 = arith.index_cast %get3A_1387 : i32 to index
        %get3A_1390 = arith.index_cast %get3A_1388 : i32 to index
        %get3A_1391 = arith.constant 80 : index
        %get3A_1392 = tpu.vector_load %arg7[%get3A_1389, %get3A_1390, %get3A_1391] {strides = array<i32>} : memref<4x2x128xi32, #tpu.memory_space<vmem>>, vector<1x1x16xi32>,
        %get3A_1393 = vector.shape_cast %get3A_1392 : vector<1x1x16xi32> to vector<16xi32>
        %add3A_1394 = vector.broadcast %mul3A_0 : i32 to vector<16xi32>
        %add3A_1395 = arith.addi %get3A_1393, %add3A_1394 : vector<16xi32>
        %swap3A_1396 = arith.constant 2 : i32
        %swap3A_1397 = arith.constant 0 : i32
        %swap3A_1398 = arith.index_cast %swap3A_1396 : i32 to index
        %swap3A_1399 = arith.index_cast %swap3A_1397 : i32 to index
        %swap3A_1400 = arith.constant 80 : index
        %swap3A_1401 = tpu.vector_load %arg7[%swap3A_1398, %swap3A_1399, %swap3A_1400] {strides = array<i32>} : memref<4x2x128xi32, #tpu.memory_space<vmem>>, vector<1x1x16xi32>,
        %swap3A_1402 = vector.shape_cast %swap3A_1401 : vector<1x1x16xi32> to vector<16xi32>
        %swap3A_1403 = vector.shape_cast %add3A_1395 : vector<16xi32> to vector<1x1x16xi32>
        tpu.vector_store %arg7[%swap3A_1398, %swap3A_1399, %swap3A_1400], %swap3A_1403 {strides = array<i32>} : memref<4x2x128xi32, #tpu.memory_space<vmem>>, vector<1x1x16xi32>,
        %get3A_1404 = arith.constant 2 : i32
        %get3A_1405 = arith.constant 0 : i32
        %get3A_1406 = arith.index_cast %get3A_1404 : i32 to index
        %get3A_1407 = arith.index_cast %get3A_1405 : i32 to index
        %get3A_1408 = arith.constant 96 : index
        %get3A_1409 = tpu.vector_load %arg7[%get3A_1406, %get3A_1407, %get3A_1408] {strides = array<i32>} : memref<4x2x128xi32, #tpu.memory_space<vmem>>, vector<1x1x16xi32>,
        %get3A_1410 = vector.shape_cast %get3A_1409 : vector<1x1x16xi32> to vector<16xi32>
        %add3A_1411 = vector.broadcast %mul3A_0 : i32 to vector<16xi32>
        %add3A_1412 = arith.addi %get3A_1410, %add3A_1411 : vector<16xi32>
        %swap3A_1413 = arith.constant 2 : i32
        %swap3A_1414 = arith.constant 0 : i32
        %swap3A_1415 = arith.index_cast %swap3A_1413 : i32 to index
        %swap3A_1416 = arith.index_cast %swap3A_1414 : i32 to index
        %swap3A_1417 = arith.constant 96 : index
        %swap3A_1418 = tpu.vector_load %arg7[%swap3A_1415, %swap3A_1416, %swap3A_1417] {strides = array<i32>} : memref<4x2x128xi32, #tpu.memory_space<vmem>>, vector<1x1x16xi32>,
        %swap3A_1419 = vector.shape_cast %swap3A_1418 : vector<1x1x16xi32> to vector<16xi32>
        %swap3A_1420 = vector.shape_cast %add3A_1412 : vector<16xi32> to vector<1x1x16xi32>
        tpu.vector_store %arg7[%swap3A_1415, %swap3A_1416, %swap3A_1417], %swap3A_1420 {strides = array<i32>} : memref<4x2x128xi32, #tpu.memory_space<vmem>>, vector<1x1x16xi32>,
        %get3A_1421 = arith.constant 2 : i32
        %get3A_1422 = arith.constant 0 : i32
        %get3A_1423 = arith.index_cast %get3A_1421 : i32 to index
        %get3A_1424 = arith.index_cast %get3A_1422 : i32 to index
        %get3A_1425 = arith.constant 112 : index
        %get3A_1426 = tpu.vector_load %arg7[%get3A_1423, %get3A_1424, %get3A_1425] {strides = array<i32>} : memref<4x2x128xi32, #tpu.memory_space<vmem>>, vector<1x1x16xi32>,
        %get3A_1427 = vector.shape_cast %get3A_1426 : vector<1x1x16xi32> to vector<16xi32>
        %add3A_1428 = vector.broadcast %mul3A_0 : i32 to vector<16xi32>
        %add3A_1429 = arith.addi %get3A_1427, %add3A_1428 : vector<16xi32>
        %swap3A_1430 = arith.constant 2 : i32
        %swap3A_1431 = arith.constant 0 : i32
        %swap3A_1432 = arith.index_cast %swap3A_1430 : i32 to index
        %swap3A_1433 = arith.index_cast %swap3A_1431 : i32 to index
        %swap3A_1434 = arith.constant 112 : index
        %swap3A_1435 = tpu.vector_load %arg7[%swap3A_1432, %swap3A_1433, %swap3A_1434] {strides = array<i32>} : memref<4x2x128xi32, #tpu.memory_space<vmem>>, vector<1x1x16xi32>,
        %swap3A_1436 = vector.shape_cast %swap3A_1435 : vector<1x1x16xi32> to vector<16xi32>
        %swap3A_1437 = vector.shape_cast %add3A_1429 : vector<16xi32> to vector<1x1x16xi32>
        tpu.vector_store %arg7[%swap3A_1432, %swap3A_1433, %swap3A_1434], %swap3A_1437 {strides = array<i32>} : memref<4x2x128xi32, #tpu.memory_space<vmem>>, vector<1x1x16xi32>,
        %get3A_1438 = arith.constant 2 : i32
        %get3A_1439 = arith.constant 1 : i32
        %get3A_1440 = arith.index_cast %get3A_1438 : i32 to index
        %get3A_1441 = arith.index_cast %get3A_1439 : i32 to index
        %get3A_1442 = arith.constant 0 : index
        %get3A_1443 = tpu.vector_load %arg7[%get3A_1440, %get3A_1441, %get3A_1442] {strides = array<i32>} : memref<4x2x128xi32, #tpu.memory_space<vmem>>, vector<1x1x16xi32>,
        %get3A_1444 = vector.shape_cast %get3A_1443 : vector<1x1x16xi32> to vector<16xi32>
        %add3A_1445 = vector.broadcast %mul3A_0 : i32 to vector<16xi32>
        %add3A_1446 = arith.addi %get3A_1444, %add3A_1445 : vector<16xi32>
        %swap3A_1447 = arith.constant 2 : i32
        %swap3A_1448 = arith.constant 1 : i32
        %swap3A_1449 = arith.index_cast %swap3A_1447 : i32 to index
        %swap3A_1450 = arith.index_cast %swap3A_1448 : i32 to index
        %swap3A_1451 = arith.constant 0 : index
        %swap3A_1452 = tpu.vector_load %arg7[%swap3A_1449, %swap3A_1450, %swap3A_1451] {strides = array<i32>} : memref<4x2x128xi32, #tpu.memory_space<vmem>>, vector<1x1x16xi32>,
        %swap3A_1453 = vector.shape_cast %swap3A_1452 : vector<1x1x16xi32> to vector<16xi32>
        %swap3A_1454 = vector.shape_cast %add3A_1446 : vector<16xi32> to vector<1x1x16xi32>
        tpu.vector_store %arg7[%swap3A_1449, %swap3A_1450, %swap3A_1451], %swap3A_1454 {strides = array<i32>} : memref<4x2x128xi32, #tpu.memory_space<vmem>>, vector<1x1x16xi32>,
        %get3A_1455 = arith.constant 2 : i32
        %get3A_1456 = arith.constant 1 : i32
        %get3A_1457 = arith.index_cast %get3A_1455 : i32 to index
        %get3A_1458 = arith.index_cast %get3A_1456 : i32 to index
        %get3A_1459 = arith.constant 16 : index
        %get3A_1460 = tpu.vector_load %arg7[%get3A_1457, %get3A_1458, %get3A_1459] {strides = array<i32>} : memref<4x2x128xi32, #tpu.memory_space<vmem>>, vector<1x1x16xi32>,
        %get3A_1461 = vector.shape_cast %get3A_1460 : vector<1x1x16xi32> to vector<16xi32>
        %add3A_1462 = vector.broadcast %mul3A_0 : i32 to vector<16xi32>
        %add3A_1463 = arith.addi %get3A_1461, %add3A_1462 : vector<16xi32>
        %swap3A_1464 = arith.constant 2 : i32
        %swap3A_1465 = arith.constant 1 : i32
        %swap3A_1466 = arith.index_cast %swap3A_1464 : i32 to index
        %swap3A_1467 = arith.index_cast %swap3A_1465 : i32 to index
        %swap3A_1468 = arith.constant 16 : index
        %swap3A_1469 = tpu.vector_load %arg7[%swap3A_1466, %swap3A_1467, %swap3A_1468] {strides = array<i32>} : memref<4x2x128xi32, #tpu.memory_space<vmem>>, vector<1x1x16xi32>,
        %swap3A_1470 = vector.shape_cast %swap3A_1469 : vector<1x1x16xi32> to vector<16xi32>
        %swap3A_1471 = vector.shape_cast %add3A_1463 : vector<16xi32> to vector<1x1x16xi32>
        tpu.vector_store %arg7[%swap3A_1466, %swap3A_1467, %swap3A_1468], %swap3A_1471 {strides = array<i32>} : memref<4x2x128xi32, #tpu.memory_space<vmem>>, vector<1x1x16xi32>,
        %get3A_1472 = arith.constant 2 : i32
        %get3A_1473 = arith.constant 1 : i32
        %get3A_1474 = arith.index_cast %get3A_1472 : i32 to index
        %get3A_1475 = arith.index_cast %get3A_1473 : i32 to index
        %get3A_1476 = arith.constant 32 : index
        %get3A_1477 = tpu.vector_load %arg7[%get3A_1474, %get3A_1475, %get3A_1476] {strides = array<i32>} : memref<4x2x128xi32, #tpu.memory_space<vmem>>, vector<1x1x16xi32>,
        %get3A_1478 = vector.shape_cast %get3A_1477 : vector<1x1x16xi32> to vector<16xi32>
        %add3A_1479 = vector.broadcast %mul3A_0 : i32 to vector<16xi32>
        %add3A_1480 = arith.addi %get3A_1478, %add3A_1479 : vector<16xi32>
        %swap3A_1481 = arith.constant 2 : i32
        %swap3A_1482 = arith.constant 1 : i32
        %swap3A_1483 = arith.index_cast %swap3A_1481 : i32 to index
        %swap3A_1484 = arith.index_cast %swap3A_1482 : i32 to index
        %swap3A_1485 = arith.constant 32 : index
        %swap3A_1486 = tpu.vector_load %arg7[%swap3A_1483, %swap3A_1484, %swap3A_1485] {strides = array<i32>} : memref<4x2x128xi32, #tpu.memory_space<vmem>>, vector<1x1x16xi32>,
        %swap3A_1487 = vector.shape_cast %swap3A_1486 : vector<1x1x16xi32> to vector<16xi32>
        %swap3A_1488 = vector.shape_cast %add3A_1480 : vector<16xi32> to vector<1x1x16xi32>
        tpu.vector_store %arg7[%swap3A_1483, %swap3A_1484, %swap3A_1485], %swap3A_1488 {strides = array<i32>} : memref<4x2x128xi32, #tpu.memory_space<vmem>>, vector<1x1x16xi32>,
        %get3A_1489 = arith.constant 2 : i32
        %get3A_1490 = arith.constant 1 : i32
        %get3A_1491 = arith.index_cast %get3A_1489 : i32 to index
        %get3A_1492 = arith.index_cast %get3A_1490 : i32 to index
        %get3A_1493 = arith.constant 48 : index
        %get3A_1494 = tpu.vector_load %arg7[%get3A_1491, %get3A_1492, %get3A_1493] {strides = array<i32>} : memref<4x2x128xi32, #tpu.memory_space<vmem>>, vector<1x1x16xi32>,
        %get3A_1495 = vector.shape_cast %get3A_1494 : vector<1x1x16xi32> to vector<16xi32>
        %add3A_1496 = vector.broadcast %mul3A_0 : i32 to vector<16xi32>
        %add3A_1497 = arith.addi %get3A_1495, %add3A_1496 : vector<16xi32>
        %swap3A_1498 = arith.constant 2 : i32
        %swap3A_1499 = arith.constant 1 : i32
        %swap3A_1500 = arith.index_cast %swap3A_1498 : i32 to index
        %swap3A_1501 = arith.index_cast %swap3A_1499 : i32 to index
        %swap3A_1502 = arith.constant 48 : index
        %swap3A_1503 = tpu.vector_load %arg7[%swap3A_1500, %swap3A_1501, %swap3A_1502] {strides = array<i32>} : memref<4x2x128xi32, #tpu.memory_space<vmem>>, vector<1x1x16xi32>,
        %swap3A_1504 = vector.shape_cast %swap3A_1503 : vector<1x1x16xi32> to vector<16xi32>
        %swap3A_1505 = vector.shape_cast %add3A_1497 : vector<16xi32> to vector<1x1x16xi32>
        tpu.vector_store %arg7[%swap3A_1500, %swap3A_1501, %swap3A_1502], %swap3A_1505 {strides = array<i32>} : memref<4x2x128xi32, #tpu.memory_space<vmem>>, vector<1x1x16xi32>,
        %get3A_1506 = arith.constant 2 : i32
        %get3A_1507 = arith.constant 1 : i32
        %get3A_1508 = arith.index_cast %get3A_1506 : i32 to index
        %get3A_1509 = arith.index_cast %get3A_1507 : i32 to index
        %get3A_1510 = arith.constant 64 : index
        %get3A_1511 = tpu.vector_load %arg7[%get3A_1508, %get3A_1509, %get3A_1510] {strides = array<i32>} : memref<4x2x128xi32, #tpu.memory_space<vmem>>, vector<1x1x16xi32>,
        %get3A_1512 = vector.shape_cast %get3A_1511 : vector<1x1x16xi32> to vector<16xi32>
        %add3A_1513 = vector.broadcast %mul3A_0 : i32 to vector<16xi32>
        %add3A_1514 = arith.addi %get3A_1512, %add3A_1513 : vector<16xi32>
        %swap3A_1515 = arith.constant 2 : i32
        %swap3A_1516 = arith.constant 1 : i32
        %swap3A_1517 = arith.index_cast %swap3A_1515 : i32 to index
        %swap3A_1518 = arith.index_cast %swap3A_1516 : i32 to index
        %swap3A_1519 = arith.constant 64 : index
        %swap3A_1520 = tpu.vector_load %arg7[%swap3A_1517, %swap3A_1518, %swap3A_1519] {strides = array<i32>} : memref<4x2x128xi32, #tpu.memory_space<vmem>>, vector<1x1x16xi32>,
        %swap3A_1521 = vector.shape_cast %swap3A_1520 : vector<1x1x16xi32> to vector<16xi32>
        %swap3A_1522 = vector.shape_cast %add3A_1514 : vector<16xi32> to vector<1x1x16xi32>
        tpu.vector_store %arg7[%swap3A_1517, %swap3A_1518, %swap3A_1519], %swap3A_1522 {strides = array<i32>} : memref<4x2x128xi32, #tpu.memory_space<vmem>>, vector<1x1x16xi32>,
        %get3A_1523 = arith.constant 2 : i32
        %get3A_1524 = arith.constant 1 : i32
        %get3A_1525 = arith.index_cast %get3A_1523 : i32 to index
        %get3A_1526 = arith.index_cast %get3A_1524 : i32 to index
        %get3A_1527 = arith.constant 80 : index
        %get3A_1528 = tpu.vector_load %arg7[%get3A_1525, %get3A_1526, %get3A_1527] {strides = array<i32>} : memref<4x2x128xi32, #tpu.memory_space<vmem>>, vector<1x1x16xi32>,
        %get3A_1529 = vector.shape_cast %get3A_1528 : vector<1x1x16xi32> to vector<16xi32>
        %add3A_1530 = vector.broadcast %mul3A_0 : i32 to vector<16xi32>
        %add3A_1531 = arith.addi %get3A_1529, %add3A_1530 : vector<16xi32>
        %swap3A_1532 = arith.constant 2 : i32
        %swap3A_1533 = arith.constant 1 : i32
        %swap3A_1534 = arith.index_cast %swap3A_1532 : i32 to index
        %swap3A_1535 = arith.index_cast %swap3A_1533 : i32 to index
        %swap3A_1536 = arith.constant 80 : index
        %swap3A_1537 = tpu.vector_load %arg7[%swap3A_1534, %swap3A_1535, %swap3A_1536] {strides = array<i32>} : memref<4x2x128xi32, #tpu.memory_space<vmem>>, vector<1x1x16xi32>,
        %swap3A_1538 = vector.shape_cast %swap3A_1537 : vector<1x1x16xi32> to vector<16xi32>
        %swap3A_1539 = vector.shape_cast %add3A_1531 : vector<16xi32> to vector<1x1x16xi32>
        tpu.vector_store %arg7[%swap3A_1534, %swap3A_1535, %swap3A_1536], %swap3A_1539 {strides = array<i32>} : memref<4x2x128xi32, #tpu.memory_space<vmem>>, vector<1x1x16xi32>,
        %get3A_1540 = arith.constant 2 : i32
        %get3A_1541 = arith.constant 1 : i32
        %get3A_1542 = arith.index_cast %get3A_1540 : i32 to index
        %get3A_1543 = arith.index_cast %get3A_1541 : i32 to index
        %get3A_1544 = arith.constant 96 : index
        %get3A_1545 = tpu.vector_load %arg7[%get3A_1542, %get3A_1543, %get3A_1544] {strides = array<i32>} : memref<4x2x128xi32, #tpu.memory_space<vmem>>, vector<1x1x16xi32>,
        %get3A_1546 = vector.shape_cast %get3A_1545 : vector<1x1x16xi32> to vector<16xi32>
        %add3A_1547 = vector.broadcast %mul3A_0 : i32 to vector<16xi32>
        %add3A_1548 = arith.addi %get3A_1546, %add3A_1547 : vector<16xi32>
        %swap3A_1549 = arith.constant 2 : i32
        %swap3A_1550 = arith.constant 1 : i32
        %swap3A_1551 = arith.index_cast %swap3A_1549 : i32 to index
        %swap3A_1552 = arith.index_cast %swap3A_1550 : i32 to index
        %swap3A_1553 = arith.constant 96 : index
        %swap3A_1554 = tpu.vector_load %arg7[%swap3A_1551, %swap3A_1552, %swap3A_1553] {strides = array<i32>} : memref<4x2x128xi32, #tpu.memory_space<vmem>>, vector<1x1x16xi32>,
        %swap3A_1555 = vector.shape_cast %swap3A_1554 : vector<1x1x16xi32> to vector<16xi32>
        %swap3A_1556 = vector.shape_cast %add3A_1548 : vector<16xi32> to vector<1x1x16xi32>
        tpu.vector_store %arg7[%swap3A_1551, %swap3A_1552, %swap3A_1553], %swap3A_1556 {strides = array<i32>} : memref<4x2x128xi32, #tpu.memory_space<vmem>>, vector<1x1x16xi32>,
        %get3A_1557 = arith.constant 2 : i32
        %get3A_1558 = arith.constant 1 : i32
        %get3A_1559 = arith.index_cast %get3A_1557 : i32 to index
        %get3A_1560 = arith.index_cast %get3A_1558 : i32 to index
        %get3A_1561 = arith.constant 112 : index
        %get3A_1562 = tpu.vector_load %arg7[%get3A_1559, %get3A_1560, %get3A_1561] {strides = array<i32>} : memref<4x2x128xi32, #tpu.memory_space<vmem>>, vector<1x1x16xi32>,
        %get3A_1563 = vector.shape_cast %get3A_1562 : vector<1x1x16xi32> to vector<16xi32>
        %add3A_1564 = vector.broadcast %mul3A_0 : i32 to vector<16xi32>
        %add3A_1565 = arith.addi %get3A_1563, %add3A_1564 : vector<16xi32>
        %swap3A_1566 = arith.constant 2 : i32
        %swap3A_1567 = arith.constant 1 : i32
        %swap3A_1568 = arith.index_cast %swap3A_1566 : i32 to index
        %swap3A_1569 = arith.index_cast %swap3A_1567 : i32 to index
        %swap3A_1570 = arith.constant 112 : index
        %swap3A_1571 = tpu.vector_load %arg7[%swap3A_1568, %swap3A_1569, %swap3A_1570] {strides = array<i32>} : memref<4x2x128xi32, #tpu.memory_space<vmem>>, vector<1x1x16xi32>,
        %swap3A_1572 = vector.shape_cast %swap3A_1571 : vector<1x1x16xi32> to vector<16xi32>
        %swap3A_1573 = vector.shape_cast %add3A_1565 : vector<16xi32> to vector<1x1x16xi32>
        tpu.vector_store %arg7[%swap3A_1568, %swap3A_1569, %swap3A_1570], %swap3A_1573 {strides = array<i32>} : memref<4x2x128xi32, #tpu.memory_space<vmem>>, vector<1x1x16xi32>,
      } else {
      }
      %dma_wait3A_880 = arith.constant 0 : i32
      %dma_wait3A_881 = arith.constant 0 : i32
      %dma_wait3A_882 = arith.constant 0 : i32
      %dma_wait3A_883 = arith.constant 0 : i32
      %dma_wait3A_884 = tpu.memref_slice %arg9[%dma_wait3A_880, %dma_wait3A_881, %dma_wait3A_882, %dma_wait3A_883] : memref<2x2x128x32xf32, #tpu.memory_space<vmem>> -> memref<1x1x128x32xf32, #tpu.memory_space<vmem>>
      %dma_wait3A_885 = tpu.memref_squeeze %dma_wait3A_884 : memref<1x1x128x32xf32, #tpu.memory_space<vmem>> -> memref<128x32xf32, #tpu.memory_space<vmem>>
      %dma_wait3A_886 = arith.constant 0 : i32
      %dma_wait3A_887 = arith.constant 0 : i32
      %dma_wait3A_888 = tpu.memref_slice %arg2[%dma_wait3A_886, %dma_wait3A_887] : memref<100352x32xf32, #tpu.memory_space<hbm>> -> memref<128x32xf32, #tpu.memory_space<hbm>>
      %dma_wait3A_889 = arith.constant 0 : i32
      %dma_wait3A_890 = arith.constant 0 : i32
      %dma_wait3A_891 = tpu.memref_slice %arg9[%dma_wait3A_880, %dma_wait3A_881, %dma_wait3A_889, %dma_wait3A_890] : memref<2x2x128x32xf32, #tpu.memory_space<vmem>> -> memref<1x1x128x32xf32, #tpu.memory_space<vmem>>
      %dma_wait3A_892 = tpu.memref_squeeze %dma_wait3A_891 : memref<1x1x128x32xf32, #tpu.memory_space<vmem>> -> memref<128x32xf32, #tpu.memory_space<vmem>>
      %dma_wait3A_893 = arith.constant 0 : i32
      %dma_wait3A_894 = arith.constant 0 : i32
      %dma_wait3A_895 = tpu.memref_slice %arg2[%dma_wait3A_893, %dma_wait3A_894] : memref<100352x32xf32, #tpu.memory_space<hbm>> -> memref<128x32xf32, #tpu.memory_space<hbm>>
      tpu.wait_dma2 semaphore(%arg16 : memref<!tpu.dma_semaphore, #tpu.memory_space<semaphore_mem>>) src(%dma_wait3A_895 : memref<128x32xf32, #tpu.memory_space<hbm>>) dst(%dma_wait3A_892 : memref<128x32xf32, #tpu.memory_space<vmem>>)
      %dma_wait3A_896 = arith.constant 0 : i32
      %dma_wait3A_897 = arith.constant 1 : i32
      %dma_wait3A_898 = arith.constant 0 : i32
      %dma_wait3A_899 = arith.constant 0 : i32
      %dma_wait3A_900 = tpu.memref_slice %arg9[%dma_wait3A_896, %dma_wait3A_897, %dma_wait3A_898, %dma_wait3A_899] : memref<2x2x128x32xf32, #tpu.memory_space<vmem>> -> memref<1x1x128x32xf32, #tpu.memory_space<vmem>>
      %dma_wait3A_901 = tpu.memref_squeeze %dma_wait3A_900 : memref<1x1x128x32xf32, #tpu.memory_space<vmem>> -> memref<128x32xf32, #tpu.memory_space<vmem>>
      %dma_wait3A_902 = arith.constant 0 : i32
      %dma_wait3A_903 = arith.constant 0 : i32
      %dma_wait3A_904 = tpu.memref_slice %arg2[%dma_wait3A_902, %dma_wait3A_903] : memref<100352x32xf32, #tpu.memory_space<hbm>> -> memref<128x32xf32, #tpu.memory_space<hbm>>
      %dma_wait3A_905 = arith.constant 0 : i32
      %dma_wait3A_906 = arith.constant 0 : i32
      %dma_wait3A_907 = tpu.memref_slice %arg9[%dma_wait3A_896, %dma_wait3A_897, %dma_wait3A_905, %dma_wait3A_906] : memref<2x2x128x32xf32, #tpu.memory_space<vmem>> -> memref<1x1x128x32xf32, #tpu.memory_space<vmem>>
      %dma_wait3A_908 = tpu.memref_squeeze %dma_wait3A_907 : memref<1x1x128x32xf32, #tpu.memory_space<vmem>> -> memref<128x32xf32, #tpu.memory_space<vmem>>
      %dma_wait3A_909 = arith.constant 0 : i32
      %dma_wait3A_910 = arith.constant 0 : i32
      %dma_wait3A_911 = tpu.memref_slice %arg2[%dma_wait3A_909, %dma_wait3A_910] : memref<100352x32xf32, #tpu.memory_space<hbm>> -> memref<128x32xf32, #tpu.memory_space<hbm>>
      tpu.wait_dma2 semaphore(%arg16 : memref<!tpu.dma_semaphore, #tpu.memory_space<semaphore_mem>>) src(%dma_wait3A_911 : memref<128x32xf32, #tpu.memory_space<hbm>>) dst(%dma_wait3A_908 : memref<128x32xf32, #tpu.memory_space<vmem>>)
      %add3A_912 = arith.constant 4 : i32
      %add3A_913 = arith.addi %add3A_815, %add3A_912 : i32
      %lt3A_914 = arith.constant 392 : i32
      %lt3A_915 = arith.cmpi slt, %add3A_913, %lt3A_914 : i32
      %convert_element_type3A_916 = arith.extui %lt3A_915 : i1 to i32
      %cond3A_917 = arith.constant 0 : i32
      %cond3A_918 = arith.cmpi ne, %convert_element_type3A_916, %cond3A_917 : i32
      scf.if %cond3A_918 {
        %add3A_1272 = arith.constant 4 : i32
        %add3A_1273 = arith.addi %add3A_815, %add3A_1272 : i32
        %mul3A_1274 = arith.constant 784 : i32
        %mul3A_1275 = arith.muli %arg1, %mul3A_1274 : i32
        %mul3A_1276 = arith.constant 2 : i32
        %mul3A_1277 = arith.muli %add3A_1273, %mul3A_1276 : i32
        %add3A_1278 = arith.addi %mul3A_1275, %mul3A_1277 : i32
        %dma_start3A_1279 = arith.constant 0 : i32
        %dma_start3A_1280 = arith.constant 0 : i32
        %dma_start3A_1281 = arith.constant 0 : i32
        %dma_start3A_1282 = tpu.memref_slice %arg7[%dma_start3A_1279, %dma_start3A_1280, %dma_start3A_1281] : memref<4x2x128xi32, #tpu.memory_space<vmem>> -> memref<1x2x128xi32, #tpu.memory_space<vmem>>
        %dma_start3A_1283 = tpu.memref_squeeze %dma_start3A_1282 : memref<1x2x128xi32, #tpu.memory_space<vmem>> -> memref<2x128xi32, #tpu.memory_space<vmem>>
        %dma_start3A_1284 = arith.constant 0 : i32
        %dma_start3A_1285 = tpu.memref_slice %arg3[%add3A_1278, %dma_start3A_1284] : memref<12544x128xi32, #tpu.memory_space<hbm>> -> memref<2x128xi32, #tpu.memory_space<hbm>>
        %dma_start3A_1286 = arith.constant 0 : i32
        %dma_start3A_1287 = arith.constant 0 : i32
        %dma_start3A_1288 = tpu.memref_slice %arg7[%dma_start3A_1279, %dma_start3A_1286, %dma_start3A_1287] : memref<4x2x128xi32, #tpu.memory_space<vmem>> -> memref<1x2x128xi32, #tpu.memory_space<vmem>>
        %dma_start3A_1289 = tpu.memref_squeeze %dma_start3A_1288 : memref<1x2x128xi32, #tpu.memory_space<vmem>> -> memref<2x128xi32, #tpu.memory_space<vmem>>
        %dma_start3A_1290 = arith.constant 0 : i32
        %dma_start3A_1291 = tpu.memref_slice %arg3[%add3A_1278, %dma_start3A_1290] : memref<12544x128xi32, #tpu.memory_space<hbm>> -> memref<2x128xi32, #tpu.memory_space<hbm>>
        tpu.enqueue_dma source(%dma_start3A_1291 : memref<2x128xi32, #tpu.memory_space<hbm>>) target(%dma_start3A_1289 : memref<2x128xi32, #tpu.memory_space<vmem>>) target_semaphore(%arg12 : memref<!tpu.dma_semaphore, #tpu.memory_space<semaphore_mem>>)
        %mul3A_1292 = arith.constant 784 : i32
        %mul3A_1293 = arith.muli %arg1, %mul3A_1292 : i32
        %mul3A_1294 = arith.constant 2 : i32
        %mul3A_1295 = arith.muli %add3A_1273, %mul3A_1294 : i32
        %add3A_1296 = arith.addi %mul3A_1293, %mul3A_1295 : i32
        %dma_start3A_1297 = arith.constant 0 : i32
        %dma_start3A_1298 = arith.constant 0 : i32
        %dma_start3A_1299 = arith.constant 0 : i32
        %dma_start3A_1300 = tpu.memref_slice %arg8[%dma_start3A_1297, %dma_start3A_1298, %dma_start3A_1299] : memref<4x2x128xi32, #tpu.memory_space<vmem>> -> memref<1x2x128xi32, #tpu.memory_space<vmem>>
        %dma_start3A_1301 = tpu.memref_squeeze %dma_start3A_1300 : memref<1x2x128xi32, #tpu.memory_space<vmem>> -> memref<2x128xi32, #tpu.memory_space<vmem>>
        %dma_start3A_1302 = arith.constant 0 : i32
        %dma_start3A_1303 = tpu.memref_slice %arg4[%add3A_1296, %dma_start3A_1302] : memref<12544x128xi32, #tpu.memory_space<hbm>> -> memref<2x128xi32, #tpu.memory_space<hbm>>
        %dma_start3A_1304 = arith.constant 0 : i32
        %dma_start3A_1305 = arith.constant 0 : i32
        %dma_start3A_1306 = tpu.memref_slice %arg8[%dma_start3A_1297, %dma_start3A_1304, %dma_start3A_1305] : memref<4x2x128xi32, #tpu.memory_space<vmem>> -> memref<1x2x128xi32, #tpu.memory_space<vmem>>
        %dma_start3A_1307 = tpu.memref_squeeze %dma_start3A_1306 : memref<1x2x128xi32, #tpu.memory_space<vmem>> -> memref<2x128xi32, #tpu.memory_space<vmem>>
        %dma_start3A_1308 = arith.constant 0 : i32
        %dma_start3A_1309 = tpu.memref_slice %arg4[%add3A_1296, %dma_start3A_1308] : memref<12544x128xi32, #tpu.memory_space<hbm>> -> memref<2x128xi32, #tpu.memory_space<hbm>>
        tpu.enqueue_dma source(%dma_start3A_1309 : memref<2x128xi32, #tpu.memory_space<hbm>>) target(%dma_start3A_1307 : memref<2x128xi32, #tpu.memory_space<vmem>>) target_semaphore(%arg12 : memref<!tpu.dma_semaphore, #tpu.memory_space<semaphore_mem>>)
      } else {
      }
      %add3A_919 = arith.constant 2 : i32
      %add3A_920 = arith.addi %add3A_815, %add3A_919 : i32
      %lt3A_921 = arith.constant 392 : i32
      %lt3A_922 = arith.cmpi slt, %add3A_920, %lt3A_921 : i32
      %convert_element_type3A_923 = arith.extui %lt3A_922 : i1 to i32
      %cond3A_924 = arith.constant 0 : i32
      %cond3A_925 = arith.cmpi ne, %convert_element_type3A_923, %cond3A_924 : i32
      scf.if %cond3A_925 {
        %dma_start3A_1272 = arith.constant 2 : i32
        %dma_start3A_1273 = arith.constant 0 : i32
        %dma_start3A_1274 = arith.constant 0 : i32
        %dma_start3A_1275 = arith.constant 0 : i32
        %dma_start3A_1276 = arith.constant 0 : i32
        %dma_start3A_1277 = arith.constant 0 : i32
        %dma_start3A_1278 = tpu.memref_slice %arg9[%dma_start3A_1274, %dma_start3A_1275, %dma_start3A_1276, %dma_start3A_1277] : memref<2x2x128x32xf32, #tpu.memory_space<vmem>> -> memref<1x1x128x32xf32, #tpu.memory_space<vmem>>
        %dma_start3A_1279 = tpu.memref_squeeze %dma_start3A_1278 : memref<1x1x128x32xf32, #tpu.memory_space<vmem>> -> memref<128x32xf32, #tpu.memory_space<vmem>>
        %dma_start3A_1280 = arith.constant 0 : i32
        %dma_start3A_1281 = tpu.memref_slice %arg7[%dma_start3A_1272, %dma_start3A_1273, %dma_start3A_1280] : memref<4x2x128xi32, #tpu.memory_space<vmem>> -> memref<1x1x128xi32, #tpu.memory_space<vmem>>
        %dma_start3A_1282 = tpu.memref_squeeze %dma_start3A_1281 : memref<1x1x128xi32, #tpu.memory_space<vmem>> -> memref<128xi32, #tpu.memory_space<vmem>>
        %dma_start3A_1283 = arith.constant 0 : i32
        %dma_start3A_1284 = arith.constant 0 : i32
        %dma_start3A_1285 = tpu.memref_slice %arg2[%dma_start3A_1283, %dma_start3A_1284] : memref<100352x32xf32, #tpu.memory_space<hbm>> -> memref<100352x32xf32, #tpu.memory_space<hbm>>
        tpu.enqueue_indirect_dma source(%dma_start3A_1285 : memref<100352x32xf32, #tpu.memory_space<hbm>>) target(%dma_start3A_1279 : memref<128x32xf32, #tpu.memory_space<vmem>>) offsets(%dma_start3A_1282 : memref<128xi32, #tpu.memory_space<vmem>>) semaphore(%arg10 : memref<!tpu.dma_semaphore, #tpu.memory_space<semaphore_mem>>)
        %dma_start3A_1286 = arith.constant 2 : i32
        %dma_start3A_1287 = arith.constant 1 : i32
        %dma_start3A_1288 = arith.constant 0 : i32
        %dma_start3A_1289 = arith.constant 1 : i32
        %dma_start3A_1290 = arith.constant 0 : i32
        %dma_start3A_1291 = arith.constant 0 : i32
        %dma_start3A_1292 = tpu.memref_slice %arg9[%dma_start3A_1288, %dma_start3A_1289, %dma_start3A_1290, %dma_start3A_1291] : memref<2x2x128x32xf32, #tpu.memory_space<vmem>> -> memref<1x1x128x32xf32, #tpu.memory_space<vmem>>
        %dma_start3A_1293 = tpu.memref_squeeze %dma_start3A_1292 : memref<1x1x128x32xf32, #tpu.memory_space<vmem>> -> memref<128x32xf32, #tpu.memory_space<vmem>>
        %dma_start3A_1294 = arith.constant 0 : i32
        %dma_start3A_1295 = tpu.memref_slice %arg7[%dma_start3A_1286, %dma_start3A_1287, %dma_start3A_1294] : memref<4x2x128xi32, #tpu.memory_space<vmem>> -> memref<1x1x128xi32, #tpu.memory_space<vmem>>
        %dma_start3A_1296 = tpu.memref_squeeze %dma_start3A_1295 : memref<1x1x128xi32, #tpu.memory_space<vmem>> -> memref<128xi32, #tpu.memory_space<vmem>>
        %dma_start3A_1297 = arith.constant 0 : i32
        %dma_start3A_1298 = arith.constant 0 : i32
        %dma_start3A_1299 = tpu.memref_slice %arg2[%dma_start3A_1297, %dma_start3A_1298] : memref<100352x32xf32, #tpu.memory_space<hbm>> -> memref<100352x32xf32, #tpu.memory_space<hbm>>
        tpu.enqueue_indirect_dma source(%dma_start3A_1299 : memref<100352x32xf32, #tpu.memory_space<hbm>>) target(%dma_start3A_1293 : memref<128x32xf32, #tpu.memory_space<vmem>>) offsets(%dma_start3A_1296 : memref<128xi32, #tpu.memory_space<vmem>>) semaphore(%arg10 : memref<!tpu.dma_semaphore, #tpu.memory_space<semaphore_mem>>)
      } else {
      }
      %add3A_926 = arith.constant 1 : i32
      %add3A_927 = arith.addi %mul3A_813, %add3A_926 : i32
      %dma_wait3A_928 = arith.constant 1 : i32
      %dma_wait3A_929 = arith.constant 0 : i32
      %dma_wait3A_930 = arith.constant 0 : i32
      %dma_wait3A_931 = arith.constant 0 : i32
      %dma_wait3A_932 = tpu.memref_slice %arg9[%dma_wait3A_928, %dma_wait3A_929, %dma_wait3A_930, %dma_wait3A_931] : memref<2x2x128x32xf32, #tpu.memory_space<vmem>> -> memref<1x1x128x32xf32, #tpu.memory_space<vmem>>
      %dma_wait3A_933 = tpu.memref_squeeze %dma_wait3A_932 : memref<1x1x128x32xf32, #tpu.memory_space<vmem>> -> memref<128x32xf32, #tpu.memory_space<vmem>>
      %dma_wait3A_934 = arith.constant 0 : i32
      %dma_wait3A_935 = arith.constant 0 : i32
      %dma_wait3A_936 = tpu.memref_slice %arg2[%dma_wait3A_934, %dma_wait3A_935] : memref<100352x32xf32, #tpu.memory_space<hbm>> -> memref<128x32xf32, #tpu.memory_space<hbm>>
      %dma_wait3A_937 = arith.constant 0 : i32
      %dma_wait3A_938 = arith.constant 0 : i32
      %dma_wait3A_939 = tpu.memref_slice %arg9[%dma_wait3A_928, %dma_wait3A_929, %dma_wait3A_937, %dma_wait3A_938] : memref<2x2x128x32xf32, #tpu.memory_space<vmem>> -> memref<1x1x128x32xf32, #tpu.memory_space<vmem>>
      %dma_wait3A_940 = tpu.memref_squeeze %dma_wait3A_939 : memref<1x1x128x32xf32, #tpu.memory_space<vmem>> -> memref<128x32xf32, #tpu.memory_space<vmem>>
      %dma_wait3A_941 = arith.constant 0 : i32
      %dma_wait3A_942 = arith.constant 0 : i32
      %dma_wait3A_943 = tpu.memref_slice %arg2[%dma_wait3A_941, %dma_wait3A_942] : memref<100352x32xf32, #tpu.memory_space<hbm>> -> memref<128x32xf32, #tpu.memory_space<hbm>>
      tpu.wait_dma2 semaphore(%arg11 : memref<!tpu.dma_semaphore, #tpu.memory_space<semaphore_mem>>) src(%dma_wait3A_943 : memref<128x32xf32, #tpu.memory_space<hbm>>) dst(%dma_wait3A_940 : memref<128x32xf32, #tpu.memory_space<vmem>>)
      %dma_wait3A_944 = arith.constant 1 : i32
      %dma_wait3A_945 = arith.constant 1 : i32
      %dma_wait3A_946 = arith.constant 0 : i32
      %dma_wait3A_947 = arith.constant 0 : i32
      %dma_wait3A_948 = tpu.memref_slice %arg9[%dma_wait3A_944, %dma_wait3A_945, %dma_wait3A_946, %dma_wait3A_947] : memref<2x2x128x32xf32, #tpu.memory_space<vmem>> -> memref<1x1x128x32xf32, #tpu.memory_space<vmem>>
      %dma_wait3A_949 = tpu.memref_squeeze %dma_wait3A_948 : memref<1x1x128x32xf32, #tpu.memory_space<vmem>> -> memref<128x32xf32, #tpu.memory_space<vmem>>
      %dma_wait3A_950 = arith.constant 0 : i32
      %dma_wait3A_951 = arith.constant 0 : i32
      %dma_wait3A_952 = tpu.memref_slice %arg2[%dma_wait3A_950, %dma_wait3A_951] : memref<100352x32xf32, #tpu.memory_space<hbm>> -> memref<128x32xf32, #tpu.memory_space<hbm>>
      %dma_wait3A_953 = arith.constant 0 : i32
      %dma_wait3A_954 = arith.constant 0 : i32
      %dma_wait3A_955 = tpu.memref_slice %arg9[%dma_wait3A_944, %dma_wait3A_945, %dma_wait3A_953, %dma_wait3A_954] : memref<2x2x128x32xf32, #tpu.memory_space<vmem>> -> memref<1x1x128x32xf32, #tpu.memory_space<vmem>>
      %dma_wait3A_956 = tpu.memref_squeeze %dma_wait3A_955 : memref<1x1x128x32xf32, #tpu.memory_space<vmem>> -> memref<128x32xf32, #tpu.memory_space<vmem>>
      %dma_wait3A_957 = arith.constant 0 : i32
      %dma_wait3A_958 = arith.constant 0 : i32
      %dma_wait3A_959 = tpu.memref_slice %arg2[%dma_wait3A_957, %dma_wait3A_958] : memref<100352x32xf32, #tpu.memory_space<hbm>> -> memref<128x32xf32, #tpu.memory_space<hbm>>
      tpu.wait_dma2 semaphore(%arg11 : memref<!tpu.dma_semaphore, #tpu.memory_space<semaphore_mem>>) src(%dma_wait3A_959 : memref<128x32xf32, #tpu.memory_space<hbm>>) dst(%dma_wait3A_956 : memref<128x32xf32, #tpu.memory_space<vmem>>)
      %dma_start3A_960 = arith.constant 1 : i32
      %dma_start3A_961 = arith.constant 0 : i32
      %dma_start3A_962 = arith.constant 1 : i32
      %dma_start3A_963 = arith.constant 0 : i32
      %dma_start3A_964 = arith.constant 0 : i32
      %dma_start3A_965 = arith.constant 0 : i32
      %dma_start3A_966 = tpu.memref_slice %arg9[%dma_start3A_960, %dma_start3A_961, %dma_start3A_964, %dma_start3A_965] : memref<2x2x128x32xf32, #tpu.memory_space<vmem>> -> memref<1x1x128x32xf32, #tpu.memory_space<vmem>>
      %dma_start3A_967 = tpu.memref_squeeze %dma_start3A_966 : memref<1x1x128x32xf32, #tpu.memory_space<vmem>> -> memref<128x32xf32, #tpu.memory_space<vmem>>
      %dma_start3A_968 = arith.constant 0 : i32
      %dma_start3A_969 = tpu.memref_slice %arg8[%dma_start3A_962, %dma_start3A_963, %dma_start3A_968] : memref<4x2x128xi32, #tpu.memory_space<vmem>> -> memref<1x1x128xi32, #tpu.memory_space<vmem>>
      %dma_start3A_970 = tpu.memref_squeeze %dma_start3A_969 : memref<1x1x128xi32, #tpu.memory_space<vmem>> -> memref<128xi32, #tpu.memory_space<vmem>>
      %dma_start3A_971 = arith.constant 0 : i32
      %dma_start3A_972 = arith.constant 0 : i32
      %dma_start3A_973 = tpu.memref_slice %arg6[%dma_start3A_971, %dma_start3A_972] : memref<50176x32xf32, #tpu.memory_space<vmem_shared>> -> memref<50176x32xf32, #tpu.memory_space<vmem_shared>>
      tpu.enqueue_indirect_dma source(%dma_start3A_967 : memref<128x32xf32, #tpu.memory_space<vmem>>) target(%dma_start3A_973 : memref<50176x32xf32, #tpu.memory_space<vmem_shared>>) offsets(%dma_start3A_970 : memref<128xi32, #tpu.memory_space<vmem>>) semaphore(%arg16 : memref<!tpu.dma_semaphore, #tpu.memory_space<semaphore_mem>>) {add = true}
      %dma_start3A_974 = arith.constant 1 : i32
      %dma_start3A_975 = arith.constant 1 : i32
      %dma_start3A_976 = arith.constant 1 : i32
      %dma_start3A_977 = arith.constant 1 : i32
      %dma_start3A_978 = arith.constant 0 : i32
      %dma_start3A_979 = arith.constant 0 : i32
      %dma_start3A_980 = tpu.memref_slice %arg9[%dma_start3A_974, %dma_start3A_975, %dma_start3A_978, %dma_start3A_979] : memref<2x2x128x32xf32, #tpu.memory_space<vmem>> -> memref<1x1x128x32xf32, #tpu.memory_space<vmem>>
      %dma_start3A_981 = tpu.memref_squeeze %dma_start3A_980 : memref<1x1x128x32xf32, #tpu.memory_space<vmem>> -> memref<128x32xf32, #tpu.memory_space<vmem>>
      %dma_start3A_982 = arith.constant 0 : i32
      %dma_start3A_983 = tpu.memref_slice %arg8[%dma_start3A_976, %dma_start3A_977, %dma_start3A_982] : memref<4x2x128xi32, #tpu.memory_space<vmem>> -> memref<1x1x128xi32, #tpu.memory_space<vmem>>
      %dma_start3A_984 = tpu.memref_squeeze %dma_start3A_983 : memref<1x1x128xi32, #tpu.memory_space<vmem>> -> memref<128xi32, #tpu.memory_space<vmem>>
      %dma_start3A_985 = arith.constant 0 : i32
      %dma_start3A_986 = arith.constant 0 : i32
      %dma_start3A_987 = tpu.memref_slice %arg6[%dma_start3A_985, %dma_start3A_986] : memref<50176x32xf32, #tpu.memory_space<vmem_shared>> -> memref<50176x32xf32, #tpu.memory_space<vmem_shared>>
      tpu.enqueue_indirect_dma source(%dma_start3A_981 : memref<128x32xf32, #tpu.memory_space<vmem>>) target(%dma_start3A_987 : memref<50176x32xf32, #tpu.memory_space<vmem_shared>>) offsets(%dma_start3A_984 : memref<128xi32, #tpu.memory_space<vmem>>) semaphore(%arg16 : memref<!tpu.dma_semaphore, #tpu.memory_space<semaphore_mem>>) {add = true}
      %add3A_988 = arith.constant 2 : i32
      %add3A_989 = arith.addi %add3A_927, %add3A_988 : i32
      %lt3A_990 = arith.constant 392 : i32
      %lt3A_991 = arith.cmpi slt, %add3A_989, %lt3A_990 : i32
      %convert_element_type3A_992 = arith.extui %lt3A_991 : i1 to i32
      %cond3A_993 = arith.constant 0 : i32
      %cond3A_994 = arith.cmpi ne, %convert_element_type3A_992, %cond3A_993 : i32
      scf.if %cond3A_994 {
        %dma_wait3A_1272 = arith.constant 3 : i32
        %dma_wait3A_1273 = arith.constant 0 : i32
        %dma_wait3A_1274 = arith.constant 0 : i32
        %dma_wait3A_1275 = tpu.memref_slice %arg7[%dma_wait3A_1272, %dma_wait3A_1273, %dma_wait3A_1274] : memref<4x2x128xi32, #tpu.memory_space<vmem>> -> memref<1x2x128xi32, #tpu.memory_space<vmem>>
        %dma_wait3A_1276 = tpu.memref_squeeze %dma_wait3A_1275 : memref<1x2x128xi32, #tpu.memory_space<vmem>> -> memref<2x128xi32, #tpu.memory_space<vmem>>
        %dma_wait3A_1277 = arith.constant 0 : i32
        %dma_wait3A_1278 = arith.constant 0 : i32
        %dma_wait3A_1279 = tpu.memref_slice %arg3[%dma_wait3A_1277, %dma_wait3A_1278] : memref<12544x128xi32, #tpu.memory_space<hbm>> -> memref<2x128xi32, #tpu.memory_space<hbm>>
        %dma_wait3A_1280 = arith.constant 0 : i32
        %dma_wait3A_1281 = arith.constant 0 : i32
        %dma_wait3A_1282 = tpu.memref_slice %arg7[%dma_wait3A_1272, %dma_wait3A_1280, %dma_wait3A_1281] : memref<4x2x128xi32, #tpu.memory_space<vmem>> -> memref<1x2x128xi32, #tpu.memory_space<vmem>>
        %dma_wait3A_1283 = tpu.memref_squeeze %dma_wait3A_1282 : memref<1x2x128xi32, #tpu.memory_space<vmem>> -> memref<2x128xi32, #tpu.memory_space<vmem>>
        %dma_wait3A_1284 = arith.constant 0 : i32
        %dma_wait3A_1285 = arith.constant 0 : i32
        %dma_wait3A_1286 = tpu.memref_slice %arg3[%dma_wait3A_1284, %dma_wait3A_1285] : memref<12544x128xi32, #tpu.memory_space<hbm>> -> memref<2x128xi32, #tpu.memory_space<hbm>>
        tpu.wait_dma2 semaphore(%arg15 : memref<!tpu.dma_semaphore, #tpu.memory_space<semaphore_mem>>) src(%dma_wait3A_1286 : memref<2x128xi32, #tpu.memory_space<hbm>>) dst(%dma_wait3A_1283 : memref<2x128xi32, #tpu.memory_space<vmem>>)
        %dma_wait3A_1287 = arith.constant 3 : i32
        %dma_wait3A_1288 = arith.constant 0 : i32
        %dma_wait3A_1289 = arith.constant 0 : i32
        %dma_wait3A_1290 = tpu.memref_slice %arg8[%dma_wait3A_1287, %dma_wait3A_1288, %dma_wait3A_1289] : memref<4x2x128xi32, #tpu.memory_space<vmem>> -> memref<1x2x128xi32, #tpu.memory_space<vmem>>
        %dma_wait3A_1291 = tpu.memref_squeeze %dma_wait3A_1290 : memref<1x2x128xi32, #tpu.memory_space<vmem>> -> memref<2x128xi32, #tpu.memory_space<vmem>>
        %dma_wait3A_1292 = arith.constant 0 : i32
        %dma_wait3A_1293 = arith.constant 0 : i32
        %dma_wait3A_1294 = tpu.memref_slice %arg3[%dma_wait3A_1292, %dma_wait3A_1293] : memref<12544x128xi32, #tpu.memory_space<hbm>> -> memref<2x128xi32, #tpu.memory_space<hbm>>
        %dma_wait3A_1295 = arith.constant 0 : i32
        %dma_wait3A_1296 = arith.constant 0 : i32
        %dma_wait3A_1297 = tpu.memref_slice %arg8[%dma_wait3A_1287, %dma_wait3A_1295, %dma_wait3A_1296] : memref<4x2x128xi32, #tpu.memory_space<vmem>> -> memref<1x2x128xi32, #tpu.memory_space<vmem>>
        %dma_wait3A_1298 = tpu.memref_squeeze %dma_wait3A_1297 : memref<1x2x128xi32, #tpu.memory_space<vmem>> -> memref<2x128xi32, #tpu.memory_space<vmem>>
        %dma_wait3A_1299 = arith.constant 0 : i32
        %dma_wait3A_1300 = arith.constant 0 : i32
        %dma_wait3A_1301 = tpu.memref_slice %arg3[%dma_wait3A_1299, %dma_wait3A_1300] : memref<12544x128xi32, #tpu.memory_space<hbm>> -> memref<2x128xi32, #tpu.memory_space<hbm>>
        tpu.wait_dma2 semaphore(%arg15 : memref<!tpu.dma_semaphore, #tpu.memory_space<semaphore_mem>>) src(%dma_wait3A_1301 : memref<2x128xi32, #tpu.memory_space<hbm>>) dst(%dma_wait3A_1298 : memref<2x128xi32, #tpu.memory_space<vmem>>)
        %get3A_1302 = arith.constant 3 : i32
        %get3A_1303 = arith.constant 0 : i32
        %get3A_1304 = arith.index_cast %get3A_1302 : i32 to index
        %get3A_1305 = arith.index_cast %get3A_1303 : i32 to index
        %get3A_1306 = arith.constant 0 : index
        %get3A_1307 = tpu.vector_load %arg7[%get3A_1304, %get3A_1305, %get3A_1306] {strides = array<i32>} : memref<4x2x128xi32, #tpu.memory_space<vmem>>, vector<1x1x16xi32>,
        %get3A_1308 = vector.shape_cast %get3A_1307 : vector<1x1x16xi32> to vector<16xi32>
        %add3A_1309 = vector.broadcast %mul3A_0 : i32 to vector<16xi32>
        %add3A_1310 = arith.addi %get3A_1308, %add3A_1309 : vector<16xi32>
        %swap3A_1311 = arith.constant 3 : i32
        %swap3A_1312 = arith.constant 0 : i32
        %swap3A_1313 = arith.index_cast %swap3A_1311 : i32 to index
        %swap3A_1314 = arith.index_cast %swap3A_1312 : i32 to index
        %swap3A_1315 = arith.constant 0 : index
        %swap3A_1316 = tpu.vector_load %arg7[%swap3A_1313, %swap3A_1314, %swap3A_1315] {strides = array<i32>} : memref<4x2x128xi32, #tpu.memory_space<vmem>>, vector<1x1x16xi32>,
        %swap3A_1317 = vector.shape_cast %swap3A_1316 : vector<1x1x16xi32> to vector<16xi32>
        %swap3A_1318 = vector.shape_cast %add3A_1310 : vector<16xi32> to vector<1x1x16xi32>
        tpu.vector_store %arg7[%swap3A_1313, %swap3A_1314, %swap3A_1315], %swap3A_1318 {strides = array<i32>} : memref<4x2x128xi32, #tpu.memory_space<vmem>>, vector<1x1x16xi32>,
        %get3A_1319 = arith.constant 3 : i32
        %get3A_1320 = arith.constant 0 : i32
        %get3A_1321 = arith.index_cast %get3A_1319 : i32 to index
        %get3A_1322 = arith.index_cast %get3A_1320 : i32 to index
        %get3A_1323 = arith.constant 16 : index
        %get3A_1324 = tpu.vector_load %arg7[%get3A_1321, %get3A_1322, %get3A_1323] {strides = array<i32>} : memref<4x2x128xi32, #tpu.memory_space<vmem>>, vector<1x1x16xi32>,
        %get3A_1325 = vector.shape_cast %get3A_1324 : vector<1x1x16xi32> to vector<16xi32>
        %add3A_1326 = vector.broadcast %mul3A_0 : i32 to vector<16xi32>
        %add3A_1327 = arith.addi %get3A_1325, %add3A_1326 : vector<16xi32>
        %swap3A_1328 = arith.constant 3 : i32
        %swap3A_1329 = arith.constant 0 : i32
        %swap3A_1330 = arith.index_cast %swap3A_1328 : i32 to index
        %swap3A_1331 = arith.index_cast %swap3A_1329 : i32 to index
        %swap3A_1332 = arith.constant 16 : index
        %swap3A_1333 = tpu.vector_load %arg7[%swap3A_1330, %swap3A_1331, %swap3A_1332] {strides = array<i32>} : memref<4x2x128xi32, #tpu.memory_space<vmem>>, vector<1x1x16xi32>,
        %swap3A_1334 = vector.shape_cast %swap3A_1333 : vector<1x1x16xi32> to vector<16xi32>
        %swap3A_1335 = vector.shape_cast %add3A_1327 : vector<16xi32> to vector<1x1x16xi32>
        tpu.vector_store %arg7[%swap3A_1330, %swap3A_1331, %swap3A_1332], %swap3A_1335 {strides = array<i32>} : memref<4x2x128xi32, #tpu.memory_space<vmem>>, vector<1x1x16xi32>,
        %get3A_1336 = arith.constant 3 : i32
        %get3A_1337 = arith.constant 0 : i32
        %get3A_1338 = arith.index_cast %get3A_1336 : i32 to index
        %get3A_1339 = arith.index_cast %get3A_1337 : i32 to index
        %get3A_1340 = arith.constant 32 : index
        %get3A_1341 = tpu.vector_load %arg7[%get3A_1338, %get3A_1339, %get3A_1340] {strides = array<i32>} : memref<4x2x128xi32, #tpu.memory_space<vmem>>, vector<1x1x16xi32>,
        %get3A_1342 = vector.shape_cast %get3A_1341 : vector<1x1x16xi32> to vector<16xi32>
        %add3A_1343 = vector.broadcast %mul3A_0 : i32 to vector<16xi32>
        %add3A_1344 = arith.addi %get3A_1342, %add3A_1343 : vector<16xi32>
        %swap3A_1345 = arith.constant 3 : i32
        %swap3A_1346 = arith.constant 0 : i32
        %swap3A_1347 = arith.index_cast %swap3A_1345 : i32 to index
        %swap3A_1348 = arith.index_cast %swap3A_1346 : i32 to index
        %swap3A_1349 = arith.constant 32 : index
        %swap3A_1350 = tpu.vector_load %arg7[%swap3A_1347, %swap3A_1348, %swap3A_1349] {strides = array<i32>} : memref<4x2x128xi32, #tpu.memory_space<vmem>>, vector<1x1x16xi32>,
        %swap3A_1351 = vector.shape_cast %swap3A_1350 : vector<1x1x16xi32> to vector<16xi32>
        %swap3A_1352 = vector.shape_cast %add3A_1344 : vector<16xi32> to vector<1x1x16xi32>
        tpu.vector_store %arg7[%swap3A_1347, %swap3A_1348, %swap3A_1349], %swap3A_1352 {strides = array<i32>} : memref<4x2x128xi32, #tpu.memory_space<vmem>>, vector<1x1x16xi32>,
        %get3A_1353 = arith.constant 3 : i32
        %get3A_1354 = arith.constant 0 : i32
        %get3A_1355 = arith.index_cast %get3A_1353 : i32 to index
        %get3A_1356 = arith.index_cast %get3A_1354 : i32 to index
        %get3A_1357 = arith.constant 48 : index
        %get3A_1358 = tpu.vector_load %arg7[%get3A_1355, %get3A_1356, %get3A_1357] {strides = array<i32>} : memref<4x2x128xi32, #tpu.memory_space<vmem>>, vector<1x1x16xi32>,
        %get3A_1359 = vector.shape_cast %get3A_1358 : vector<1x1x16xi32> to vector<16xi32>
        %add3A_1360 = vector.broadcast %mul3A_0 : i32 to vector<16xi32>
        %add3A_1361 = arith.addi %get3A_1359, %add3A_1360 : vector<16xi32>
        %swap3A_1362 = arith.constant 3 : i32
        %swap3A_1363 = arith.constant 0 : i32
        %swap3A_1364 = arith.index_cast %swap3A_1362 : i32 to index
        %swap3A_1365 = arith.index_cast %swap3A_1363 : i32 to index
        %swap3A_1366 = arith.constant 48 : index
        %swap3A_1367 = tpu.vector_load %arg7[%swap3A_1364, %swap3A_1365, %swap3A_1366] {strides = array<i32>} : memref<4x2x128xi32, #tpu.memory_space<vmem>>, vector<1x1x16xi32>,
        %swap3A_1368 = vector.shape_cast %swap3A_1367 : vector<1x1x16xi32> to vector<16xi32>
        %swap3A_1369 = vector.shape_cast %add3A_1361 : vector<16xi32> to vector<1x1x16xi32>
        tpu.vector_store %arg7[%swap3A_1364, %swap3A_1365, %swap3A_1366], %swap3A_1369 {strides = array<i32>} : memref<4x2x128xi32, #tpu.memory_space<vmem>>, vector<1x1x16xi32>,
        %get3A_1370 = arith.constant 3 : i32
        %get3A_1371 = arith.constant 0 : i32
        %get3A_1372 = arith.index_cast %get3A_1370 : i32 to index
        %get3A_1373 = arith.index_cast %get3A_1371 : i32 to index
        %get3A_1374 = arith.constant 64 : index
        %get3A_1375 = tpu.vector_load %arg7[%get3A_1372, %get3A_1373, %get3A_1374] {strides = array<i32>} : memref<4x2x128xi32, #tpu.memory_space<vmem>>, vector<1x1x16xi32>,
        %get3A_1376 = vector.shape_cast %get3A_1375 : vector<1x1x16xi32> to vector<16xi32>
        %add3A_1377 = vector.broadcast %mul3A_0 : i32 to vector<16xi32>
        %add3A_1378 = arith.addi %get3A_1376, %add3A_1377 : vector<16xi32>
        %swap3A_1379 = arith.constant 3 : i32
        %swap3A_1380 = arith.constant 0 : i32
        %swap3A_1381 = arith.index_cast %swap3A_1379 : i32 to index
        %swap3A_1382 = arith.index_cast %swap3A_1380 : i32 to index
        %swap3A_1383 = arith.constant 64 : index
        %swap3A_1384 = tpu.vector_load %arg7[%swap3A_1381, %swap3A_1382, %swap3A_1383] {strides = array<i32>} : memref<4x2x128xi32, #tpu.memory_space<vmem>>, vector<1x1x16xi32>,
        %swap3A_1385 = vector.shape_cast %swap3A_1384 : vector<1x1x16xi32> to vector<16xi32>
        %swap3A_1386 = vector.shape_cast %add3A_1378 : vector<16xi32> to vector<1x1x16xi32>
        tpu.vector_store %arg7[%swap3A_1381, %swap3A_1382, %swap3A_1383], %swap3A_1386 {strides = array<i32>} : memref<4x2x128xi32, #tpu.memory_space<vmem>>, vector<1x1x16xi32>,
        %get3A_1387 = arith.constant 3 : i32
        %get3A_1388 = arith.constant 0 : i32
        %get3A_1389 = arith.index_cast %get3A_1387 : i32 to index
        %get3A_1390 = arith.index_cast %get3A_1388 : i32 to index
        %get3A_1391 = arith.constant 80 : index
        %get3A_1392 = tpu.vector_load %arg7[%get3A_1389, %get3A_1390, %get3A_1391] {strides = array<i32>} : memref<4x2x128xi32, #tpu.memory_space<vmem>>, vector<1x1x16xi32>,
        %get3A_1393 = vector.shape_cast %get3A_1392 : vector<1x1x16xi32> to vector<16xi32>
        %add3A_1394 = vector.broadcast %mul3A_0 : i32 to vector<16xi32>
        %add3A_1395 = arith.addi %get3A_1393, %add3A_1394 : vector<16xi32>
        %swap3A_1396 = arith.constant 3 : i32
        %swap3A_1397 = arith.constant 0 : i32
        %swap3A_1398 = arith.index_cast %swap3A_1396 : i32 to index
        %swap3A_1399 = arith.index_cast %swap3A_1397 : i32 to index
        %swap3A_1400 = arith.constant 80 : index
        %swap3A_1401 = tpu.vector_load %arg7[%swap3A_1398, %swap3A_1399, %swap3A_1400] {strides = array<i32>} : memref<4x2x128xi32, #tpu.memory_space<vmem>>, vector<1x1x16xi32>,
        %swap3A_1402 = vector.shape_cast %swap3A_1401 : vector<1x1x16xi32> to vector<16xi32>
        %swap3A_1403 = vector.shape_cast %add3A_1395 : vector<16xi32> to vector<1x1x16xi32>
        tpu.vector_store %arg7[%swap3A_1398, %swap3A_1399, %swap3A_1400], %swap3A_1403 {strides = array<i32>} : memref<4x2x128xi32, #tpu.memory_space<vmem>>, vector<1x1x16xi32>,
        %get3A_1404 = arith.constant 3 : i32
        %get3A_1405 = arith.constant 0 : i32
        %get3A_1406 = arith.index_cast %get3A_1404 : i32 to index
        %get3A_1407 = arith.index_cast %get3A_1405 : i32 to index
        %get3A_1408 = arith.constant 96 : index
        %get3A_1409 = tpu.vector_load %arg7[%get3A_1406, %get3A_1407, %get3A_1408] {strides = array<i32>} : memref<4x2x128xi32, #tpu.memory_space<vmem>>, vector<1x1x16xi32>,
        %get3A_1410 = vector.shape_cast %get3A_1409 : vector<1x1x16xi32> to vector<16xi32>
        %add3A_1411 = vector.broadcast %mul3A_0 : i32 to vector<16xi32>
        %add3A_1412 = arith.addi %get3A_1410, %add3A_1411 : vector<16xi32>
        %swap3A_1413 = arith.constant 3 : i32
        %swap3A_1414 = arith.constant 0 : i32
        %swap3A_1415 = arith.index_cast %swap3A_1413 : i32 to index
        %swap3A_1416 = arith.index_cast %swap3A_1414 : i32 to index
        %swap3A_1417 = arith.constant 96 : index
        %swap3A_1418 = tpu.vector_load %arg7[%swap3A_1415, %swap3A_1416, %swap3A_1417] {strides = array<i32>} : memref<4x2x128xi32, #tpu.memory_space<vmem>>, vector<1x1x16xi32>,
        %swap3A_1419 = vector.shape_cast %swap3A_1418 : vector<1x1x16xi32> to vector<16xi32>
        %swap3A_1420 = vector.shape_cast %add3A_1412 : vector<16xi32> to vector<1x1x16xi32>
        tpu.vector_store %arg7[%swap3A_1415, %swap3A_1416, %swap3A_1417], %swap3A_1420 {strides = array<i32>} : memref<4x2x128xi32, #tpu.memory_space<vmem>>, vector<1x1x16xi32>,
        %get3A_1421 = arith.constant 3 : i32
        %get3A_1422 = arith.constant 0 : i32
        %get3A_1423 = arith.index_cast %get3A_1421 : i32 to index
        %get3A_1424 = arith.index_cast %get3A_1422 : i32 to index
        %get3A_1425 = arith.constant 112 : index
        %get3A_1426 = tpu.vector_load %arg7[%get3A_1423, %get3A_1424, %get3A_1425] {strides = array<i32>} : memref<4x2x128xi32, #tpu.memory_space<vmem>>, vector<1x1x16xi32>,
        %get3A_1427 = vector.shape_cast %get3A_1426 : vector<1x1x16xi32> to vector<16xi32>
        %add3A_1428 = vector.broadcast %mul3A_0 : i32 to vector<16xi32>
        %add3A_1429 = arith.addi %get3A_1427, %add3A_1428 : vector<16xi32>
        %swap3A_1430 = arith.constant 3 : i32
        %swap3A_1431 = arith.constant 0 : i32
        %swap3A_1432 = arith.index_cast %swap3A_1430 : i32 to index
        %swap3A_1433 = arith.index_cast %swap3A_1431 : i32 to index
        %swap3A_1434 = arith.constant 112 : index
        %swap3A_1435 = tpu.vector_load %arg7[%swap3A_1432, %swap3A_1433, %swap3A_1434] {strides = array<i32>} : memref<4x2x128xi32, #tpu.memory_space<vmem>>, vector<1x1x16xi32>,
        %swap3A_1436 = vector.shape_cast %swap3A_1435 : vector<1x1x16xi32> to vector<16xi32>
        %swap3A_1437 = vector.shape_cast %add3A_1429 : vector<16xi32> to vector<1x1x16xi32>
        tpu.vector_store %arg7[%swap3A_1432, %swap3A_1433, %swap3A_1434], %swap3A_1437 {strides = array<i32>} : memref<4x2x128xi32, #tpu.memory_space<vmem>>, vector<1x1x16xi32>,
        %get3A_1438 = arith.constant 3 : i32
        %get3A_1439 = arith.constant 1 : i32
        %get3A_1440 = arith.index_cast %get3A_1438 : i32 to index
        %get3A_1441 = arith.index_cast %get3A_1439 : i32 to index
        %get3A_1442 = arith.constant 0 : index
        %get3A_1443 = tpu.vector_load %arg7[%get3A_1440, %get3A_1441, %get3A_1442] {strides = array<i32>} : memref<4x2x128xi32, #tpu.memory_space<vmem>>, vector<1x1x16xi32>,
        %get3A_1444 = vector.shape_cast %get3A_1443 : vector<1x1x16xi32> to vector<16xi32>
        %add3A_1445 = vector.broadcast %mul3A_0 : i32 to vector<16xi32>
        %add3A_1446 = arith.addi %get3A_1444, %add3A_1445 : vector<16xi32>
        %swap3A_1447 = arith.constant 3 : i32
        %swap3A_1448 = arith.constant 1 : i32
        %swap3A_1449 = arith.index_cast %swap3A_1447 : i32 to index
        %swap3A_1450 = arith.index_cast %swap3A_1448 : i32 to index
        %swap3A_1451 = arith.constant 0 : index
        %swap3A_1452 = tpu.vector_load %arg7[%swap3A_1449, %swap3A_1450, %swap3A_1451] {strides = array<i32>} : memref<4x2x128xi32, #tpu.memory_space<vmem>>, vector<1x1x16xi32>,
        %swap3A_1453 = vector.shape_cast %swap3A_1452 : vector<1x1x16xi32> to vector<16xi32>
        %swap3A_1454 = vector.shape_cast %add3A_1446 : vector<16xi32> to vector<1x1x16xi32>
        tpu.vector_store %arg7[%swap3A_1449, %swap3A_1450, %swap3A_1451], %swap3A_1454 {strides = array<i32>} : memref<4x2x128xi32, #tpu.memory_space<vmem>>, vector<1x1x16xi32>,
        %get3A_1455 = arith.constant 3 : i32
        %get3A_1456 = arith.constant 1 : i32
        %get3A_1457 = arith.index_cast %get3A_1455 : i32 to index
        %get3A_1458 = arith.index_cast %get3A_1456 : i32 to index
        %get3A_1459 = arith.constant 16 : index
        %get3A_1460 = tpu.vector_load %arg7[%get3A_1457, %get3A_1458, %get3A_1459] {strides = array<i32>} : memref<4x2x128xi32, #tpu.memory_space<vmem>>, vector<1x1x16xi32>,
        %get3A_1461 = vector.shape_cast %get3A_1460 : vector<1x1x16xi32> to vector<16xi32>
        %add3A_1462 = vector.broadcast %mul3A_0 : i32 to vector<16xi32>
        %add3A_1463 = arith.addi %get3A_1461, %add3A_1462 : vector<16xi32>
        %swap3A_1464 = arith.constant 3 : i32
        %swap3A_1465 = arith.constant 1 : i32
        %swap3A_1466 = arith.index_cast %swap3A_1464 : i32 to index
        %swap3A_1467 = arith.index_cast %swap3A_1465 : i32 to index
        %swap3A_1468 = arith.constant 16 : index
        %swap3A_1469 = tpu.vector_load %arg7[%swap3A_1466, %swap3A_1467, %swap3A_1468] {strides = array<i32>} : memref<4x2x128xi32, #tpu.memory_space<vmem>>, vector<1x1x16xi32>,
        %swap3A_1470 = vector.shape_cast %swap3A_1469 : vector<1x1x16xi32> to vector<16xi32>
        %swap3A_1471 = vector.shape_cast %add3A_1463 : vector<16xi32> to vector<1x1x16xi32>
        tpu.vector_store %arg7[%swap3A_1466, %swap3A_1467, %swap3A_1468], %swap3A_1471 {strides = array<i32>} : memref<4x2x128xi32, #tpu.memory_space<vmem>>, vector<1x1x16xi32>,
        %get3A_1472 = arith.constant 3 : i32
        %get3A_1473 = arith.constant 1 : i32
        %get3A_1474 = arith.index_cast %get3A_1472 : i32 to index
        %get3A_1475 = arith.index_cast %get3A_1473 : i32 to index
        %get3A_1476 = arith.constant 32 : index
        %get3A_1477 = tpu.vector_load %arg7[%get3A_1474, %get3A_1475, %get3A_1476] {strides = array<i32>} : memref<4x2x128xi32, #tpu.memory_space<vmem>>, vector<1x1x16xi32>,
        %get3A_1478 = vector.shape_cast %get3A_1477 : vector<1x1x16xi32> to vector<16xi32>
        %add3A_1479 = vector.broadcast %mul3A_0 : i32 to vector<16xi32>
        %add3A_1480 = arith.addi %get3A_1478, %add3A_1479 : vector<16xi32>
        %swap3A_1481 = arith.constant 3 : i32
        %swap3A_1482 = arith.constant 1 : i32
        %swap3A_1483 = arith.index_cast %swap3A_1481 : i32 to index
        %swap3A_1484 = arith.index_cast %swap3A_1482 : i32 to index
        %swap3A_1485 = arith.constant 32 : index
        %swap3A_1486 = tpu.vector_load %arg7[%swap3A_1483, %swap3A_1484, %swap3A_1485] {strides = array<i32>} : memref<4x2x128xi32, #tpu.memory_space<vmem>>, vector<1x1x16xi32>,
        %swap3A_1487 = vector.shape_cast %swap3A_1486 : vector<1x1x16xi32> to vector<16xi32>
        %swap3A_1488 = vector.shape_cast %add3A_1480 : vector<16xi32> to vector<1x1x16xi32>
        tpu.vector_store %arg7[%swap3A_1483, %swap3A_1484, %swap3A_1485], %swap3A_1488 {strides = array<i32>} : memref<4x2x128xi32, #tpu.memory_space<vmem>>, vector<1x1x16xi32>,
        %get3A_1489 = arith.constant 3 : i32
        %get3A_1490 = arith.constant 1 : i32
        %get3A_1491 = arith.index_cast %get3A_1489 : i32 to index
        %get3A_1492 = arith.index_cast %get3A_1490 : i32 to index
        %get3A_1493 = arith.constant 48 : index
        %get3A_1494 = tpu.vector_load %arg7[%get3A_1491, %get3A_1492, %get3A_1493] {strides = array<i32>} : memref<4x2x128xi32, #tpu.memory_space<vmem>>, vector<1x1x16xi32>,
        %get3A_1495 = vector.shape_cast %get3A_1494 : vector<1x1x16xi32> to vector<16xi32>
        %add3A_1496 = vector.broadcast %mul3A_0 : i32 to vector<16xi32>
        %add3A_1497 = arith.addi %get3A_1495, %add3A_1496 : vector<16xi32>
        %swap3A_1498 = arith.constant 3 : i32
        %swap3A_1499 = arith.constant 1 : i32
        %swap3A_1500 = arith.index_cast %swap3A_1498 : i32 to index
        %swap3A_1501 = arith.index_cast %swap3A_1499 : i32 to index
        %swap3A_1502 = arith.constant 48 : index
        %swap3A_1503 = tpu.vector_load %arg7[%swap3A_1500, %swap3A_1501, %swap3A_1502] {strides = array<i32>} : memref<4x2x128xi32, #tpu.memory_space<vmem>>, vector<1x1x16xi32>,
        %swap3A_1504 = vector.shape_cast %swap3A_1503 : vector<1x1x16xi32> to vector<16xi32>
        %swap3A_1505 = vector.shape_cast %add3A_1497 : vector<16xi32> to vector<1x1x16xi32>
        tpu.vector_store %arg7[%swap3A_1500, %swap3A_1501, %swap3A_1502], %swap3A_1505 {strides = array<i32>} : memref<4x2x128xi32, #tpu.memory_space<vmem>>, vector<1x1x16xi32>,
        %get3A_1506 = arith.constant 3 : i32
        %get3A_1507 = arith.constant 1 : i32
        %get3A_1508 = arith.index_cast %get3A_1506 : i32 to index
        %get3A_1509 = arith.index_cast %get3A_1507 : i32 to index
        %get3A_1510 = arith.constant 64 : index
        %get3A_1511 = tpu.vector_load %arg7[%get3A_1508, %get3A_1509, %get3A_1510] {strides = array<i32>} : memref<4x2x128xi32, #tpu.memory_space<vmem>>, vector<1x1x16xi32>,
        %get3A_1512 = vector.shape_cast %get3A_1511 : vector<1x1x16xi32> to vector<16xi32>
        %add3A_1513 = vector.broadcast %mul3A_0 : i32 to vector<16xi32>
        %add3A_1514 = arith.addi %get3A_1512, %add3A_1513 : vector<16xi32>
        %swap3A_1515 = arith.constant 3 : i32
        %swap3A_1516 = arith.constant 1 : i32
        %swap3A_1517 = arith.index_cast %swap3A_1515 : i32 to index
        %swap3A_1518 = arith.index_cast %swap3A_1516 : i32 to index
        %swap3A_1519 = arith.constant 64 : index
        %swap3A_1520 = tpu.vector_load %arg7[%swap3A_1517, %swap3A_1518, %swap3A_1519] {strides = array<i32>} : memref<4x2x128xi32, #tpu.memory_space<vmem>>, vector<1x1x16xi32>,
        %swap3A_1521 = vector.shape_cast %swap3A_1520 : vector<1x1x16xi32> to vector<16xi32>
        %swap3A_1522 = vector.shape_cast %add3A_1514 : vector<16xi32> to vector<1x1x16xi32>
        tpu.vector_store %arg7[%swap3A_1517, %swap3A_1518, %swap3A_1519], %swap3A_1522 {strides = array<i32>} : memref<4x2x128xi32, #tpu.memory_space<vmem>>, vector<1x1x16xi32>,
        %get3A_1523 = arith.constant 3 : i32
        %get3A_1524 = arith.constant 1 : i32
        %get3A_1525 = arith.index_cast %get3A_1523 : i32 to index
        %get3A_1526 = arith.index_cast %get3A_1524 : i32 to index
        %get3A_1527 = arith.constant 80 : index
        %get3A_1528 = tpu.vector_load %arg7[%get3A_1525, %get3A_1526, %get3A_1527] {strides = array<i32>} : memref<4x2x128xi32, #tpu.memory_space<vmem>>, vector<1x1x16xi32>,
        %get3A_1529 = vector.shape_cast %get3A_1528 : vector<1x1x16xi32> to vector<16xi32>
        %add3A_1530 = vector.broadcast %mul3A_0 : i32 to vector<16xi32>
        %add3A_1531 = arith.addi %get3A_1529, %add3A_1530 : vector<16xi32>
        %swap3A_1532 = arith.constant 3 : i32
        %swap3A_1533 = arith.constant 1 : i32
        %swap3A_1534 = arith.index_cast %swap3A_1532 : i32 to index
        %swap3A_1535 = arith.index_cast %swap3A_1533 : i32 to index
        %swap3A_1536 = arith.constant 80 : index
        %swap3A_1537 = tpu.vector_load %arg7[%swap3A_1534, %swap3A_1535, %swap3A_1536] {strides = array<i32>} : memref<4x2x128xi32, #tpu.memory_space<vmem>>, vector<1x1x16xi32>,
        %swap3A_1538 = vector.shape_cast %swap3A_1537 : vector<1x1x16xi32> to vector<16xi32>
        %swap3A_1539 = vector.shape_cast %add3A_1531 : vector<16xi32> to vector<1x1x16xi32>
        tpu.vector_store %arg7[%swap3A_1534, %swap3A_1535, %swap3A_1536], %swap3A_1539 {strides = array<i32>} : memref<4x2x128xi32, #tpu.memory_space<vmem>>, vector<1x1x16xi32>,
        %get3A_1540 = arith.constant 3 : i32
        %get3A_1541 = arith.constant 1 : i32
        %get3A_1542 = arith.index_cast %get3A_1540 : i32 to index
        %get3A_1543 = arith.index_cast %get3A_1541 : i32 to index
        %get3A_1544 = arith.constant 96 : index
        %get3A_1545 = tpu.vector_load %arg7[%get3A_1542, %get3A_1543, %get3A_1544] {strides = array<i32>} : memref<4x2x128xi32, #tpu.memory_space<vmem>>, vector<1x1x16xi32>,
        %get3A_1546 = vector.shape_cast %get3A_1545 : vector<1x1x16xi32> to vector<16xi32>
        %add3A_1547 = vector.broadcast %mul3A_0 : i32 to vector<16xi32>
        %add3A_1548 = arith.addi %get3A_1546, %add3A_1547 : vector<16xi32>
        %swap3A_1549 = arith.constant 3 : i32
        %swap3A_1550 = arith.constant 1 : i32
        %swap3A_1551 = arith.index_cast %swap3A_1549 : i32 to index
        %swap3A_1552 = arith.index_cast %swap3A_1550 : i32 to index
        %swap3A_1553 = arith.constant 96 : index
        %swap3A_1554 = tpu.vector_load %arg7[%swap3A_1551, %swap3A_1552, %swap3A_1553] {strides = array<i32>} : memref<4x2x128xi32, #tpu.memory_space<vmem>>, vector<1x1x16xi32>,
        %swap3A_1555 = vector.shape_cast %swap3A_1554 : vector<1x1x16xi32> to vector<16xi32>
        %swap3A_1556 = vector.shape_cast %add3A_1548 : vector<16xi32> to vector<1x1x16xi32>
        tpu.vector_store %arg7[%swap3A_1551, %swap3A_1552, %swap3A_1553], %swap3A_1556 {strides = array<i32>} : memref<4x2x128xi32, #tpu.memory_space<vmem>>, vector<1x1x16xi32>,
        %get3A_1557 = arith.constant 3 : i32
        %get3A_1558 = arith.constant 1 : i32
        %get3A_1559 = arith.index_cast %get3A_1557 : i32 to index
        %get3A_1560 = arith.index_cast %get3A_1558 : i32 to index
        %get3A_1561 = arith.constant 112 : index
        %get3A_1562 = tpu.vector_load %arg7[%get3A_1559, %get3A_1560, %get3A_1561] {strides = array<i32>} : memref<4x2x128xi32, #tpu.memory_space<vmem>>, vector<1x1x16xi32>,
        %get3A_1563 = vector.shape_cast %get3A_1562 : vector<1x1x16xi32> to vector<16xi32>
        %add3A_1564 = vector.broadcast %mul3A_0 : i32 to vector<16xi32>
        %add3A_1565 = arith.addi %get3A_1563, %add3A_1564 : vector<16xi32>
        %swap3A_1566 = arith.constant 3 : i32
        %swap3A_1567 = arith.constant 1 : i32
        %swap3A_1568 = arith.index_cast %swap3A_1566 : i32 to index
        %swap3A_1569 = arith.index_cast %swap3A_1567 : i32 to index
        %swap3A_1570 = arith.constant 112 : index
        %swap3A_1571 = tpu.vector_load %arg7[%swap3A_1568, %swap3A_1569, %swap3A_1570] {strides = array<i32>} : memref<4x2x128xi32, #tpu.memory_space<vmem>>, vector<1x1x16xi32>,
        %swap3A_1572 = vector.shape_cast %swap3A_1571 : vector<1x1x16xi32> to vector<16xi32>
        %swap3A_1573 = vector.shape_cast %add3A_1565 : vector<16xi32> to vector<1x1x16xi32>
        tpu.vector_store %arg7[%swap3A_1568, %swap3A_1569, %swap3A_1570], %swap3A_1573 {strides = array<i32>} : memref<4x2x128xi32, #tpu.memory_space<vmem>>, vector<1x1x16xi32>,
      } else {
      }
      %dma_wait3A_995 = arith.constant 1 : i32
      %dma_wait3A_996 = arith.constant 0 : i32
      %dma_wait3A_997 = arith.constant 0 : i32
      %dma_wait3A_998 = arith.constant 0 : i32
      %dma_wait3A_999 = tpu.memref_slice %arg9[%dma_wait3A_995, %dma_wait3A_996, %dma_wait3A_997, %dma_wait3A_998] : memref<2x2x128x32xf32, #tpu.memory_space<vmem>> -> memref<1x1x128x32xf32, #tpu.memory_space<vmem>>
      %dma_wait3A_1000 = tpu.memref_squeeze %dma_wait3A_999 : memref<1x1x128x32xf32, #tpu.memory_space<vmem>> -> memref<128x32xf32, #tpu.memory_space<vmem>>
      %dma_wait3A_1001 = arith.constant 0 : i32
      %dma_wait3A_1002 = arith.constant 0 : i32
      %dma_wait3A_1003 = tpu.memref_slice %arg2[%dma_wait3A_1001, %dma_wait3A_1002] : memref<100352x32xf32, #tpu.memory_space<hbm>> -> memref<128x32xf32, #tpu.memory_space<hbm>>
      %dma_wait3A_1004 = arith.constant 0 : i32
      %dma_wait3A_1005 = arith.constant 0 : i32
      %dma_wait3A_1006 = tpu.memref_slice %arg9[%dma_wait3A_995, %dma_wait3A_996, %dma_wait3A_1004, %dma_wait3A_1005] : memref<2x2x128x32xf32, #tpu.memory_space<vmem>> -> memref<1x1x128x32xf32, #tpu.memory_space<vmem>>
      %dma_wait3A_1007 = tpu.memref_squeeze %dma_wait3A_1006 : memref<1x1x128x32xf32, #tpu.memory_space<vmem>> -> memref<128x32xf32, #tpu.memory_space<vmem>>
      %dma_wait3A_1008 = arith.constant 0 : i32
      %dma_wait3A_1009 = arith.constant 0 : i32
      %dma_wait3A_1010 = tpu.memref_slice %arg2[%dma_wait3A_1008, %dma_wait3A_1009] : memref<100352x32xf32, #tpu.memory_space<hbm>> -> memref<128x32xf32, #tpu.memory_space<hbm>>
      tpu.wait_dma2 semaphore(%arg16 : memref<!tpu.dma_semaphore, #tpu.memory_space<semaphore_mem>>) src(%dma_wait3A_1010 : memref<128x32xf32, #tpu.memory_space<hbm>>) dst(%dma_wait3A_1007 : memref<128x32xf32, #tpu.memory_space<vmem>>)
      %dma_wait3A_1011 = arith.constant 1 : i32
      %dma_wait3A_1012 = arith.constant 1 : i32
      %dma_wait3A_1013 = arith.constant 0 : i32
      %dma_wait3A_1014 = arith.constant 0 : i32
      %dma_wait3A_1015 = tpu.memref_slice %arg9[%dma_wait3A_1011, %dma_wait3A_1012, %dma_wait3A_1013, %dma_wait3A_1014] : memref<2x2x128x32xf32, #tpu.memory_space<vmem>> -> memref<1x1x128x32xf32, #tpu.memory_space<vmem>>
      %dma_wait3A_1016 = tpu.memref_squeeze %dma_wait3A_1015 : memref<1x1x128x32xf32, #tpu.memory_space<vmem>> -> memref<128x32xf32, #tpu.memory_space<vmem>>
      %dma_wait3A_1017 = arith.constant 0 : i32
      %dma_wait3A_1018 = arith.constant 0 : i32
      %dma_wait3A_1019 = tpu.memref_slice %arg2[%dma_wait3A_1017, %dma_wait3A_1018] : memref<100352x32xf32, #tpu.memory_space<hbm>> -> memref<128x32xf32, #tpu.memory_space<hbm>>
      %dma_wait3A_1020 = arith.constant 0 : i32
      %dma_wait3A_1021 = arith.constant 0 : i32
      %dma_wait3A_1022 = tpu.memref_slice %arg9[%dma_wait3A_1011, %dma_wait3A_1012, %dma_wait3A_1020, %dma_wait3A_1021] : memref<2x2x128x32xf32, #tpu.memory_space<vmem>> -> memref<1x1x128x32xf32, #tpu.memory_space<vmem>>
      %dma_wait3A_1023 = tpu.memref_squeeze %dma_wait3A_1022 : memref<1x1x128x32xf32, #tpu.memory_space<vmem>> -> memref<128x32xf32, #tpu.memory_space<vmem>>
      %dma_wait3A_1024 = arith.constant 0 : i32
      %dma_wait3A_1025 = arith.constant 0 : i32
      %dma_wait3A_1026 = tpu.memref_slice %arg2[%dma_wait3A_1024, %dma_wait3A_1025] : memref<100352x32xf32, #tpu.memory_space<hbm>> -> memref<128x32xf32, #tpu.memory_space<hbm>>
      tpu.wait_dma2 semaphore(%arg16 : memref<!tpu.dma_semaphore, #tpu.memory_space<semaphore_mem>>) src(%dma_wait3A_1026 : memref<128x32xf32, #tpu.memory_space<hbm>>) dst(%dma_wait3A_1023 : memref<128x32xf32, #tpu.memory_space<vmem>>)
      %add3A_1027 = arith.constant 4 : i32
      %add3A_1028 = arith.addi %add3A_927, %add3A_1027 : i32
      %lt3A_1029 = arith.constant 392 : i32
      %lt3A_1030 = arith.cmpi slt, %add3A_1028, %lt3A_1029 : i32
      %convert_element_type3A_1031 = arith.extui %lt3A_1030 : i1 to i32
      %cond3A_1032 = arith.constant 0 : i32
      %cond3A_1033 = arith.cmpi ne, %convert_element_type3A_1031, %cond3A_1032 : i32
      scf.if %cond3A_1033 {
        %add3A_1272 = arith.constant 4 : i32
        %add3A_1273 = arith.addi %add3A_927, %add3A_1272 : i32
        %mul3A_1274 = arith.constant 784 : i32
        %mul3A_1275 = arith.muli %arg1, %mul3A_1274 : i32
        %mul3A_1276 = arith.constant 2 : i32
        %mul3A_1277 = arith.muli %add3A_1273, %mul3A_1276 : i32
        %add3A_1278 = arith.addi %mul3A_1275, %mul3A_1277 : i32
        %dma_start3A_1279 = arith.constant 1 : i32
        %dma_start3A_1280 = arith.constant 0 : i32
        %dma_start3A_1281 = arith.constant 0 : i32
        %dma_start3A_1282 = tpu.memref_slice %arg7[%dma_start3A_1279, %dma_start3A_1280, %dma_start3A_1281] : memref<4x2x128xi32, #tpu.memory_space<vmem>> -> memref<1x2x128xi32, #tpu.memory_space<vmem>>
        %dma_start3A_1283 = tpu.memref_squeeze %dma_start3A_1282 : memref<1x2x128xi32, #tpu.memory_space<vmem>> -> memref<2x128xi32, #tpu.memory_space<vmem>>
        %dma_start3A_1284 = arith.constant 0 : i32
        %dma_start3A_1285 = tpu.memref_slice %arg3[%add3A_1278, %dma_start3A_1284] : memref<12544x128xi32, #tpu.memory_space<hbm>> -> memref<2x128xi32, #tpu.memory_space<hbm>>
        %dma_start3A_1286 = arith.constant 0 : i32
        %dma_start3A_1287 = arith.constant 0 : i32
        %dma_start3A_1288 = tpu.memref_slice %arg7[%dma_start3A_1279, %dma_start3A_1286, %dma_start3A_1287] : memref<4x2x128xi32, #tpu.memory_space<vmem>> -> memref<1x2x128xi32, #tpu.memory_space<vmem>>
        %dma_start3A_1289 = tpu.memref_squeeze %dma_start3A_1288 : memref<1x2x128xi32, #tpu.memory_space<vmem>> -> memref<2x128xi32, #tpu.memory_space<vmem>>
        %dma_start3A_1290 = arith.constant 0 : i32
        %dma_start3A_1291 = tpu.memref_slice %arg3[%add3A_1278, %dma_start3A_1290] : memref<12544x128xi32, #tpu.memory_space<hbm>> -> memref<2x128xi32, #tpu.memory_space<hbm>>
        tpu.enqueue_dma source(%dma_start3A_1291 : memref<2x128xi32, #tpu.memory_space<hbm>>) target(%dma_start3A_1289 : memref<2x128xi32, #tpu.memory_space<vmem>>) target_semaphore(%arg13 : memref<!tpu.dma_semaphore, #tpu.memory_space<semaphore_mem>>)
        %mul3A_1292 = arith.constant 784 : i32
        %mul3A_1293 = arith.muli %arg1, %mul3A_1292 : i32
        %mul3A_1294 = arith.constant 2 : i32
        %mul3A_1295 = arith.muli %add3A_1273, %mul3A_1294 : i32
        %add3A_1296 = arith.addi %mul3A_1293, %mul3A_1295 : i32
        %dma_start3A_1297 = arith.constant 1 : i32
        %dma_start3A_1298 = arith.constant 0 : i32
        %dma_start3A_1299 = arith.constant 0 : i32
        %dma_start3A_1300 = tpu.memref_slice %arg8[%dma_start3A_1297, %dma_start3A_1298, %dma_start3A_1299] : memref<4x2x128xi32, #tpu.memory_space<vmem>> -> memref<1x2x128xi32, #tpu.memory_space<vmem>>
        %dma_start3A_1301 = tpu.memref_squeeze %dma_start3A_1300 : memref<1x2x128xi32, #tpu.memory_space<vmem>> -> memref<2x128xi32, #tpu.memory_space<vmem>>
        %dma_start3A_1302 = arith.constant 0 : i32
        %dma_start3A_1303 = tpu.memref_slice %arg4[%add3A_1296, %dma_start3A_1302] : memref<12544x128xi32, #tpu.memory_space<hbm>> -> memref<2x128xi32, #tpu.memory_space<hbm>>
        %dma_start3A_1304 = arith.constant 0 : i32
        %dma_start3A_1305 = arith.constant 0 : i32
        %dma_start3A_1306 = tpu.memref_slice %arg8[%dma_start3A_1297, %dma_start3A_1304, %dma_start3A_1305] : memref<4x2x128xi32, #tpu.memory_space<vmem>> -> memref<1x2x128xi32, #tpu.memory_space<vmem>>
        %dma_start3A_1307 = tpu.memref_squeeze %dma_start3A_1306 : memref<1x2x128xi32, #tpu.memory_space<vmem>> -> memref<2x128xi32, #tpu.memory_space<vmem>>
        %dma_start3A_1308 = arith.constant 0 : i32
        %dma_start3A_1309 = tpu.memref_slice %arg4[%add3A_1296, %dma_start3A_1308] : memref<12544x128xi32, #tpu.memory_space<hbm>> -> memref<2x128xi32, #tpu.memory_space<hbm>>
        tpu.enqueue_dma source(%dma_start3A_1309 : memref<2x128xi32, #tpu.memory_space<hbm>>) target(%dma_start3A_1307 : memref<2x128xi32, #tpu.memory_space<vmem>>) target_semaphore(%arg13 : memref<!tpu.dma_semaphore, #tpu.memory_space<semaphore_mem>>)
      } else {
      }
      %add3A_1034 = arith.constant 2 : i32
      %add3A_1035 = arith.addi %add3A_927, %add3A_1034 : i32
      %lt3A_1036 = arith.constant 392 : i32
      %lt3A_1037 = arith.cmpi slt, %add3A_1035, %lt3A_1036 : i32
      %convert_element_type3A_1038 = arith.extui %lt3A_1037 : i1 to i32
      %cond3A_1039 = arith.constant 0 : i32
      %cond3A_1040 = arith.cmpi ne, %convert_element_type3A_1038, %cond3A_1039 : i32
      scf.if %cond3A_1040 {
        %dma_start3A_1272 = arith.constant 3 : i32
        %dma_start3A_1273 = arith.constant 0 : i32
        %dma_start3A_1274 = arith.constant 1 : i32
        %dma_start3A_1275 = arith.constant 0 : i32
        %dma_start3A_1276 = arith.constant 0 : i32
        %dma_start3A_1277 = arith.constant 0 : i32
        %dma_start3A_1278 = tpu.memref_slice %arg9[%dma_start3A_1274, %dma_start3A_1275, %dma_start3A_1276, %dma_start3A_1277] : memref<2x2x128x32xf32, #tpu.memory_space<vmem>> -> memref<1x1x128x32xf32, #tpu.memory_space<vmem>>
        %dma_start3A_1279 = tpu.memref_squeeze %dma_start3A_1278 : memref<1x1x128x32xf32, #tpu.memory_space<vmem>> -> memref<128x32xf32, #tpu.memory_space<vmem>>
        %dma_start3A_1280 = arith.constant 0 : i32
        %dma_start3A_1281 = tpu.memref_slice %arg7[%dma_start3A_1272, %dma_start3A_1273, %dma_start3A_1280] : memref<4x2x128xi32, #tpu.memory_space<vmem>> -> memref<1x1x128xi32, #tpu.memory_space<vmem>>
        %dma_start3A_1282 = tpu.memref_squeeze %dma_start3A_1281 : memref<1x1x128xi32, #tpu.memory_space<vmem>> -> memref<128xi32, #tpu.memory_space<vmem>>
        %dma_start3A_1283 = arith.constant 0 : i32
        %dma_start3A_1284 = arith.constant 0 : i32
        %dma_start3A_1285 = tpu.memref_slice %arg2[%dma_start3A_1283, %dma_start3A_1284] : memref<100352x32xf32, #tpu.memory_space<hbm>> -> memref<100352x32xf32, #tpu.memory_space<hbm>>
        tpu.enqueue_indirect_dma source(%dma_start3A_1285 : memref<100352x32xf32, #tpu.memory_space<hbm>>) target(%dma_start3A_1279 : memref<128x32xf32, #tpu.memory_space<vmem>>) offsets(%dma_start3A_1282 : memref<128xi32, #tpu.memory_space<vmem>>) semaphore(%arg11 : memref<!tpu.dma_semaphore, #tpu.memory_space<semaphore_mem>>)
        %dma_start3A_1286 = arith.constant 3 : i32
        %dma_start3A_1287 = arith.constant 1 : i32
        %dma_start3A_1288 = arith.constant 1 : i32
        %dma_start3A_1289 = arith.constant 1 : i32
        %dma_start3A_1290 = arith.constant 0 : i32
        %dma_start3A_1291 = arith.constant 0 : i32
        %dma_start3A_1292 = tpu.memref_slice %arg9[%dma_start3A_1288, %dma_start3A_1289, %dma_start3A_1290, %dma_start3A_1291] : memref<2x2x128x32xf32, #tpu.memory_space<vmem>> -> memref<1x1x128x32xf32, #tpu.memory_space<vmem>>
        %dma_start3A_1293 = tpu.memref_squeeze %dma_start3A_1292 : memref<1x1x128x32xf32, #tpu.memory_space<vmem>> -> memref<128x32xf32, #tpu.memory_space<vmem>>
        %dma_start3A_1294 = arith.constant 0 : i32
        %dma_start3A_1295 = tpu.memref_slice %arg7[%dma_start3A_1286, %dma_start3A_1287, %dma_start3A_1294] : memref<4x2x128xi32, #tpu.memory_space<vmem>> -> memref<1x1x128xi32, #tpu.memory_space<vmem>>
        %dma_start3A_1296 = tpu.memref_squeeze %dma_start3A_1295 : memref<1x1x128xi32, #tpu.memory_space<vmem>> -> memref<128xi32, #tpu.memory_space<vmem>>
        %dma_start3A_1297 = arith.constant 0 : i32
        %dma_start3A_1298 = arith.constant 0 : i32
        %dma_start3A_1299 = tpu.memref_slice %arg2[%dma_start3A_1297, %dma_start3A_1298] : memref<100352x32xf32, #tpu.memory_space<hbm>> -> memref<100352x32xf32, #tpu.memory_space<hbm>>
        tpu.enqueue_indirect_dma source(%dma_start3A_1299 : memref<100352x32xf32, #tpu.memory_space<hbm>>) target(%dma_start3A_1293 : memref<128x32xf32, #tpu.memory_space<vmem>>) offsets(%dma_start3A_1296 : memref<128xi32, #tpu.memory_space<vmem>>) semaphore(%arg11 : memref<!tpu.dma_semaphore, #tpu.memory_space<semaphore_mem>>)
      } else {
      }
      %add3A_1041 = arith.constant 2 : i32
      %add3A_1042 = arith.addi %mul3A_813, %add3A_1041 : i32
      %dma_wait3A_1043 = arith.constant 0 : i32
      %dma_wait3A_1044 = arith.constant 0 : i32
      %dma_wait3A_1045 = arith.constant 0 : i32
      %dma_wait3A_1046 = arith.constant 0 : i32
      %dma_wait3A_1047 = tpu.memref_slice %arg9[%dma_wait3A_1043, %dma_wait3A_1044, %dma_wait3A_1045, %dma_wait3A_1046] : memref<2x2x128x32xf32, #tpu.memory_space<vmem>> -> memref<1x1x128x32xf32, #tpu.memory_space<vmem>>
      %dma_wait3A_1048 = tpu.memref_squeeze %dma_wait3A_1047 : memref<1x1x128x32xf32, #tpu.memory_space<vmem>> -> memref<128x32xf32, #tpu.memory_space<vmem>>
      %dma_wait3A_1049 = arith.constant 0 : i32
      %dma_wait3A_1050 = arith.constant 0 : i32
      %dma_wait3A_1051 = tpu.memref_slice %arg2[%dma_wait3A_1049, %dma_wait3A_1050] : memref<100352x32xf32, #tpu.memory_space<hbm>> -> memref<128x32xf32, #tpu.memory_space<hbm>>
      %dma_wait3A_1052 = arith.constant 0 : i32
      %dma_wait3A_1053 = arith.constant 0 : i32
      %dma_wait3A_1054 = tpu.memref_slice %arg9[%dma_wait3A_1043, %dma_wait3A_1044, %dma_wait3A_1052, %dma_wait3A_1053] : memref<2x2x128x32xf32, #tpu.memory_space<vmem>> -> memref<1x1x128x32xf32, #tpu.memory_space<vmem>>
      %dma_wait3A_1055 = tpu.memref_squeeze %dma_wait3A_1054 : memref<1x1x128x32xf32, #tpu.memory_space<vmem>> -> memref<128x32xf32, #tpu.memory_space<vmem>>
      %dma_wait3A_1056 = arith.constant 0 : i32
      %dma_wait3A_1057 = arith.constant 0 : i32
      %dma_wait3A_1058 = tpu.memref_slice %arg2[%dma_wait3A_1056, %dma_wait3A_1057] : memref<100352x32xf32, #tpu.memory_space<hbm>> -> memref<128x32xf32, #tpu.memory_space<hbm>>
      tpu.wait_dma2 semaphore(%arg10 : memref<!tpu.dma_semaphore, #tpu.memory_space<semaphore_mem>>) src(%dma_wait3A_1058 : memref<128x32xf32, #tpu.memory_space<hbm>>) dst(%dma_wait3A_1055 : memref<128x32xf32, #tpu.memory_space<vmem>>)
      %dma_wait3A_1059 = arith.constant 0 : i32
      %dma_wait3A_1060 = arith.constant 1 : i32
      %dma_wait3A_1061 = arith.constant 0 : i32
      %dma_wait3A_1062 = arith.constant 0 : i32
      %dma_wait3A_1063 = tpu.memref_slice %arg9[%dma_wait3A_1059, %dma_wait3A_1060, %dma_wait3A_1061, %dma_wait3A_1062] : memref<2x2x128x32xf32, #tpu.memory_space<vmem>> -> memref<1x1x128x32xf32, #tpu.memory_space<vmem>>
      %dma_wait3A_1064 = tpu.memref_squeeze %dma_wait3A_1063 : memref<1x1x128x32xf32, #tpu.memory_space<vmem>> -> memref<128x32xf32, #tpu.memory_space<vmem>>
      %dma_wait3A_1065 = arith.constant 0 : i32
      %dma_wait3A_1066 = arith.constant 0 : i32
      %dma_wait3A_1067 = tpu.memref_slice %arg2[%dma_wait3A_1065, %dma_wait3A_1066] : memref<100352x32xf32, #tpu.memory_space<hbm>> -> memref<128x32xf32, #tpu.memory_space<hbm>>
      %dma_wait3A_1068 = arith.constant 0 : i32
      %dma_wait3A_1069 = arith.constant 0 : i32
      %dma_wait3A_1070 = tpu.memref_slice %arg9[%dma_wait3A_1059, %dma_wait3A_1060, %dma_wait3A_1068, %dma_wait3A_1069] : memref<2x2x128x32xf32, #tpu.memory_space<vmem>> -> memref<1x1x128x32xf32, #tpu.memory_space<vmem>>
      %dma_wait3A_1071 = tpu.memref_squeeze %dma_wait3A_1070 : memref<1x1x128x32xf32, #tpu.memory_space<vmem>> -> memref<128x32xf32, #tpu.memory_space<vmem>>
      %dma_wait3A_1072 = arith.constant 0 : i32
      %dma_wait3A_1073 = arith.constant 0 : i32
      %dma_wait3A_1074 = tpu.memref_slice %arg2[%dma_wait3A_1072, %dma_wait3A_1073] : memref<100352x32xf32, #tpu.memory_space<hbm>> -> memref<128x32xf32, #tpu.memory_space<hbm>>
      tpu.wait_dma2 semaphore(%arg10 : memref<!tpu.dma_semaphore, #tpu.memory_space<semaphore_mem>>) src(%dma_wait3A_1074 : memref<128x32xf32, #tpu.memory_space<hbm>>) dst(%dma_wait3A_1071 : memref<128x32xf32, #tpu.memory_space<vmem>>)
      %dma_start3A_1075 = arith.constant 0 : i32
      %dma_start3A_1076 = arith.constant 0 : i32
      %dma_start3A_1077 = arith.constant 2 : i32
      %dma_start3A_1078 = arith.constant 0 : i32
      %dma_start3A_1079 = arith.constant 0 : i32
      %dma_start3A_1080 = arith.constant 0 : i32
      %dma_start3A_1081 = tpu.memref_slice %arg9[%dma_start3A_1075, %dma_start3A_1076, %dma_start3A_1079, %dma_start3A_1080] : memref<2x2x128x32xf32, #tpu.memory_space<vmem>> -> memref<1x1x128x32xf32, #tpu.memory_space<vmem>>
      %dma_start3A_1082 = tpu.memref_squeeze %dma_start3A_1081 : memref<1x1x128x32xf32, #tpu.memory_space<vmem>> -> memref<128x32xf32, #tpu.memory_space<vmem>>
      %dma_start3A_1083 = arith.constant 0 : i32
      %dma_start3A_1084 = tpu.memref_slice %arg8[%dma_start3A_1077, %dma_start3A_1078, %dma_start3A_1083] : memref<4x2x128xi32, #tpu.memory_space<vmem>> -> memref<1x1x128xi32, #tpu.memory_space<vmem>>
      %dma_start3A_1085 = tpu.memref_squeeze %dma_start3A_1084 : memref<1x1x128xi32, #tpu.memory_space<vmem>> -> memref<128xi32, #tpu.memory_space<vmem>>
      %dma_start3A_1086 = arith.constant 0 : i32
      %dma_start3A_1087 = arith.constant 0 : i32
      %dma_start3A_1088 = tpu.memref_slice %arg6[%dma_start3A_1086, %dma_start3A_1087] : memref<50176x32xf32, #tpu.memory_space<vmem_shared>> -> memref<50176x32xf32, #tpu.memory_space<vmem_shared>>
      tpu.enqueue_indirect_dma source(%dma_start3A_1082 : memref<128x32xf32, #tpu.memory_space<vmem>>) target(%dma_start3A_1088 : memref<50176x32xf32, #tpu.memory_space<vmem_shared>>) offsets(%dma_start3A_1085 : memref<128xi32, #tpu.memory_space<vmem>>) semaphore(%arg16 : memref<!tpu.dma_semaphore, #tpu.memory_space<semaphore_mem>>) {add = true}
      %dma_start3A_1089 = arith.constant 0 : i32
      %dma_start3A_1090 = arith.constant 1 : i32
      %dma_start3A_1091 = arith.constant 2 : i32
      %dma_start3A_1092 = arith.constant 1 : i32
      %dma_start3A_1093 = arith.constant 0 : i32
      %dma_start3A_1094 = arith.constant 0 : i32
      %dma_start3A_1095 = tpu.memref_slice %arg9[%dma_start3A_1089, %dma_start3A_1090, %dma_start3A_1093, %dma_start3A_1094] : memref<2x2x128x32xf32, #tpu.memory_space<vmem>> -> memref<1x1x128x32xf32, #tpu.memory_space<vmem>>
      %dma_start3A_1096 = tpu.memref_squeeze %dma_start3A_1095 : memref<1x1x128x32xf32, #tpu.memory_space<vmem>> -> memref<128x32xf32, #tpu.memory_space<vmem>>
      %dma_start3A_1097 = arith.constant 0 : i32
      %dma_start3A_1098 = tpu.memref_slice %arg8[%dma_start3A_1091, %dma_start3A_1092, %dma_start3A_1097] : memref<4x2x128xi32, #tpu.memory_space<vmem>> -> memref<1x1x128xi32, #tpu.memory_space<vmem>>
      %dma_start3A_1099 = tpu.memref_squeeze %dma_start3A_1098 : memref<1x1x128xi32, #tpu.memory_space<vmem>> -> memref<128xi32, #tpu.memory_space<vmem>>
      %dma_start3A_1100 = arith.constant 0 : i32
      %dma_start3A_1101 = arith.constant 0 : i32
      %dma_start3A_1102 = tpu.memref_slice %arg6[%dma_start3A_1100, %dma_start3A_1101] : memref<50176x32xf32, #tpu.memory_space<vmem_shared>> -> memref<50176x32xf32, #tpu.memory_space<vmem_shared>>
      tpu.enqueue_indirect_dma source(%dma_start3A_1096 : memref<128x32xf32, #tpu.memory_space<vmem>>) target(%dma_start3A_1102 : memref<50176x32xf32, #tpu.memory_space<vmem_shared>>) offsets(%dma_start3A_1099 : memref<128xi32, #tpu.memory_space<vmem>>) semaphore(%arg16 : memref<!tpu.dma_semaphore, #tpu.memory_space<semaphore_mem>>) {add = true}
      %add3A_1103 = arith.constant 2 : i32
      %add3A_1104 = arith.addi %add3A_1042, %add3A_1103 : i32
      %lt3A_1105 = arith.constant 392 : i32
      %lt3A_1106 = arith.cmpi slt, %add3A_1104, %lt3A_1105 : i32
      %convert_element_type3A_1107 = arith.extui %lt3A_1106 : i1 to i32
      %cond3A_1108 = arith.constant 0 : i32
      %cond3A_1109 = arith.cmpi ne, %convert_element_type3A_1107, %cond3A_1108 : i32
      scf.if %cond3A_1109 {
        %dma_wait3A_1272 = arith.constant 0 : i32
        %dma_wait3A_1273 = arith.constant 0 : i32
        %dma_wait3A_1274 = arith.constant 0 : i32
        %dma_wait3A_1275 = tpu.memref_slice %arg7[%dma_wait3A_1272, %dma_wait3A_1273, %dma_wait3A_1274] : memref<4x2x128xi32, #tpu.memory_space<vmem>> -> memref<1x2x128xi32, #tpu.memory_space<vmem>>
        %dma_wait3A_1276 = tpu.memref_squeeze %dma_wait3A_1275 : memref<1x2x128xi32, #tpu.memory_space<vmem>> -> memref<2x128xi32, #tpu.memory_space<vmem>>
        %dma_wait3A_1277 = arith.constant 0 : i32
        %dma_wait3A_1278 = arith.constant 0 : i32
        %dma_wait3A_1279 = tpu.memref_slice %arg3[%dma_wait3A_1277, %dma_wait3A_1278] : memref<12544x128xi32, #tpu.memory_space<hbm>> -> memref<2x128xi32, #tpu.memory_space<hbm>>
        %dma_wait3A_1280 = arith.constant 0 : i32
        %dma_wait3A_1281 = arith.constant 0 : i32
        %dma_wait3A_1282 = tpu.memref_slice %arg7[%dma_wait3A_1272, %dma_wait3A_1280, %dma_wait3A_1281] : memref<4x2x128xi32, #tpu.memory_space<vmem>> -> memref<1x2x128xi32, #tpu.memory_space<vmem>>
        %dma_wait3A_1283 = tpu.memref_squeeze %dma_wait3A_1282 : memref<1x2x128xi32, #tpu.memory_space<vmem>> -> memref<2x128xi32, #tpu.memory_space<vmem>>
        %dma_wait3A_1284 = arith.constant 0 : i32
        %dma_wait3A_1285 = arith.constant 0 : i32
        %dma_wait3A_1286 = tpu.memref_slice %arg3[%dma_wait3A_1284, %dma_wait3A_1285] : memref<12544x128xi32, #tpu.memory_space<hbm>> -> memref<2x128xi32, #tpu.memory_space<hbm>>
        tpu.wait_dma2 semaphore(%arg12 : memref<!tpu.dma_semaphore, #tpu.memory_space<semaphore_mem>>) src(%dma_wait3A_1286 : memref<2x128xi32, #tpu.memory_space<hbm>>) dst(%dma_wait3A_1283 : memref<2x128xi32, #tpu.memory_space<vmem>>)
        %dma_wait3A_1287 = arith.constant 0 : i32
        %dma_wait3A_1288 = arith.constant 0 : i32
        %dma_wait3A_1289 = arith.constant 0 : i32
        %dma_wait3A_1290 = tpu.memref_slice %arg8[%dma_wait3A_1287, %dma_wait3A_1288, %dma_wait3A_1289] : memref<4x2x128xi32, #tpu.memory_space<vmem>> -> memref<1x2x128xi32, #tpu.memory_space<vmem>>
        %dma_wait3A_1291 = tpu.memref_squeeze %dma_wait3A_1290 : memref<1x2x128xi32, #tpu.memory_space<vmem>> -> memref<2x128xi32, #tpu.memory_space<vmem>>
        %dma_wait3A_1292 = arith.constant 0 : i32
        %dma_wait3A_1293 = arith.constant 0 : i32
        %dma_wait3A_1294 = tpu.memref_slice %arg3[%dma_wait3A_1292, %dma_wait3A_1293] : memref<12544x128xi32, #tpu.memory_space<hbm>> -> memref<2x128xi32, #tpu.memory_space<hbm>>
        %dma_wait3A_1295 = arith.constant 0 : i32
        %dma_wait3A_1296 = arith.constant 0 : i32
        %dma_wait3A_1297 = tpu.memref_slice %arg8[%dma_wait3A_1287, %dma_wait3A_1295, %dma_wait3A_1296] : memref<4x2x128xi32, #tpu.memory_space<vmem>> -> memref<1x2x128xi32, #tpu.memory_space<vmem>>
        %dma_wait3A_1298 = tpu.memref_squeeze %dma_wait3A_1297 : memref<1x2x128xi32, #tpu.memory_space<vmem>> -> memref<2x128xi32, #tpu.memory_space<vmem>>
        %dma_wait3A_1299 = arith.constant 0 : i32
        %dma_wait3A_1300 = arith.constant 0 : i32
        %dma_wait3A_1301 = tpu.memref_slice %arg3[%dma_wait3A_1299, %dma_wait3A_1300] : memref<12544x128xi32, #tpu.memory_space<hbm>> -> memref<2x128xi32, #tpu.memory_space<hbm>>
        tpu.wait_dma2 semaphore(%arg12 : memref<!tpu.dma_semaphore, #tpu.memory_space<semaphore_mem>>) src(%dma_wait3A_1301 : memref<2x128xi32, #tpu.memory_space<hbm>>) dst(%dma_wait3A_1298 : memref<2x128xi32, #tpu.memory_space<vmem>>)
        %get3A_1302 = arith.constant 0 : i32
        %get3A_1303 = arith.constant 0 : i32
        %get3A_1304 = arith.index_cast %get3A_1302 : i32 to index
        %get3A_1305 = arith.index_cast %get3A_1303 : i32 to index
        %get3A_1306 = arith.constant 0 : index
        %get3A_1307 = tpu.vector_load %arg7[%get3A_1304, %get3A_1305, %get3A_1306] {strides = array<i32>} : memref<4x2x128xi32, #tpu.memory_space<vmem>>, vector<1x1x16xi32>,
        %get3A_1308 = vector.shape_cast %get3A_1307 : vector<1x1x16xi32> to vector<16xi32>
        %add3A_1309 = vector.broadcast %mul3A_0 : i32 to vector<16xi32>
        %add3A_1310 = arith.addi %get3A_1308, %add3A_1309 : vector<16xi32>
        %swap3A_1311 = arith.constant 0 : i32
        %swap3A_1312 = arith.constant 0 : i32
        %swap3A_1313 = arith.index_cast %swap3A_1311 : i32 to index
        %swap3A_1314 = arith.index_cast %swap3A_1312 : i32 to index
        %swap3A_1315 = arith.constant 0 : index
        %swap3A_1316 = tpu.vector_load %arg7[%swap3A_1313, %swap3A_1314, %swap3A_1315] {strides = array<i32>} : memref<4x2x128xi32, #tpu.memory_space<vmem>>, vector<1x1x16xi32>,
        %swap3A_1317 = vector.shape_cast %swap3A_1316 : vector<1x1x16xi32> to vector<16xi32>
        %swap3A_1318 = vector.shape_cast %add3A_1310 : vector<16xi32> to vector<1x1x16xi32>
        tpu.vector_store %arg7[%swap3A_1313, %swap3A_1314, %swap3A_1315], %swap3A_1318 {strides = array<i32>} : memref<4x2x128xi32, #tpu.memory_space<vmem>>, vector<1x1x16xi32>,
        %get3A_1319 = arith.constant 0 : i32
        %get3A_1320 = arith.constant 0 : i32
        %get3A_1321 = arith.index_cast %get3A_1319 : i32 to index
        %get3A_1322 = arith.index_cast %get3A_1320 : i32 to index
        %get3A_1323 = arith.constant 16 : index
        %get3A_1324 = tpu.vector_load %arg7[%get3A_1321, %get3A_1322, %get3A_1323] {strides = array<i32>} : memref<4x2x128xi32, #tpu.memory_space<vmem>>, vector<1x1x16xi32>,
        %get3A_1325 = vector.shape_cast %get3A_1324 : vector<1x1x16xi32> to vector<16xi32>
        %add3A_1326 = vector.broadcast %mul3A_0 : i32 to vector<16xi32>
        %add3A_1327 = arith.addi %get3A_1325, %add3A_1326 : vector<16xi32>
        %swap3A_1328 = arith.constant 0 : i32
        %swap3A_1329 = arith.constant 0 : i32
        %swap3A_1330 = arith.index_cast %swap3A_1328 : i32 to index
        %swap3A_1331 = arith.index_cast %swap3A_1329 : i32 to index
        %swap3A_1332 = arith.constant 16 : index
        %swap3A_1333 = tpu.vector_load %arg7[%swap3A_1330, %swap3A_1331, %swap3A_1332] {strides = array<i32>} : memref<4x2x128xi32, #tpu.memory_space<vmem>>, vector<1x1x16xi32>,
        %swap3A_1334 = vector.shape_cast %swap3A_1333 : vector<1x1x16xi32> to vector<16xi32>
        %swap3A_1335 = vector.shape_cast %add3A_1327 : vector<16xi32> to vector<1x1x16xi32>
        tpu.vector_store %arg7[%swap3A_1330, %swap3A_1331, %swap3A_1332], %swap3A_1335 {strides = array<i32>} : memref<4x2x128xi32, #tpu.memory_space<vmem>>, vector<1x1x16xi32>,
        %get3A_1336 = arith.constant 0 : i32
        %get3A_1337 = arith.constant 0 : i32
        %get3A_1338 = arith.index_cast %get3A_1336 : i32 to index
        %get3A_1339 = arith.index_cast %get3A_1337 : i32 to index
        %get3A_1340 = arith.constant 32 : index
        %get3A_1341 = tpu.vector_load %arg7[%get3A_1338, %get3A_1339, %get3A_1340] {strides = array<i32>} : memref<4x2x128xi32, #tpu.memory_space<vmem>>, vector<1x1x16xi32>,
        %get3A_1342 = vector.shape_cast %get3A_1341 : vector<1x1x16xi32> to vector<16xi32>
        %add3A_1343 = vector.broadcast %mul3A_0 : i32 to vector<16xi32>
        %add3A_1344 = arith.addi %get3A_1342, %add3A_1343 : vector<16xi32>
        %swap3A_1345 = arith.constant 0 : i32
        %swap3A_1346 = arith.constant 0 : i32
        %swap3A_1347 = arith.index_cast %swap3A_1345 : i32 to index
        %swap3A_1348 = arith.index_cast %swap3A_1346 : i32 to index
        %swap3A_1349 = arith.constant 32 : index
        %swap3A_1350 = tpu.vector_load %arg7[%swap3A_1347, %swap3A_1348, %swap3A_1349] {strides = array<i32>} : memref<4x2x128xi32, #tpu.memory_space<vmem>>, vector<1x1x16xi32>,
        %swap3A_1351 = vector.shape_cast %swap3A_1350 : vector<1x1x16xi32> to vector<16xi32>
        %swap3A_1352 = vector.shape_cast %add3A_1344 : vector<16xi32> to vector<1x1x16xi32>
        tpu.vector_store %arg7[%swap3A_1347, %swap3A_1348, %swap3A_1349], %swap3A_1352 {strides = array<i32>} : memref<4x2x128xi32, #tpu.memory_space<vmem>>, vector<1x1x16xi32>,
        %get3A_1353 = arith.constant 0 : i32
        %get3A_1354 = arith.constant 0 : i32
        %get3A_1355 = arith.index_cast %get3A_1353 : i32 to index
        %get3A_1356 = arith.index_cast %get3A_1354 : i32 to index
        %get3A_1357 = arith.constant 48 : index
        %get3A_1358 = tpu.vector_load %arg7[%get3A_1355, %get3A_1356, %get3A_1357] {strides = array<i32>} : memref<4x2x128xi32, #tpu.memory_space<vmem>>, vector<1x1x16xi32>,
        %get3A_1359 = vector.shape_cast %get3A_1358 : vector<1x1x16xi32> to vector<16xi32>
        %add3A_1360 = vector.broadcast %mul3A_0 : i32 to vector<16xi32>
        %add3A_1361 = arith.addi %get3A_1359, %add3A_1360 : vector<16xi32>
        %swap3A_1362 = arith.constant 0 : i32
        %swap3A_1363 = arith.constant 0 : i32
        %swap3A_1364 = arith.index_cast %swap3A_1362 : i32 to index
        %swap3A_1365 = arith.index_cast %swap3A_1363 : i32 to index
        %swap3A_1366 = arith.constant 48 : index
        %swap3A_1367 = tpu.vector_load %arg7[%swap3A_1364, %swap3A_1365, %swap3A_1366] {strides = array<i32>} : memref<4x2x128xi32, #tpu.memory_space<vmem>>, vector<1x1x16xi32>,
        %swap3A_1368 = vector.shape_cast %swap3A_1367 : vector<1x1x16xi32> to vector<16xi32>
        %swap3A_1369 = vector.shape_cast %add3A_1361 : vector<16xi32> to vector<1x1x16xi32>
        tpu.vector_store %arg7[%swap3A_1364, %swap3A_1365, %swap3A_1366], %swap3A_1369 {strides = array<i32>} : memref<4x2x128xi32, #tpu.memory_space<vmem>>, vector<1x1x16xi32>,
        %get3A_1370 = arith.constant 0 : i32
        %get3A_1371 = arith.constant 0 : i32
        %get3A_1372 = arith.index_cast %get3A_1370 : i32 to index
        %get3A_1373 = arith.index_cast %get3A_1371 : i32 to index
        %get3A_1374 = arith.constant 64 : index
        %get3A_1375 = tpu.vector_load %arg7[%get3A_1372, %get3A_1373, %get3A_1374] {strides = array<i32>} : memref<4x2x128xi32, #tpu.memory_space<vmem>>, vector<1x1x16xi32>,
        %get3A_1376 = vector.shape_cast %get3A_1375 : vector<1x1x16xi32> to vector<16xi32>
        %add3A_1377 = vector.broadcast %mul3A_0 : i32 to vector<16xi32>
        %add3A_1378 = arith.addi %get3A_1376, %add3A_1377 : vector<16xi32>
        %swap3A_1379 = arith.constant 0 : i32
        %swap3A_1380 = arith.constant 0 : i32
        %swap3A_1381 = arith.index_cast %swap3A_1379 : i32 to index
        %swap3A_1382 = arith.index_cast %swap3A_1380 : i32 to index
        %swap3A_1383 = arith.constant 64 : index
        %swap3A_1384 = tpu.vector_load %arg7[%swap3A_1381, %swap3A_1382, %swap3A_1383] {strides = array<i32>} : memref<4x2x128xi32, #tpu.memory_space<vmem>>, vector<1x1x16xi32>,
        %swap3A_1385 = vector.shape_cast %swap3A_1384 : vector<1x1x16xi32> to vector<16xi32>
        %swap3A_1386 = vector.shape_cast %add3A_1378 : vector<16xi32> to vector<1x1x16xi32>
        tpu.vector_store %arg7[%swap3A_1381, %swap3A_1382, %swap3A_1383], %swap3A_1386 {strides = array<i32>} : memref<4x2x128xi32, #tpu.memory_space<vmem>>, vector<1x1x16xi32>,
        %get3A_1387 = arith.constant 0 : i32
        %get3A_1388 = arith.constant 0 : i32
        %get3A_1389 = arith.index_cast %get3A_1387 : i32 to index
        %get3A_1390 = arith.index_cast %get3A_1388 : i32 to index
        %get3A_1391 = arith.constant 80 : index
        %get3A_1392 = tpu.vector_load %arg7[%get3A_1389, %get3A_1390, %get3A_1391] {strides = array<i32>} : memref<4x2x128xi32, #tpu.memory_space<vmem>>, vector<1x1x16xi32>,
        %get3A_1393 = vector.shape_cast %get3A_1392 : vector<1x1x16xi32> to vector<16xi32>
        %add3A_1394 = vector.broadcast %mul3A_0 : i32 to vector<16xi32>
        %add3A_1395 = arith.addi %get3A_1393, %add3A_1394 : vector<16xi32>
        %swap3A_1396 = arith.constant 0 : i32
        %swap3A_1397 = arith.constant 0 : i32
        %swap3A_1398 = arith.index_cast %swap3A_1396 : i32 to index
        %swap3A_1399 = arith.index_cast %swap3A_1397 : i32 to index
        %swap3A_1400 = arith.constant 80 : index
        %swap3A_1401 = tpu.vector_load %arg7[%swap3A_1398, %swap3A_1399, %swap3A_1400] {strides = array<i32>} : memref<4x2x128xi32, #tpu.memory_space<vmem>>, vector<1x1x16xi32>,
        %swap3A_1402 = vector.shape_cast %swap3A_1401 : vector<1x1x16xi32> to vector<16xi32>
        %swap3A_1403 = vector.shape_cast %add3A_1395 : vector<16xi32> to vector<1x1x16xi32>
        tpu.vector_store %arg7[%swap3A_1398, %swap3A_1399, %swap3A_1400], %swap3A_1403 {strides = array<i32>} : memref<4x2x128xi32, #tpu.memory_space<vmem>>, vector<1x1x16xi32>,
        %get3A_1404 = arith.constant 0 : i32
        %get3A_1405 = arith.constant 0 : i32
        %get3A_1406 = arith.index_cast %get3A_1404 : i32 to index
        %get3A_1407 = arith.index_cast %get3A_1405 : i32 to index
        %get3A_1408 = arith.constant 96 : index
        %get3A_1409 = tpu.vector_load %arg7[%get3A_1406, %get3A_1407, %get3A_1408] {strides = array<i32>} : memref<4x2x128xi32, #tpu.memory_space<vmem>>, vector<1x1x16xi32>,
        %get3A_1410 = vector.shape_cast %get3A_1409 : vector<1x1x16xi32> to vector<16xi32>
        %add3A_1411 = vector.broadcast %mul3A_0 : i32 to vector<16xi32>
        %add3A_1412 = arith.addi %get3A_1410, %add3A_1411 : vector<16xi32>
        %swap3A_1413 = arith.constant 0 : i32
        %swap3A_1414 = arith.constant 0 : i32
        %swap3A_1415 = arith.index_cast %swap3A_1413 : i32 to index
        %swap3A_1416 = arith.index_cast %swap3A_1414 : i32 to index
        %swap3A_1417 = arith.constant 96 : index
        %swap3A_1418 = tpu.vector_load %arg7[%swap3A_1415, %swap3A_1416, %swap3A_1417] {strides = array<i32>} : memref<4x2x128xi32, #tpu.memory_space<vmem>>, vector<1x1x16xi32>,
        %swap3A_1419 = vector.shape_cast %swap3A_1418 : vector<1x1x16xi32> to vector<16xi32>
        %swap3A_1420 = vector.shape_cast %add3A_1412 : vector<16xi32> to vector<1x1x16xi32>
        tpu.vector_store %arg7[%swap3A_1415, %swap3A_1416, %swap3A_1417], %swap3A_1420 {strides = array<i32>} : memref<4x2x128xi32, #tpu.memory_space<vmem>>, vector<1x1x16xi32>,
        %get3A_1421 = arith.constant 0 : i32
        %get3A_1422 = arith.constant 0 : i32
        %get3A_1423 = arith.index_cast %get3A_1421 : i32 to index
        %get3A_1424 = arith.index_cast %get3A_1422 : i32 to index
        %get3A_1425 = arith.constant 112 : index
        %get3A_1426 = tpu.vector_load %arg7[%get3A_1423, %get3A_1424, %get3A_1425] {strides = array<i32>} : memref<4x2x128xi32, #tpu.memory_space<vmem>>, vector<1x1x16xi32>,
        %get3A_1427 = vector.shape_cast %get3A_1426 : vector<1x1x16xi32> to vector<16xi32>
        %add3A_1428 = vector.broadcast %mul3A_0 : i32 to vector<16xi32>
        %add3A_1429 = arith.addi %get3A_1427, %add3A_1428 : vector<16xi32>
        %swap3A_1430 = arith.constant 0 : i32
        %swap3A_1431 = arith.constant 0 : i32
        %swap3A_1432 = arith.index_cast %swap3A_1430 : i32 to index
        %swap3A_1433 = arith.index_cast %swap3A_1431 : i32 to index
        %swap3A_1434 = arith.constant 112 : index
        %swap3A_1435 = tpu.vector_load %arg7[%swap3A_1432, %swap3A_1433, %swap3A_1434] {strides = array<i32>} : memref<4x2x128xi32, #tpu.memory_space<vmem>>, vector<1x1x16xi32>,
        %swap3A_1436 = vector.shape_cast %swap3A_1435 : vector<1x1x16xi32> to vector<16xi32>
        %swap3A_1437 = vector.shape_cast %add3A_1429 : vector<16xi32> to vector<1x1x16xi32>
        tpu.vector_store %arg7[%swap3A_1432, %swap3A_1433, %swap3A_1434], %swap3A_1437 {strides = array<i32>} : memref<4x2x128xi32, #tpu.memory_space<vmem>>, vector<1x1x16xi32>,
        %get3A_1438 = arith.constant 0 : i32
        %get3A_1439 = arith.constant 1 : i32
        %get3A_1440 = arith.index_cast %get3A_1438 : i32 to index
        %get3A_1441 = arith.index_cast %get3A_1439 : i32 to index
        %get3A_1442 = arith.constant 0 : index
        %get3A_1443 = tpu.vector_load %arg7[%get3A_1440, %get3A_1441, %get3A_1442] {strides = array<i32>} : memref<4x2x128xi32, #tpu.memory_space<vmem>>, vector<1x1x16xi32>,
        %get3A_1444 = vector.shape_cast %get3A_1443 : vector<1x1x16xi32> to vector<16xi32>
        %add3A_1445 = vector.broadcast %mul3A_0 : i32 to vector<16xi32>
        %add3A_1446 = arith.addi %get3A_1444, %add3A_1445 : vector<16xi32>
        %swap3A_1447 = arith.constant 0 : i32
        %swap3A_1448 = arith.constant 1 : i32
        %swap3A_1449 = arith.index_cast %swap3A_1447 : i32 to index
        %swap3A_1450 = arith.index_cast %swap3A_1448 : i32 to index
        %swap3A_1451 = arith.constant 0 : index
        %swap3A_1452 = tpu.vector_load %arg7[%swap3A_1449, %swap3A_1450, %swap3A_1451] {strides = array<i32>} : memref<4x2x128xi32, #tpu.memory_space<vmem>>, vector<1x1x16xi32>,
        %swap3A_1453 = vector.shape_cast %swap3A_1452 : vector<1x1x16xi32> to vector<16xi32>
        %swap3A_1454 = vector.shape_cast %add3A_1446 : vector<16xi32> to vector<1x1x16xi32>
        tpu.vector_store %arg7[%swap3A_1449, %swap3A_1450, %swap3A_1451], %swap3A_1454 {strides = array<i32>} : memref<4x2x128xi32, #tpu.memory_space<vmem>>, vector<1x1x16xi32>,
        %get3A_1455 = arith.constant 0 : i32
        %get3A_1456 = arith.constant 1 : i32
        %get3A_1457 = arith.index_cast %get3A_1455 : i32 to index
        %get3A_1458 = arith.index_cast %get3A_1456 : i32 to index
        %get3A_1459 = arith.constant 16 : index
        %get3A_1460 = tpu.vector_load %arg7[%get3A_1457, %get3A_1458, %get3A_1459] {strides = array<i32>} : memref<4x2x128xi32, #tpu.memory_space<vmem>>, vector<1x1x16xi32>,
        %get3A_1461 = vector.shape_cast %get3A_1460 : vector<1x1x16xi32> to vector<16xi32>
        %add3A_1462 = vector.broadcast %mul3A_0 : i32 to vector<16xi32>
        %add3A_1463 = arith.addi %get3A_1461, %add3A_1462 : vector<16xi32>
        %swap3A_1464 = arith.constant 0 : i32
        %swap3A_1465 = arith.constant 1 : i32
        %swap3A_1466 = arith.index_cast %swap3A_1464 : i32 to index
        %swap3A_1467 = arith.index_cast %swap3A_1465 : i32 to index
        %swap3A_1468 = arith.constant 16 : index
        %swap3A_1469 = tpu.vector_load %arg7[%swap3A_1466, %swap3A_1467, %swap3A_1468] {strides = array<i32>} : memref<4x2x128xi32, #tpu.memory_space<vmem>>, vector<1x1x16xi32>,
        %swap3A_1470 = vector.shape_cast %swap3A_1469 : vector<1x1x16xi32> to vector<16xi32>
        %swap3A_1471 = vector.shape_cast %add3A_1463 : vector<16xi32> to vector<1x1x16xi32>
        tpu.vector_store %arg7[%swap3A_1466, %swap3A_1467, %swap3A_1468], %swap3A_1471 {strides = array<i32>} : memref<4x2x128xi32, #tpu.memory_space<vmem>>, vector<1x1x16xi32>,
        %get3A_1472 = arith.constant 0 : i32
        %get3A_1473 = arith.constant 1 : i32
        %get3A_1474 = arith.index_cast %get3A_1472 : i32 to index
        %get3A_1475 = arith.index_cast %get3A_1473 : i32 to index
        %get3A_1476 = arith.constant 32 : index
        %get3A_1477 = tpu.vector_load %arg7[%get3A_1474, %get3A_1475, %get3A_1476] {strides = array<i32>} : memref<4x2x128xi32, #tpu.memory_space<vmem>>, vector<1x1x16xi32>,
        %get3A_1478 = vector.shape_cast %get3A_1477 : vector<1x1x16xi32> to vector<16xi32>
        %add3A_1479 = vector.broadcast %mul3A_0 : i32 to vector<16xi32>
        %add3A_1480 = arith.addi %get3A_1478, %add3A_1479 : vector<16xi32>
        %swap3A_1481 = arith.constant 0 : i32
        %swap3A_1482 = arith.constant 1 : i32
        %swap3A_1483 = arith.index_cast %swap3A_1481 : i32 to index
        %swap3A_1484 = arith.index_cast %swap3A_1482 : i32 to index
        %swap3A_1485 = arith.constant 32 : index
        %swap3A_1486 = tpu.vector_load %arg7[%swap3A_1483, %swap3A_1484, %swap3A_1485] {strides = array<i32>} : memref<4x2x128xi32, #tpu.memory_space<vmem>>, vector<1x1x16xi32>,
        %swap3A_1487 = vector.shape_cast %swap3A_1486 : vector<1x1x16xi32> to vector<16xi32>
        %swap3A_1488 = vector.shape_cast %add3A_1480 : vector<16xi32> to vector<1x1x16xi32>
        tpu.vector_store %arg7[%swap3A_1483, %swap3A_1484, %swap3A_1485], %swap3A_1488 {strides = array<i32>} : memref<4x2x128xi32, #tpu.memory_space<vmem>>, vector<1x1x16xi32>,
        %get3A_1489 = arith.constant 0 : i32
        %get3A_1490 = arith.constant 1 : i32
        %get3A_1491 = arith.index_cast %get3A_1489 : i32 to index
        %get3A_1492 = arith.index_cast %get3A_1490 : i32 to index
        %get3A_1493 = arith.constant 48 : index
        %get3A_1494 = tpu.vector_load %arg7[%get3A_1491, %get3A_1492, %get3A_1493] {strides = array<i32>} : memref<4x2x128xi32, #tpu.memory_space<vmem>>, vector<1x1x16xi32>,
        %get3A_1495 = vector.shape_cast %get3A_1494 : vector<1x1x16xi32> to vector<16xi32>
        %add3A_1496 = vector.broadcast %mul3A_0 : i32 to vector<16xi32>
        %add3A_1497 = arith.addi %get3A_1495, %add3A_1496 : vector<16xi32>
        %swap3A_1498 = arith.constant 0 : i32
        %swap3A_1499 = arith.constant 1 : i32
        %swap3A_1500 = arith.index_cast %swap3A_1498 : i32 to index
        %swap3A_1501 = arith.index_cast %swap3A_1499 : i32 to index
        %swap3A_1502 = arith.constant 48 : index
        %swap3A_1503 = tpu.vector_load %arg7[%swap3A_1500, %swap3A_1501, %swap3A_1502] {strides = array<i32>} : memref<4x2x128xi32, #tpu.memory_space<vmem>>, vector<1x1x16xi32>,
        %swap3A_1504 = vector.shape_cast %swap3A_1503 : vector<1x1x16xi32> to vector<16xi32>
        %swap3A_1505 = vector.shape_cast %add3A_1497 : vector<16xi32> to vector<1x1x16xi32>
        tpu.vector_store %arg7[%swap3A_1500, %swap3A_1501, %swap3A_1502], %swap3A_1505 {strides = array<i32>} : memref<4x2x128xi32, #tpu.memory_space<vmem>>, vector<1x1x16xi32>,
        %get3A_1506 = arith.constant 0 : i32
        %get3A_1507 = arith.constant 1 : i32
        %get3A_1508 = arith.index_cast %get3A_1506 : i32 to index
        %get3A_1509 = arith.index_cast %get3A_1507 : i32 to index
        %get3A_1510 = arith.constant 64 : index
        %get3A_1511 = tpu.vector_load %arg7[%get3A_1508, %get3A_1509, %get3A_1510] {strides = array<i32>} : memref<4x2x128xi32, #tpu.memory_space<vmem>>, vector<1x1x16xi32>,
        %get3A_1512 = vector.shape_cast %get3A_1511 : vector<1x1x16xi32> to vector<16xi32>
        %add3A_1513 = vector.broadcast %mul3A_0 : i32 to vector<16xi32>
        %add3A_1514 = arith.addi %get3A_1512, %add3A_1513 : vector<16xi32>
        %swap3A_1515 = arith.constant 0 : i32
        %swap3A_1516 = arith.constant 1 : i32
        %swap3A_1517 = arith.index_cast %swap3A_1515 : i32 to index
        %swap3A_1518 = arith.index_cast %swap3A_1516 : i32 to index
        %swap3A_1519 = arith.constant 64 : index
        %swap3A_1520 = tpu.vector_load %arg7[%swap3A_1517, %swap3A_1518, %swap3A_1519] {strides = array<i32>} : memref<4x2x128xi32, #tpu.memory_space<vmem>>, vector<1x1x16xi32>,
        %swap3A_1521 = vector.shape_cast %swap3A_1520 : vector<1x1x16xi32> to vector<16xi32>
        %swap3A_1522 = vector.shape_cast %add3A_1514 : vector<16xi32> to vector<1x1x16xi32>
        tpu.vector_store %arg7[%swap3A_1517, %swap3A_1518, %swap3A_1519], %swap3A_1522 {strides = array<i32>} : memref<4x2x128xi32, #tpu.memory_space<vmem>>, vector<1x1x16xi32>,
        %get3A_1523 = arith.constant 0 : i32
        %get3A_1524 = arith.constant 1 : i32
        %get3A_1525 = arith.index_cast %get3A_1523 : i32 to index
        %get3A_1526 = arith.index_cast %get3A_1524 : i32 to index
        %get3A_1527 = arith.constant 80 : index
        %get3A_1528 = tpu.vector_load %arg7[%get3A_1525, %get3A_1526, %get3A_1527] {strides = array<i32>} : memref<4x2x128xi32, #tpu.memory_space<vmem>>, vector<1x1x16xi32>,
        %get3A_1529 = vector.shape_cast %get3A_1528 : vector<1x1x16xi32> to vector<16xi32>
        %add3A_1530 = vector.broadcast %mul3A_0 : i32 to vector<16xi32>
        %add3A_1531 = arith.addi %get3A_1529, %add3A_1530 : vector<16xi32>
        %swap3A_1532 = arith.constant 0 : i32
        %swap3A_1533 = arith.constant 1 : i32
        %swap3A_1534 = arith.index_cast %swap3A_1532 : i32 to index
        %swap3A_1535 = arith.index_cast %swap3A_1533 : i32 to index
        %swap3A_1536 = arith.constant 80 : index
        %swap3A_1537 = tpu.vector_load %arg7[%swap3A_1534, %swap3A_1535, %swap3A_1536] {strides = array<i32>} : memref<4x2x128xi32, #tpu.memory_space<vmem>>, vector<1x1x16xi32>,
        %swap3A_1538 = vector.shape_cast %swap3A_1537 : vector<1x1x16xi32> to vector<16xi32>
        %swap3A_1539 = vector.shape_cast %add3A_1531 : vector<16xi32> to vector<1x1x16xi32>
        tpu.vector_store %arg7[%swap3A_1534, %swap3A_1535, %swap3A_1536], %swap3A_1539 {strides = array<i32>} : memref<4x2x128xi32, #tpu.memory_space<vmem>>, vector<1x1x16xi32>,
        %get3A_1540 = arith.constant 0 : i32
        %get3A_1541 = arith.constant 1 : i32
        %get3A_1542 = arith.index_cast %get3A_1540 : i32 to index
        %get3A_1543 = arith.index_cast %get3A_1541 : i32 to index
        %get3A_1544 = arith.constant 96 : index
        %get3A_1545 = tpu.vector_load %arg7[%get3A_1542, %get3A_1543, %get3A_1544] {strides = array<i32>} : memref<4x2x128xi32, #tpu.memory_space<vmem>>, vector<1x1x16xi32>,
        %get3A_1546 = vector.shape_cast %get3A_1545 : vector<1x1x16xi32> to vector<16xi32>
        %add3A_1547 = vector.broadcast %mul3A_0 : i32 to vector<16xi32>
        %add3A_1548 = arith.addi %get3A_1546, %add3A_1547 : vector<16xi32>
        %swap3A_1549 = arith.constant 0 : i32
        %swap3A_1550 = arith.constant 1 : i32
        %swap3A_1551 = arith.index_cast %swap3A_1549 : i32 to index
        %swap3A_1552 = arith.index_cast %swap3A_1550 : i32 to index
        %swap3A_1553 = arith.constant 96 : index
        %swap3A_1554 = tpu.vector_load %arg7[%swap3A_1551, %swap3A_1552, %swap3A_1553] {strides = array<i32>} : memref<4x2x128xi32, #tpu.memory_space<vmem>>, vector<1x1x16xi32>,
        %swap3A_1555 = vector.shape_cast %swap3A_1554 : vector<1x1x16xi32> to vector<16xi32>
        %swap3A_1556 = vector.shape_cast %add3A_1548 : vector<16xi32> to vector<1x1x16xi32>
        tpu.vector_store %arg7[%swap3A_1551, %swap3A_1552, %swap3A_1553], %swap3A_1556 {strides = array<i32>} : memref<4x2x128xi32, #tpu.memory_space<vmem>>, vector<1x1x16xi32>,
        %get3A_1557 = arith.constant 0 : i32
        %get3A_1558 = arith.constant 1 : i32
        %get3A_1559 = arith.index_cast %get3A_1557 : i32 to index
        %get3A_1560 = arith.index_cast %get3A_1558 : i32 to index
        %get3A_1561 = arith.constant 112 : index
        %get3A_1562 = tpu.vector_load %arg7[%get3A_1559, %get3A_1560, %get3A_1561] {strides = array<i32>} : memref<4x2x128xi32, #tpu.memory_space<vmem>>, vector<1x1x16xi32>,
        %get3A_1563 = vector.shape_cast %get3A_1562 : vector<1x1x16xi32> to vector<16xi32>
        %add3A_1564 = vector.broadcast %mul3A_0 : i32 to vector<16xi32>
        %add3A_1565 = arith.addi %get3A_1563, %add3A_1564 : vector<16xi32>
        %swap3A_1566 = arith.constant 0 : i32
        %swap3A_1567 = arith.constant 1 : i32
        %swap3A_1568 = arith.index_cast %swap3A_1566 : i32 to index
        %swap3A_1569 = arith.index_cast %swap3A_1567 : i32 to index
        %swap3A_1570 = arith.constant 112 : index
        %swap3A_1571 = tpu.vector_load %arg7[%swap3A_1568, %swap3A_1569, %swap3A_1570] {strides = array<i32>} : memref<4x2x128xi32, #tpu.memory_space<vmem>>, vector<1x1x16xi32>,
        %swap3A_1572 = vector.shape_cast %swap3A_1571 : vector<1x1x16xi32> to vector<16xi32>
        %swap3A_1573 = vector.shape_cast %add3A_1565 : vector<16xi32> to vector<1x1x16xi32>
        tpu.vector_store %arg7[%swap3A_1568, %swap3A_1569, %swap3A_1570], %swap3A_1573 {strides = array<i32>} : memref<4x2x128xi32, #tpu.memory_space<vmem>>, vector<1x1x16xi32>,
      } else {
      }
      %dma_wait3A_1110 = arith.constant 0 : i32
      %dma_wait3A_1111 = arith.constant 0 : i32
      %dma_wait3A_1112 = arith.constant 0 : i32
      %dma_wait3A_1113 = arith.constant 0 : i32
      %dma_wait3A_1114 = tpu.memref_slice %arg9[%dma_wait3A_1110, %dma_wait3A_1111, %dma_wait3A_1112, %dma_wait3A_1113] : memref<2x2x128x32xf32, #tpu.memory_space<vmem>> -> memref<1x1x128x32xf32, #tpu.memory_space<vmem>>
      %dma_wait3A_1115 = tpu.memref_squeeze %dma_wait3A_1114 : memref<1x1x128x32xf32, #tpu.memory_space<vmem>> -> memref<128x32xf32, #tpu.memory_space<vmem>>
      %dma_wait3A_1116 = arith.constant 0 : i32
      %dma_wait3A_1117 = arith.constant 0 : i32
      %dma_wait3A_1118 = tpu.memref_slice %arg2[%dma_wait3A_1116, %dma_wait3A_1117] : memref<100352x32xf32, #tpu.memory_space<hbm>> -> memref<128x32xf32, #tpu.memory_space<hbm>>
      %dma_wait3A_1119 = arith.constant 0 : i32
      %dma_wait3A_1120 = arith.constant 0 : i32
      %dma_wait3A_1121 = tpu.memref_slice %arg9[%dma_wait3A_1110, %dma_wait3A_1111, %dma_wait3A_1119, %dma_wait3A_1120] : memref<2x2x128x32xf32, #tpu.memory_space<vmem>> -> memref<1x1x128x32xf32, #tpu.memory_space<vmem>>
      %dma_wait3A_1122 = tpu.memref_squeeze %dma_wait3A_1121 : memref<1x1x128x32xf32, #tpu.memory_space<vmem>> -> memref<128x32xf32, #tpu.memory_space<vmem>>
      %dma_wait3A_1123 = arith.constant 0 : i32
      %dma_wait3A_1124 = arith.constant 0 : i32
      %dma_wait3A_1125 = tpu.memref_slice %arg2[%dma_wait3A_1123, %dma_wait3A_1124] : memref<100352x32xf32, #tpu.memory_space<hbm>> -> memref<128x32xf32, #tpu.memory_space<hbm>>
      tpu.wait_dma2 semaphore(%arg16 : memref<!tpu.dma_semaphore, #tpu.memory_space<semaphore_mem>>) src(%dma_wait3A_1125 : memref<128x32xf32, #tpu.memory_space<hbm>>) dst(%dma_wait3A_1122 : memref<128x32xf32, #tpu.memory_space<vmem>>)
      %dma_wait3A_1126 = arith.constant 0 : i32
      %dma_wait3A_1127 = arith.constant 1 : i32
      %dma_wait3A_1128 = arith.constant 0 : i32
      %dma_wait3A_1129 = arith.constant 0 : i32
      %dma_wait3A_1130 = tpu.memref_slice %arg9[%dma_wait3A_1126, %dma_wait3A_1127, %dma_wait3A_1128, %dma_wait3A_1129] : memref<2x2x128x32xf32, #tpu.memory_space<vmem>> -> memref<1x1x128x32xf32, #tpu.memory_space<vmem>>
      %dma_wait3A_1131 = tpu.memref_squeeze %dma_wait3A_1130 : memref<1x1x128x32xf32, #tpu.memory_space<vmem>> -> memref<128x32xf32, #tpu.memory_space<vmem>>
      %dma_wait3A_1132 = arith.constant 0 : i32
      %dma_wait3A_1133 = arith.constant 0 : i32
      %dma_wait3A_1134 = tpu.memref_slice %arg2[%dma_wait3A_1132, %dma_wait3A_1133] : memref<100352x32xf32, #tpu.memory_space<hbm>> -> memref<128x32xf32, #tpu.memory_space<hbm>>
      %dma_wait3A_1135 = arith.constant 0 : i32
      %dma_wait3A_1136 = arith.constant 0 : i32
      %dma_wait3A_1137 = tpu.memref_slice %arg9[%dma_wait3A_1126, %dma_wait3A_1127, %dma_wait3A_1135, %dma_wait3A_1136] : memref<2x2x128x32xf32, #tpu.memory_space<vmem>> -> memref<1x1x128x32xf32, #tpu.memory_space<vmem>>
      %dma_wait3A_1138 = tpu.memref_squeeze %dma_wait3A_1137 : memref<1x1x128x32xf32, #tpu.memory_space<vmem>> -> memref<128x32xf32, #tpu.memory_space<vmem>>
      %dma_wait3A_1139 = arith.constant 0 : i32
      %dma_wait3A_1140 = arith.constant 0 : i32
      %dma_wait3A_1141 = tpu.memref_slice %arg2[%dma_wait3A_1139, %dma_wait3A_1140] : memref<100352x32xf32, #tpu.memory_space<hbm>> -> memref<128x32xf32, #tpu.memory_space<hbm>>
      tpu.wait_dma2 semaphore(%arg16 : memref<!tpu.dma_semaphore, #tpu.memory_space<semaphore_mem>>) src(%dma_wait3A_1141 : memref<128x32xf32, #tpu.memory_space<hbm>>) dst(%dma_wait3A_1138 : memref<128x32xf32, #tpu.memory_space<vmem>>)
      %add3A_1142 = arith.constant 4 : i32
      %add3A_1143 = arith.addi %add3A_1042, %add3A_1142 : i32
      %lt3A_1144 = arith.constant 392 : i32
      %lt3A_1145 = arith.cmpi slt, %add3A_1143, %lt3A_1144 : i32
      %convert_element_type3A_1146 = arith.extui %lt3A_1145 : i1 to i32
      %cond3A_1147 = arith.constant 0 : i32
      %cond3A_1148 = arith.cmpi ne, %convert_element_type3A_1146, %cond3A_1147 : i32
      scf.if %cond3A_1148 {
        %add3A_1272 = arith.constant 4 : i32
        %add3A_1273 = arith.addi %add3A_1042, %add3A_1272 : i32
        %mul3A_1274 = arith.constant 784 : i32
        %mul3A_1275 = arith.muli %arg1, %mul3A_1274 : i32
        %mul3A_1276 = arith.constant 2 : i32
        %mul3A_1277 = arith.muli %add3A_1273, %mul3A_1276 : i32
        %add3A_1278 = arith.addi %mul3A_1275, %mul3A_1277 : i32
        %dma_start3A_1279 = arith.constant 2 : i32
        %dma_start3A_1280 = arith.constant 0 : i32
        %dma_start3A_1281 = arith.constant 0 : i32
        %dma_start3A_1282 = tpu.memref_slice %arg7[%dma_start3A_1279, %dma_start3A_1280, %dma_start3A_1281] : memref<4x2x128xi32, #tpu.memory_space<vmem>> -> memref<1x2x128xi32, #tpu.memory_space<vmem>>
        %dma_start3A_1283 = tpu.memref_squeeze %dma_start3A_1282 : memref<1x2x128xi32, #tpu.memory_space<vmem>> -> memref<2x128xi32, #tpu.memory_space<vmem>>
        %dma_start3A_1284 = arith.constant 0 : i32
        %dma_start3A_1285 = tpu.memref_slice %arg3[%add3A_1278, %dma_start3A_1284] : memref<12544x128xi32, #tpu.memory_space<hbm>> -> memref<2x128xi32, #tpu.memory_space<hbm>>
        %dma_start3A_1286 = arith.constant 0 : i32
        %dma_start3A_1287 = arith.constant 0 : i32
        %dma_start3A_1288 = tpu.memref_slice %arg7[%dma_start3A_1279, %dma_start3A_1286, %dma_start3A_1287] : memref<4x2x128xi32, #tpu.memory_space<vmem>> -> memref<1x2x128xi32, #tpu.memory_space<vmem>>
        %dma_start3A_1289 = tpu.memref_squeeze %dma_start3A_1288 : memref<1x2x128xi32, #tpu.memory_space<vmem>> -> memref<2x128xi32, #tpu.memory_space<vmem>>
        %dma_start3A_1290 = arith.constant 0 : i32
        %dma_start3A_1291 = tpu.memref_slice %arg3[%add3A_1278, %dma_start3A_1290] : memref<12544x128xi32, #tpu.memory_space<hbm>> -> memref<2x128xi32, #tpu.memory_space<hbm>>
        tpu.enqueue_dma source(%dma_start3A_1291 : memref<2x128xi32, #tpu.memory_space<hbm>>) target(%dma_start3A_1289 : memref<2x128xi32, #tpu.memory_space<vmem>>) target_semaphore(%arg14 : memref<!tpu.dma_semaphore, #tpu.memory_space<semaphore_mem>>)
        %mul3A_1292 = arith.constant 784 : i32
        %mul3A_1293 = arith.muli %arg1, %mul3A_1292 : i32
        %mul3A_1294 = arith.constant 2 : i32
        %mul3A_1295 = arith.muli %add3A_1273, %mul3A_1294 : i32
        %add3A_1296 = arith.addi %mul3A_1293, %mul3A_1295 : i32
        %dma_start3A_1297 = arith.constant 2 : i32
        %dma_start3A_1298 = arith.constant 0 : i32
        %dma_start3A_1299 = arith.constant 0 : i32
        %dma_start3A_1300 = tpu.memref_slice %arg8[%dma_start3A_1297, %dma_start3A_1298, %dma_start3A_1299] : memref<4x2x128xi32, #tpu.memory_space<vmem>> -> memref<1x2x128xi32, #tpu.memory_space<vmem>>
        %dma_start3A_1301 = tpu.memref_squeeze %dma_start3A_1300 : memref<1x2x128xi32, #tpu.memory_space<vmem>> -> memref<2x128xi32, #tpu.memory_space<vmem>>
        %dma_start3A_1302 = arith.constant 0 : i32
        %dma_start3A_1303 = tpu.memref_slice %arg4[%add3A_1296, %dma_start3A_1302] : memref<12544x128xi32, #tpu.memory_space<hbm>> -> memref<2x128xi32, #tpu.memory_space<hbm>>
        %dma_start3A_1304 = arith.constant 0 : i32
        %dma_start3A_1305 = arith.constant 0 : i32
        %dma_start3A_1306 = tpu.memref_slice %arg8[%dma_start3A_1297, %dma_start3A_1304, %dma_start3A_1305] : memref<4x2x128xi32, #tpu.memory_space<vmem>> -> memref<1x2x128xi32, #tpu.memory_space<vmem>>
        %dma_start3A_1307 = tpu.memref_squeeze %dma_start3A_1306 : memref<1x2x128xi32, #tpu.memory_space<vmem>> -> memref<2x128xi32, #tpu.memory_space<vmem>>
        %dma_start3A_1308 = arith.constant 0 : i32
        %dma_start3A_1309 = tpu.memref_slice %arg4[%add3A_1296, %dma_start3A_1308] : memref<12544x128xi32, #tpu.memory_space<hbm>> -> memref<2x128xi32, #tpu.memory_space<hbm>>
        tpu.enqueue_dma source(%dma_start3A_1309 : memref<2x128xi32, #tpu.memory_space<hbm>>) target(%dma_start3A_1307 : memref<2x128xi32, #tpu.memory_space<vmem>>) target_semaphore(%arg14 : memref<!tpu.dma_semaphore, #tpu.memory_space<semaphore_mem>>)
      } else {
      }
      %add3A_1149 = arith.constant 2 : i32
      %add3A_1150 = arith.addi %add3A_1042, %add3A_1149 : i32
      %lt3A_1151 = arith.constant 392 : i32
      %lt3A_1152 = arith.cmpi slt, %add3A_1150, %lt3A_1151 : i32
      %convert_element_type3A_1153 = arith.extui %lt3A_1152 : i1 to i32
      %cond3A_1154 = arith.constant 0 : i32
      %cond3A_1155 = arith.cmpi ne, %convert_element_type3A_1153, %cond3A_1154 : i32
      scf.if %cond3A_1155 {
        %dma_start3A_1272 = arith.constant 0 : i32
        %dma_start3A_1273 = arith.constant 0 : i32
        %dma_start3A_1274 = arith.constant 0 : i32
        %dma_start3A_1275 = arith.constant 0 : i32
        %dma_start3A_1276 = arith.constant 0 : i32
        %dma_start3A_1277 = arith.constant 0 : i32
        %dma_start3A_1278 = tpu.memref_slice %arg9[%dma_start3A_1274, %dma_start3A_1275, %dma_start3A_1276, %dma_start3A_1277] : memref<2x2x128x32xf32, #tpu.memory_space<vmem>> -> memref<1x1x128x32xf32, #tpu.memory_space<vmem>>
        %dma_start3A_1279 = tpu.memref_squeeze %dma_start3A_1278 : memref<1x1x128x32xf32, #tpu.memory_space<vmem>> -> memref<128x32xf32, #tpu.memory_space<vmem>>
        %dma_start3A_1280 = arith.constant 0 : i32
        %dma_start3A_1281 = tpu.memref_slice %arg7[%dma_start3A_1272, %dma_start3A_1273, %dma_start3A_1280] : memref<4x2x128xi32, #tpu.memory_space<vmem>> -> memref<1x1x128xi32, #tpu.memory_space<vmem>>
        %dma_start3A_1282 = tpu.memref_squeeze %dma_start3A_1281 : memref<1x1x128xi32, #tpu.memory_space<vmem>> -> memref<128xi32, #tpu.memory_space<vmem>>
        %dma_start3A_1283 = arith.constant 0 : i32
        %dma_start3A_1284 = arith.constant 0 : i32
        %dma_start3A_1285 = tpu.memref_slice %arg2[%dma_start3A_1283, %dma_start3A_1284] : memref<100352x32xf32, #tpu.memory_space<hbm>> -> memref<100352x32xf32, #tpu.memory_space<hbm>>
        tpu.enqueue_indirect_dma source(%dma_start3A_1285 : memref<100352x32xf32, #tpu.memory_space<hbm>>) target(%dma_start3A_1279 : memref<128x32xf32, #tpu.memory_space<vmem>>) offsets(%dma_start3A_1282 : memref<128xi32, #tpu.memory_space<vmem>>) semaphore(%arg10 : memref<!tpu.dma_semaphore, #tpu.memory_space<semaphore_mem>>)
        %dma_start3A_1286 = arith.constant 0 : i32
        %dma_start3A_1287 = arith.constant 1 : i32
        %dma_start3A_1288 = arith.constant 0 : i32
        %dma_start3A_1289 = arith.constant 1 : i32
        %dma_start3A_1290 = arith.constant 0 : i32
        %dma_start3A_1291 = arith.constant 0 : i32
        %dma_start3A_1292 = tpu.memref_slice %arg9[%dma_start3A_1288, %dma_start3A_1289, %dma_start3A_1290, %dma_start3A_1291] : memref<2x2x128x32xf32, #tpu.memory_space<vmem>> -> memref<1x1x128x32xf32, #tpu.memory_space<vmem>>
        %dma_start3A_1293 = tpu.memref_squeeze %dma_start3A_1292 : memref<1x1x128x32xf32, #tpu.memory_space<vmem>> -> memref<128x32xf32, #tpu.memory_space<vmem>>
        %dma_start3A_1294 = arith.constant 0 : i32
        %dma_start3A_1295 = tpu.memref_slice %arg7[%dma_start3A_1286, %dma_start3A_1287, %dma_start3A_1294] : memref<4x2x128xi32, #tpu.memory_space<vmem>> -> memref<1x1x128xi32, #tpu.memory_space<vmem>>
        %dma_start3A_1296 = tpu.memref_squeeze %dma_start3A_1295 : memref<1x1x128xi32, #tpu.memory_space<vmem>> -> memref<128xi32, #tpu.memory_space<vmem>>
        %dma_start3A_1297 = arith.constant 0 : i32
        %dma_start3A_1298 = arith.constant 0 : i32
        %dma_start3A_1299 = tpu.memref_slice %arg2[%dma_start3A_1297, %dma_start3A_1298] : memref<100352x32xf32, #tpu.memory_space<hbm>> -> memref<100352x32xf32, #tpu.memory_space<hbm>>
        tpu.enqueue_indirect_dma source(%dma_start3A_1299 : memref<100352x32xf32, #tpu.memory_space<hbm>>) target(%dma_start3A_1293 : memref<128x32xf32, #tpu.memory_space<vmem>>) offsets(%dma_start3A_1296 : memref<128xi32, #tpu.memory_space<vmem>>) semaphore(%arg10 : memref<!tpu.dma_semaphore, #tpu.memory_space<semaphore_mem>>)
      } else {
      }
      %add3A_1156 = arith.constant 3 : i32
      %add3A_1157 = arith.addi %mul3A_813, %add3A_1156 : i32
      %dma_wait3A_1158 = arith.constant 1 : i32
      %dma_wait3A_1159 = arith.constant 0 : i32
      %dma_wait3A_1160 = arith.constant 0 : i32
      %dma_wait3A_1161 = arith.constant 0 : i32
      %dma_wait3A_1162 = tpu.memref_slice %arg9[%dma_wait3A_1158, %dma_wait3A_1159, %dma_wait3A_1160, %dma_wait3A_1161] : memref<2x2x128x32xf32, #tpu.memory_space<vmem>> -> memref<1x1x128x32xf32, #tpu.memory_space<vmem>>
      %dma_wait3A_1163 = tpu.memref_squeeze %dma_wait3A_1162 : memref<1x1x128x32xf32, #tpu.memory_space<vmem>> -> memref<128x32xf32, #tpu.memory_space<vmem>>
      %dma_wait3A_1164 = arith.constant 0 : i32
      %dma_wait3A_1165 = arith.constant 0 : i32
      %dma_wait3A_1166 = tpu.memref_slice %arg2[%dma_wait3A_1164, %dma_wait3A_1165] : memref<100352x32xf32, #tpu.memory_space<hbm>> -> memref<128x32xf32, #tpu.memory_space<hbm>>
      %dma_wait3A_1167 = arith.constant 0 : i32
      %dma_wait3A_1168 = arith.constant 0 : i32
      %dma_wait3A_1169 = tpu.memref_slice %arg9[%dma_wait3A_1158, %dma_wait3A_1159, %dma_wait3A_1167, %dma_wait3A_1168] : memref<2x2x128x32xf32, #tpu.memory_space<vmem>> -> memref<1x1x128x32xf32, #tpu.memory_space<vmem>>
      %dma_wait3A_1170 = tpu.memref_squeeze %dma_wait3A_1169 : memref<1x1x128x32xf32, #tpu.memory_space<vmem>> -> memref<128x32xf32, #tpu.memory_space<vmem>>
      %dma_wait3A_1171 = arith.constant 0 : i32
      %dma_wait3A_1172 = arith.constant 0 : i32
      %dma_wait3A_1173 = tpu.memref_slice %arg2[%dma_wait3A_1171, %dma_wait3A_1172] : memref<100352x32xf32, #tpu.memory_space<hbm>> -> memref<128x32xf32, #tpu.memory_space<hbm>>
      tpu.wait_dma2 semaphore(%arg11 : memref<!tpu.dma_semaphore, #tpu.memory_space<semaphore_mem>>) src(%dma_wait3A_1173 : memref<128x32xf32, #tpu.memory_space<hbm>>) dst(%dma_wait3A_1170 : memref<128x32xf32, #tpu.memory_space<vmem>>)
      %dma_wait3A_1174 = arith.constant 1 : i32
      %dma_wait3A_1175 = arith.constant 1 : i32
      %dma_wait3A_1176 = arith.constant 0 : i32
      %dma_wait3A_1177 = arith.constant 0 : i32
      %dma_wait3A_1178 = tpu.memref_slice %arg9[%dma_wait3A_1174, %dma_wait3A_1175, %dma_wait3A_1176, %dma_wait3A_1177] : memref<2x2x128x32xf32, #tpu.memory_space<vmem>> -> memref<1x1x128x32xf32, #tpu.memory_space<vmem>>
      %dma_wait3A_1179 = tpu.memref_squeeze %dma_wait3A_1178 : memref<1x1x128x32xf32, #tpu.memory_space<vmem>> -> memref<128x32xf32, #tpu.memory_space<vmem>>
      %dma_wait3A_1180 = arith.constant 0 : i32
      %dma_wait3A_1181 = arith.constant 0 : i32
      %dma_wait3A_1182 = tpu.memref_slice %arg2[%dma_wait3A_1180, %dma_wait3A_1181] : memref<100352x32xf32, #tpu.memory_space<hbm>> -> memref<128x32xf32, #tpu.memory_space<hbm>>
      %dma_wait3A_1183 = arith.constant 0 : i32
      %dma_wait3A_1184 = arith.constant 0 : i32
      %dma_wait3A_1185 = tpu.memref_slice %arg9[%dma_wait3A_1174, %dma_wait3A_1175, %dma_wait3A_1183, %dma_wait3A_1184] : memref<2x2x128x32xf32, #tpu.memory_space<vmem>> -> memref<1x1x128x32xf32, #tpu.memory_space<vmem>>
      %dma_wait3A_1186 = tpu.memref_squeeze %dma_wait3A_1185 : memref<1x1x128x32xf32, #tpu.memory_space<vmem>> -> memref<128x32xf32, #tpu.memory_space<vmem>>
      %dma_wait3A_1187 = arith.constant 0 : i32
      %dma_wait3A_1188 = arith.constant 0 : i32
      %dma_wait3A_1189 = tpu.memref_slice %arg2[%dma_wait3A_1187, %dma_wait3A_1188] : memref<100352x32xf32, #tpu.memory_space<hbm>> -> memref<128x32xf32, #tpu.memory_space<hbm>>
      tpu.wait_dma2 semaphore(%arg11 : memref<!tpu.dma_semaphore, #tpu.memory_space<semaphore_mem>>) src(%dma_wait3A_1189 : memref<128x32xf32, #tpu.memory_space<hbm>>) dst(%dma_wait3A_1186 : memref<128x32xf32, #tpu.memory_space<vmem>>)
      %dma_start3A_1190 = arith.constant 1 : i32
      %dma_start3A_1191 = arith.constant 0 : i32
      %dma_start3A_1192 = arith.constant 3 : i32
      %dma_start3A_1193 = arith.constant 0 : i32
      %dma_start3A_1194 = arith.constant 0 : i32
      %dma_start3A_1195 = arith.constant 0 : i32
      %dma_start3A_1196 = tpu.memref_slice %arg9[%dma_start3A_1190, %dma_start3A_1191, %dma_start3A_1194, %dma_start3A_1195] : memref<2x2x128x32xf32, #tpu.memory_space<vmem>> -> memref<1x1x128x32xf32, #tpu.memory_space<vmem>>
      %dma_start3A_1197 = tpu.memref_squeeze %dma_start3A_1196 : memref<1x1x128x32xf32, #tpu.memory_space<vmem>> -> memref<128x32xf32, #tpu.memory_space<vmem>>
      %dma_start3A_1198 = arith.constant 0 : i32
      %dma_start3A_1199 = tpu.memref_slice %arg8[%dma_start3A_1192, %dma_start3A_1193, %dma_start3A_1198] : memref<4x2x128xi32, #tpu.memory_space<vmem>> -> memref<1x1x128xi32, #tpu.memory_space<vmem>>
      %dma_start3A_1200 = tpu.memref_squeeze %dma_start3A_1199 : memref<1x1x128xi32, #tpu.memory_space<vmem>> -> memref<128xi32, #tpu.memory_space<vmem>>
      %dma_start3A_1201 = arith.constant 0 : i32
      %dma_start3A_1202 = arith.constant 0 : i32
      %dma_start3A_1203 = tpu.memref_slice %arg6[%dma_start3A_1201, %dma_start3A_1202] : memref<50176x32xf32, #tpu.memory_space<vmem_shared>> -> memref<50176x32xf32, #tpu.memory_space<vmem_shared>>
      tpu.enqueue_indirect_dma source(%dma_start3A_1197 : memref<128x32xf32, #tpu.memory_space<vmem>>) target(%dma_start3A_1203 : memref<50176x32xf32, #tpu.memory_space<vmem_shared>>) offsets(%dma_start3A_1200 : memref<128xi32, #tpu.memory_space<vmem>>) semaphore(%arg16 : memref<!tpu.dma_semaphore, #tpu.memory_space<semaphore_mem>>) {add = true}
      %dma_start3A_1204 = arith.constant 1 : i32
      %dma_start3A_1205 = arith.constant 1 : i32
      %dma_start3A_1206 = arith.constant 3 : i32
      %dma_start3A_1207 = arith.constant 1 : i32
      %dma_start3A_1208 = arith.constant 0 : i32
      %dma_start3A_1209 = arith.constant 0 : i32
      %dma_start3A_1210 = tpu.memref_slice %arg9[%dma_start3A_1204, %dma_start3A_1205, %dma_start3A_1208, %dma_start3A_1209] : memref<2x2x128x32xf32, #tpu.memory_space<vmem>> -> memref<1x1x128x32xf32, #tpu.memory_space<vmem>>
      %dma_start3A_1211 = tpu.memref_squeeze %dma_start3A_1210 : memref<1x1x128x32xf32, #tpu.memory_space<vmem>> -> memref<128x32xf32, #tpu.memory_space<vmem>>
      %dma_start3A_1212 = arith.constant 0 : i32
      %dma_start3A_1213 = tpu.memref_slice %arg8[%dma_start3A_1206, %dma_start3A_1207, %dma_start3A_1212] : memref<4x2x128xi32, #tpu.memory_space<vmem>> -> memref<1x1x128xi32, #tpu.memory_space<vmem>>
      %dma_start3A_1214 = tpu.memref_squeeze %dma_start3A_1213 : memref<1x1x128xi32, #tpu.memory_space<vmem>> -> memref<128xi32, #tpu.memory_space<vmem>>
      %dma_start3A_1215 = arith.constant 0 : i32
      %dma_start3A_1216 = arith.constant 0 : i32
      %dma_start3A_1217 = tpu.memref_slice %arg6[%dma_start3A_1215, %dma_start3A_1216] : memref<50176x32xf32, #tpu.memory_space<vmem_shared>> -> memref<50176x32xf32, #tpu.memory_space<vmem_shared>>
      tpu.enqueue_indirect_dma source(%dma_start3A_1211 : memref<128x32xf32, #tpu.memory_space<vmem>>) target(%dma_start3A_1217 : memref<50176x32xf32, #tpu.memory_space<vmem_shared>>) offsets(%dma_start3A_1214 : memref<128xi32, #tpu.memory_space<vmem>>) semaphore(%arg16 : memref<!tpu.dma_semaphore, #tpu.memory_space<semaphore_mem>>) {add = true}
      %add3A_1218 = arith.constant 2 : i32
      %add3A_1219 = arith.addi %add3A_1157, %add3A_1218 : i32
      %lt3A_1220 = arith.constant 392 : i32
      %lt3A_1221 = arith.cmpi slt, %add3A_1219, %lt3A_1220 : i32
      %convert_element_type3A_1222 = arith.extui %lt3A_1221 : i1 to i32
      %cond3A_1223 = arith.constant 0 : i32
      %cond3A_1224 = arith.cmpi ne, %convert_element_type3A_1222, %cond3A_1223 : i32
      scf.if %cond3A_1224 {
        %dma_wait3A_1272 = arith.constant 1 : i32
        %dma_wait3A_1273 = arith.constant 0 : i32
        %dma_wait3A_1274 = arith.constant 0 : i32
        %dma_wait3A_1275 = tpu.memref_slice %arg7[%dma_wait3A_1272, %dma_wait3A_1273, %dma_wait3A_1274] : memref<4x2x128xi32, #tpu.memory_space<vmem>> -> memref<1x2x128xi32, #tpu.memory_space<vmem>>
        %dma_wait3A_1276 = tpu.memref_squeeze %dma_wait3A_1275 : memref<1x2x128xi32, #tpu.memory_space<vmem>> -> memref<2x128xi32, #tpu.memory_space<vmem>>
        %dma_wait3A_1277 = arith.constant 0 : i32
        %dma_wait3A_1278 = arith.constant 0 : i32
        %dma_wait3A_1279 = tpu.memref_slice %arg3[%dma_wait3A_1277, %dma_wait3A_1278] : memref<12544x128xi32, #tpu.memory_space<hbm>> -> memref<2x128xi32, #tpu.memory_space<hbm>>
        %dma_wait3A_1280 = arith.constant 0 : i32
        %dma_wait3A_1281 = arith.constant 0 : i32
        %dma_wait3A_1282 = tpu.memref_slice %arg7[%dma_wait3A_1272, %dma_wait3A_1280, %dma_wait3A_1281] : memref<4x2x128xi32, #tpu.memory_space<vmem>> -> memref<1x2x128xi32, #tpu.memory_space<vmem>>
        %dma_wait3A_1283 = tpu.memref_squeeze %dma_wait3A_1282 : memref<1x2x128xi32, #tpu.memory_space<vmem>> -> memref<2x128xi32, #tpu.memory_space<vmem>>
        %dma_wait3A_1284 = arith.constant 0 : i32
        %dma_wait3A_1285 = arith.constant 0 : i32
        %dma_wait3A_1286 = tpu.memref_slice %arg3[%dma_wait3A_1284, %dma_wait3A_1285] : memref<12544x128xi32, #tpu.memory_space<hbm>> -> memref<2x128xi32, #tpu.memory_space<hbm>>
        tpu.wait_dma2 semaphore(%arg13 : memref<!tpu.dma_semaphore, #tpu.memory_space<semaphore_mem>>) src(%dma_wait3A_1286 : memref<2x128xi32, #tpu.memory_space<hbm>>) dst(%dma_wait3A_1283 : memref<2x128xi32, #tpu.memory_space<vmem>>)
        %dma_wait3A_1287 = arith.constant 1 : i32
        %dma_wait3A_1288 = arith.constant 0 : i32
        %dma_wait3A_1289 = arith.constant 0 : i32
        %dma_wait3A_1290 = tpu.memref_slice %arg8[%dma_wait3A_1287, %dma_wait3A_1288, %dma_wait3A_1289] : memref<4x2x128xi32, #tpu.memory_space<vmem>> -> memref<1x2x128xi32, #tpu.memory_space<vmem>>
        %dma_wait3A_1291 = tpu.memref_squeeze %dma_wait3A_1290 : memref<1x2x128xi32, #tpu.memory_space<vmem>> -> memref<2x128xi32, #tpu.memory_space<vmem>>
        %dma_wait3A_1292 = arith.constant 0 : i32
        %dma_wait3A_1293 = arith.constant 0 : i32
        %dma_wait3A_1294 = tpu.memref_slice %arg3[%dma_wait3A_1292, %dma_wait3A_1293] : memref<12544x128xi32, #tpu.memory_space<hbm>> -> memref<2x128xi32, #tpu.memory_space<hbm>>
        %dma_wait3A_1295 = arith.constant 0 : i32
        %dma_wait3A_1296 = arith.constant 0 : i32
        %dma_wait3A_1297 = tpu.memref_slice %arg8[%dma_wait3A_1287, %dma_wait3A_1295, %dma_wait3A_1296] : memref<4x2x128xi32, #tpu.memory_space<vmem>> -> memref<1x2x128xi32, #tpu.memory_space<vmem>>
        %dma_wait3A_1298 = tpu.memref_squeeze %dma_wait3A_1297 : memref<1x2x128xi32, #tpu.memory_space<vmem>> -> memref<2x128xi32, #tpu.memory_space<vmem>>
        %dma_wait3A_1299 = arith.constant 0 : i32
        %dma_wait3A_1300 = arith.constant 0 : i32
        %dma_wait3A_1301 = tpu.memref_slice %arg3[%dma_wait3A_1299, %dma_wait3A_1300] : memref<12544x128xi32, #tpu.memory_space<hbm>> -> memref<2x128xi32, #tpu.memory_space<hbm>>
        tpu.wait_dma2 semaphore(%arg13 : memref<!tpu.dma_semaphore, #tpu.memory_space<semaphore_mem>>) src(%dma_wait3A_1301 : memref<2x128xi32, #tpu.memory_space<hbm>>) dst(%dma_wait3A_1298 : memref<2x128xi32, #tpu.memory_space<vmem>>)
        %get3A_1302 = arith.constant 1 : i32
        %get3A_1303 = arith.constant 0 : i32
        %get3A_1304 = arith.index_cast %get3A_1302 : i32 to index
        %get3A_1305 = arith.index_cast %get3A_1303 : i32 to index
        %get3A_1306 = arith.constant 0 : index
        %get3A_1307 = tpu.vector_load %arg7[%get3A_1304, %get3A_1305, %get3A_1306] {strides = array<i32>} : memref<4x2x128xi32, #tpu.memory_space<vmem>>, vector<1x1x16xi32>,
        %get3A_1308 = vector.shape_cast %get3A_1307 : vector<1x1x16xi32> to vector<16xi32>
        %add3A_1309 = vector.broadcast %mul3A_0 : i32 to vector<16xi32>
        %add3A_1310 = arith.addi %get3A_1308, %add3A_1309 : vector<16xi32>
        %swap3A_1311 = arith.constant 1 : i32
        %swap3A_1312 = arith.constant 0 : i32
        %swap3A_1313 = arith.index_cast %swap3A_1311 : i32 to index
        %swap3A_1314 = arith.index_cast %swap3A_1312 : i32 to index
        %swap3A_1315 = arith.constant 0 : index
        %swap3A_1316 = tpu.vector_load %arg7[%swap3A_1313, %swap3A_1314, %swap3A_1315] {strides = array<i32>} : memref<4x2x128xi32, #tpu.memory_space<vmem>>, vector<1x1x16xi32>,
        %swap3A_1317 = vector.shape_cast %swap3A_1316 : vector<1x1x16xi32> to vector<16xi32>
        %swap3A_1318 = vector.shape_cast %add3A_1310 : vector<16xi32> to vector<1x1x16xi32>
        tpu.vector_store %arg7[%swap3A_1313, %swap3A_1314, %swap3A_1315], %swap3A_1318 {strides = array<i32>} : memref<4x2x128xi32, #tpu.memory_space<vmem>>, vector<1x1x16xi32>,
        %get3A_1319 = arith.constant 1 : i32
        %get3A_1320 = arith.constant 0 : i32
        %get3A_1321 = arith.index_cast %get3A_1319 : i32 to index
        %get3A_1322 = arith.index_cast %get3A_1320 : i32 to index
        %get3A_1323 = arith.constant 16 : index
        %get3A_1324 = tpu.vector_load %arg7[%get3A_1321, %get3A_1322, %get3A_1323] {strides = array<i32>} : memref<4x2x128xi32, #tpu.memory_space<vmem>>, vector<1x1x16xi32>,
        %get3A_1325 = vector.shape_cast %get3A_1324 : vector<1x1x16xi32> to vector<16xi32>
        %add3A_1326 = vector.broadcast %mul3A_0 : i32 to vector<16xi32>
        %add3A_1327 = arith.addi %get3A_1325, %add3A_1326 : vector<16xi32>
        %swap3A_1328 = arith.constant 1 : i32
        %swap3A_1329 = arith.constant 0 : i32
        %swap3A_1330 = arith.index_cast %swap3A_1328 : i32 to index
        %swap3A_1331 = arith.index_cast %swap3A_1329 : i32 to index
        %swap3A_1332 = arith.constant 16 : index
        %swap3A_1333 = tpu.vector_load %arg7[%swap3A_1330, %swap3A_1331, %swap3A_1332] {strides = array<i32>} : memref<4x2x128xi32, #tpu.memory_space<vmem>>, vector<1x1x16xi32>,
        %swap3A_1334 = vector.shape_cast %swap3A_1333 : vector<1x1x16xi32> to vector<16xi32>
        %swap3A_1335 = vector.shape_cast %add3A_1327 : vector<16xi32> to vector<1x1x16xi32>
        tpu.vector_store %arg7[%swap3A_1330, %swap3A_1331, %swap3A_1332], %swap3A_1335 {strides = array<i32>} : memref<4x2x128xi32, #tpu.memory_space<vmem>>, vector<1x1x16xi32>,
        %get3A_1336 = arith.constant 1 : i32
        %get3A_1337 = arith.constant 0 : i32
        %get3A_1338 = arith.index_cast %get3A_1336 : i32 to index
        %get3A_1339 = arith.index_cast %get3A_1337 : i32 to index
        %get3A_1340 = arith.constant 32 : index
        %get3A_1341 = tpu.vector_load %arg7[%get3A_1338, %get3A_1339, %get3A_1340] {strides = array<i32>} : memref<4x2x128xi32, #tpu.memory_space<vmem>>, vector<1x1x16xi32>,
        %get3A_1342 = vector.shape_cast %get3A_1341 : vector<1x1x16xi32> to vector<16xi32>
        %add3A_1343 = vector.broadcast %mul3A_0 : i32 to vector<16xi32>
        %add3A_1344 = arith.addi %get3A_1342, %add3A_1343 : vector<16xi32>
        %swap3A_1345 = arith.constant 1 : i32
        %swap3A_1346 = arith.constant 0 : i32
        %swap3A_1347 = arith.index_cast %swap3A_1345 : i32 to index
        %swap3A_1348 = arith.index_cast %swap3A_1346 : i32 to index
        %swap3A_1349 = arith.constant 32 : index
        %swap3A_1350 = tpu.vector_load %arg7[%swap3A_1347, %swap3A_1348, %swap3A_1349] {strides = array<i32>} : memref<4x2x128xi32, #tpu.memory_space<vmem>>, vector<1x1x16xi32>,
        %swap3A_1351 = vector.shape_cast %swap3A_1350 : vector<1x1x16xi32> to vector<16xi32>
        %swap3A_1352 = vector.shape_cast %add3A_1344 : vector<16xi32> to vector<1x1x16xi32>
        tpu.vector_store %arg7[%swap3A_1347, %swap3A_1348, %swap3A_1349], %swap3A_1352 {strides = array<i32>} : memref<4x2x128xi32, #tpu.memory_space<vmem>>, vector<1x1x16xi32>,
        %get3A_1353 = arith.constant 1 : i32
        %get3A_1354 = arith.constant 0 : i32
        %get3A_1355 = arith.index_cast %get3A_1353 : i32 to index
        %get3A_1356 = arith.index_cast %get3A_1354 : i32 to index
        %get3A_1357 = arith.constant 48 : index
        %get3A_1358 = tpu.vector_load %arg7[%get3A_1355, %get3A_1356, %get3A_1357] {strides = array<i32>} : memref<4x2x128xi32, #tpu.memory_space<vmem>>, vector<1x1x16xi32>,
        %get3A_1359 = vector.shape_cast %get3A_1358 : vector<1x1x16xi32> to vector<16xi32>
        %add3A_1360 = vector.broadcast %mul3A_0 : i32 to vector<16xi32>
        %add3A_1361 = arith.addi %get3A_1359, %add3A_1360 : vector<16xi32>
        %swap3A_1362 = arith.constant 1 : i32
        %swap3A_1363 = arith.constant 0 : i32
        %swap3A_1364 = arith.index_cast %swap3A_1362 : i32 to index
        %swap3A_1365 = arith.index_cast %swap3A_1363 : i32 to index
        %swap3A_1366 = arith.constant 48 : index
        %swap3A_1367 = tpu.vector_load %arg7[%swap3A_1364, %swap3A_1365, %swap3A_1366] {strides = array<i32>} : memref<4x2x128xi32, #tpu.memory_space<vmem>>, vector<1x1x16xi32>,
        %swap3A_1368 = vector.shape_cast %swap3A_1367 : vector<1x1x16xi32> to vector<16xi32>
        %swap3A_1369 = vector.shape_cast %add3A_1361 : vector<16xi32> to vector<1x1x16xi32>
        tpu.vector_store %arg7[%swap3A_1364, %swap3A_1365, %swap3A_1366], %swap3A_1369 {strides = array<i32>} : memref<4x2x128xi32, #tpu.memory_space<vmem>>, vector<1x1x16xi32>,
        %get3A_1370 = arith.constant 1 : i32
        %get3A_1371 = arith.constant 0 : i32
        %get3A_1372 = arith.index_cast %get3A_1370 : i32 to index
        %get3A_1373 = arith.index_cast %get3A_1371 : i32 to index
        %get3A_1374 = arith.constant 64 : index
        %get3A_1375 = tpu.vector_load %arg7[%get3A_1372, %get3A_1373, %get3A_1374] {strides = array<i32>} : memref<4x2x128xi32, #tpu.memory_space<vmem>>, vector<1x1x16xi32>,
        %get3A_1376 = vector.shape_cast %get3A_1375 : vector<1x1x16xi32> to vector<16xi32>
        %add3A_1377 = vector.broadcast %mul3A_0 : i32 to vector<16xi32>
        %add3A_1378 = arith.addi %get3A_1376, %add3A_1377 : vector<16xi32>
        %swap3A_1379 = arith.constant 1 : i32
        %swap3A_1380 = arith.constant 0 : i32
        %swap3A_1381 = arith.index_cast %swap3A_1379 : i32 to index
        %swap3A_1382 = arith.index_cast %swap3A_1380 : i32 to index
        %swap3A_1383 = arith.constant 64 : index
        %swap3A_1384 = tpu.vector_load %arg7[%swap3A_1381, %swap3A_1382, %swap3A_1383] {strides = array<i32>} : memref<4x2x128xi32, #tpu.memory_space<vmem>>, vector<1x1x16xi32>,
        %swap3A_1385 = vector.shape_cast %swap3A_1384 : vector<1x1x16xi32> to vector<16xi32>
        %swap3A_1386 = vector.shape_cast %add3A_1378 : vector<16xi32> to vector<1x1x16xi32>
        tpu.vector_store %arg7[%swap3A_1381, %swap3A_1382, %swap3A_1383], %swap3A_1386 {strides = array<i32>} : memref<4x2x128xi32, #tpu.memory_space<vmem>>, vector<1x1x16xi32>,
        %get3A_1387 = arith.constant 1 : i32
        %get3A_1388 = arith.constant 0 : i32
        %get3A_1389 = arith.index_cast %get3A_1387 : i32 to index
        %get3A_1390 = arith.index_cast %get3A_1388 : i32 to index
        %get3A_1391 = arith.constant 80 : index
        %get3A_1392 = tpu.vector_load %arg7[%get3A_1389, %get3A_1390, %get3A_1391] {strides = array<i32>} : memref<4x2x128xi32, #tpu.memory_space<vmem>>, vector<1x1x16xi32>,
        %get3A_1393 = vector.shape_cast %get3A_1392 : vector<1x1x16xi32> to vector<16xi32>
        %add3A_1394 = vector.broadcast %mul3A_0 : i32 to vector<16xi32>
        %add3A_1395 = arith.addi %get3A_1393, %add3A_1394 : vector<16xi32>
        %swap3A_1396 = arith.constant 1 : i32
        %swap3A_1397 = arith.constant 0 : i32
        %swap3A_1398 = arith.index_cast %swap3A_1396 : i32 to index
        %swap3A_1399 = arith.index_cast %swap3A_1397 : i32 to index
        %swap3A_1400 = arith.constant 80 : index
        %swap3A_1401 = tpu.vector_load %arg7[%swap3A_1398, %swap3A_1399, %swap3A_1400] {strides = array<i32>} : memref<4x2x128xi32, #tpu.memory_space<vmem>>, vector<1x1x16xi32>,
        %swap3A_1402 = vector.shape_cast %swap3A_1401 : vector<1x1x16xi32> to vector<16xi32>
        %swap3A_1403 = vector.shape_cast %add3A_1395 : vector<16xi32> to vector<1x1x16xi32>
        tpu.vector_store %arg7[%swap3A_1398, %swap3A_1399, %swap3A_1400], %swap3A_1403 {strides = array<i32>} : memref<4x2x128xi32, #tpu.memory_space<vmem>>, vector<1x1x16xi32>,
        %get3A_1404 = arith.constant 1 : i32
        %get3A_1405 = arith.constant 0 : i32
        %get3A_1406 = arith.index_cast %get3A_1404 : i32 to index
        %get3A_1407 = arith.index_cast %get3A_1405 : i32 to index
        %get3A_1408 = arith.constant 96 : index
        %get3A_1409 = tpu.vector_load %arg7[%get3A_1406, %get3A_1407, %get3A_1408] {strides = array<i32>} : memref<4x2x128xi32, #tpu.memory_space<vmem>>, vector<1x1x16xi32>,
        %get3A_1410 = vector.shape_cast %get3A_1409 : vector<1x1x16xi32> to vector<16xi32>
        %add3A_1411 = vector.broadcast %mul3A_0 : i32 to vector<16xi32>
        %add3A_1412 = arith.addi %get3A_1410, %add3A_1411 : vector<16xi32>
        %swap3A_1413 = arith.constant 1 : i32
        %swap3A_1414 = arith.constant 0 : i32
        %swap3A_1415 = arith.index_cast %swap3A_1413 : i32 to index
        %swap3A_1416 = arith.index_cast %swap3A_1414 : i32 to index
        %swap3A_1417 = arith.constant 96 : index
        %swap3A_1418 = tpu.vector_load %arg7[%swap3A_1415, %swap3A_1416, %swap3A_1417] {strides = array<i32>} : memref<4x2x128xi32, #tpu.memory_space<vmem>>, vector<1x1x16xi32>,
        %swap3A_1419 = vector.shape_cast %swap3A_1418 : vector<1x1x16xi32> to vector<16xi32>
        %swap3A_1420 = vector.shape_cast %add3A_1412 : vector<16xi32> to vector<1x1x16xi32>
        tpu.vector_store %arg7[%swap3A_1415, %swap3A_1416, %swap3A_1417], %swap3A_1420 {strides = array<i32>} : memref<4x2x128xi32, #tpu.memory_space<vmem>>, vector<1x1x16xi32>,
        %get3A_1421 = arith.constant 1 : i32
        %get3A_1422 = arith.constant 0 : i32
        %get3A_1423 = arith.index_cast %get3A_1421 : i32 to index
        %get3A_1424 = arith.index_cast %get3A_1422 : i32 to index
        %get3A_1425 = arith.constant 112 : index
        %get3A_1426 = tpu.vector_load %arg7[%get3A_1423, %get3A_1424, %get3A_1425] {strides = array<i32>} : memref<4x2x128xi32, #tpu.memory_space<vmem>>, vector<1x1x16xi32>,
        %get3A_1427 = vector.shape_cast %get3A_1426 : vector<1x1x16xi32> to vector<16xi32>
        %add3A_1428 = vector.broadcast %mul3A_0 : i32 to vector<16xi32>
        %add3A_1429 = arith.addi %get3A_1427, %add3A_1428 : vector<16xi32>
        %swap3A_1430 = arith.constant 1 : i32
        %swap3A_1431 = arith.constant 0 : i32
        %swap3A_1432 = arith.index_cast %swap3A_1430 : i32 to index
        %swap3A_1433 = arith.index_cast %swap3A_1431 : i32 to index
        %swap3A_1434 = arith.constant 112 : index
        %swap3A_1435 = tpu.vector_load %arg7[%swap3A_1432, %swap3A_1433, %swap3A_1434] {strides = array<i32>} : memref<4x2x128xi32, #tpu.memory_space<vmem>>, vector<1x1x16xi32>,
        %swap3A_1436 = vector.shape_cast %swap3A_1435 : vector<1x1x16xi32> to vector<16xi32>
        %swap3A_1437 = vector.shape_cast %add3A_1429 : vector<16xi32> to vector<1x1x16xi32>
        tpu.vector_store %arg7[%swap3A_1432, %swap3A_1433, %swap3A_1434], %swap3A_1437 {strides = array<i32>} : memref<4x2x128xi32, #tpu.memory_space<vmem>>, vector<1x1x16xi32>,
        %get3A_1438 = arith.constant 1 : i32
        %get3A_1439 = arith.constant 1 : i32
        %get3A_1440 = arith.index_cast %get3A_1438 : i32 to index
        %get3A_1441 = arith.index_cast %get3A_1439 : i32 to index
        %get3A_1442 = arith.constant 0 : index
        %get3A_1443 = tpu.vector_load %arg7[%get3A_1440, %get3A_1441, %get3A_1442] {strides = array<i32>} : memref<4x2x128xi32, #tpu.memory_space<vmem>>, vector<1x1x16xi32>,
        %get3A_1444 = vector.shape_cast %get3A_1443 : vector<1x1x16xi32> to vector<16xi32>
        %add3A_1445 = vector.broadcast %mul3A_0 : i32 to vector<16xi32>
        %add3A_1446 = arith.addi %get3A_1444, %add3A_1445 : vector<16xi32>
        %swap3A_1447 = arith.constant 1 : i32
        %swap3A_1448 = arith.constant 1 : i32
        %swap3A_1449 = arith.index_cast %swap3A_1447 : i32 to index
        %swap3A_1450 = arith.index_cast %swap3A_1448 : i32 to index
        %swap3A_1451 = arith.constant 0 : index
        %swap3A_1452 = tpu.vector_load %arg7[%swap3A_1449, %swap3A_1450, %swap3A_1451] {strides = array<i32>} : memref<4x2x128xi32, #tpu.memory_space<vmem>>, vector<1x1x16xi32>,
        %swap3A_1453 = vector.shape_cast %swap3A_1452 : vector<1x1x16xi32> to vector<16xi32>
        %swap3A_1454 = vector.shape_cast %add3A_1446 : vector<16xi32> to vector<1x1x16xi32>
        tpu.vector_store %arg7[%swap3A_1449, %swap3A_1450, %swap3A_1451], %swap3A_1454 {strides = array<i32>} : memref<4x2x128xi32, #tpu.memory_space<vmem>>, vector<1x1x16xi32>,
        %get3A_1455 = arith.constant 1 : i32
        %get3A_1456 = arith.constant 1 : i32
        %get3A_1457 = arith.index_cast %get3A_1455 : i32 to index
        %get3A_1458 = arith.index_cast %get3A_1456 : i32 to index
        %get3A_1459 = arith.constant 16 : index
        %get3A_1460 = tpu.vector_load %arg7[%get3A_1457, %get3A_1458, %get3A_1459] {strides = array<i32>} : memref<4x2x128xi32, #tpu.memory_space<vmem>>, vector<1x1x16xi32>,
        %get3A_1461 = vector.shape_cast %get3A_1460 : vector<1x1x16xi32> to vector<16xi32>
        %add3A_1462 = vector.broadcast %mul3A_0 : i32 to vector<16xi32>
        %add3A_1463 = arith.addi %get3A_1461, %add3A_1462 : vector<16xi32>
        %swap3A_1464 = arith.constant 1 : i32
        %swap3A_1465 = arith.constant 1 : i32
        %swap3A_1466 = arith.index_cast %swap3A_1464 : i32 to index
        %swap3A_1467 = arith.index_cast %swap3A_1465 : i32 to index
        %swap3A_1468 = arith.constant 16 : index
        %swap3A_1469 = tpu.vector_load %arg7[%swap3A_1466, %swap3A_1467, %swap3A_1468] {strides = array<i32>} : memref<4x2x128xi32, #tpu.memory_space<vmem>>, vector<1x1x16xi32>,
        %swap3A_1470 = vector.shape_cast %swap3A_1469 : vector<1x1x16xi32> to vector<16xi32>
        %swap3A_1471 = vector.shape_cast %add3A_1463 : vector<16xi32> to vector<1x1x16xi32>
        tpu.vector_store %arg7[%swap3A_1466, %swap3A_1467, %swap3A_1468], %swap3A_1471 {strides = array<i32>} : memref<4x2x128xi32, #tpu.memory_space<vmem>>, vector<1x1x16xi32>,
        %get3A_1472 = arith.constant 1 : i32
        %get3A_1473 = arith.constant 1 : i32
        %get3A_1474 = arith.index_cast %get3A_1472 : i32 to index
        %get3A_1475 = arith.index_cast %get3A_1473 : i32 to index
        %get3A_1476 = arith.constant 32 : index
        %get3A_1477 = tpu.vector_load %arg7[%get3A_1474, %get3A_1475, %get3A_1476] {strides = array<i32>} : memref<4x2x128xi32, #tpu.memory_space<vmem>>, vector<1x1x16xi32>,
        %get3A_1478 = vector.shape_cast %get3A_1477 : vector<1x1x16xi32> to vector<16xi32>
        %add3A_1479 = vector.broadcast %mul3A_0 : i32 to vector<16xi32>
        %add3A_1480 = arith.addi %get3A_1478, %add3A_1479 : vector<16xi32>
        %swap3A_1481 = arith.constant 1 : i32
        %swap3A_1482 = arith.constant 1 : i32
        %swap3A_1483 = arith.index_cast %swap3A_1481 : i32 to index
        %swap3A_1484 = arith.index_cast %swap3A_1482 : i32 to index
        %swap3A_1485 = arith.constant 32 : index
        %swap3A_1486 = tpu.vector_load %arg7[%swap3A_1483, %swap3A_1484, %swap3A_1485] {strides = array<i32>} : memref<4x2x128xi32, #tpu.memory_space<vmem>>, vector<1x1x16xi32>,
        %swap3A_1487 = vector.shape_cast %swap3A_1486 : vector<1x1x16xi32> to vector<16xi32>
        %swap3A_1488 = vector.shape_cast %add3A_1480 : vector<16xi32> to vector<1x1x16xi32>
        tpu.vector_store %arg7[%swap3A_1483, %swap3A_1484, %swap3A_1485], %swap3A_1488 {strides = array<i32>} : memref<4x2x128xi32, #tpu.memory_space<vmem>>, vector<1x1x16xi32>,
        %get3A_1489 = arith.constant 1 : i32
        %get3A_1490 = arith.constant 1 : i32
        %get3A_1491 = arith.index_cast %get3A_1489 : i32 to index
        %get3A_1492 = arith.index_cast %get3A_1490 : i32 to index
        %get3A_1493 = arith.constant 48 : index
        %get3A_1494 = tpu.vector_load %arg7[%get3A_1491, %get3A_1492, %get3A_1493] {strides = array<i32>} : memref<4x2x128xi32, #tpu.memory_space<vmem>>, vector<1x1x16xi32>,
        %get3A_1495 = vector.shape_cast %get3A_1494 : vector<1x1x16xi32> to vector<16xi32>
        %add3A_1496 = vector.broadcast %mul3A_0 : i32 to vector<16xi32>
        %add3A_1497 = arith.addi %get3A_1495, %add3A_1496 : vector<16xi32>
        %swap3A_1498 = arith.constant 1 : i32
        %swap3A_1499 = arith.constant 1 : i32
        %swap3A_1500 = arith.index_cast %swap3A_1498 : i32 to index
        %swap3A_1501 = arith.index_cast %swap3A_1499 : i32 to index
        %swap3A_1502 = arith.constant 48 : index
        %swap3A_1503 = tpu.vector_load %arg7[%swap3A_1500, %swap3A_1501, %swap3A_1502] {strides = array<i32>} : memref<4x2x128xi32, #tpu.memory_space<vmem>>, vector<1x1x16xi32>,
        %swap3A_1504 = vector.shape_cast %swap3A_1503 : vector<1x1x16xi32> to vector<16xi32>
        %swap3A_1505 = vector.shape_cast %add3A_1497 : vector<16xi32> to vector<1x1x16xi32>
        tpu.vector_store %arg7[%swap3A_1500, %swap3A_1501, %swap3A_1502], %swap3A_1505 {strides = array<i32>} : memref<4x2x128xi32, #tpu.memory_space<vmem>>, vector<1x1x16xi32>,
        %get3A_1506 = arith.constant 1 : i32
        %get3A_1507 = arith.constant 1 : i32
        %get3A_1508 = arith.index_cast %get3A_1506 : i32 to index
        %get3A_1509 = arith.index_cast %get3A_1507 : i32 to index
        %get3A_1510 = arith.constant 64 : index
        %get3A_1511 = tpu.vector_load %arg7[%get3A_1508, %get3A_1509, %get3A_1510] {strides = array<i32>} : memref<4x2x128xi32, #tpu.memory_space<vmem>>, vector<1x1x16xi32>,
        %get3A_1512 = vector.shape_cast %get3A_1511 : vector<1x1x16xi32> to vector<16xi32>
        %add3A_1513 = vector.broadcast %mul3A_0 : i32 to vector<16xi32>
        %add3A_1514 = arith.addi %get3A_1512, %add3A_1513 : vector<16xi32>
        %swap3A_1515 = arith.constant 1 : i32
        %swap3A_1516 = arith.constant 1 : i32
        %swap3A_1517 = arith.index_cast %swap3A_1515 : i32 to index
        %swap3A_1518 = arith.index_cast %swap3A_1516 : i32 to index
        %swap3A_1519 = arith.constant 64 : index
        %swap3A_1520 = tpu.vector_load %arg7[%swap3A_1517, %swap3A_1518, %swap3A_1519] {strides = array<i32>} : memref<4x2x128xi32, #tpu.memory_space<vmem>>, vector<1x1x16xi32>,
        %swap3A_1521 = vector.shape_cast %swap3A_1520 : vector<1x1x16xi32> to vector<16xi32>
        %swap3A_1522 = vector.shape_cast %add3A_1514 : vector<16xi32> to vector<1x1x16xi32>
        tpu.vector_store %arg7[%swap3A_1517, %swap3A_1518, %swap3A_1519], %swap3A_1522 {strides = array<i32>} : memref<4x2x128xi32, #tpu.memory_space<vmem>>, vector<1x1x16xi32>,
        %get3A_1523 = arith.constant 1 : i32
        %get3A_1524 = arith.constant 1 : i32
        %get3A_1525 = arith.index_cast %get3A_1523 : i32 to index
        %get3A_1526 = arith.index_cast %get3A_1524 : i32 to index
        %get3A_1527 = arith.constant 80 : index
        %get3A_1528 = tpu.vector_load %arg7[%get3A_1525, %get3A_1526, %get3A_1527] {strides = array<i32>} : memref<4x2x128xi32, #tpu.memory_space<vmem>>, vector<1x1x16xi32>,
        %get3A_1529 = vector.shape_cast %get3A_1528 : vector<1x1x16xi32> to vector<16xi32>
        %add3A_1530 = vector.broadcast %mul3A_0 : i32 to vector<16xi32>
        %add3A_1531 = arith.addi %get3A_1529, %add3A_1530 : vector<16xi32>
        %swap3A_1532 = arith.constant 1 : i32
        %swap3A_1533 = arith.constant 1 : i32
        %swap3A_1534 = arith.index_cast %swap3A_1532 : i32 to index
        %swap3A_1535 = arith.index_cast %swap3A_1533 : i32 to index
        %swap3A_1536 = arith.constant 80 : index
        %swap3A_1537 = tpu.vector_load %arg7[%swap3A_1534, %swap3A_1535, %swap3A_1536] {strides = array<i32>} : memref<4x2x128xi32, #tpu.memory_space<vmem>>, vector<1x1x16xi32>,
        %swap3A_1538 = vector.shape_cast %swap3A_1537 : vector<1x1x16xi32> to vector<16xi32>
        %swap3A_1539 = vector.shape_cast %add3A_1531 : vector<16xi32> to vector<1x1x16xi32>
        tpu.vector_store %arg7[%swap3A_1534, %swap3A_1535, %swap3A_1536], %swap3A_1539 {strides = array<i32>} : memref<4x2x128xi32, #tpu.memory_space<vmem>>, vector<1x1x16xi32>,
        %get3A_1540 = arith.constant 1 : i32
        %get3A_1541 = arith.constant 1 : i32
        %get3A_1542 = arith.index_cast %get3A_1540 : i32 to index
        %get3A_1543 = arith.index_cast %get3A_1541 : i32 to index
        %get3A_1544 = arith.constant 96 : index
        %get3A_1545 = tpu.vector_load %arg7[%get3A_1542, %get3A_1543, %get3A_1544] {strides = array<i32>} : memref<4x2x128xi32, #tpu.memory_space<vmem>>, vector<1x1x16xi32>,
        %get3A_1546 = vector.shape_cast %get3A_1545 : vector<1x1x16xi32> to vector<16xi32>
        %add3A_1547 = vector.broadcast %mul3A_0 : i32 to vector<16xi32>
        %add3A_1548 = arith.addi %get3A_1546, %add3A_1547 : vector<16xi32>
        %swap3A_1549 = arith.constant 1 : i32
        %swap3A_1550 = arith.constant 1 : i32
        %swap3A_1551 = arith.index_cast %swap3A_1549 : i32 to index
        %swap3A_1552 = arith.index_cast %swap3A_1550 : i32 to index
        %swap3A_1553 = arith.constant 96 : index
        %swap3A_1554 = tpu.vector_load %arg7[%swap3A_1551, %swap3A_1552, %swap3A_1553] {strides = array<i32>} : memref<4x2x128xi32, #tpu.memory_space<vmem>>, vector<1x1x16xi32>,
        %swap3A_1555 = vector.shape_cast %swap3A_1554 : vector<1x1x16xi32> to vector<16xi32>
        %swap3A_1556 = vector.shape_cast %add3A_1548 : vector<16xi32> to vector<1x1x16xi32>
        tpu.vector_store %arg7[%swap3A_1551, %swap3A_1552, %swap3A_1553], %swap3A_1556 {strides = array<i32>} : memref<4x2x128xi32, #tpu.memory_space<vmem>>, vector<1x1x16xi32>,
        %get3A_1557 = arith.constant 1 : i32
        %get3A_1558 = arith.constant 1 : i32
        %get3A_1559 = arith.index_cast %get3A_1557 : i32 to index
        %get3A_1560 = arith.index_cast %get3A_1558 : i32 to index
        %get3A_1561 = arith.constant 112 : index
        %get3A_1562 = tpu.vector_load %arg7[%get3A_1559, %get3A_1560, %get3A_1561] {strides = array<i32>} : memref<4x2x128xi32, #tpu.memory_space<vmem>>, vector<1x1x16xi32>,
        %get3A_1563 = vector.shape_cast %get3A_1562 : vector<1x1x16xi32> to vector<16xi32>
        %add3A_1564 = vector.broadcast %mul3A_0 : i32 to vector<16xi32>
        %add3A_1565 = arith.addi %get3A_1563, %add3A_1564 : vector<16xi32>
        %swap3A_1566 = arith.constant 1 : i32
        %swap3A_1567 = arith.constant 1 : i32
        %swap3A_1568 = arith.index_cast %swap3A_1566 : i32 to index
        %swap3A_1569 = arith.index_cast %swap3A_1567 : i32 to index
        %swap3A_1570 = arith.constant 112 : index
        %swap3A_1571 = tpu.vector_load %arg7[%swap3A_1568, %swap3A_1569, %swap3A_1570] {strides = array<i32>} : memref<4x2x128xi32, #tpu.memory_space<vmem>>, vector<1x1x16xi32>,
        %swap3A_1572 = vector.shape_cast %swap3A_1571 : vector<1x1x16xi32> to vector<16xi32>
        %swap3A_1573 = vector.shape_cast %add3A_1565 : vector<16xi32> to vector<1x1x16xi32>
        tpu.vector_store %arg7[%swap3A_1568, %swap3A_1569, %swap3A_1570], %swap3A_1573 {strides = array<i32>} : memref<4x2x128xi32, #tpu.memory_space<vmem>>, vector<1x1x16xi32>,
      } else {
      }
      %dma_wait3A_1225 = arith.constant 1 : i32
      %dma_wait3A_1226 = arith.constant 0 : i32
      %dma_wait3A_1227 = arith.constant 0 : i32
      %dma_wait3A_1228 = arith.constant 0 : i32
      %dma_wait3A_1229 = tpu.memref_slice %arg9[%dma_wait3A_1225, %dma_wait3A_1226, %dma_wait3A_1227, %dma_wait3A_1228] : memref<2x2x128x32xf32, #tpu.memory_space<vmem>> -> memref<1x1x128x32xf32, #tpu.memory_space<vmem>>
      %dma_wait3A_1230 = tpu.memref_squeeze %dma_wait3A_1229 : memref<1x1x128x32xf32, #tpu.memory_space<vmem>> -> memref<128x32xf32, #tpu.memory_space<vmem>>
      %dma_wait3A_1231 = arith.constant 0 : i32
      %dma_wait3A_1232 = arith.constant 0 : i32
      %dma_wait3A_1233 = tpu.memref_slice %arg2[%dma_wait3A_1231, %dma_wait3A_1232] : memref<100352x32xf32, #tpu.memory_space<hbm>> -> memref<128x32xf32, #tpu.memory_space<hbm>>
      %dma_wait3A_1234 = arith.constant 0 : i32
      %dma_wait3A_1235 = arith.constant 0 : i32
      %dma_wait3A_1236 = tpu.memref_slice %arg9[%dma_wait3A_1225, %dma_wait3A_1226, %dma_wait3A_1234, %dma_wait3A_1235] : memref<2x2x128x32xf32, #tpu.memory_space<vmem>> -> memref<1x1x128x32xf32, #tpu.memory_space<vmem>>
      %dma_wait3A_1237 = tpu.memref_squeeze %dma_wait3A_1236 : memref<1x1x128x32xf32, #tpu.memory_space<vmem>> -> memref<128x32xf32, #tpu.memory_space<vmem>>
      %dma_wait3A_1238 = arith.constant 0 : i32
      %dma_wait3A_1239 = arith.constant 0 : i32
      %dma_wait3A_1240 = tpu.memref_slice %arg2[%dma_wait3A_1238, %dma_wait3A_1239] : memref<100352x32xf32, #tpu.memory_space<hbm>> -> memref<128x32xf32, #tpu.memory_space<hbm>>
      tpu.wait_dma2 semaphore(%arg16 : memref<!tpu.dma_semaphore, #tpu.memory_space<semaphore_mem>>) src(%dma_wait3A_1240 : memref<128x32xf32, #tpu.memory_space<hbm>>) dst(%dma_wait3A_1237 : memref<128x32xf32, #tpu.memory_space<vmem>>)
      %dma_wait3A_1241 = arith.constant 1 : i32
      %dma_wait3A_1242 = arith.constant 1 : i32
      %dma_wait3A_1243 = arith.constant 0 : i32
      %dma_wait3A_1244 = arith.constant 0 : i32
      %dma_wait3A_1245 = tpu.memref_slice %arg9[%dma_wait3A_1241, %dma_wait3A_1242, %dma_wait3A_1243, %dma_wait3A_1244] : memref<2x2x128x32xf32, #tpu.memory_space<vmem>> -> memref<1x1x128x32xf32, #tpu.memory_space<vmem>>
      %dma_wait3A_1246 = tpu.memref_squeeze %dma_wait3A_1245 : memref<1x1x128x32xf32, #tpu.memory_space<vmem>> -> memref<128x32xf32, #tpu.memory_space<vmem>>
      %dma_wait3A_1247 = arith.constant 0 : i32
      %dma_wait3A_1248 = arith.constant 0 : i32
      %dma_wait3A_1249 = tpu.memref_slice %arg2[%dma_wait3A_1247, %dma_wait3A_1248] : memref<100352x32xf32, #tpu.memory_space<hbm>> -> memref<128x32xf32, #tpu.memory_space<hbm>>
      %dma_wait3A_1250 = arith.constant 0 : i32
      %dma_wait3A_1251 = arith.constant 0 : i32
      %dma_wait3A_1252 = tpu.memref_slice %arg9[%dma_wait3A_1241, %dma_wait3A_1242, %dma_wait3A_1250, %dma_wait3A_1251] : memref<2x2x128x32xf32, #tpu.memory_space<vmem>> -> memref<1x1x128x32xf32, #tpu.memory_space<vmem>>
      %dma_wait3A_1253 = tpu.memref_squeeze %dma_wait3A_1252 : memref<1x1x128x32xf32, #tpu.memory_space<vmem>> -> memref<128x32xf32, #tpu.memory_space<vmem>>
      %dma_wait3A_1254 = arith.constant 0 : i32
      %dma_wait3A_1255 = arith.constant 0 : i32
      %dma_wait3A_1256 = tpu.memref_slice %arg2[%dma_wait3A_1254, %dma_wait3A_1255] : memref<100352x32xf32, #tpu.memory_space<hbm>> -> memref<128x32xf32, #tpu.memory_space<hbm>>
      tpu.wait_dma2 semaphore(%arg16 : memref<!tpu.dma_semaphore, #tpu.memory_space<semaphore_mem>>) src(%dma_wait3A_1256 : memref<128x32xf32, #tpu.memory_space<hbm>>) dst(%dma_wait3A_1253 : memref<128x32xf32, #tpu.memory_space<vmem>>)
      %add3A_1257 = arith.constant 4 : i32
      %add3A_1258 = arith.addi %add3A_1157, %add3A_1257 : i32
      %lt3A_1259 = arith.constant 392 : i32
      %lt3A_1260 = arith.cmpi slt, %add3A_1258, %lt3A_1259 : i32
      %convert_element_type3A_1261 = arith.extui %lt3A_1260 : i1 to i32
      %cond3A_1262 = arith.constant 0 : i32
      %cond3A_1263 = arith.cmpi ne, %convert_element_type3A_1261, %cond3A_1262 : i32
      scf.if %cond3A_1263 {
        %add3A_1272 = arith.constant 4 : i32
        %add3A_1273 = arith.addi %add3A_1157, %add3A_1272 : i32
        %mul3A_1274 = arith.constant 784 : i32
        %mul3A_1275 = arith.muli %arg1, %mul3A_1274 : i32
        %mul3A_1276 = arith.constant 2 : i32
        %mul3A_1277 = arith.muli %add3A_1273, %mul3A_1276 : i32
        %add3A_1278 = arith.addi %mul3A_1275, %mul3A_1277 : i32
        %dma_start3A_1279 = arith.constant 3 : i32
        %dma_start3A_1280 = arith.constant 0 : i32
        %dma_start3A_1281 = arith.constant 0 : i32
        %dma_start3A_1282 = tpu.memref_slice %arg7[%dma_start3A_1279, %dma_start3A_1280, %dma_start3A_1281] : memref<4x2x128xi32, #tpu.memory_space<vmem>> -> memref<1x2x128xi32, #tpu.memory_space<vmem>>
        %dma_start3A_1283 = tpu.memref_squeeze %dma_start3A_1282 : memref<1x2x128xi32, #tpu.memory_space<vmem>> -> memref<2x128xi32, #tpu.memory_space<vmem>>
        %dma_start3A_1284 = arith.constant 0 : i32
        %dma_start3A_1285 = tpu.memref_slice %arg3[%add3A_1278, %dma_start3A_1284] : memref<12544x128xi32, #tpu.memory_space<hbm>> -> memref<2x128xi32, #tpu.memory_space<hbm>>
        %dma_start3A_1286 = arith.constant 0 : i32
        %dma_start3A_1287 = arith.constant 0 : i32
        %dma_start3A_1288 = tpu.memref_slice %arg7[%dma_start3A_1279, %dma_start3A_1286, %dma_start3A_1287] : memref<4x2x128xi32, #tpu.memory_space<vmem>> -> memref<1x2x128xi32, #tpu.memory_space<vmem>>
        %dma_start3A_1289 = tpu.memref_squeeze %dma_start3A_1288 : memref<1x2x128xi32, #tpu.memory_space<vmem>> -> memref<2x128xi32, #tpu.memory_space<vmem>>
        %dma_start3A_1290 = arith.constant 0 : i32
        %dma_start3A_1291 = tpu.memref_slice %arg3[%add3A_1278, %dma_start3A_1290] : memref<12544x128xi32, #tpu.memory_space<hbm>> -> memref<2x128xi32, #tpu.memory_space<hbm>>
        tpu.enqueue_dma source(%dma_start3A_1291 : memref<2x128xi32, #tpu.memory_space<hbm>>) target(%dma_start3A_1289 : memref<2x128xi32, #tpu.memory_space<vmem>>) target_semaphore(%arg15 : memref<!tpu.dma_semaphore, #tpu.memory_space<semaphore_mem>>)
        %mul3A_1292 = arith.constant 784 : i32
        %mul3A_1293 = arith.muli %arg1, %mul3A_1292 : i32
        %mul3A_1294 = arith.constant 2 : i32
        %mul3A_1295 = arith.muli %add3A_1273, %mul3A_1294 : i32
        %add3A_1296 = arith.addi %mul3A_1293, %mul3A_1295 : i32
        %dma_start3A_1297 = arith.constant 3 : i32
        %dma_start3A_1298 = arith.constant 0 : i32
        %dma_start3A_1299 = arith.constant 0 : i32
        %dma_start3A_1300 = tpu.memref_slice %arg8[%dma_start3A_1297, %dma_start3A_1298, %dma_start3A_1299] : memref<4x2x128xi32, #tpu.memory_space<vmem>> -> memref<1x2x128xi32, #tpu.memory_space<vmem>>
        %dma_start3A_1301 = tpu.memref_squeeze %dma_start3A_1300 : memref<1x2x128xi32, #tpu.memory_space<vmem>> -> memref<2x128xi32, #tpu.memory_space<vmem>>
        %dma_start3A_1302 = arith.constant 0 : i32
        %dma_start3A_1303 = tpu.memref_slice %arg4[%add3A_1296, %dma_start3A_1302] : memref<12544x128xi32, #tpu.memory_space<hbm>> -> memref<2x128xi32, #tpu.memory_space<hbm>>
        %dma_start3A_1304 = arith.constant 0 : i32
        %dma_start3A_1305 = arith.constant 0 : i32
        %dma_start3A_1306 = tpu.memref_slice %arg8[%dma_start3A_1297, %dma_start3A_1304, %dma_start3A_1305] : memref<4x2x128xi32, #tpu.memory_space<vmem>> -> memref<1x2x128xi32, #tpu.memory_space<vmem>>
        %dma_start3A_1307 = tpu.memref_squeeze %dma_start3A_1306 : memref<1x2x128xi32, #tpu.memory_space<vmem>> -> memref<2x128xi32, #tpu.memory_space<vmem>>
        %dma_start3A_1308 = arith.constant 0 : i32
        %dma_start3A_1309 = tpu.memref_slice %arg4[%add3A_1296, %dma_start3A_1308] : memref<12544x128xi32, #tpu.memory_space<hbm>> -> memref<2x128xi32, #tpu.memory_space<hbm>>
        tpu.enqueue_dma source(%dma_start3A_1309 : memref<2x128xi32, #tpu.memory_space<hbm>>) target(%dma_start3A_1307 : memref<2x128xi32, #tpu.memory_space<vmem>>) target_semaphore(%arg15 : memref<!tpu.dma_semaphore, #tpu.memory_space<semaphore_mem>>)
      } else {
      }
      %add3A_1264 = arith.constant 2 : i32
      %add3A_1265 = arith.addi %add3A_1157, %add3A_1264 : i32
      %lt3A_1266 = arith.constant 392 : i32
      %lt3A_1267 = arith.cmpi slt, %add3A_1265, %lt3A_1266 : i32
      %convert_element_type3A_1268 = arith.extui %lt3A_1267 : i1 to i32
      %cond3A_1269 = arith.constant 0 : i32
      %cond3A_1270 = arith.cmpi ne, %convert_element_type3A_1268, %cond3A_1269 : i32
      scf.if %cond3A_1270 {
        %dma_start3A_1272 = arith.constant 1 : i32
        %dma_start3A_1273 = arith.constant 0 : i32
        %dma_start3A_1274 = arith.constant 1 : i32
        %dma_start3A_1275 = arith.constant 0 : i32
        %dma_start3A_1276 = arith.constant 0 : i32
        %dma_start3A_1277 = arith.constant 0 : i32
        %dma_start3A_1278 = tpu.memref_slice %arg9[%dma_start3A_1274, %dma_start3A_1275, %dma_start3A_1276, %dma_start3A_1277] : memref<2x2x128x32xf32, #tpu.memory_space<vmem>> -> memref<1x1x128x32xf32, #tpu.memory_space<vmem>>
        %dma_start3A_1279 = tpu.memref_squeeze %dma_start3A_1278 : memref<1x1x128x32xf32, #tpu.memory_space<vmem>> -> memref<128x32xf32, #tpu.memory_space<vmem>>
        %dma_start3A_1280 = arith.constant 0 : i32
        %dma_start3A_1281 = tpu.memref_slice %arg7[%dma_start3A_1272, %dma_start3A_1273, %dma_start3A_1280] : memref<4x2x128xi32, #tpu.memory_space<vmem>> -> memref<1x1x128xi32, #tpu.memory_space<vmem>>
        %dma_start3A_1282 = tpu.memref_squeeze %dma_start3A_1281 : memref<1x1x128xi32, #tpu.memory_space<vmem>> -> memref<128xi32, #tpu.memory_space<vmem>>
        %dma_start3A_1283 = arith.constant 0 : i32
        %dma_start3A_1284 = arith.constant 0 : i32
        %dma_start3A_1285 = tpu.memref_slice %arg2[%dma_start3A_1283, %dma_start3A_1284] : memref<100352x32xf32, #tpu.memory_space<hbm>> -> memref<100352x32xf32, #tpu.memory_space<hbm>>
        tpu.enqueue_indirect_dma source(%dma_start3A_1285 : memref<100352x32xf32, #tpu.memory_space<hbm>>) target(%dma_start3A_1279 : memref<128x32xf32, #tpu.memory_space<vmem>>) offsets(%dma_start3A_1282 : memref<128xi32, #tpu.memory_space<vmem>>) semaphore(%arg11 : memref<!tpu.dma_semaphore, #tpu.memory_space<semaphore_mem>>)
        %dma_start3A_1286 = arith.constant 1 : i32
        %dma_start3A_1287 = arith.constant 1 : i32
        %dma_start3A_1288 = arith.constant 1 : i32
        %dma_start3A_1289 = arith.constant 1 : i32
        %dma_start3A_1290 = arith.constant 0 : i32
        %dma_start3A_1291 = arith.constant 0 : i32
        %dma_start3A_1292 = tpu.memref_slice %arg9[%dma_start3A_1288, %dma_start3A_1289, %dma_start3A_1290, %dma_start3A_1291] : memref<2x2x128x32xf32, #tpu.memory_space<vmem>> -> memref<1x1x128x32xf32, #tpu.memory_space<vmem>>
        %dma_start3A_1293 = tpu.memref_squeeze %dma_start3A_1292 : memref<1x1x128x32xf32, #tpu.memory_space<vmem>> -> memref<128x32xf32, #tpu.memory_space<vmem>>
        %dma_start3A_1294 = arith.constant 0 : i32
        %dma_start3A_1295 = tpu.memref_slice %arg7[%dma_start3A_1286, %dma_start3A_1287, %dma_start3A_1294] : memref<4x2x128xi32, #tpu.memory_space<vmem>> -> memref<1x1x128xi32, #tpu.memory_space<vmem>>
        %dma_start3A_1296 = tpu.memref_squeeze %dma_start3A_1295 : memref<1x1x128xi32, #tpu.memory_space<vmem>> -> memref<128xi32, #tpu.memory_space<vmem>>
        %dma_start3A_1297 = arith.constant 0 : i32
        %dma_start3A_1298 = arith.constant 0 : i32
        %dma_start3A_1299 = tpu.memref_slice %arg2[%dma_start3A_1297, %dma_start3A_1298] : memref<100352x32xf32, #tpu.memory_space<hbm>> -> memref<100352x32xf32, #tpu.memory_space<hbm>>
        tpu.enqueue_indirect_dma source(%dma_start3A_1299 : memref<100352x32xf32, #tpu.memory_space<hbm>>) target(%dma_start3A_1293 : memref<128x32xf32, #tpu.memory_space<vmem>>) offsets(%dma_start3A_1296 : memref<128xi32, #tpu.memory_space<vmem>>) semaphore(%arg11 : memref<!tpu.dma_semaphore, #tpu.memory_space<semaphore_mem>>)
      } else {
      }
      %scan3A_1271 = arith.constant 0 : i32
      scf.yield %scan3A_1271 : i32
    }
    %scan3A_804 = arith.constant 98 : i32
    %barrier3A_805 = arith.constant 0 : index
    tpu.barrier barrier_id(%barrier3A_805)
    %mul3A_806 = arith.constant 3136 : i32
    %mul3A_807 = arith.muli %arg1, %mul3A_806 : i32
    %mul3A_808 = arith.constant 3136 : i32
    %mul3A_809 = arith.muli %arg1, %mul3A_808 : i32
    "tpu.region"() ({
      %run_scoped3A = tpu.sem_alloc : memref<!tpu.dma_semaphore, #tpu.memory_space<semaphore_mem>>
      %dma_start3A_810 = arith.constant 0 : i32
      %dma_start3A_811 = tpu.memref_slice %arg5[%arg0, %mul3A_809, %dma_start3A_810] : memref<2x50176x32xf32, #tpu.memory_space<hbm>> -> memref<1x3136x32xf32, #tpu.memory_space<hbm>>
      %dma_start3A_812 = tpu.memref_squeeze %dma_start3A_811 : memref<1x3136x32xf32, #tpu.memory_space<hbm>> -> memref<3136x32xf32, #tpu.memory_space<hbm>>
      %dma_start3A_813 = arith.constant 0 : i32
      %dma_start3A_814 = tpu.memref_slice %arg6[%mul3A_807, %dma_start3A_813] : memref<50176x32xf32, #tpu.memory_space<vmem_shared>> -> memref<3136x32xf32, #tpu.memory_space<vmem_shared>>
      tpu.enqueue_dma source(%dma_start3A_814 : memref<3136x32xf32, #tpu.memory_space<vmem_shared>>) target(%dma_start3A_812 : memref<3136x32xf32, #tpu.memory_space<hbm>>) target_semaphore(%run_scoped3A : memref<!tpu.dma_semaphore, #tpu.memory_space<semaphore_mem>>)
      %dma_wait3A_815 = arith.constant 0 : i32
      %dma_wait3A_816 = tpu.memref_slice %arg5[%arg0, %mul3A_809, %dma_wait3A_815] : memref<2x50176x32xf32, #tpu.memory_space<hbm>> -> memref<1x3136x32xf32, #tpu.memory_space<hbm>>
      %dma_wait3A_817 = tpu.memref_squeeze %dma_wait3A_816 : memref<1x3136x32xf32, #tpu.memory_space<hbm>> -> memref<3136x32xf32, #tpu.memory_space<hbm>>
      %dma_wait3A_818 = arith.constant 0 : i32
      %dma_wait3A_819 = tpu.memref_slice %arg6[%mul3A_807, %dma_wait3A_818] : memref<50176x32xf32, #tpu.memory_space<vmem_shared>> -> memref<3136x32xf32, #tpu.memory_space<vmem_shared>>
      tpu.wait_dma2 semaphore(%run_scoped3A : memref<!tpu.dma_semaphore, #tpu.memory_space<semaphore_mem>>) src(%dma_wait3A_819 : memref<3136x32xf32, #tpu.memory_space<vmem_shared>>) dst(%dma_wait3A_817 : memref<3136x32xf32, #tpu.memory_space<hbm>>)
      tpu.yield
    }) : () -> ()
    return
  }
}

module attributes {stable_mosaic.version = 14 : i64} {
  func.func @_k2_body(%arg0: i32, %arg1: memref<512x39xf32, #tpu.memory_space<vmem>>, %arg2: memref<39x64xf32, #tpu.memory_space<vmem>>, %arg3: memref<2x512x1xf32, #tpu.memory_space<vmem>>, %arg4: memref<2x512x32xf32, #tpu.memory_space<vmem>>) attributes {dimension_semantics = [#tpu.dimension_semantics<arbitrary>], iteration_bounds = array<i64: 98>, scalar_prefetch = 0 : i64, scratch_operands = 0 : i64, tpu.core_type = #tpu.core_type<tc>, window_params = [{transform_indices = @transform_0, window_bounds = array<i64: 512, 39>}, {pipeline_mode = #tpu.pipeline_mode<synchronous>, transform_indices = @transform_1, window_bounds = array<i64: 39, 64>}, {transform_indices = @transform_2, window_bounds = array<i64: 2, 512, 1>}, {transform_indices = @transform_3, window_bounds = array<i64: 2, 512, 32>}]} {
    %get3A = arith.constant 0 : index
    %get3A_0 = arith.constant 0 : index
    %get3A_1 = arith.constant 0 : index
    %get3A_2 = vector.load %arg3[%get3A, %get3A_0, %get3A_1] : memref<2x512x1xf32, #tpu.memory_space<vmem>>, vector<1x512x1xf32>
    %get3A_3 = vector.shape_cast %get3A_2 : vector<1x512x1xf32> to vector<512x1xf32>
    %get3A_4 = arith.constant 1 : index
    %get3A_5 = arith.constant 0 : index
    %get3A_6 = arith.constant 0 : index
    %get3A_7 = vector.load %arg3[%get3A_4, %get3A_5, %get3A_6] : memref<2x512x1xf32, #tpu.memory_space<vmem>>, vector<1x512x1xf32>
    %get3A_8 = vector.shape_cast %get3A_7 : vector<1x512x1xf32> to vector<512x1xf32>
    %add3A = arith.addf %get3A_3, %get3A_8 : vector<512x1xf32>
    %add3A_9 = arith.constant 1.000000e+00 : f32
    %add3A_10 = vector.broadcast %add3A_9 : f32 to vector<512x1xf32>
    %add3A_11 = arith.addf %add3A, %add3A_10 : vector<512x1xf32>
    %rsqrt3A = math.rsqrt %add3A_11 : vector<512x1xf32>
    %get3A_12 = arith.constant 0 : index
    %get3A_13 = arith.constant 0 : index
    %get3A_14 = vector.load %arg1[%get3A_12, %get3A_13] : memref<512x39xf32, #tpu.memory_space<vmem>>, vector<512x39xf32>
    %get3A_15 = arith.constant 0 : index
    %get3A_16 = arith.constant 0 : index
    %get3A_17 = vector.load %arg2[%get3A_15, %get3A_16] : memref<39x64xf32, #tpu.memory_space<vmem>>, vector<39x64xf32>
    %dot_general3A = arith.constant dense<0.000000e+00> : vector<512x64xf32>
    %dot_general3A_18 = tpu.matmul %get3A_14, %get3A_17, %dot_general3A {dimension_numbers = #tpu.dot_dimension_numbers<[1], [0], [0], [1], [0, 0, 1, 1], [], []>, transpose_lhs_hint = false} : vector<512x39xf32>, vector<39x64xf32>, vector<512x64xf32> -> vector<512x64xf32>
    %mul3A = vector.broadcast %rsqrt3A : vector<512x1xf32> to vector<512x64xf32>
    %mul3A_19 = arith.mulf %dot_general3A_18, %mul3A : vector<512x64xf32>
    %slice3A = vector.extract_strided_slice %mul3A_19 {offsets = [0, 0], sizes = [512, 32], strides = [1, 1]} : vector<512x64xf32> to vector<512x32xf32>
    %swap3A = arith.constant 0 : index
    %swap3A_20 = arith.constant 0 : index
    %swap3A_21 = arith.constant 0 : index
    %swap3A_22 = vector.load %arg4[%swap3A, %swap3A_20, %swap3A_21] : memref<2x512x32xf32, #tpu.memory_space<vmem>>, vector<1x512x32xf32>
    %swap3A_23 = vector.shape_cast %swap3A_22 : vector<1x512x32xf32> to vector<512x32xf32>
    %swap3A_24 = vector.shape_cast %slice3A : vector<512x32xf32> to vector<1x512x32xf32>
    tpu.vector_store %arg4[%swap3A, %swap3A_20, %swap3A_21], %swap3A_24 {strides = array<i32>} : memref<2x512x32xf32, #tpu.memory_space<vmem>>, vector<1x512x32xf32>,
    %slice3A_25 = vector.extract_strided_slice %mul3A_19 {offsets = [0, 32], sizes = [512, 32], strides = [1, 1]} : vector<512x64xf32> to vector<512x32xf32>
    %swap3A_26 = arith.constant 1 : index
    %swap3A_27 = arith.constant 0 : index
    %swap3A_28 = arith.constant 0 : index
    %swap3A_29 = vector.load %arg4[%swap3A_26, %swap3A_27, %swap3A_28] : memref<2x512x32xf32, #tpu.memory_space<vmem>>, vector<1x512x32xf32>
    %swap3A_30 = vector.shape_cast %swap3A_29 : vector<1x512x32xf32> to vector<512x32xf32>
    %swap3A_31 = vector.shape_cast %slice3A_25 : vector<512x32xf32> to vector<1x512x32xf32>
    tpu.vector_store %arg4[%swap3A_26, %swap3A_27, %swap3A_28], %swap3A_31 {strides = array<i32>} : memref<2x512x32xf32, #tpu.memory_space<vmem>>, vector<1x512x32xf32>,
    return
  }
  func.func @transform_0(%arg0: i32) -> (i32, i32) {
    %c0_i32 = arith.constant 0 : i32
    %c0_i32_0 = arith.constant 0 : i32
    return %arg0, %c0_i32 : i32, i32
  }
  func.func @transform_1(%arg0: i32) -> (i32, i32) {
    %c0_i32 = arith.constant 0 : i32
    %c0_i32_0 = arith.constant 0 : i32
    %c0_i32_1 = arith.constant 0 : i32
    return %c0_i32, %c0_i32_0 : i32, i32
  }
  func.func @transform_2(%arg0: i32) -> (i32, i32, i32) {
    %c0_i32 = arith.constant 0 : i32
    %c0_i32_0 = arith.constant 0 : i32
    %c0_i32_1 = arith.constant 0 : i32
    return %c0_i32, %arg0, %c0_i32_0 : i32, i32, i32
  }
  func.func @transform_3(%arg0: i32) -> (i32, i32, i32) {
    %c0_i32 = arith.constant 0 : i32
    %c0_i32_0 = arith.constant 0 : i32
    %c0_i32_1 = arith.constant 0 : i32
    return %c0_i32, %arg0, %c0_i32_0 : i32, i32, i32
  }
}

module attributes {stable_mosaic.version = 14 : i64} {
  func.func @_k4_body(%arg0: i32, %arg1: memref<2x2000x32xf32, #tpu.memory_space<vmem>>, %arg2: memref<2x2000x1xf32, #tpu.memory_space<vmem>>, %arg3: memref<1x64xf32, #tpu.memory_space<vmem>>, %arg4: memref<2000x64xf32, #tpu.memory_space<vmem>>) attributes {dimension_semantics = [#tpu.dimension_semantics<arbitrary>], iteration_bounds = array<i64: 25>, scalar_prefetch = 0 : i64, scratch_operands = 0 : i64, tpu.core_type = #tpu.core_type<tc>, window_params = [{transform_indices = @transform_0, window_bounds = array<i64: 2, 2000, 32>}, {transform_indices = @transform_1, window_bounds = array<i64: 2, 2000, 1>}, {pipeline_mode = #tpu.pipeline_mode<synchronous>, transform_indices = @transform_2, window_bounds = array<i64: 1, 64>}, {transform_indices = @transform_3, window_bounds = array<i64: 2000, 64>}]} {
    %get3A = arith.constant 0 : index
    %get3A_0 = arith.constant 0 : index
    %get3A_1 = arith.constant 0 : index
    %get3A_2 = vector.load %arg2[%get3A, %get3A_0, %get3A_1] : memref<2x2000x1xf32, #tpu.memory_space<vmem>>, vector<1x2000x1xf32>
    %get3A_3 = vector.shape_cast %get3A_2 : vector<1x2000x1xf32> to vector<2000x1xf32>
    %get3A_4 = arith.constant 1 : index
    %get3A_5 = arith.constant 0 : index
    %get3A_6 = arith.constant 0 : index
    %get3A_7 = vector.load %arg2[%get3A_4, %get3A_5, %get3A_6] : memref<2x2000x1xf32, #tpu.memory_space<vmem>>, vector<1x2000x1xf32>
    %get3A_8 = vector.shape_cast %get3A_7 : vector<1x2000x1xf32> to vector<2000x1xf32>
    %add3A = arith.addf %get3A_3, %get3A_8 : vector<2000x1xf32>
    %add3A_9 = arith.constant 1.000000e+00 : f32
    %add3A_10 = vector.broadcast %add3A_9 : f32 to vector<2000x1xf32>
    %add3A_11 = arith.addf %add3A, %add3A_10 : vector<2000x1xf32>
    %rsqrt3A = math.rsqrt %add3A_11 : vector<2000x1xf32>
    %get3A_12 = arith.constant 0 : index
    %get3A_13 = arith.constant 0 : index
    %get3A_14 = arith.constant 0 : index
    %get3A_15 = vector.load %arg1[%get3A_12, %get3A_13, %get3A_14] : memref<2x2000x32xf32, #tpu.memory_space<vmem>>, vector<1x2000x32xf32>
    %get3A_16 = vector.shape_cast %get3A_15 : vector<1x2000x32xf32> to vector<2000x32xf32>
    %mul3A = vector.broadcast %rsqrt3A : vector<2000x1xf32> to vector<2000x32xf32>
    %mul3A_17 = arith.mulf %get3A_16, %mul3A : vector<2000x32xf32>
    %get3A_18 = arith.constant 0 : index
    %get3A_19 = arith.constant 0 : index
    %get3A_20 = vector.load %arg3[%get3A_18, %get3A_19] : memref<1x64xf32, #tpu.memory_space<vmem>>, vector<1x32xf32>
    %add3A_21 = vector.broadcast %get3A_20 : vector<1x32xf32> to vector<2000x32xf32>
    %add3A_22 = arith.addf %mul3A_17, %add3A_21 : vector<2000x32xf32>
    %swap3A = arith.constant 0 : index
    %swap3A_23 = arith.constant 0 : index
    %swap3A_24 = vector.load %arg4[%swap3A, %swap3A_23] : memref<2000x64xf32, #tpu.memory_space<vmem>>, vector<2000x32xf32>
    tpu.vector_store %arg4[%swap3A, %swap3A_23], %add3A_22 {strides = array<i32>} : memref<2000x64xf32, #tpu.memory_space<vmem>>, vector<2000x32xf32>,
    %get3A_25 = arith.constant 1 : index
    %get3A_26 = arith.constant 0 : index
    %get3A_27 = arith.constant 0 : index
    %get3A_28 = vector.load %arg1[%get3A_25, %get3A_26, %get3A_27] : memref<2x2000x32xf32, #tpu.memory_space<vmem>>, vector<1x2000x32xf32>
    %get3A_29 = vector.shape_cast %get3A_28 : vector<1x2000x32xf32> to vector<2000x32xf32>
    %mul3A_30 = vector.broadcast %rsqrt3A : vector<2000x1xf32> to vector<2000x32xf32>
    %mul3A_31 = arith.mulf %get3A_29, %mul3A_30 : vector<2000x32xf32>
    %get3A_32 = arith.constant 0 : index
    %get3A_33 = arith.constant 32 : index
    %get3A_34 = vector.load %arg3[%get3A_32, %get3A_33] : memref<1x64xf32, #tpu.memory_space<vmem>>, vector<1x32xf32>
    %add3A_35 = vector.broadcast %get3A_34 : vector<1x32xf32> to vector<2000x32xf32>
    %add3A_36 = arith.addf %mul3A_31, %add3A_35 : vector<2000x32xf32>
    %swap3A_37 = arith.constant 0 : index
    %swap3A_38 = arith.constant 32 : index
    %swap3A_39 = vector.load %arg4[%swap3A_37, %swap3A_38] : memref<2000x64xf32, #tpu.memory_space<vmem>>, vector<2000x32xf32>
    tpu.vector_store %arg4[%swap3A_37, %swap3A_38], %add3A_36 {strides = array<i32>} : memref<2000x64xf32, #tpu.memory_space<vmem>>, vector<2000x32xf32>,
    return
  }
  func.func @transform_0(%arg0: i32) -> (i32, i32, i32) {
    %c0_i32 = arith.constant 0 : i32
    %c0_i32_0 = arith.constant 0 : i32
    %c0_i32_1 = arith.constant 0 : i32
    return %c0_i32, %arg0, %c0_i32_0 : i32, i32, i32
  }
  func.func @transform_1(%arg0: i32) -> (i32, i32, i32) {
    %c0_i32 = arith.constant 0 : i32
    %c0_i32_0 = arith.constant 0 : i32
    %c0_i32_1 = arith.constant 0 : i32
    return %c0_i32, %arg0, %c0_i32_0 : i32, i32, i32
  }
  func.func @transform_2(%arg0: i32) -> (i32, i32) {
    %c0_i32 = arith.constant 0 : i32
    %c0_i32_0 = arith.constant 0 : i32
    %c0_i32_1 = arith.constant 0 : i32
    return %c0_i32, %c0_i32_0 : i32, i32
  }
  func.func @transform_3(%arg0: i32) -> (i32, i32) {
    %c0_i32 = arith.constant 0 : i32
    %c0_i32_0 = arith.constant 0 : i32
    return %arg0, %c0_i32 : i32, i32
  }
}

</mosaic_0001>

<sc_bundles>
// kernel: kernel.6.cloned.1.call-start
scs
__scs_entry_jumppad:
0x0: {  	(pc) =	sbr.rel $0x88, $3  }
0x1: {  	(tag) =	ssettag $0x0;
	lr =	simm.s32 $0x1  }
0x2: {  	[smem:$0x3F9D] =	sst lr;
	_ =	strace $0xD0000000  }
0x3: {  	_ = 	snop  }
0x4: {  	_ = 	snop  }
0x5: {  	_ = 	snop  }
0x6: {  	_ = 	snop  }
0x7: {  	_ = 	snop  }
__scs_overlays_trampoline_lowered:
0x8: {  	[smem:$0x3FAC] =	sst s0  }
0x9: {  	[smem:$0x3FAD] =	sst s1  }
0xa: {  	[smem:$0x3FAE] =	sst s2  }
0xb: {  	[smem:$0x3FAF] =	sst s3  }
0xc: {  	[smem:$0x3FB0] =	sst s4  }
0xd: {  	[smem:$0x3FB1] =	sst s5  }
0xe: {  	[smem:$0x3FB2] =	sst s6  }
0xf: {  	[smem:$0x3FB3] =	sst s7  }
0x10: {  	[smem:$0x3FB4] =	sst s8  }
0x11: {  	[smem:$0x3FB5] =	sst s9;
	s0 =	simm.s32 @!p0 $0x0  }
0x12: {  	s1 =	sld [smem:$0x3F9B];
	s0 =	simm.s32 @p0 $0x1  }
0x13: {  	[smem:$0x3FB6] =	sst s0;
	s0 =	simm.s32 @!p1 $0x0  }
0x14: {  	s2 =	sld [smem:$0x3F9A];
	s0 =	simm.s32 @p1 $0x1  }
0x15: {  	[smem:$0x3FB7] =	sst s0;
	s0 =	simm.s32 @!p2 $0x0  }
0x16: {  	s3 =	sld [smem:$0x3FDB];
	s0 =	simm.s32 @p2 $0x1  }
0x17: {  	s4 =	simm.s32 $0x1BF5;
	[smem:$0x3FB9] =	sst s0  }
0x18: {  	s0 =	sld [smem:$0x3F9C];
	_ =	swait.ge [sflag:s4], $0x0  }
0x19: {  	s7 =	sld [smem:$0x3F9D]  }
0x1a: {  	s8 =	sadd.s32 $0xFFFFE003, lr  }
0x1b: {  	s9 =	sadd.s32 $0xFFFFFEF7, lr;
	s5 =	simm.s32 $0xFFFFFFFF;
	p2 =	slt.u32 s8, $0xFFFFF086  }
0x1c: {  	p1 =	slt.u32 s9, $0xF7A;
	s5 =	simm.s32 @!p2 $0x0  }
0x1d: {  	s5 =	simm.s32 @p1 $0x1;
	p0 =	seq.s32 s7, s2  }
0x1e: {  	s7 =	smul.u32 @!p0 $0xF7A, s2;
	p2 =	seq.s32 @!p0 s5, $0x0  }
0x1f: {  	s9 =	smul.u32 $0xF7A, s1;
	s8 =	simm.s32 @!p0 $0x1BF5;
	p2 =	por !p2, p0  }
0x20: {  	[sflag:s8] =	ssyncset.s32 @!p0 $0xFFFFF086;
	s6 =	sadd.s32 @!p0 s3, s7;
	s7 =	simm.s32 @!p0 $0x108  }
0x21: {  	s3 =	sadd.s32 s3, s9;
	s6 =	sadd.s32 @!p0 $0x88, s6;
	s7 =	simm.s32 @p2 $0x1082  }
0x22: {  	[simem:s7], [sflag:s8] =	dma.local @!p0 [hbm:s6], $0xF7A  }
0x23: {  	s9 =	sor.u32 $0xD0000000, s2;
	s6 =	simm.s32 $0x108;
	_ =	swait.ge @!p0 [sflag:s8], $0x0  }
0x24: {  	s3 =	sadd.s32 $0x88, s3;
	s6 =	simm.s32 @!p1 $0x1082;
	[sflag:s4] =	ssyncset.s32 $0xFFFFF086  }
0x25: {  	[simem:s6], [sflag:s4] =	dma.local [hbm:s3], $0xF7A  }
0x26: {  	[smem:$0x3F9D] =	sst s1;
	(tag) =	ssettag s2;
	_ =	strace s9  }
0x27: {  	s1 =	sld [smem:$0x3FAD]  }
0x28: {  	s2 =	sld [smem:$0x3FAE]  }
0x29: {  	s4 =	sld [smem:$0x3FB0]  }
0x2a: {  	p0 =	seq.s32 s5, $0x0;
	s5 =	sld [smem:$0x3FB1]  }
0x2b: {  	s6 =	sld [smem:$0x3FB2]  }
0x2c: {  	s7 =	sld [smem:$0x3FB3]  }
0x2d: {  	s3 =	simm.s32 $0x108;
	s8 =	sld [smem:$0x3FB4]  }
0x2e: {  	s3 =	simm.s32 @!p0 $0x1082;
	s9 =	sld [smem:$0x3FB5]  }
0x2f: {  	lr =	sadd.s32 s0, s3;
	s0 =	sld [smem:$0x3FAC]  }
0x30: {  	s3 =	sld [smem:$0x3FAF]  }
0x31: {  	[smem:$0x3FB8] =	sst s10  }
0x32: {  	s10 =	sld [smem:$0x3FB6];
	_ =	sdelay $0x3  }
0x33: {  	p0 =	seq.s32 s10, $0x1;
	s10 =	sld [smem:$0x3FB8];
	_ =	sdelay $0x3  }
0x34: {  	[smem:$0x3FB8] =	sst s10  }
0x35: {  	s10 =	sld [smem:$0x3FB7];
	_ =	sdelay $0x3  }
0x36: {  	p1 =	seq.s32 s10, $0x1;
	s10 =	sld [smem:$0x3FB8];
	_ =	sdelay $0x3  }
0x37: {  	[smem:$0x3FB8] =	sst s10  }
0x38: {  	s10 =	sld [smem:$0x3FB9]  }
0x39: {  	_ = 	snop;
	(pc) =	sbr.ind lr, $3  }
0x3a: {  	_ = 	snop  }
0x3b: {  	_ = 	snop  }
0x3c: {  	p2 =	seq.s32 s10, $0x1;
	s10 =	sld [smem:$0x3FB8]  }
0x3d: {  	_ =	shalt  }
0x3e: {  	_ =	shalt  }
0x3f: {  	_ =	shalt  }
0x40: {  	_ =	shalt  }
0x41: {  	_ =	shalt  }
0x42: {  	_ =	shalt  }
0x43: {  	_ =	shalt  }
0x44: {  	_ =	shalt  }
0x45: {  	_ =	shalt  }
0x46: {  	_ =	shalt  }
0x47: {  	_ =	shalt  }
0x48: {  	_ =	shalt  }
0x49: {  	_ =	shalt  }
0x4a: {  	_ =	shalt  }
0x4b: {  	_ =	shalt  }
0x4c: {  	_ =	shalt  }
0x4d: {  	_ =	shalt  }
0x4e: {  	_ =	shalt  }
0x4f: {  	_ =	shalt  }
0x50: {  	_ =	shalt  }
0x51: {  	_ =	shalt  }
0x52: {  	_ =	shalt  }
0x53: {  	_ =	shalt  }
0x54: {  	_ =	shalt  }
0x55: {  	_ =	shalt  }
0x56: {  	_ =	shalt  }
0x57: {  	_ =	shalt  }
0x58: {  	_ =	shalt  }
0x59: {  	_ =	shalt  }
0x5a: {  	_ =	shalt  }
0x5b: {  	_ =	shalt  }
0x5c: {  	_ =	shalt  }
0x5d: {  	_ =	shalt  }
0x5e: {  	_ =	shalt  }
0x5f: {  	_ =	shalt  }
0x60: {  	_ =	shalt  }
0x61: {  	_ =	shalt  }
0x62: {  	_ =	shalt  }
0x63: {  	_ =	shalt  }
0x64: {  	_ =	shalt  }
0x65: {  	_ =	shalt  }
0x66: {  	_ =	shalt  }
0x67: {  	_ =	shalt  }
0x68: {  	_ =	shalt  }
0x69: {  	_ =	shalt  }
0x6a: {  	_ =	shalt  }
0x6b: {  	_ =	shalt  }
0x6c: {  	_ =	shalt  }
0x6d: {  	_ =	shalt  }
0x6e: {  	_ =	shalt  }
0x6f: {  	_ =	shalt  }
0x70: {  	_ =	shalt  }
0x71: {  	_ =	shalt  }
0x72: {  	_ =	shalt  }
0x73: {  	_ =	shalt  }
0x74: {  	_ =	shalt  }
0x75: {  	_ =	shalt  }
0x76: {  	_ =	shalt  }
0x77: {  	_ =	shalt  }
0x78: {  	_ =	shalt  }
0x79: {  	_ =	shalt  }
0x7a: {  	_ =	shalt  }
0x7b: {  	_ =	shalt  }
0x7c: {  	_ =	shalt  }
0x7d: {  	_ =	shalt  }
0x7e: {  	_ =	shalt  }
0x7f: {  	_ =	shalt  }
0x80: {  	_ =	shalt  }
0x81: {  	_ =	shalt  }
0x82: {  	_ =	shalt  }
0x83: {  	_ =	shalt  }
0x84: {  	_ =	shalt  }
0x85: {  	_ =	shalt  }
0x86: {  	_ =	shalt  }
0x87: {  	_ =	shalt  }
.Lfunc_end0:
.L_simem_size_0:
called_computation_lowered:
.L_overlay_start_0:
0x88: {  	s2 =	sld [smem:$0x3FD9]  }
0x89: {  	s3 =	sld [smem:$0x3FFE];
	_ =	sdelay $0x1  }
0x8a: {  	s1 =	srdreg.scid  }
0x8b: {  	s0 =	sand.u32 $0x1, s1  }
0x8c: {  	s17 =	sshll.u32 s0, $0xA;
	s2 =	sadd.s32 s3, s2  }
0x8d: {  	s2 =	sadd.s32 s2, s17  }
0x8e: {  	[smem:$0x3FC4] =	sst s2  }
0x8f: {  	_ = 	snop  }
0x90: {  	s2 =	sld [smem:$0x3FD0];
	(tm) =	ssettm $0x1  }
0x91: {  	s18 =	sld [smem:$0x3FFB];
	_ =	sdelay $0x3  }
0x92: {  	_ =	strace s18  }
0x93: {  	s3 =	sld [smem:$0x3FFC];
	_ =	sdelay $0x3  }
0x94: {  	_ =	strace s3  }
0x95: {  	s3 =	sld [smem:$0x3FFD];
	_ =	sdelay $0x3  }
0x96: {  	_ =	strace s3  }
0x97: {  	_ =	strace $0x8FFFFFFF  }
0x98: {  	s19 =	sld [smem:$0x3FDB];
	_ =	sdelay $0x1  }
0x99: {  	s4 =	simm.s32 $_scs_section_size  }
0x9a: {  	s5 =	simm.s32 $_size__tile_overlayer_lowered;
	s6 =	simm.s32 $_tile_overlayer_lowered  }
0x9b: {  	s22 =	simm.s32 $0x1BFF;
	s21 =	sshll.u32 s6, $0x1;
	s3 =	sadd.s32 s4, s19  }
0x9c: {  	s7 =	simm.s32 $0x0;
	s20 =	sshll.u32 s5, $0x1;
	s5 =	sadd.s32 s21, s3  }
0x9d: {  	[timem:s7], [sflag:s22] =	dma.local [hbm:s5], s20  }
0x9e: {  	_ =	swait.ge [sflag:s22], s20  }
0x9f: {  	s4 =	ssub.s32 $0x0, s20;
	[sflag:s22] =	ssyncset.done $0x0  }
0xa0: {  	[sflag:s22] =	ssyncadd.s32 s4;
	_ =	sdelay $0x1  }
0xa1: {  	s23 =	simm.s32 $0x1B8B  }
0xa2: {  	_ =	swait.ge [sflag:s23], $0x1  }
0xa3: {  	[sflag:s23] =	ssyncset.done $0x0  }
0xa4: {  	s25 =	simm.s32 $0x1B8E;
	s24 =	sld [smem:$0x3FFE];
	[sflag:s23] =	ssyncadd.s32 $0xFFFFFFFF  }
0xa5: {  	s26 =	simm.s32 $execute0_lowered;
	[smem:$0x3FD2] =	sst s25  }
0xa6: {  	s5 =	sshll.u32 s26, $0x1;
	_ =	strace $0x80000046;
	[dreg:$0x1] =	wrdreg $0xFFFFFFFF  }
0xa7: {  	s28 =	simm.s32 $_size_execute0_lowered;
	s3 =	sadd.s32 s3, s5;
	[dreg:$0x0] =	wrdreg $0x0  }
0xa8: {  	s5 =	sshll.u32 s28, $0x1;
	[dreg:$0x2] =	wrdreg s3  }
0xa9: {  	[dreg:$0x3] =	wrdreg s5  }
0xaa: {  	[dreg:$0x4] =	wrdreg $0xC0  }
0xab: {  	_ =	task [dreg:s7], $0x5FFFF  }
0xac: {  	[dreg:$0x1] =	wrdreg $0xFFFFFFFF  }
0xad: {  	[dreg:$0x0] =	wrdreg $0x60  }
0xae: {  	[dreg:$0x2] =	wrdreg s2  }
0xaf: {  	[dreg:$0x3] =	wrdreg s24  }
0xb0: {  	[dreg:$0x4] =	wrdreg $0x0  }
0xb1: {  	[dreg:$0x5] =	wrdreg $0x9  }
0xb2: {  	_ =	task.clear_ibuf [dreg:s7], $0x6FFFF;
	_ =	strace $0x90000046  }
0xb3: {  	s29 =	simm.s32 $0x9;
	_ =	strace $0x80000048  }
0xb4: {  	_ =	swait.ge [sflag:s29], $0x1  }
0xb5: {  	[sflag:s29] =	ssyncadd.s32 $0xFFFFFFFF  }
0xb6: {  	_ =	strace $0x90000048  }
0xb7: {  	_ =	sfence  }
0xb8: {  	s30 =	sld [smem:$0x0];
	_ =	sdelay $0x2  }
0xb9: {  	s31 =	sshll.u32 s1, $0xD;
	s1 =	sshrl.u32 s1, $0x2  }
0xba: {  	s3 =	sand.u32 $0x4000, s31;
	s1 =	sadd.s32 s1, s30  }
0xbb: {  	s0 =	sor.u32 s3, s0;
	s1 =	sshll.u32 s1, $0x11  }
0xbc: {  	s0 =	sor.u32 s1, s0  }
0xbd: {  	s0 =	sadd.s32 $0x8F2B, s0  }
0xbe: {  	[sflag:s0] =	ssyncadd.remote.s32 $0x1  }
0xbf: {  	_ =	sfence.sel $0xFFFF  }
0xc0: {  	[dreg:$0x0] =	wrdreg $0xFFFFFFFF;
	(pc) =	sbr.abs _section_cstart, $3  }
0xc1: {  	[dreg:$0x1] =	wrdreg $0xFFFFFFFF  }
0xc2: {  	_ =	task.clear_ibuf [dreg:s7], $0x2FFFF;
	_ =	strace $0x9FFFFFFF  }
0xc3: {  	(tm) =	ssettm $0x7FFFFFFF  }
tec
execute0_lowered:
.L_overlay_start_1:
0x0: {  	(tag) =	ssettag $0x1  }
0x1: {  	s5 =	rddreg [dreg:$0x0]  }
0x2: {  	s1 =	srdreg.scid;
	s4 =	rddreg [dreg:$0x1]  }
0x3: {  	s0 =	stileid.u32;
	s2 =	rddreg [dreg:$0x2]  }
0x4: {  	s3 =	simm.s32 $0x0;
	s11 =	simm.s32 $0x80;
	s12 =	simm.s32 $0xD040  }
0x5: {  	s13 =	simm.s32 $0xCC0;
	s14 =	simm.s32 $0xD40;
	s15 =	simm.s32 $0xDC0  }
0x6: {  	s16 =	simm.s32 $0x1;
	s17 =	simm.s32 $0x2;
	s18 =	simm.s32 $0x3  }
0x7: {  	s19 =	simm.s32 $0x4;
	s22 =	simm.s32 $0x0;
	s7 =	smul.u32 $0xC40, s0  }
0x8: {  	s6 =	sand.u32 $0x1, s1;
	s1 =	rddreg [dreg:$0x3];
	s9 =	smul.u32 $0x3100, s0  }
0x9: {  	[smem:$0x7FF] =	sst s3;
	s20 =	sshll.u32 s0, $0x6;
	s8 =	smul.u32 $0xC400, s6  }
0xa: {  	s10 =	smul.u32 $0x1880, s6;
	_ =	strace $0x80000047;
	s6 =	ssub.s32 $0x2, s6  }
0xb: {  	s20 =	sor.u32 $0x1C05, s20;
	s30 =	sshrl.u32 s6, $0x1;
	s8 =	sadd.s32 s7, s8  }
0xc: {  	s9 =	sadd.s32 s10, s9;
	s31 =	ssub.s32 s6, s30;
	s10 =	simm.s32 $0xC40  }
0xd: {  	s8 =	sshrl.u32 s8, $0x3;
	s5 =	sadd.s32 s5, s9;
	s9 =	simm.s32 $0x5  }
0xe: {  	s8 =	sadd.s32 s8, s4;
	s4 =	sadd.s32 s7, s2;
	s7 =	smax.u32 s31, $0x1  }
0xf: {  	v0 =	vimm.f32 $0.0e+00;
	v1 =	vimm.f32 $1.000000000e+00;
	s6 =	sadd.s32 $0x31E00, s8;
	s8 =	simm.s32 $0xD0C0;
	s21 =	sshrl.u32 s4, $0x3  }
.LBB2_1:
0x10: {  	s23 =	simm.s32 $0x40;
	s24 =	simm.s32 $0x0  }
.LBB2_2:
0x11: {  	p0 =	sne.s32 s23, $0x30C0;
	[tilespmem:s24+$0xD0C0] =	vst v0;
	s24 =	smov.u32 s23;
	s23 =	sadd.s32 $0x40, s23  }
.Ltmp0:
0x12: {  	(pc) =	sbr.rel @p0 .LBB2_2-.Ltmp0, $2  }
0x13: {  	_ =	sdelay $0x2  }
0x14: {  	s24 =	sshra.s32 s24, $0x2  }
0x15: {  	[tilespmem:s24+$0xD0C0] =	vst v0  }
0x16: {  	[tilespmem:$0xD040] =	vst v1  }
0x17: {  	[tilespmem:$0xD050] =	vst v1  }
0x18: {  	[tilespmem:$0xD060] =	vst v1  }
0x19: {  	[tilespmem:$0xD070] =	vst v1  }
0x1a: {  	[tilespmem:$0xD080] =	vst v1  }
0x1b: {  	[tilespmem:$0xD090] =	vst v1  }
0x1c: {  	[tilespmem:$0xD0A0] =	vst v1  }
0x1d: {  	[tilespmem:$0xD0B0] =	vst v1  }
0x1e: {  	[spmem:s4] =	stream.linear.scatter [tilespmem:s8], [sflag:$0x5], $0xC40, $0x38;
	[tilespmem:$0xDD00] =	vst v63  }
0x1f: {  	_ =	swait.ge [sflag:s9], $0xC40  }
0x20: {  	[sflag:s9] =	ssyncset.done $0x0  }
0x21: {  	[sflag:s9] =	ssyncadd.s32 $0xFFFFF3C0  }
0x22: {  	[bflag:$0x0] =	sbarrier.arrive $0xFFFF  }
0x23: {  	[tilespmem:s10], [sflag:$0x5] =	stream.linear.gather [hbm4b:s5+s3], $0xC400, $0x38;
	[tilespmem:$0xDD00] =	vst v63  }
0x24: {  	_ =	swait.ge [sflag:s9], $0xC400  }
0x25: {  	[sflag:s9] =	ssyncset.done $0x0  }
0x26: {  	[sflag:s9] =	ssyncadd.s32 $0xFFFF3C00  }
0x27: {  	[spmem:s2] =	stream.indirect.scatter.add.f32 [tilespmem:s12], [sflag:$0x1], $0x1, s10, s11, $0xb8;
	[tilespmem:$0xDD00] =	vst v63  }
0x28: {  	_ = 	snop  }
0x29: {  	[spmem:s2] =	stream.indirect.scatter.add.f32 [tilespmem:s12], [sflag:$0x2], $0x1, s13, s11, $0xb8;
	[tilespmem:$0xDD00] =	vst v63  }
0x2a: {  	_ = 	snop  }
0x2b: {  	[spmem:s2] =	stream.indirect.scatter.add.f32 [tilespmem:s12], [sflag:$0x3], $0x1, s14, s11, $0xb8;
	[tilespmem:$0xDD00] =	vst v63  }
0x2c: {  	_ = 	snop  }
0x2d: {  	[spmem:s2] =	stream.indirect.scatter.add.f32 [tilespmem:s12], [sflag:$0x4], $0x1, s15, s11, $0xb8;
	[tilespmem:$0xDD00] =	vst v63  }
0x2e: {  	_ =	swait.ge [sflag:s16], $0x80  }
0x2f: {  	[sflag:s16] =	ssyncset.done $0x0  }
0x30: {  	s23 =	simm.s32 $0xE40;
	[sflag:s16] =	ssyncadd.s32 $0xFFFFFF80  }
0x31: {  	[spmem:s2] =	stream.indirect.scatter.add.f32 [tilespmem:s12], [sflag:$0x1], $0x1, s23, s11, $0xb8;
	[tilespmem:$0xDD00] =	vst v63  }
0x32: {  	_ =	swait.ge [sflag:s17], $0x80  }
0x33: {  	[sflag:s17] =	ssyncset.done $0x0  }
0x34: {  	s30 =	simm.s32 $0xEC0;
	[sflag:s17] =	ssyncadd.s32 $0xFFFFFF80  }
0x35: {  	[spmem:s2] =	stream.indirect.scatter.add.f32 [tilespmem:s12], [sflag:$0x2], $0x1, s30, s11, $0xb8;
	[tilespmem:$0xDD00] =	vst v63  }
0x36: {  	_ =	swait.ge [sflag:s18], $0x80  }
0x37: {  	[sflag:s18] =	ssyncset.done $0x0  }
0x38: {  	s31 =	simm.s32 $0xF40;
	[sflag:s18] =	ssyncadd.s32 $0xFFFFFF80  }
0x39: {  	[spmem:s2] =	stream.indirect.scatter.add.f32 [tilespmem:s12], [sflag:$0x3], $0x1, s31, s11, $0xb8;
	[tilespmem:$0xDD00] =	vst v63  }
0x3a: {  	_ =	swait.ge [sflag:s19], $0x80  }
0x3b: {  	[sflag:s19] =	ssyncset.done $0x0  }
0x3c: {  	s24 =	simm.s32 $0xFC0;
	s23 =	simm.s32 $0xFFFD0000;
	[sflag:s19] =	ssyncadd.s32 $0xFFFFFF80  }
.LBB2_4:
0x3d: {  	[spmem:s2] =	stream.indirect.scatter.add.f32 [tilespmem:s12], [sflag:$0x4], $0x1, s24, s11, $0xb8;
	[tilespmem:$0xDD00] =	vst v63  }
0x3e: {  	s24 =	smov.u32 s23  }
0x3f: {  	p0 =	sne.s32 s23, $0xFFFFF800;
	s23 =	sadd.s32 $0x800, s23;
	_ =	swait.ge [sflag:s16], $0x80  }
0x40: {  	s24 =	sshra.s32 s24, $0x2;
	[sflag:s16] =	ssyncset.done $0x0  }
0x41: {  	s25 =	sadd.s32 $0xD040, s24;
	[sflag:s16] =	ssyncadd.s32 $0xFFFFFF80  }
0x42: {  	[spmem:s2] =	stream.indirect.scatter.add.f32 [tilespmem:s12], [sflag:$0x1], $0x1, s25, s11, $0xb8;
	[tilespmem:$0xDD00] =	vst v63  }
0x43: {  	_ =	swait.ge [sflag:s17], $0x80  }
0x44: {  	[sflag:s17] =	ssyncset.done $0x0  }
0x45: {  	s25 =	sadd.s32 $0xD0C0, s24;
	[sflag:s17] =	ssyncadd.s32 $0xFFFFFF80  }
0x46: {  	[spmem:s2] =	stream.indirect.scatter.add.f32 [tilespmem:s12], [sflag:$0x2], $0x1, s25, s11, $0xb8;
	[tilespmem:$0xDD00] =	vst v63  }
0x47: {  	_ =	swait.ge [sflag:s18], $0x80  }
0x48: {  	[sflag:s18] =	ssyncset.done $0x0  }
.Ltmp1:
0x49: {  	s25 =	sadd.s32 $0xD140, s24;
	[sflag:s18] =	ssyncadd.s32 $0xFFFFFF80;
	(pc) =	sbr.rel @p0 .LBB2_4-.Ltmp1, $4  }
0x4a: {  	[spmem:s2] =	stream.indirect.scatter.add.f32 [tilespmem:s12], [sflag:$0x3], $0x1, s25, s11, $0xb8;
	[tilespmem:$0xDD00] =	vst v63  }
0x4b: {  	_ =	swait.ge [sflag:s19], $0x80  }
0x4c: {  	[sflag:s19] =	ssyncset.done $0x0  }
0x4d: {  	s24 =	sadd.s32 $0xD1C0, s24;
	[sflag:s19] =	ssyncadd.s32 $0xFFFFFF80  }
0x4e: {  	[spmem:s2] =	stream.indirect.scatter.add.f32 [tilespmem:s12], [sflag:$0x4], $0x1, s24, s11, $0xb8;
	[tilespmem:$0xDD00] =	vst v63  }
0x4f: {  	_ =	swait.ge [sflag:s16], $0x80  }
0x50: {  	[sflag:s16] =	ssyncset.done $0x0  }
0x51: {  	[sflag:s16] =	ssyncadd.s32 $0xFFFFFF80  }
0x52: {  	_ =	swait.ge [sflag:s17], $0x80  }
0x53: {  	[sflag:s17] =	ssyncset.done $0x0  }
0x54: {  	[sflag:s17] =	ssyncadd.s32 $0xFFFFFF80  }
0x55: {  	_ =	swait.ge [sflag:s18], $0x80  }
0x56: {  	[sflag:s18] =	ssyncset.done $0x0  }
0x57: {  	[sflag:s18] =	ssyncadd.s32 $0xFFFFFF80  }
0x58: {  	_ =	swait.ge [sflag:s19], $0x80  }
0x59: {  	s22 =	sadd.s32 $0x1, s22;
	[sflag:s19] =	ssyncset.done $0x0  }
0x5a: {  	p0 =	sne.s32 s22, s7;
	[sflag:s19] =	ssyncadd.s32 $0xFFFFFF80  }
.Ltmp2:
0x5b: {  	[bflag:$0x0] =	sbarrier.arrive $0xFFFF;
	(pc) =	sbr.rel @p0 .LBB2_1-.Ltmp2, $4  }
0x5c: {  	[hbm:s6], [sflag:s20] =	dma.local [spmem:s21], $0x188  }
0x5d: {  	_ =	swait.ge [sflag:s9], $0x188  }
0x5e: {  	[sflag:s9] =	ssyncset.done $0x0  }
0x5f: {  	[sflag:s9] =	ssyncadd.s32 $0xFFFFFE78  }
0x60: {  	_ =	sfence.sel $0x180000  }
0x61: {  	[bflag:$0x0] =	sbarrier.arrive $0xFFFF  }
0x62: {  	p0 =	sne.s32 s0, $0x0;
	_ =	strace $0x90000047  }
0x63: {  	s0 =	sadd.s32 @!p0 $0x100000, s1;
	[bflag:$0x2] =	sbarrier.arrive $0xFFFF  }
0x64: {  	[sflag:s0] =	ssyncadd.tile.s32 @!p0 $0x1;
	_ =	shalt  }
.Lfunc_end2:
_tile_overlayer_lowered:
.L_overlay_start_2:
0x65: {  	(tag) =	ssettag $0x2  }
0x66: {  	s0 =	rddreg [dreg:$0x0];
	s2 =	stileid.u32  }
0x67: {  	s1 =	rddreg [dreg:$0x1];
	p0 =	sne.s32 s2, $0x0  }
0x68: {  	s3 =	rddreg [dreg:$0x2];
	[bflag:$0x3] =	sbarrier.arrive $0xFFFF;
	s2 =	simm.s32 @!p0 $0x1C05  }
0x69: {  	[timem:s3], [sflag:s2] =	dma.local @!p0 [hbm:s0], s1  }
0x6a: {  	s0 =	simm.s32 @!p0 $0x5  }
0x6b: {  	_ =	swait.ge @!p0 [sflag:s0], s1  }
0x6c: {  	s1 =	ssub.s32 @!p0 $0x0, s1;
	[sflag:s0] =	ssyncset.done @!p0 $0x0  }
0x6d: {  	[sflag:s0] =	ssyncadd.s32 @!p0 s1  }
0x6e: {  	[bflag:$0x3] =	sbarrier.arrive $0xFFFF  }
0x6f: {  	_ =	shalt  }

// kernel: kernel.9.cloned.1.call-start
scs
__scs_entry_jumppad:
0x0: {  	(pc) =	sbr.rel $0x88, $3  }
0x1: {  	(tag) =	ssettag $0x0;
	lr =	simm.s32 $0x1  }
0x2: {  	[smem:$0x3F9D] =	sst lr;
	_ =	strace $0xD0000000  }
0x3: {  	_ = 	snop  }
0x4: {  	_ = 	snop  }
0x5: {  	_ = 	snop  }
0x6: {  	_ = 	snop  }
0x7: {  	_ = 	snop  }
__scs_overlays_trampoline_lowered:
0x8: {  	[smem:$0x3FAC] =	sst s0  }
0x9: {  	[smem:$0x3FAD] =	sst s1  }
0xa: {  	[smem:$0x3FAE] =	sst s2  }
0xb: {  	[smem:$0x3FAF] =	sst s3  }
0xc: {  	[smem:$0x3FB0] =	sst s4  }
0xd: {  	[smem:$0x3FB1] =	sst s5  }
0xe: {  	[smem:$0x3FB2] =	sst s6  }
0xf: {  	[smem:$0x3FB3] =	sst s7  }
0x10: {  	[smem:$0x3FB4] =	sst s8  }
0x11: {  	[smem:$0x3FB5] =	sst s9;
	s0 =	simm.s32 @!p0 $0x0  }
0x12: {  	s1 =	sld [smem:$0x3F9B];
	s0 =	simm.s32 @p0 $0x1  }
0x13: {  	[smem:$0x3FB6] =	sst s0;
	s0 =	simm.s32 @!p1 $0x0  }
0x14: {  	s2 =	sld [smem:$0x3F9A];
	s0 =	simm.s32 @p1 $0x1  }
0x15: {  	[smem:$0x3FB7] =	sst s0;
	s0 =	simm.s32 @!p2 $0x0  }
0x16: {  	s3 =	sld [smem:$0x3FDB];
	s0 =	simm.s32 @p2 $0x1  }
0x17: {  	s4 =	simm.s32 $0x1BF5;
	[smem:$0x3FB9] =	sst s0  }
0x18: {  	s0 =	sld [smem:$0x3F9C];
	_ =	swait.ge [sflag:s4], $0x0  }
0x19: {  	s7 =	sld [smem:$0x3F9D]  }
0x1a: {  	s8 =	sadd.s32 $0xFFFFE003, lr  }
0x1b: {  	s9 =	sadd.s32 $0xFFFFFEF7, lr;
	s5 =	simm.s32 $0xFFFFFFFF;
	p2 =	slt.u32 s8, $0xFFFFF086  }
0x1c: {  	p1 =	slt.u32 s9, $0xF7A;
	s5 =	simm.s32 @!p2 $0x0  }
0x1d: {  	s5 =	simm.s32 @p1 $0x1;
	p0 =	seq.s32 s7, s2  }
0x1e: {  	s7 =	smul.u32 @!p0 $0xF7A, s2;
	p2 =	seq.s32 @!p0 s5, $0x0  }
0x1f: {  	s9 =	smul.u32 $0xF7A, s1;
	s8 =	simm.s32 @!p0 $0x1BF5;
	p2 =	por !p2, p0  }
0x20: {  	[sflag:s8] =	ssyncset.s32 @!p0 $0xFFFFF086;
	s6 =	sadd.s32 @!p0 s3, s7;
	s7 =	simm.s32 @!p0 $0x108  }
0x21: {  	s3 =	sadd.s32 s3, s9;
	s6 =	sadd.s32 @!p0 $0x88, s6;
	s7 =	simm.s32 @p2 $0x1082  }
0x22: {  	[simem:s7], [sflag:s8] =	dma.local @!p0 [hbm:s6], $0xF7A  }
0x23: {  	s9 =	sor.u32 $0xD0000000, s2;
	s6 =	simm.s32 $0x108;
	_ =	swait.ge @!p0 [sflag:s8], $0x0  }
0x24: {  	s3 =	sadd.s32 $0x88, s3;
	s6 =	simm.s32 @!p1 $0x1082;
	[sflag:s4] =	ssyncset.s32 $0xFFFFF086  }
0x25: {  	[simem:s6], [sflag:s4] =	dma.local [hbm:s3], $0xF7A  }
0x26: {  	[smem:$0x3F9D] =	sst s1;
	(tag) =	ssettag s2;
	_ =	strace s9  }
0x27: {  	s1 =	sld [smem:$0x3FAD]  }
0x28: {  	s2 =	sld [smem:$0x3FAE]  }
0x29: {  	s4 =	sld [smem:$0x3FB0]  }
0x2a: {  	p0 =	seq.s32 s5, $0x0;
	s5 =	sld [smem:$0x3FB1]  }
0x2b: {  	s6 =	sld [smem:$0x3FB2]  }
0x2c: {  	s7 =	sld [smem:$0x3FB3]  }
0x2d: {  	s3 =	simm.s32 $0x108;
	s8 =	sld [smem:$0x3FB4]  }
0x2e: {  	s3 =	simm.s32 @!p0 $0x1082;
	s9 =	sld [smem:$0x3FB5]  }
0x2f: {  	lr =	sadd.s32 s0, s3;
	s0 =	sld [smem:$0x3FAC]  }
0x30: {  	s3 =	sld [smem:$0x3FAF]  }
0x31: {  	[smem:$0x3FB8] =	sst s10  }
0x32: {  	s10 =	sld [smem:$0x3FB6];
	_ =	sdelay $0x3  }
0x33: {  	p0 =	seq.s32 s10, $0x1;
	s10 =	sld [smem:$0x3FB8];
	_ =	sdelay $0x3  }
0x34: {  	[smem:$0x3FB8] =	sst s10  }
0x35: {  	s10 =	sld [smem:$0x3FB7];
	_ =	sdelay $0x3  }
0x36: {  	p1 =	seq.s32 s10, $0x1;
	s10 =	sld [smem:$0x3FB8];
	_ =	sdelay $0x3  }
0x37: {  	[smem:$0x3FB8] =	sst s10  }
0x38: {  	s10 =	sld [smem:$0x3FB9]  }
0x39: {  	_ = 	snop;
	(pc) =	sbr.ind lr, $3  }
0x3a: {  	_ = 	snop  }
0x3b: {  	_ = 	snop  }
0x3c: {  	p2 =	seq.s32 s10, $0x1;
	s10 =	sld [smem:$0x3FB8]  }
0x3d: {  	_ =	shalt  }
0x3e: {  	_ =	shalt  }
0x3f: {  	_ =	shalt  }
0x40: {  	_ =	shalt  }
0x41: {  	_ =	shalt  }
0x42: {  	_ =	shalt  }
0x43: {  	_ =	shalt  }
0x44: {  	_ =	shalt  }
0x45: {  	_ =	shalt  }
0x46: {  	_ =	shalt  }
0x47: {  	_ =	shalt  }
0x48: {  	_ =	shalt  }
0x49: {  	_ =	shalt  }
0x4a: {  	_ =	shalt  }
0x4b: {  	_ =	shalt  }
0x4c: {  	_ =	shalt  }
0x4d: {  	_ =	shalt  }
0x4e: {  	_ =	shalt  }
0x4f: {  	_ =	shalt  }
0x50: {  	_ =	shalt  }
0x51: {  	_ =	shalt  }
0x52: {  	_ =	shalt  }
0x53: {  	_ =	shalt  }
0x54: {  	_ =	shalt  }
0x55: {  	_ =	shalt  }
0x56: {  	_ =	shalt  }
0x57: {  	_ =	shalt  }
0x58: {  	_ =	shalt  }
0x59: {  	_ =	shalt  }
0x5a: {  	_ =	shalt  }
0x5b: {  	_ =	shalt  }
0x5c: {  	_ =	shalt  }
0x5d: {  	_ =	shalt  }
0x5e: {  	_ =	shalt  }
0x5f: {  	_ =	shalt  }
0x60: {  	_ =	shalt  }
0x61: {  	_ =	shalt  }
0x62: {  	_ =	shalt  }
0x63: {  	_ =	shalt  }
0x64: {  	_ =	shalt  }
0x65: {  	_ =	shalt  }
0x66: {  	_ =	shalt  }
0x67: {  	_ =	shalt  }
0x68: {  	_ =	shalt  }
0x69: {  	_ =	shalt  }
0x6a: {  	_ =	shalt  }
0x6b: {  	_ =	shalt  }
0x6c: {  	_ =	shalt  }
0x6d: {  	_ =	shalt  }
0x6e: {  	_ =	shalt  }
0x6f: {  	_ =	shalt  }
0x70: {  	_ =	shalt  }
0x71: {  	_ =	shalt  }
0x72: {  	_ =	shalt  }
0x73: {  	_ =	shalt  }
0x74: {  	_ =	shalt  }
0x75: {  	_ =	shalt  }
0x76: {  	_ =	shalt  }
0x77: {  	_ =	shalt  }
0x78: {  	_ =	shalt  }
0x79: {  	_ =	shalt  }
0x7a: {  	_ =	shalt  }
0x7b: {  	_ =	shalt  }
0x7c: {  	_ =	shalt  }
0x7d: {  	_ =	shalt  }
0x7e: {  	_ =	shalt  }
0x7f: {  	_ =	shalt  }
0x80: {  	_ =	shalt  }
0x81: {  	_ =	shalt  }
0x82: {  	_ =	shalt  }
0x83: {  	_ =	shalt  }
0x84: {  	_ =	shalt  }
0x85: {  	_ =	shalt  }
0x86: {  	_ =	shalt  }
0x87: {  	_ =	shalt  }
.Lfunc_end0:
.L_simem_size_0:
called_computation.1_lowered:
.L_overlay_start_0:
0x88: {  	s2 =	sld [smem:$0x3FD9]  }
0x89: {  	s3 =	sld [smem:$0x3FFE];
	_ =	sdelay $0x1  }
0x8a: {  	s1 =	srdreg.scid  }
0x8b: {  	s0 =	sand.u32 $0x1, s1  }
0x8c: {  	s17 =	sshll.u32 s0, $0xA;
	s2 =	sadd.s32 s3, s2  }
0x8d: {  	s2 =	sadd.s32 s2, s17  }
0x8e: {  	[smem:$0x3FC4] =	sst s2  }
0x8f: {  	_ = 	snop  }
0x90: {  	s2 =	sld [smem:$0x3FD0];
	(tm) =	ssettm $0x1  }
0x91: {  	s18 =	sld [smem:$0x3FFB];
	_ =	sdelay $0x3  }
0x92: {  	_ =	strace s18  }
0x93: {  	s3 =	sld [smem:$0x3FFC];
	_ =	sdelay $0x3  }
0x94: {  	_ =	strace s3  }
0x95: {  	s3 =	sld [smem:$0x3FFD];
	_ =	sdelay $0x3  }
0x96: {  	_ =	strace s3  }
0x97: {  	_ =	strace $0x8FFFFFFF  }
0x98: {  	s19 =	sld [smem:$0x3FDB];
	_ =	sdelay $0x1  }
0x99: {  	s4 =	simm.s32 $_scs_section_size  }
0x9a: {  	s5 =	simm.s32 $_size__tile_overlayer_lowered;
	s6 =	simm.s32 $_tile_overlayer_lowered  }
0x9b: {  	s22 =	simm.s32 $0x1BFF;
	s21 =	sshll.u32 s6, $0x1;
	s3 =	sadd.s32 s4, s19  }
0x9c: {  	s7 =	simm.s32 $0x0;
	s20 =	sshll.u32 s5, $0x1;
	s5 =	sadd.s32 s21, s3  }
0x9d: {  	[timem:s7], [sflag:s22] =	dma.local [hbm:s5], s20  }
0x9e: {  	_ =	swait.ge [sflag:s22], s20  }
0x9f: {  	s4 =	ssub.s32 $0x0, s20;
	[sflag:s22] =	ssyncset.done $0x0  }
0xa0: {  	[sflag:s22] =	ssyncadd.s32 s4;
	_ =	sdelay $0x1  }
0xa1: {  	s23 =	simm.s32 $0x1B8B  }
0xa2: {  	_ =	swait.ge [sflag:s23], $0x1  }
0xa3: {  	[sflag:s23] =	ssyncset.done $0x0  }
0xa4: {  	s25 =	simm.s32 $0x1B8E;
	s24 =	sld [smem:$0x3FFE];
	[sflag:s23] =	ssyncadd.s32 $0xFFFFFFFF  }
0xa5: {  	s26 =	simm.s32 $execute0_lowered;
	[smem:$0x3FD2] =	sst s25  }
0xa6: {  	s5 =	sshll.u32 s26, $0x1;
	_ =	strace $0x80000049;
	[dreg:$0x1] =	wrdreg $0xFFFFFFFF  }
0xa7: {  	s28 =	simm.s32 $_size_execute0_lowered;
	s3 =	sadd.s32 s3, s5;
	[dreg:$0x0] =	wrdreg $0x0  }
0xa8: {  	s5 =	sshll.u32 s28, $0x1;
	[dreg:$0x2] =	wrdreg s3  }
0xa9: {  	[dreg:$0x3] =	wrdreg s5  }
0xaa: {  	[dreg:$0x4] =	wrdreg $0xC0  }
0xab: {  	_ =	task [dreg:s7], $0x5FFFF  }
0xac: {  	[dreg:$0x1] =	wrdreg $0xFFFFFFFF  }
0xad: {  	[dreg:$0x0] =	wrdreg $0x60  }
0xae: {  	[dreg:$0x2] =	wrdreg s24  }
0xaf: {  	[dreg:$0x3] =	wrdreg s2  }
0xb0: {  	[dreg:$0x4] =	wrdreg $0x0  }
0xb1: {  	[dreg:$0x5] =	wrdreg $0x9  }
0xb2: {  	_ =	task.clear_ibuf [dreg:s7], $0x6FFFF;
	_ =	strace $0x90000049  }
0xb3: {  	s29 =	simm.s32 $0x9;
	_ =	strace $0x8000004B  }
0xb4: {  	_ =	swait.ge [sflag:s29], $0x1  }
0xb5: {  	[sflag:s29] =	ssyncadd.s32 $0xFFFFFFFF  }
0xb6: {  	_ =	strace $0x9000004B  }
0xb7: {  	_ =	sfence  }
0xb8: {  	s30 =	sld [smem:$0x0];
	_ =	sdelay $0x2  }
0xb9: {  	s31 =	sshll.u32 s1, $0xD;
	s1 =	sshrl.u32 s1, $0x2  }
0xba: {  	s3 =	sand.u32 $0x4000, s31;
	s1 =	sadd.s32 s1, s30  }
0xbb: {  	s0 =	sor.u32 s3, s0;
	s1 =	sshll.u32 s1, $0x11  }
0xbc: {  	s0 =	sor.u32 s1, s0  }
0xbd: {  	s0 =	sadd.s32 $0x8F2B, s0  }
0xbe: {  	[sflag:s0] =	ssyncadd.remote.s32 $0x1  }
0xbf: {  	_ =	sfence.sel $0xFFFF  }
0xc0: {  	[dreg:$0x0] =	wrdreg $0xFFFFFFFF;
	(pc) =	sbr.abs _section_cstart, $3  }
0xc1: {  	[dreg:$0x1] =	wrdreg $0xFFFFFFFF  }
0xc2: {  	_ =	task.clear_ibuf [dreg:s7], $0x2FFFF;
	_ =	strace $0x9FFFFFFF  }
0xc3: {  	(tm) =	ssettm $0x7FFFFFFF  }
tec
execute0_lowered:
.L_overlay_start_1:
0x0: {  	(tag) =	ssettag $0x1  }
0x1: {  	s0 =	rddreg [dreg:$0x0]  }
0x2: {  	s1 =	rddreg [dreg:$0x1]  }
0x3: {  	s2 =	rddreg [dreg:$0x2]  }
0x4: {  	s4 =	srdreg.scid;
	s12 =	stileid.u32  }
0x5: {  	s3 =	simm.s32 $0x0;
	s21 =	simm.s32 $0x18900;
	s22 =	simm.s32 $0x18D00  }
0x6: {  	s23 =	simm.s32 $0x18A00;
	s24 =	simm.s32 $0x18E00;
	s25 =	simm.s32 $0x18B00  }
0x7: {  	s26 =	simm.s32 $0x18F00;
	s28 =	simm.s32 $0x3;
	s29 =	simm.s32 $0x80  }
0x8: {  	s30 =	simm.s32 $0x19000;
	s31 =	simm.s32 $0x18E80;
	s6 =	smul.u32 $0x18800, s12  }
0x9: {  	s20 =	simm.s32 $0x0;
	s5 =	sand.u32 $0x1, s4;
	s8 =	smul.u32 $0xC40, s12  }
0xa: {  	[smem:$0x7FF] =	sst s3;
	s4 =	sadd.s32 $0x31E00, s0;
	s11 =	smul.u32 $0x3100, s12  }
0xb: {  	s10 =	sadd.s32 $0xE00, s0;
	s15 =	sshll.u32 s12, $0x6;
	s7 =	smul.u32 $0x188000, s5  }
0xc: {  	_ =	strace $0x8000004A;
	s9 =	smul.u32 $0xC400, s5;
	s5 =	ssub.s32 $0x2, s5  }
0xd: {  	[dreg:$0xe] =	wrdreg s20;
	s13 =	sshrl.u32 s5, $0x1;
	s16 =	sor.u32 $0x20, s11  }
0xe: {  	s17 =	sor.u32 $0x40, s11;
	s7 =	sadd.s32 s6, s7;
	s8 =	sadd.s32 s8, s9  }
0xf: {  	s5 =	ssub.s32 s5, s13;
	s6 =	sadd.s32 s6, s2;
	s13 =	sadd.s32 s10, s16  }
0x10: {  	s12 =	sadd.s32 s1, s16;
	s18 =	sadd.s32 s10, s17;
	[dreg:$0x6] =	wrdreg s13  }
0x11: {  	s16 =	simm.s32 $0x2;
	s7 =	sshrl.u32 s7, $0x3;
	[dreg:$0x7] =	wrdreg s12  }
0x12: {  	s14 =	sshll.u32 s8, $0x2;
	s8 =	sadd.s32 s1, s11;
	[dreg:$0x8] =	wrdreg s18  }
0x13: {  	s13 =	sadd.s32 s1, s17;
	s19 =	smax.u32 s5, $0x1;
	s5 =	simm.s32 $0x1B000  }
0x14: {  	s17 =	simm.s32 $0x6;
	s18 =	simm.s32 $0x18B80;
	s0 =	sadd.s32 s7, s0  }
0x15: {  	s7 =	sadd.s32 s4, s14;
	s14 =	sor.u32 $0x1C08, s15;
	[dreg:$0x9] =	wrdreg s13  }
0x16: {  	[dreg:$0xd] =	wrdreg s19;
	s15 =	sshrl.u32 s6, $0x3;
	s13 =	simm.s32 $0x5  }
0x17: {  	s19 =	simm.s32 $0x18F80;
	[dreg:$0x4] =	wrdreg s7;
	s7 =	sadd.s32 s10, s11  }
.Ltmp0:
0x18: {  	s12 =	smov.u32 s14;
	s0 =	sadd.s32 $0x93E00, s0;
	(pc) =	sbr.rel .LBB2_1-.Ltmp0, $4  }
0x19: {  	s11 =	sor.u32 $0x60, s11;
	s14 =	simm.s32 $0x7;
	[dreg:$0xc] =	wrdreg s0  }
0x1a: {  	s10 =	sadd.s32 s10, s11;
	s1 =	sadd.s32 s1, s11;
	[dreg:$0x5] =	wrdreg s12  }
0x1b: {  	s0 =	simm.s32 $0x1A000;
	s11 =	simm.s32 $0x1;
	[dreg:$0xa] =	wrdreg s10  }
0x1c: {  	v0 =	vmov s9;
	[dreg:$0xb] =	wrdreg s1;
	s1 =	simm.s32 $0x4;
	s10 =	simm.s32 $0x1C000  }
.LBB2_7:
0x1d: {  	_ =	swait.ge [sflag:s14], $0x1000  }
0x1e: {  	[sflag:s14] =	ssyncset.done $0x0  }
0x1f: {  	[sflag:s14] =	ssyncadd.s32 $0xFFFFF000  }
0x20: {  	_ =	swait.ge [sflag:s14], $0x1000  }
0x21: {  	[sflag:s14] =	ssyncset.done $0x0  }
0x22: {  	[sflag:s14] =	ssyncadd.s32 $0xFFFFF000  }
0x23: {  	[bflag:$0x0] =	sbarrier.arrive $0xFFFF  }
0x24: {  	s12 =	rddreg [dreg:$0x5]  }
0x25: {  	s9 =	rddreg [dreg:$0xc]  }
0x26: {  	[hbm:s9], [sflag:s12] =	dma.local [spmem:s6], $0x3100  }
0x27: {  	s15 =	smov.u32 s6;
	s6 =	simm.s32 $0x8  }
0x28: {  	_ =	swait.ge [sflag:s6], $0x3100  }
0x29: {  	s20 =	rddreg [dreg:$0xe]  }
0x2a: {  	s9 =	rddreg [dreg:$0xd];
	s20 =	sadd.s32 $0x1, s20  }
0x2b: {  	p0 =	sne.s32 s20, s9  }
.Ltmp1:
0x2c: {  	_ = 	snop;
	(pc) =	sbr.rel @!p0 .LBB2_8-.Ltmp1, $3  }
0x2d: {  	_ =	sdelay $0x1  }
0x2e: {  	[sflag:s6] =	ssyncset.done $0x0  }
0x2f: {  	[sflag:s6] =	ssyncadd.s32 $0xFFFFCF00;
	[dreg:$0xe] =	wrdreg s20  }
.LBB2_1:
0x30: {  	s9 =	rddreg [dreg:$0x4];
	s20 =	simm.s32 $0x8  }
0x31: {  	[spmem:s15], [sflag:s12] =	dma.local [hbm:s9], $0x3100  }
0x32: {  	_ =	swait.ge [sflag:s20], $0x3100  }
0x33: {  	[sflag:s20] =	ssyncset.done $0x0  }
0x34: {  	[sflag:s20] =	ssyncadd.s32 $0xFFFFCF00  }
0x35: {  	s12 =	simm.s32 $0x18800;
	[bflag:$0x0] =	sbarrier.arrive $0xFFFF  }
0x36: {  	[tilespmem:s12], [sflag:$0x3] =	stream.linear.gather [hbm4b:s7+s3], $0x100, $0x38;
	[tilespmem:$0x1D000] =	vst v63  }
0x37: {  	s20 =	simm.s32 $0x18C00  }
0x38: {  	[tilespmem:s20], [sflag:$0x3] =	stream.linear.gather [hbm4b:s8+s3], $0x100, $0x38;
	[tilespmem:$0x1D000] =	vst v63  }
0x39: {  	s6 =	smov.u32 s15;
	s15 =	rddreg [dreg:$0x6]  }
0x3a: {  	[tilespmem:s21], [sflag:$0x4] =	stream.linear.gather [hbm4b:s15+s3], $0x100, $0x38;
	[tilespmem:$0x1D000] =	vst v63  }
0x3b: {  	s20 =	rddreg [dreg:$0x7]  }
0x3c: {  	[tilespmem:s22], [sflag:$0x4] =	stream.linear.gather [hbm4b:s20+s3], $0x100, $0x38;
	[tilespmem:$0x1D000] =	vst v63  }
0x3d: {  	s15 =	rddreg [dreg:$0x8]  }
0x3e: {  	[tilespmem:s23], [sflag:$0x5] =	stream.linear.gather [hbm4b:s15+s3], $0x100, $0x38;
	[tilespmem:$0x1D000] =	vst v63  }
0x3f: {  	s20 =	rddreg [dreg:$0x9]  }
0x40: {  	[tilespmem:s24], [sflag:$0x5] =	stream.linear.gather [hbm4b:s20+s3], $0x100, $0x38;
	[tilespmem:$0x1D000] =	vst v63  }
0x41: {  	s15 =	rddreg [dreg:$0xa]  }
0x42: {  	[tilespmem:s25], [sflag:$0x6] =	stream.linear.gather [hbm4b:s15+s3], $0x100, $0x38;
	[tilespmem:$0x1D000] =	vst v63  }
0x43: {  	s20 =	rddreg [dreg:$0xb]  }
0x44: {  	[tilespmem:s26], [sflag:$0x6] =	stream.linear.gather [hbm4b:s20+s3], $0x100, $0x38;
	[tilespmem:$0x1D000] =	vst v63  }
0x45: {  	_ =	swait.ge [sflag:s28], $0x100  }
0x46: {  	[sflag:s28] =	ssyncset.done $0x0  }
0x47: {  	[sflag:s28] =	ssyncadd.s32 $0xFFFFFF00  }
0x48: {  	_ =	swait.ge [sflag:s28], $0x100  }
0x49: {  	[sflag:s28] =	ssyncset.done $0x0  }
0x4a: {  	[sflag:s28] =	ssyncadd.s32 $0xFFFFFF00  }
0x4b: {  	v1 =	vld [tilespmem:$0x18800]  }
0x4c: {  	v2 =	vld [tilespmem:$0x18810]  }
0x4d: {  	v3 =	vld [tilespmem:$0x18820]  }
0x4e: {  	v4 =	vld [tilespmem:$0x18830]  }
0x4f: {  	v5 =	vld [tilespmem:$0x18840]  }
0x50: {  	v6 =	vld [tilespmem:$0x18850];
	v1 =	vadd.s32 v0, v1  }
0x51: {  	[tilespmem:$0x18800] =	vst v1;
	v1 =	vadd.s32 v0, v2;
	v2 =	vld [tilespmem:$0x18860]  }
0x52: {  	[tilespmem:$0x18810] =	vst v1;
	v1 =	vadd.s32 v0, v3;
	v3 =	vld [tilespmem:$0x18870]  }
0x53: {  	v49 =	vld [tilespmem:$0x18880];
	[tilespmem:$0x18820] =	vst v1;
	v1 =	vadd.s32 v0, v4  }
0x54: {  	v50 =	vld [tilespmem:$0x18890];
	[tilespmem:$0x18830] =	vst v1;
	v1 =	vadd.s32 v0, v5  }
0x55: {  	v51 =	vld [tilespmem:$0x188A0];
	[tilespmem:$0x18840] =	vst v1;
	v1 =	vadd.s32 v0, v6  }
0x56: {  	[tilespmem:$0x18850] =	vst v1;
	v1 =	vadd.s32 v0, v2;
	v2 =	vld [tilespmem:$0x188B0]  }
0x57: {  	[tilespmem:$0x18860] =	vst v1;
	v1 =	vadd.s32 v0, v3;
	v3 =	vld [tilespmem:$0x188C0]  }
0x58: {  	v52 =	vld [tilespmem:$0x188D0];
	[tilespmem:$0x18870] =	vst v1;
	v1 =	vadd.s32 v0, v49  }
0x59: {  	v53 =	vld [tilespmem:$0x188E0];
	[tilespmem:$0x18880] =	vst v1;
	v1 =	vadd.s32 v0, v50  }
0x5a: {  	v54 =	vld [tilespmem:$0x188F0];
	[tilespmem:$0x18890] =	vst v1;
	v1 =	vadd.s32 v0, v51  }
0x5b: {  	[tilespmem:$0x188A0] =	vst v1;
	v1 =	vadd.s32 v0, v2  }
0x5c: {  	[tilespmem:$0x188B0] =	vst v1;
	v1 =	vadd.s32 v0, v3  }
0x5d: {  	[tilespmem:$0x188C0] =	vst v1;
	v1 =	vadd.s32 v0, v52  }
0x5e: {  	[tilespmem:$0x188D0] =	vst v1;
	v1 =	vadd.s32 v0, v53  }
0x5f: {  	[tilespmem:$0x188E0] =	vst v1;
	v1 =	vadd.s32 v0, v54  }
0x60: {  	[tilespmem:$0x188F0] =	vst v1  }
0x61: {  	[tilespmem:s30], [sflag:$0x1] =	stream.indirect.gather [hbm4b:s4+s29], $0x20, s12, s29, $0xb8;
	[tilespmem:$0x1D000] =	vst v63  }
0x62: {  	s15 =	simm.s32 $0x18880  }
0x63: {  	[tilespmem:s0], [sflag:$0x1] =	stream.indirect.gather [hbm4b:s4+s29], $0x20, s15, s29, $0xb8;
	[tilespmem:$0x1D000] =	vst v63  }
0x64: {  	_ =	swait.ge [sflag:s1], $0x100  }
0x65: {  	[sflag:s1] =	ssyncset.done $0x0  }
0x66: {  	[sflag:s1] =	ssyncadd.s32 $0xFFFFFF00  }
0x67: {  	_ =	swait.ge [sflag:s1], $0x100  }
0x68: {  	[sflag:s1] =	ssyncset.done $0x0  }
0x69: {  	[sflag:s1] =	ssyncadd.s32 $0xFFFFFF00  }
0x6a: {  	v1 =	vld [tilespmem:$0x18900]  }
0x6b: {  	v2 =	vld [tilespmem:$0x18910]  }
0x6c: {  	v3 =	vld [tilespmem:$0x18920]  }
0x6d: {  	v55 =	vld [tilespmem:$0x18930]  }
0x6e: {  	v56 =	vld [tilespmem:$0x18940]  }
0x6f: {  	v57 =	vld [tilespmem:$0x18950];
	v1 =	vadd.s32 v0, v1  }
0x70: {  	[tilespmem:$0x18900] =	vst v1;
	v1 =	vadd.s32 v0, v2;
	v2 =	vld [tilespmem:$0x18960]  }
0x71: {  	[tilespmem:$0x18910] =	vst v1;
	v1 =	vadd.s32 v0, v3;
	v3 =	vld [tilespmem:$0x18970]  }
0x72: {  	v58 =	vld [tilespmem:$0x18980];
	[tilespmem:$0x18920] =	vst v1;
	v1 =	vadd.s32 v0, v55  }
0x73: {  	v59 =	vld [tilespmem:$0x18990];
	[tilespmem:$0x18930] =	vst v1;
	v1 =	vadd.s32 v0, v56  }
0x74: {  	v60 =	vld [tilespmem:$0x189A0];
	[tilespmem:$0x18940] =	vst v1;
	v1 =	vadd.s32 v0, v57  }
0x75: {  	[tilespmem:$0x18950] =	vst v1;
	v1 =	vadd.s32 v0, v2;
	v2 =	vld [tilespmem:$0x189B0]  }
0x76: {  	[tilespmem:$0x18960] =	vst v1;
	v1 =	vadd.s32 v0, v3;
	v3 =	vld [tilespmem:$0x189C0]  }
0x77: {  	v61 =	vld [tilespmem:$0x189D0];
	[tilespmem:$0x18970] =	vst v1;
	v1 =	vadd.s32 v0, v58  }
0x78: {  	v62 =	vld [tilespmem:$0x189E0];
	[tilespmem:$0x18980] =	vst v1;
	v1 =	vadd.s32 v0, v59  }
0x79: {  	v63 =	vld [tilespmem:$0x189F0];
	[tilespmem:$0x18990] =	vst v1;
	v1 =	vadd.s32 v0, v60  }
0x7a: {  	[tilespmem:$0x189A0] =	vst v1;
	v1 =	vadd.s32 v0, v2  }
0x7b: {  	[tilespmem:$0x189B0] =	vst v1;
	v1 =	vadd.s32 v0, v3  }
0x7c: {  	[tilespmem:$0x189C0] =	vst v1;
	v1 =	vadd.s32 v0, v61  }
0x7d: {  	[tilespmem:$0x189D0] =	vst v1;
	v1 =	vadd.s32 v0, v62  }
0x7e: {  	[tilespmem:$0x189E0] =	vst v1;
	v1 =	vadd.s32 v0, v63  }
0x7f: {  	[tilespmem:$0x189F0] =	vst v1  }
0x80: {  	[tilespmem:s5], [sflag:$0x2] =	stream.indirect.gather [hbm4b:s4+s29], $0x20, s21, s29, $0xb8;
	[tilespmem:$0x1D000] =	vst v63  }
0x81: {  	s9 =	simm.s32 $0x0;
	s20 =	simm.s32 $0x18980  }
0x82: {  	[tilespmem:s10], [sflag:$0x2] =	stream.indirect.gather [hbm4b:s4+s29], $0x20, s20, s29, $0xb8;
	[tilespmem:$0x1D000] =	vst v63  }
.LBB2_2:
0x83: {  	_ =	swait.ge [sflag:s11], $0x1000  }
0x84: {  	[sflag:s11] =	ssyncset.done $0x0  }
0x85: {  	[sflag:s11] =	ssyncadd.s32 $0xFFFFF000  }
0x86: {  	_ =	swait.ge [sflag:s11], $0x1000  }
0x87: {  	[sflag:s11] =	ssyncset.done $0x0  }
0x88: {  	s12 =	simm.s32 $0x18C00;
	[sflag:s11] =	ssyncadd.s32 $0xFFFFF000  }
0x89: {  	[spmem:s2] =	stream.indirect.scatter.add.f32 [tilespmem:s30], [sflag:$0x7], $0x20, s12, s29, $0xb8;
	[tilespmem:$0x1D000] =	vst v63  }
0x8a: {  	s20 =	simm.s32 $0x18C80  }
0x8b: {  	[spmem:s2] =	stream.indirect.scatter.add.f32 [tilespmem:s0], [sflag:$0x7], $0x20, s20, s29, $0xb8;
	[tilespmem:$0x1D000] =	vst v63  }
0x8c: {  	_ =	swait.ge [sflag:s13], $0x100  }
0x8d: {  	[sflag:s13] =	ssyncset.done $0x0  }
0x8e: {  	[sflag:s13] =	ssyncadd.s32 $0xFFFFFF00  }
0x8f: {  	_ =	swait.ge [sflag:s13], $0x100  }
0x90: {  	[sflag:s13] =	ssyncset.done $0x0  }
0x91: {  	[sflag:s13] =	ssyncadd.s32 $0xFFFFFF00  }
0x92: {  	v1 =	vld [tilespmem:$0x18A00]  }
0x93: {  	v2 =	vld [tilespmem:$0x18A10]  }
0x94: {  	v3 =	vld [tilespmem:$0x18A20]  }
0x95: {  	v4 =	vld [tilespmem:$0x18A30]  }
0x96: {  	v5 =	vld [tilespmem:$0x18A40]  }
0x97: {  	v6 =	vld [tilespmem:$0x18A50];
	v1 =	vadd.s32 v0, v1  }
0x98: {  	[tilespmem:$0x18A00] =	vst v1;
	v1 =	vadd.s32 v0, v2;
	v2 =	vld [tilespmem:$0x18A60]  }
0x99: {  	[tilespmem:$0x18A10] =	vst v1;
	v1 =	vadd.s32 v0, v3;
	v3 =	vld [tilespmem:$0x18A70]  }
0x9a: {  	v49 =	vld [tilespmem:$0x18A80];
	[tilespmem:$0x18A20] =	vst v1;
	v1 =	vadd.s32 v0, v4  }
0x9b: {  	v50 =	vld [tilespmem:$0x18A90];
	[tilespmem:$0x18A30] =	vst v1;
	v1 =	vadd.s32 v0, v5  }
0x9c: {  	v51 =	vld [tilespmem:$0x18AA0];
	[tilespmem:$0x18A40] =	vst v1;
	v1 =	vadd.s32 v0, v6  }
0x9d: {  	[tilespmem:$0x18A50] =	vst v1;
	v1 =	vadd.s32 v0, v2;
	v2 =	vld [tilespmem:$0x18AB0]  }
0x9e: {  	[tilespmem:$0x18A60] =	vst v1;
	v1 =	vadd.s32 v0, v3;
	v3 =	vld [tilespmem:$0x18AC0]  }
0x9f: {  	v52 =	vld [tilespmem:$0x18AD0];
	[tilespmem:$0x18A70] =	vst v1;
	v1 =	vadd.s32 v0, v49  }
0xa0: {  	v53 =	vld [tilespmem:$0x18AE0];
	[tilespmem:$0x18A80] =	vst v1;
	v1 =	vadd.s32 v0, v50  }
0xa1: {  	v54 =	vld [tilespmem:$0x18AF0];
	[tilespmem:$0x18A90] =	vst v1;
	v1 =	vadd.s32 v0, v51  }
0xa2: {  	[tilespmem:$0x18AA0] =	vst v1;
	v1 =	vadd.s32 v0, v2  }
0xa3: {  	[tilespmem:$0x18AB0] =	vst v1;
	v1 =	vadd.s32 v0, v3  }
0xa4: {  	[tilespmem:$0x18AC0] =	vst v1;
	v1 =	vadd.s32 v0, v52  }
0xa5: {  	[tilespmem:$0x18AD0] =	vst v1;
	v1 =	vadd.s32 v0, v53  }
0xa6: {  	[tilespmem:$0x18AE0] =	vst v1;
	v1 =	vadd.s32 v0, v54  }
0xa7: {  	[tilespmem:$0x18AF0] =	vst v1  }
0xa8: {  	_ =	swait.ge [sflag:s14], $0x1000  }
0xa9: {  	[sflag:s14] =	ssyncset.done $0x0  }
0xaa: {  	[sflag:s14] =	ssyncadd.s32 $0xFFFFF000  }
0xab: {  	p0 =	seq.s32 s9, $0x3080;
	_ =	swait.ge [sflag:s14], $0x1000  }
0xac: {  	s15 =	simm.s32 @!p0 $0x18800;
	s12 =	sadd.s32 @!p0 s9, s7;
	[sflag:s14] =	ssyncset.done $0x0  }
0xad: {  	s12 =	sadd.s32 @!p0 $0x80, s12;
	s20 =	simm.s32 @!p0 $0x0;
	[sflag:s14] =	ssyncadd.s32 $0xFFFFF000  }
0xae: {  	[tilespmem:s15], [sflag:$0x3] =	stream.linear.gather @!p0 [hbm4b:s12+s20], $0x100, $0x38;
	[tilespmem:$0x1D000] =	vst v63  }
0xaf: {  	s12 =	sadd.s32 @!p0 s9, s8  }
0xb0: {  	s15 =	simm.s32 @!p0 $0x18C00;
	s12 =	sadd.s32 @!p0 $0x80, s12  }
0xb1: {  	[tilespmem:s15], [sflag:$0x3] =	stream.linear.gather @!p0 [hbm4b:s12+s20], $0x100, $0x38;
	[tilespmem:$0x1D000] =	vst v63  }
0xb2: {  	_ = 	snop  }
0xb3: {  	[tilespmem:s30], [sflag:$0x1] =	stream.indirect.gather [hbm4b:s4+s29], $0x20, s23, s29, $0xb8;
	[tilespmem:$0x1D000] =	vst v63  }
0xb4: {  	s15 =	simm.s32 $0x18A80  }
0xb5: {  	[tilespmem:s0], [sflag:$0x1] =	stream.indirect.gather [hbm4b:s4+s29], $0x20, s15, s29, $0xb8;
	[tilespmem:$0x1D000] =	vst v63  }
0xb6: {  	_ =	swait.ge [sflag:s16], $0x1000  }
0xb7: {  	[sflag:s16] =	ssyncset.done $0x0  }
0xb8: {  	[sflag:s16] =	ssyncadd.s32 $0xFFFFF000  }
0xb9: {  	_ =	swait.ge [sflag:s16], $0x1000  }
0xba: {  	[sflag:s16] =	ssyncset.done $0x0  }
0xbb: {  	[sflag:s16] =	ssyncadd.s32 $0xFFFFF000  }
0xbc: {  	[spmem:s2] =	stream.indirect.scatter.add.f32 [tilespmem:s5], [sflag:$0x7], $0x20, s22, s29, $0xb8;
	[tilespmem:$0x1D000] =	vst v63  }
0xbd: {  	s20 =	simm.s32 $0x18D80  }
0xbe: {  	[spmem:s2] =	stream.indirect.scatter.add.f32 [tilespmem:s10], [sflag:$0x7], $0x20, s20, s29, $0xb8;
	[tilespmem:$0x1D000] =	vst v63  }
0xbf: {  	_ =	swait.ge [sflag:s17], $0x100  }
0xc0: {  	[sflag:s17] =	ssyncset.done $0x0  }
0xc1: {  	[sflag:s17] =	ssyncadd.s32 $0xFFFFFF00  }
0xc2: {  	_ =	swait.ge [sflag:s17], $0x100  }
0xc3: {  	[sflag:s17] =	ssyncset.done $0x0  }
0xc4: {  	[sflag:s17] =	ssyncadd.s32 $0xFFFFFF00  }
0xc5: {  	v1 =	vld [tilespmem:$0x18B00]  }
0xc6: {  	v2 =	vld [tilespmem:$0x18B10]  }
0xc7: {  	v3 =	vld [tilespmem:$0x18B20]  }
0xc8: {  	v55 =	vld [tilespmem:$0x18B30]  }
0xc9: {  	v56 =	vld [tilespmem:$0x18B40]  }
0xca: {  	v57 =	vld [tilespmem:$0x18B50];
	v1 =	vadd.s32 v0, v1  }
0xcb: {  	[tilespmem:$0x18B00] =	vst v1;
	v1 =	vadd.s32 v0, v2;
	v2 =	vld [tilespmem:$0x18B60]  }
0xcc: {  	[tilespmem:$0x18B10] =	vst v1;
	v1 =	vadd.s32 v0, v3;
	v3 =	vld [tilespmem:$0x18B70]  }
0xcd: {  	v58 =	vld [tilespmem:$0x18B80];
	[tilespmem:$0x18B20] =	vst v1;
	v1 =	vadd.s32 v0, v55  }
0xce: {  	v59 =	vld [tilespmem:$0x18B90];
	[tilespmem:$0x18B30] =	vst v1;
	v1 =	vadd.s32 v0, v56  }
0xcf: {  	v60 =	vld [tilespmem:$0x18BA0];
	[tilespmem:$0x18B40] =	vst v1;
	v1 =	vadd.s32 v0, v57  }
0xd0: {  	[tilespmem:$0x18B50] =	vst v1;
	v1 =	vadd.s32 v0, v2;
	v2 =	vld [tilespmem:$0x18BB0]  }
0xd1: {  	[tilespmem:$0x18B60] =	vst v1;
	v1 =	vadd.s32 v0, v3;
	v3 =	vld [tilespmem:$0x18BC0]  }
0xd2: {  	v61 =	vld [tilespmem:$0x18BD0];
	[tilespmem:$0x18B70] =	vst v1;
	v1 =	vadd.s32 v0, v58  }
0xd3: {  	v62 =	vld [tilespmem:$0x18BE0];
	[tilespmem:$0x18B80] =	vst v1;
	v1 =	vadd.s32 v0, v59  }
0xd4: {  	v63 =	vld [tilespmem:$0x18BF0];
	[tilespmem:$0x18B90] =	vst v1;
	v1 =	vadd.s32 v0, v60  }
0xd5: {  	[tilespmem:$0x18BA0] =	vst v1;
	v1 =	vadd.s32 v0, v2  }
0xd6: {  	[tilespmem:$0x18BB0] =	vst v1;
	v1 =	vadd.s32 v0, v3  }
0xd7: {  	[tilespmem:$0x18BC0] =	vst v1;
	v1 =	vadd.s32 v0, v61  }
0xd8: {  	[tilespmem:$0x18BD0] =	vst v1;
	v1 =	vadd.s32 v0, v62  }
0xd9: {  	[tilespmem:$0x18BE0] =	vst v1;
	v1 =	vadd.s32 v0, v63  }
0xda: {  	[tilespmem:$0x18BF0] =	vst v1  }
0xdb: {  	_ =	swait.ge [sflag:s14], $0x1000  }
.Ltmp2:
0xdc: {  	[sflag:s14] =	ssyncset.done $0x0;
	(pc) =	sbr.rel @!p0 .LBB2_3-.Ltmp2, $4  }
0xdd: {  	[sflag:s14] =	ssyncadd.s32 $0xFFFFF000  }
0xde: {  	_ =	swait.ge [sflag:s14], $0x1000  }
0xdf: {  	[sflag:s14] =	ssyncset.done $0x0  }
0xe0: {  	[sflag:s14] =	ssyncadd.s32 $0xFFFFF000  }
0xe1: {  	[tilespmem:s5], [sflag:$0x2] =	stream.indirect.gather [hbm4b:s4+s29], $0x20, s25, s29, $0xb8;
	[tilespmem:$0x1D000] =	vst v63  }
0xe2: {  	_ = 	snop  }
0xe3: {  	[tilespmem:s10], [sflag:$0x2] =	stream.indirect.gather [hbm4b:s4+s29], $0x20, s18, s29, $0xb8;
	[tilespmem:$0x1D000] =	vst v63  }
0xe4: {  	_ =	swait.ge [sflag:s11], $0x1000  }
0xe5: {  	[sflag:s11] =	ssyncset.done $0x0  }
0xe6: {  	[sflag:s11] =	ssyncadd.s32 $0xFFFFF000  }
0xe7: {  	_ =	swait.ge [sflag:s11], $0x1000  }
0xe8: {  	[sflag:s11] =	ssyncset.done $0x0  }
0xe9: {  	[sflag:s11] =	ssyncadd.s32 $0xFFFFF000  }
0xea: {  	[spmem:s2] =	stream.indirect.scatter.add.f32 [tilespmem:s30], [sflag:$0x7], $0x20, s24, s29, $0xb8;
	[tilespmem:$0x1D000] =	vst v63  }
0xeb: {  	_ = 	snop  }
0xec: {  	[spmem:s2] =	stream.indirect.scatter.add.f32 [tilespmem:s0], [sflag:$0x7], $0x20, s31, s29, $0xb8;
	[tilespmem:$0x1D000] =	vst v63  }
0xed: {  	_ =	swait.ge [sflag:s14], $0x1000  }
.Ltmp3:
0xee: {  	[sflag:s14] =	ssyncset.done $0x0;
	(pc) =	sbr.rel .LBB2_5-.Ltmp3, $4  }
0xef: {  	[sflag:s14] =	ssyncadd.s32 $0xFFFFF000  }
0xf0: {  	_ =	swait.ge [sflag:s14], $0x1000  }
0xf1: {  	[sflag:s14] =	ssyncset.done $0x0  }
0xf2: {  	[sflag:s14] =	ssyncadd.s32 $0xFFFFF000  }
.LBB2_3:
0xf3: {  	s20 =	sadd.s32 s9, s7  }
0xf4: {  	s12 =	sadd.s32 $0xA0, s20  }
0xf5: {  	[tilespmem:s21], [sflag:$0x4] =	stream.linear.gather [hbm4b:s12+s3], $0x100, $0x38;
	[tilespmem:$0x1D000] =	vst v63  }
0xf6: {  	s12 =	sadd.s32 s9, s8  }
0xf7: {  	s15 =	sadd.s32 $0xA0, s12  }
0xf8: {  	[tilespmem:s22], [sflag:$0x4] =	stream.linear.gather [hbm4b:s15+s3], $0x100, $0x38;
	[tilespmem:$0x1D000] =	vst v63  }
0xf9: {  	_ = 	snop  }
0xfa: {  	[tilespmem:s5], [sflag:$0x2] =	stream.indirect.gather [hbm4b:s4+s29], $0x20, s25, s29, $0xb8;
	[tilespmem:$0x1D000] =	vst v63  }
0xfb: {  	_ = 	snop  }
0xfc: {  	[tilespmem:s10], [sflag:$0x2] =	stream.indirect.gather [hbm4b:s4+s29], $0x20, s18, s29, $0xb8;
	[tilespmem:$0x1D000] =	vst v63  }
0xfd: {  	_ =	swait.ge [sflag:s11], $0x1000  }
0xfe: {  	[sflag:s11] =	ssyncset.done $0x0  }
0xff: {  	[sflag:s11] =	ssyncadd.s32 $0xFFFFF000  }
0x100: {  	_ =	swait.ge [sflag:s11], $0x1000  }
0x101: {  	[sflag:s11] =	ssyncset.done $0x0  }
0x102: {  	[sflag:s11] =	ssyncadd.s32 $0xFFFFF000  }
0x103: {  	[spmem:s2] =	stream.indirect.scatter.add.f32 [tilespmem:s30], [sflag:$0x7], $0x20, s24, s29, $0xb8;
	[tilespmem:$0x1D000] =	vst v63  }
0x104: {  	_ = 	snop  }
0x105: {  	[spmem:s2] =	stream.indirect.scatter.add.f32 [tilespmem:s0], [sflag:$0x7], $0x20, s31, s29, $0xb8;
	[tilespmem:$0x1D000] =	vst v63  }
0x106: {  	_ =	swait.ge [sflag:s28], $0x100  }
0x107: {  	[sflag:s28] =	ssyncset.done $0x0  }
0x108: {  	[sflag:s28] =	ssyncadd.s32 $0xFFFFFF00  }
0x109: {  	_ =	swait.ge [sflag:s28], $0x100  }
0x10a: {  	[sflag:s28] =	ssyncset.done $0x0  }
0x10b: {  	[sflag:s28] =	ssyncadd.s32 $0xFFFFFF00  }
0x10c: {  	v1 =	vld [tilespmem:$0x18800]  }
0x10d: {  	v2 =	vld [tilespmem:$0x18810]  }
0x10e: {  	v3 =	vld [tilespmem:$0x18820]  }
0x10f: {  	v4 =	vld [tilespmem:$0x18830]  }
0x110: {  	v5 =	vld [tilespmem:$0x18840]  }
0x111: {  	v6 =	vld [tilespmem:$0x18850];
	v1 =	vadd.s32 v0, v1  }
0x112: {  	[tilespmem:$0x18800] =	vst v1;
	v1 =	vadd.s32 v0, v2;
	v2 =	vld [tilespmem:$0x18860]  }
0x113: {  	[tilespmem:$0x18810] =	vst v1;
	v1 =	vadd.s32 v0, v3;
	v3 =	vld [tilespmem:$0x18870]  }
0x114: {  	v58 =	vld [tilespmem:$0x18880];
	[tilespmem:$0x18820] =	vst v1;
	v1 =	vadd.s32 v0, v4  }
0x115: {  	v59 =	vld [tilespmem:$0x18890];
	[tilespmem:$0x18830] =	vst v1;
	v1 =	vadd.s32 v0, v5  }
0x116: {  	v60 =	vld [tilespmem:$0x188A0];
	[tilespmem:$0x18840] =	vst v1;
	v1 =	vadd.s32 v0, v6  }
0x117: {  	[tilespmem:$0x18850] =	vst v1;
	v1 =	vadd.s32 v0, v2;
	v2 =	vld [tilespmem:$0x188B0]  }
0x118: {  	[tilespmem:$0x18860] =	vst v1;
	v1 =	vadd.s32 v0, v3;
	v3 =	vld [tilespmem:$0x188C0]  }
0x119: {  	v61 =	vld [tilespmem:$0x188D0];
	[tilespmem:$0x18870] =	vst v1;
	v1 =	vadd.s32 v0, v58  }
0x11a: {  	v62 =	vld [tilespmem:$0x188E0];
	[tilespmem:$0x18880] =	vst v1;
	v1 =	vadd.s32 v0, v59  }
0x11b: {  	v63 =	vld [tilespmem:$0x188F0];
	[tilespmem:$0x18890] =	vst v1;
	v1 =	vadd.s32 v0, v60  }
0x11c: {  	[tilespmem:$0x188A0] =	vst v1;
	v1 =	vadd.s32 v0, v2  }
0x11d: {  	[tilespmem:$0x188B0] =	vst v1;
	v1 =	vadd.s32 v0, v3  }
0x11e: {  	[tilespmem:$0x188C0] =	vst v1;
	v1 =	vadd.s32 v0, v61  }
0x11f: {  	[tilespmem:$0x188D0] =	vst v1;
	v1 =	vadd.s32 v0, v62  }
0x120: {  	[tilespmem:$0x188E0] =	vst v1;
	v1 =	vadd.s32 v0, v63  }
0x121: {  	[tilespmem:$0x188F0] =	vst v1  }
0x122: {  	_ =	swait.ge [sflag:s14], $0x1000  }
0x123: {  	[sflag:s14] =	ssyncset.done $0x0  }
0x124: {  	[sflag:s14] =	ssyncadd.s32 $0xFFFFF000  }
0x125: {  	_ =	swait.ge [sflag:s14], $0x1000  }
0x126: {  	[sflag:s14] =	ssyncset.done $0x0  }
0x127: {  	s20 =	sadd.s32 $0xC0, s20;
	[sflag:s14] =	ssyncadd.s32 $0xFFFFF000  }
0x128: {  	[tilespmem:s23], [sflag:$0x5] =	stream.linear.gather [hbm4b:s20+s3], $0x100, $0x38;
	[tilespmem:$0x1D000] =	vst v63  }
0x129: {  	s12 =	sadd.s32 $0xC0, s12  }
0x12a: {  	[tilespmem:s24], [sflag:$0x5] =	stream.linear.gather [hbm4b:s12+s3], $0x100, $0x38;
	[tilespmem:$0x1D000] =	vst v63  }
0x12b: {  	s15 =	simm.s32 $0x18800  }
0x12c: {  	[tilespmem:s30], [sflag:$0x1] =	stream.indirect.gather [hbm4b:s4+s29], $0x20, s15, s29, $0xb8;
	[tilespmem:$0x1D000] =	vst v63  }
0x12d: {  	s20 =	simm.s32 $0x18880  }
0x12e: {  	[tilespmem:s0], [sflag:$0x1] =	stream.indirect.gather [hbm4b:s4+s29], $0x20, s20, s29, $0xb8;
	[tilespmem:$0x1D000] =	vst v63  }
.LBB2_5:
0x12f: {  	_ =	swait.ge [sflag:s16], $0x1000  }
0x130: {  	[sflag:s16] =	ssyncset.done $0x0  }
0x131: {  	[sflag:s16] =	ssyncadd.s32 $0xFFFFF000  }
0x132: {  	_ =	swait.ge [sflag:s16], $0x1000  }
.Ltmp4:
0x133: {  	[sflag:s16] =	ssyncset.done $0x0;
	(pc) =	sbr.rel @p0 .LBB2_7-.Ltmp4, $4  }
0x134: {  	[sflag:s16] =	ssyncadd.s32 $0xFFFFF000  }
0x135: {  	[spmem:s2] =	stream.indirect.scatter.add.f32 [tilespmem:s5], [sflag:$0x7], $0x20, s26, s29, $0xb8;
	[tilespmem:$0x1D000] =	vst v63  }
0x136: {  	_ = 	snop  }
0x137: {  	[spmem:s2] =	stream.indirect.scatter.add.f32 [tilespmem:s10], [sflag:$0x7], $0x20, s19, s29, $0xb8;
	[tilespmem:$0x1D000] =	vst v63  }
0x138: {  	_ =	swait.ge [sflag:s1], $0x100  }
0x139: {  	[sflag:s1] =	ssyncset.done $0x0  }
0x13a: {  	[sflag:s1] =	ssyncadd.s32 $0xFFFFFF00  }
0x13b: {  	_ =	swait.ge [sflag:s1], $0x100  }
0x13c: {  	[sflag:s1] =	ssyncset.done $0x0  }
0x13d: {  	[sflag:s1] =	ssyncadd.s32 $0xFFFFFF00  }
0x13e: {  	v1 =	vld [tilespmem:$0x18900]  }
0x13f: {  	v2 =	vld [tilespmem:$0x18910]  }
0x140: {  	v3 =	vld [tilespmem:$0x18920]  }
0x141: {  	v4 =	vld [tilespmem:$0x18930]  }
0x142: {  	v5 =	vld [tilespmem:$0x18940]  }
0x143: {  	v6 =	vld [tilespmem:$0x18950];
	v1 =	vadd.s32 v0, v1  }
0x144: {  	[tilespmem:$0x18900] =	vst v1;
	v1 =	vadd.s32 v0, v2;
	v2 =	vld [tilespmem:$0x18960]  }
0x145: {  	[tilespmem:$0x18910] =	vst v1;
	v1 =	vadd.s32 v0, v3;
	v3 =	vld [tilespmem:$0x18970]  }
0x146: {  	v58 =	vld [tilespmem:$0x18980];
	[tilespmem:$0x18920] =	vst v1;
	v1 =	vadd.s32 v0, v4  }
0x147: {  	v59 =	vld [tilespmem:$0x18990];
	[tilespmem:$0x18930] =	vst v1;
	v1 =	vadd.s32 v0, v5  }
0x148: {  	v60 =	vld [tilespmem:$0x189A0];
	[tilespmem:$0x18940] =	vst v1;
	v1 =	vadd.s32 v0, v6  }
0x149: {  	[tilespmem:$0x18950] =	vst v1;
	v1 =	vadd.s32 v0, v2;
	v2 =	vld [tilespmem:$0x189B0]  }
0x14a: {  	[tilespmem:$0x18960] =	vst v1;
	v1 =	vadd.s32 v0, v3;
	v3 =	vld [tilespmem:$0x189C0]  }
0x14b: {  	v61 =	vld [tilespmem:$0x189D0];
	[tilespmem:$0x18970] =	vst v1;
	v1 =	vadd.s32 v0, v58  }
0x14c: {  	v62 =	vld [tilespmem:$0x189E0];
	[tilespmem:$0x18980] =	vst v1;
	v1 =	vadd.s32 v0, v59  }
0x14d: {  	v63 =	vld [tilespmem:$0x189F0];
	[tilespmem:$0x18990] =	vst v1;
	v1 =	vadd.s32 v0, v60  }
0x14e: {  	[tilespmem:$0x189A0] =	vst v1;
	v1 =	vadd.s32 v0, v2  }
0x14f: {  	[tilespmem:$0x189B0] =	vst v1;
	v1 =	vadd.s32 v0, v3  }
0x150: {  	[tilespmem:$0x189C0] =	vst v1;
	v1 =	vadd.s32 v0, v61  }
0x151: {  	[tilespmem:$0x189D0] =	vst v1;
	v1 =	vadd.s32 v0, v62  }
0x152: {  	[tilespmem:$0x189E0] =	vst v1;
	v1 =	vadd.s32 v0, v63  }
0x153: {  	[tilespmem:$0x189F0] =	vst v1  }
0x154: {  	_ =	swait.ge [sflag:s14], $0x1000  }
0x155: {  	[sflag:s14] =	ssyncset.done $0x0  }
0x156: {  	[sflag:s14] =	ssyncadd.s32 $0xFFFFF000  }
0x157: {  	_ =	swait.ge [sflag:s14], $0x1000  }
0x158: {  	s12 =	sadd.s32 s9, s7;
	[sflag:s14] =	ssyncset.done $0x0  }
0x159: {  	s15 =	sadd.s32 s9, s8;
	s12 =	sadd.s32 $0xE0, s12;
	[sflag:s14] =	ssyncadd.s32 $0xFFFFF000  }
0x15a: {  	[tilespmem:s25], [sflag:$0x6] =	stream.linear.gather [hbm4b:s12+s3], $0x100, $0x38;
	[tilespmem:$0x1D000] =	vst v63  }
0x15b: {  	s12 =	sadd.s32 $0xE0, s15  }
0x15c: {  	[tilespmem:s26], [sflag:$0x6] =	stream.linear.gather [hbm4b:s12+s3], $0x100, $0x38;
	[tilespmem:$0x1D000] =	vst v63  }
.Ltmp5:
0x15d: {  	_ = 	snop;
	(pc) =	sbr.rel .LBB2_2-.Ltmp5, $4  }
0x15e: {  	_ = 	snop  }
0x15f: {  	[tilespmem:s5], [sflag:$0x2] =	stream.indirect.gather [hbm4b:s4+s29], $0x20, s21, s29, $0xb8;
	[tilespmem:$0x1D000] =	vst v63  }
0x160: {  	s20 =	simm.s32 $0x18980;
	s9 =	sadd.s32 $0x80, s9  }
0x161: {  	[tilespmem:s10], [sflag:$0x2] =	stream.indirect.gather [hbm4b:s4+s29], $0x20, s20, s29, $0xb8;
	[tilespmem:$0x1D000] =	vst v63  }
.LBB2_8:
0x162: {  	_ =	sfence.sel $0x180000  }
0x163: {  	[bflag:$0x0] =	sbarrier.arrive $0xFFFF  }
0x164: {  	_ =	strace $0x9000004A  }
0x165: {  	s0 =	stileid.u32;
	[bflag:$0x2] =	sbarrier.arrive $0xFFFF  }
0x166: {  	p0 =	sne.s32 s0, $0x0;
	s0 =	rddreg [dreg:$0x3]  }
0x167: {  	s0 =	sadd.s32 @!p0 $0x100000, s0  }
0x168: {  	[sflag:s0] =	ssyncadd.tile.s32 @!p0 $0x1;
	_ =	shalt  }
.Lfunc_end2:
_tile_overlayer_lowered:
.L_overlay_start_2:
0x169: {  	(tag) =	ssettag $0x2  }
0x16a: {  	s0 =	rddreg [dreg:$0x0];
	s2 =	stileid.u32  }
0x16b: {  	s1 =	rddreg [dreg:$0x1];
	p0 =	sne.s32 s2, $0x0  }
0x16c: {  	s3 =	rddreg [dreg:$0x2];
	[bflag:$0x3] =	sbarrier.arrive $0xFFFF;
	s2 =	simm.s32 @!p0 $0x1C08  }
0x16d: {  	[timem:s3], [sflag:s2] =	dma.local @!p0 [hbm:s0], s1  }
0x16e: {  	s0 =	simm.s32 @!p0 $0x8  }
0x16f: {  	_ =	swait.ge @!p0 [sflag:s0], s1  }
0x170: {  	s1 =	ssub.s32 @!p0 $0x0, s1;
	[sflag:s0] =	ssyncset.done @!p0 $0x0  }
0x171: {  	[sflag:s0] =	ssyncadd.s32 @!p0 s1  }
0x172: {  	[bflag:$0x3] =	sbarrier.arrive $0xFFFF  }
0x173: {  	_ =	shalt  }

</sc_bundles>
